<compile_context>
chip_gen: v7x
topology: tpu7x:2x2x1
jax: 0.10.2.dev20260603
libtpu: 0.0.44.dev20260713+nightly
codegen_flags: <defaults>
</compile_context>

<pallas_src>
import functools

import jax
import jax.numpy as jnp
from jax import lax
from jax.experimental import pallas as pl
from jax.experimental.pallas import tpu as pltpu
from jax.experimental.pallas import tpu_sc as plsc

NC, NS, LANES = 2, 16, 16

C_G = 640
C_S = 640
CHUNK = 3328
CPAD = CHUNK + 16
N_CHUNKS_PER_CORE = 16
ZROWS = 104


def _cdiv(a, b):
    return -(-a // b)


def _ceil_to(x, m):
    return _cdiv(x, m) * m


def _mesh():
    return plsc.VectorSubcoreMesh(
        core_axis_name="c", subcore_axis_name="s",
        num_cores=NC, num_subcores=NS)


def _sc_gather(h_g1, idx_list):
    n1, u = h_g1.shape
    fs = [int(i.shape[0]) for i in idx_list]
    ws = [_ceil_to(_cdiv(f, NC * NS), 8) for f in fs]
    out_type = tuple(jax.ShapeDtypeStruct((f, u), jnp.float32) for f in fs)

    @functools.partial(
        pl.kernel, out_type=out_type, mesh=_mesh(),
        scratch_types=(
            pltpu.VMEM((C_G,), jnp.int32),
            pltpu.VMEM((C_G, u), jnp.float32),
            pltpu.SemaphoreType.DMA,
        ))
    def body(h_ref, i2, i3, i4, o2, o3, o4, idx_v, rows_v, sem):
        wid = lax.axis_index("s") * NC + lax.axis_index("c")
        for idx_ref, out_ref, f, w in zip((i2, i3, i4), (o2, o3, o4), fs, ws):
            base = wid * w
            vw = jnp.minimum(w, f - base)
            nck = _cdiv(w, C_G)

            @pl.loop(0, nck)
            def _chunk(c):
                s = base + jnp.minimum(c * C_G, vw - C_G)
                pltpu.sync_copy(idx_ref.at[pl.ds(s, C_G)], idx_v)
                pltpu.async_copy(h_ref.at[idx_v], rows_v, sem).wait()
                pltpu.sync_copy(rows_v, out_ref.at[pl.ds(s, C_G)])

    return body(h_g1, *idx_list)


def _tc_gru(m_flat, t_steps, ng, w_iht, w_hht, b_ih2, b_hh2, w1kt):
    u = m_flat.shape[1]
    r = 1000
    nblk = ng // r

    def body(*refs):
        xs = refs[:t_steps]
        wih, whh, bih, bhh, w1k, out = refs[t_steps:]
        h = jnp.zeros((r, u), jnp.float32)
        for t in range(t_steps):
            x = xs[t][...]
            gi = jnp.dot(x, wih[...], preferred_element_type=jnp.float32) + bih[...]
            gh = jnp.dot(h, whh[...], preferred_element_type=jnp.float32) + bhh[...]
            rg = jax.nn.sigmoid(gi[:, :u] + gh[:, :u])
            zg = jax.nn.sigmoid(gi[:, u:2 * u] + gh[:, u:2 * u])
            ng_ = jnp.tanh(gi[:, 2 * u:] + rg * gh[:, 2 * u:])
            h = (1.0 - zg) * ng_ + zg * h
            out[t] = jnp.dot(h, w1k[...], preferred_element_type=jnp.float32)

    x_specs = [
        pl.BlockSpec((r, u), lambda i, t=t: (t * nblk + i, 0))
        for t in range(t_steps)
    ]
    w_specs = [
        pl.BlockSpec((u, 3 * u), lambda i: (0, 0)),
        pl.BlockSpec((u, 3 * u), lambda i: (0, 0)),
        pl.BlockSpec((1, 3 * u), lambda i: (0, 0)),
        pl.BlockSpec((1, 3 * u), lambda i: (0, 0)),
        pl.BlockSpec((u, u), lambda i: (0, 0)),
    ]
    return pl.pallas_call(
        body,
        grid=(nblk,),
        in_specs=x_specs + w_specs,
        out_specs=pl.BlockSpec((t_steps, r, u), lambda i: (0, i, 0)),
        out_shape=jax.ShapeDtypeStruct((t_steps, ng, u), jnp.float32),
    )(*([m_flat] * t_steps), w_iht, w_hht, b_ih2, b_hh2, w1kt)


def _sc_scatter(y_list, idx_list, n1, u):
    fs = [int(i.shape[0]) for i in idx_list]
    ws = [_ceil_to(_cdiv(f, NS), 8) for f in fs]
    ncks = [_cdiv(w, C_S) for w in ws]
    rows_per_sub = CHUNK // NS

    @functools.partial(
        pl.kernel,
        out_type=jax.ShapeDtypeStruct((NC * N_CHUNKS_PER_CORE * CHUNK, u),
                                      jnp.float32),
        mesh=_mesh(),
        scratch_types=(
            pltpu.VMEM((C_S,), jnp.int32),
            pltpu.VMEM((C_S,), jnp.int32),
            pltpu.VMEM((C_S, u), jnp.float32),
            pltpu.VMEM((ZROWS, u), jnp.float32),
            pltpu.VMEM_SHARED((CPAD, u), jnp.float32),
            pltpu.SemaphoreType.DMA,
        ))
    def body(y2, y3, y4, i2, i3, i4, out, idxr, idxl, pay, zbuf, acc, sem):
        cid = lax.axis_index("c")
        sid = lax.axis_index("s")

        @pl.loop(0, ZROWS)
        def _zrow(zr):
            for j in range(u // LANES):
                zbuf[zr, pl.ds(j * LANES, LANES)] = jnp.zeros(
                    (LANES,), jnp.float32)

        @pl.loop(0, N_CHUNKS_PER_CORE)
        def _per_chunk(ci):
            lo = (cid * N_CHUNKS_PER_CORE + ci) * CHUNK

            @pl.loop(0, rows_per_sub // ZROWS)
            def _zero(z):
                pltpu.sync_copy(
                    zbuf, acc.at[pl.ds(sid * rows_per_sub + z * ZROWS, ZROWS)])

            @pl.when(sid == 0)
            def _zero_tail():
                pltpu.sync_copy(zbuf.at[pl.ds(0, CPAD - CHUNK)],
                                acc.at[pl.ds(CHUNK, CPAD - CHUNK)])

            plsc.subcore_barrier()

            for y_ref, idx_ref, f, w, nck in zip(
                    (y2, y3, y4), (i2, i3, i4), fs, ws, ncks):
                base = sid * w
                vw = jnp.minimum(w, f - base)

                @pl.loop(0, nck)
                def _chunk(c):
                    s = base + jnp.minimum(c * C_S, vw - C_S)
                    pltpu.sync_copy(idx_ref.at[pl.ds(s, C_S)], idxr)
                    pltpu.sync_copy(y_ref.at[pl.ds(s, C_S)], pay)
                    off = s - (base + c * C_S)
                    for j in range(C_S // LANES):
                        v = idxr[pl.ds(j * LANES, LANES)]
                        posrel = (jnp.arange(LANES, dtype=jnp.int32)
                                  + (off + j * LANES))
                        local = v - lo
                        ok = ((posrel >= 0) & (local >= 0) & (local < CHUNK))
                        idxl[pl.ds(j * LANES, LANES)] = jnp.where(
                            ok, local, jnp.full((LANES,), CHUNK, jnp.int32))
                    pltpu.sync_copy(pay, acc.at[idxl], add=True)

            plsc.subcore_barrier()

            pltpu.sync_copy(
                acc.at[pl.ds(sid * rows_per_sub, rows_per_sub)],
                out.at[pl.ds(lo + sid * rows_per_sub, rows_per_sub)])

            plsc.subcore_barrier()

    return body(*y_list, *idx_list)


def _tc_dense(h_g1, scat, w1at, b1r, w2t, b2r):
    n1, u = h_g1.shape
    r = 1000
    nblk = _cdiv(n1, r)

    def body(h_ref, s_ref, w1a, b1_, w2, b2_, out):
        pre = (jnp.dot(h_ref[...], w1a[...],
                       preferred_element_type=jnp.float32)
               + s_ref[...] + b1_[...])
        hid = jnp.tanh(pre)
        out[...] = (jnp.dot(hid, w2[...], preferred_element_type=jnp.float32)
                    + b2_[...])

    return pl.pallas_call(
        body,
        grid=(nblk,),
        in_specs=[
            pl.BlockSpec((r, u), lambda i: (i, 0)),
            pl.BlockSpec((r, u), lambda i: (i, 0)),
            pl.BlockSpec((u, u), lambda i: (0, 0)),
            pl.BlockSpec((1, u), lambda i: (0, 0)),
            pl.BlockSpec((u, u), lambda i: (0, 0)),
            pl.BlockSpec((1, u), lambda i: (0, 0)),
        ],
        out_specs=pl.BlockSpec((r, u), lambda i: (i, 0)),
        out_shape=jax.ShapeDtypeStruct((n1, u), jnp.float32),
    )(h_g1, scat, w1at, b1r, w2t, b2r)


def kernel(h_g1, member2, member3, member4, W_ih, W_hh, b_ih, b_hh, W1, b1,
           W2, b2):
    n1, u = h_g1.shape
    ng = member2.shape[0]

    idx_list = [m.T.reshape(-1) for m in (member2, member3, member4)]

    w_iht = W_ih.T
    w_hht = W_hh.T
    b_ih2 = b_ih.reshape(1, 3 * u)
    b_hh2 = b_hh.reshape(1, 3 * u)
    w1t = W1.T
    w2t = W2.T

    m2, m3, m4 = _sc_gather(h_g1, idx_list)

    ys = []
    for k, (m_flat, member) in enumerate(zip((m2, m3, m4),
                                             (member2, member3, member4))):
        t_steps = member.shape[1]
        w1kt = w1t[(k + 1) * u:(k + 2) * u, :]
        y = _tc_gru(m_flat, t_steps, ng, w_iht, w_hht, b_ih2, b_hh2, w1kt)
        ys.append(y.reshape(t_steps * ng, u))

    scat = _sc_scatter(ys, idx_list, n1, u)

    return _tc_dense(h_g1, scat, w1t[:u, :], b1.reshape(1, u), w2t,
                     b2.reshape(1, u))

# --- scband reference (transcript-rebuilt; emitter-appended) ---
"""Pipeline reference for scband-wrgn-70755291234537 (READ-ONLY COPY).

The authoritative reference and input builder live on the scoring server;
editing this copy changes nothing except your own understanding.
"""

import jax, jax.numpy as jnp
import numpy as np

UNITS = 128
N1 = 100000
NG = 30000


def setup_inputs(seed: int = 0) -> dict:
    key = jax.random.key(seed)
    ks = jax.random.split(key, 12)
    u = UNITS
    s = 1.0 / np.sqrt(u)
    return {
        "h_g1": jax.random.normal(ks[0], (N1, u), dtype=jnp.float32),
        "member2": jax.random.randint(ks[1], (NG, 2), 0, N1, dtype=jnp.int32),
        "member3": jax.random.randint(ks[2], (NG, 3), 0, N1, dtype=jnp.int32),
        "member4": jax.random.randint(ks[3], (NG, 4), 0, N1, dtype=jnp.int32),
        "W_ih": jax.random.uniform(ks[4], (3 * u, u), minval=-s, maxval=s, dtype=jnp.float32),
        "W_hh": jax.random.uniform(ks[5], (3 * u, u), minval=-s, maxval=s, dtype=jnp.float32),
        "b_ih": jax.random.uniform(ks[6], (3 * u,), minval=-s, maxval=s, dtype=jnp.float32),
        "b_hh": jax.random.uniform(ks[7], (3 * u,), minval=-s, maxval=s, dtype=jnp.float32),
        "W1": jax.random.uniform(ks[8], (u, 4 * u), minval=-s, maxval=s, dtype=jnp.float32),
        "b1": jax.random.uniform(ks[9], (u,), minval=-s, maxval=s, dtype=jnp.float32),
        "W2": jax.random.uniform(ks[10], (u, u), minval=-s, maxval=s, dtype=jnp.float32),
        "b2": jax.random.uniform(ks[11], (u,), minval=-s, maxval=s, dtype=jnp.float32),
    }


def _gru_seq(m, W_ih, W_hh, b_ih, b_hh):
    # m: [B, T, u]; PyTorch GRU equations, h0 = 0
    B, T, u = m.shape
    h = jnp.zeros((B, u), dtype=m.dtype)
    outs = []
    for t in range(T):
        x = m[:, t, :]
        gi = x @ W_ih.T + b_ih
        gh = h @ W_hh.T + b_hh
        i_r, i_z, i_n = jnp.split(gi, 3, axis=-1)
        h_r, h_z, h_n = jnp.split(gh, 3, axis=-1)
        r = jax.nn.sigmoid(i_r + h_r)
        z = jax.nn.sigmoid(i_z + h_z)
        n = jnp.tanh(i_n + r * h_n)
        h = (1.0 - z) * n + z * h
        outs.append(h)
    return jnp.stack(outs, axis=1), h


def reference(h_g1, member2, member3, member4, W_ih, W_hh, b_ih, b_hh, W1, b1, W2, b2):
    # Phase 1: gather g1 features into each hypernode position (copy_src + sum over single edge)
    # Phase 2: GRU over the g_idx member slots of each hypernode
    # Phase 3: scatter positional GRU outputs back to member g1 nodes (sum reduce)
    back = []
    for member in (member2, member3, member4):
        T = member.shape[1]
        m = jnp.stack([jnp.take(h_g1, member[:, v], axis=0) for v in range(T)], axis=1)
        h_seq, _h_gru = _gru_seq(m, W_ih, W_hh, b_ih, b_hh)
        acc = jnp.zeros_like(h_g1)
        for v in range(T):
            acc = acc.at[member[:, v]].add(h_seq[:, v, :])
        back.append(acc)
    cat = jnp.concatenate([h_g1] + back, axis=-1)
    hidden = jnp.tanh(cat @ W1.T + b1)
    out = hidden @ W2.T + b2
    return out

if __name__ == "__main__":
    import jax
    _d = setup_inputs()
    print(jax.jit(kernel)(*tuple(_d.values())))

</pallas_src>

<mosaic_0001>
#map = affine_map<(d0, d1) -> (0, 0)>
#map1 = affine_map<(d0, d1) -> (0)>
module attributes {stable_mosaic.version = 14 : i64} {
  func.func @body(%arg0: i32, %arg1: i32, %arg2: memref<100000x128xf32, #tpu.memory_space<hbm>>, %arg3: memref<60000xi32, #tpu.memory_space<hbm>>, %arg4: memref<90000xi32, #tpu.memory_space<hbm>>, %arg5: memref<120000xi32, #tpu.memory_space<hbm>>, %arg6: memref<60000x128xf32, #tpu.memory_space<hbm>>, %arg7: memref<90000x128xf32, #tpu.memory_space<hbm>>, %arg8: memref<120000x128xf32, #tpu.memory_space<hbm>>, %arg9: memref<640xi32, #tpu.memory_space<vmem>>, %arg10: memref<640x128xf32, #tpu.memory_space<vmem>>, %arg11: memref<!tpu.dma_semaphore, #tpu.memory_space<semaphore_mem>>) attributes {dimension_semantics = [#tpu.dimension_semantics<core_parallel>, #tpu.dimension_semantics<subcore_parallel>], iteration_bounds = array<i64: 2, 16>, scalar_prefetch = 0 : i64, scratch_operands = 3 : i64, tpu.core_type = #tpu.core_type<sc_vector_subcore>, window_params = [{transform_indices = #map}, {transform_indices = #map1}, {transform_indices = #map1}, {transform_indices = #map1}, {transform_indices = #map}, {transform_indices = #map}, {transform_indices = #map}]} {
    %mul3A = arith.constant 2 : i32
    %mul3A_0 = arith.muli %arg1, %mul3A : i32
    %add3A = arith.addi %mul3A_0, %arg0 : i32
    %mul3A_1 = arith.constant 1880 : i32
    %mul3A_2 = arith.muli %add3A, %mul3A_1 : i32
    %sub3A = arith.constant 60000 : i32
    %sub3A_3 = arith.subi %sub3A, %mul3A_2 : i32
    %min3A = arith.constant 1880 : i32
    %min3A_4 = arith.minsi %min3A, %sub3A_3 : i32
    %scan3A = arith.constant 0 : i32
    %scan3A_5 = arith.constant 3 : i32
    %scan3A_6 = arith.addi %scan3A, %scan3A_5 : i32
    %scan3A_7 = arith.constant 1 : i32
    scf.for %scan3A_31 = %scan3A to %scan3A_6 step %scan3A_7  : i32 {
      %mul3A_32 = arith.constant 1 : i32
      %mul3A_33 = arith.muli %scan3A_31, %mul3A_32 : i32
      %add3A_34 = arith.constant 0 : i32
      %add3A_35 = arith.addi %add3A_34, %mul3A_33 : i32
      %mul3A_36 = arith.constant 640 : i32
      %mul3A_37 = arith.muli %add3A_35, %mul3A_36 : i32
      %sub3A_38 = arith.constant 640 : i32
      %sub3A_39 = arith.subi %min3A_4, %sub3A_38 : i32
      %min3A_40 = arith.minsi %mul3A_37, %sub3A_39 : i32
      %add3A_41 = arith.addi %mul3A_2, %min3A_40 : i32
      "tpu.region"() ({
        %run_scoped3A = tpu.sem_alloc : memref<!tpu.dma_semaphore, #tpu.memory_space<semaphore_mem>>
        %dma_start3A_46 = tpu.memref_slice %arg3[%add3A_41] : memref<60000xi32, #tpu.memory_space<hbm>> -> memref<640xi32, #tpu.memory_space<hbm>>
        %dma_start3A_47 = tpu.memref_slice %arg3[%add3A_41] : memref<60000xi32, #tpu.memory_space<hbm>> -> memref<640xi32, #tpu.memory_space<hbm>>
        tpu.enqueue_dma source(%dma_start3A_47 : memref<640xi32, #tpu.memory_space<hbm>>) target(%arg9 : memref<640xi32, #tpu.memory_space<vmem>>) target_semaphore(%run_scoped3A : memref<!tpu.dma_semaphore, #tpu.memory_space<semaphore_mem>>)
        %dma_wait3A_48 = tpu.memref_slice %arg3[%add3A_41] : memref<60000xi32, #tpu.memory_space<hbm>> -> memref<640xi32, #tpu.memory_space<hbm>>
        %dma_wait3A_49 = tpu.memref_slice %arg3[%add3A_41] : memref<60000xi32, #tpu.memory_space<hbm>> -> memref<640xi32, #tpu.memory_space<hbm>>
        tpu.wait_dma2 semaphore(%run_scoped3A : memref<!tpu.dma_semaphore, #tpu.memory_space<semaphore_mem>>) src(%dma_wait3A_49 : memref<640xi32, #tpu.memory_space<hbm>>) dst(%arg9 : memref<640xi32, #tpu.memory_space<vmem>>)
        tpu.yield
      }) : () -> ()
      %dma_start3A = arith.constant 0 : i32
      %dma_start3A_42 = arith.constant 0 : i32
      %dma_start3A_43 = tpu.memref_slice %arg2[%dma_start3A, %dma_start3A_42] : memref<100000x128xf32, #tpu.memory_space<hbm>> -> memref<100000x128xf32, #tpu.memory_space<hbm>>
      tpu.enqueue_indirect_dma source(%dma_start3A_43 : memref<100000x128xf32, #tpu.memory_space<hbm>>) target(%arg10 : memref<640x128xf32, #tpu.memory_space<vmem>>) offsets(%arg9 : memref<640xi32, #tpu.memory_space<vmem>>) semaphore(%arg11 : memref<!tpu.dma_semaphore, #tpu.memory_space<semaphore_mem>>)
      %dma_wait3A = arith.constant 0 : i32
      %dma_wait3A_44 = arith.constant 0 : i32
      %dma_wait3A_45 = tpu.memref_slice %arg2[%dma_wait3A, %dma_wait3A_44] : memref<100000x128xf32, #tpu.memory_space<hbm>> -> memref<100000x128xf32, #tpu.memory_space<hbm>>
      tpu.wait_indirect_dma semaphore(%arg11 : memref<!tpu.dma_semaphore, #tpu.memory_space<semaphore_mem>>) src(%dma_wait3A_45 : memref<100000x128xf32, #tpu.memory_space<hbm>>) dst(%arg10 : memref<640x128xf32, #tpu.memory_space<vmem>>)
      "tpu.region"() ({
        %run_scoped3A = tpu.sem_alloc : memref<!tpu.dma_semaphore, #tpu.memory_space<semaphore_mem>>
        %dma_start3A_46 = arith.constant 0 : i32
        %dma_start3A_47 = tpu.memref_slice %arg6[%add3A_41, %dma_start3A_46] : memref<60000x128xf32, #tpu.memory_space<hbm>> -> memref<640x128xf32, #tpu.memory_space<hbm>>
        %dma_start3A_48 = arith.constant 0 : i32
        %dma_start3A_49 = tpu.memref_slice %arg6[%add3A_41, %dma_start3A_48] : memref<60000x128xf32, #tpu.memory_space<hbm>> -> memref<640x128xf32, #tpu.memory_space<hbm>>
        tpu.enqueue_dma source(%arg10 : memref<640x128xf32, #tpu.memory_space<vmem>>) target(%dma_start3A_49 : memref<640x128xf32, #tpu.memory_space<hbm>>) target_semaphore(%run_scoped3A : memref<!tpu.dma_semaphore, #tpu.memory_space<semaphore_mem>>)
        %dma_wait3A_50 = arith.constant 0 : i32
        %dma_wait3A_51 = tpu.memref_slice %arg6[%add3A_41, %dma_wait3A_50] : memref<60000x128xf32, #tpu.memory_space<hbm>> -> memref<640x128xf32, #tpu.memory_space<hbm>>
        %dma_wait3A_52 = arith.constant 0 : i32
        %dma_wait3A_53 = tpu.memref_slice %arg6[%add3A_41, %dma_wait3A_52] : memref<60000x128xf32, #tpu.memory_space<hbm>> -> memref<640x128xf32, #tpu.memory_space<hbm>>
        tpu.wait_dma2 semaphore(%run_scoped3A : memref<!tpu.dma_semaphore, #tpu.memory_space<semaphore_mem>>) src(%arg10 : memref<640x128xf32, #tpu.memory_space<vmem>>) dst(%dma_wait3A_53 : memref<640x128xf32, #tpu.memory_space<hbm>>)
        tpu.yield
      }) : () -> ()
    }
    %scan3A_8 = arith.constant 3 : i32
    %mul3A_9 = arith.constant 2816 : i32
    %mul3A_10 = arith.muli %add3A, %mul3A_9 : i32
    %sub3A_11 = arith.constant 90000 : i32
    %sub3A_12 = arith.subi %sub3A_11, %mul3A_10 : i32
    %min3A_13 = arith.constant 2816 : i32
    %min3A_14 = arith.minsi %min3A_13, %sub3A_12 : i32
    %scan3A_15 = arith.constant 0 : i32
    %scan3A_16 = arith.constant 5 : i32
    %scan3A_17 = arith.addi %scan3A_15, %scan3A_16 : i32
    %scan3A_18 = arith.constant 1 : i32
    scf.for %scan3A_31 = %scan3A_15 to %scan3A_17 step %scan3A_18  : i32 {
      %mul3A_32 = arith.constant 1 : i32
      %mul3A_33 = arith.muli %scan3A_31, %mul3A_32 : i32
      %add3A_34 = arith.constant 0 : i32
      %add3A_35 = arith.addi %add3A_34, %mul3A_33 : i32
      %mul3A_36 = arith.constant 640 : i32
      %mul3A_37 = arith.muli %add3A_35, %mul3A_36 : i32
      %sub3A_38 = arith.constant 640 : i32
      %sub3A_39 = arith.subi %min3A_14, %sub3A_38 : i32
      %min3A_40 = arith.minsi %mul3A_37, %sub3A_39 : i32
      %add3A_41 = arith.addi %mul3A_10, %min3A_40 : i32
      "tpu.region"() ({
        %run_scoped3A = tpu.sem_alloc : memref<!tpu.dma_semaphore, #tpu.memory_space<semaphore_mem>>
        %dma_start3A_46 = tpu.memref_slice %arg4[%add3A_41] : memref<90000xi32, #tpu.memory_space<hbm>> -> memref<640xi32, #tpu.memory_space<hbm>>
        %dma_start3A_47 = tpu.memref_slice %arg4[%add3A_41] : memref<90000xi32, #tpu.memory_space<hbm>> -> memref<640xi32, #tpu.memory_space<hbm>>
        tpu.enqueue_dma source(%dma_start3A_47 : memref<640xi32, #tpu.memory_space<hbm>>) target(%arg9 : memref<640xi32, #tpu.memory_space<vmem>>) target_semaphore(%run_scoped3A : memref<!tpu.dma_semaphore, #tpu.memory_space<semaphore_mem>>)
        %dma_wait3A_48 = tpu.memref_slice %arg4[%add3A_41] : memref<90000xi32, #tpu.memory_space<hbm>> -> memref<640xi32, #tpu.memory_space<hbm>>
        %dma_wait3A_49 = tpu.memref_slice %arg4[%add3A_41] : memref<90000xi32, #tpu.memory_space<hbm>> -> memref<640xi32, #tpu.memory_space<hbm>>
        tpu.wait_dma2 semaphore(%run_scoped3A : memref<!tpu.dma_semaphore, #tpu.memory_space<semaphore_mem>>) src(%dma_wait3A_49 : memref<640xi32, #tpu.memory_space<hbm>>) dst(%arg9 : memref<640xi32, #tpu.memory_space<vmem>>)
        tpu.yield
      }) : () -> ()
      %dma_start3A = arith.constant 0 : i32
      %dma_start3A_42 = arith.constant 0 : i32
      %dma_start3A_43 = tpu.memref_slice %arg2[%dma_start3A, %dma_start3A_42] : memref<100000x128xf32, #tpu.memory_space<hbm>> -> memref<100000x128xf32, #tpu.memory_space<hbm>>
      tpu.enqueue_indirect_dma source(%dma_start3A_43 : memref<100000x128xf32, #tpu.memory_space<hbm>>) target(%arg10 : memref<640x128xf32, #tpu.memory_space<vmem>>) offsets(%arg9 : memref<640xi32, #tpu.memory_space<vmem>>) semaphore(%arg11 : memref<!tpu.dma_semaphore, #tpu.memory_space<semaphore_mem>>)
      %dma_wait3A = arith.constant 0 : i32
      %dma_wait3A_44 = arith.constant 0 : i32
      %dma_wait3A_45 = tpu.memref_slice %arg2[%dma_wait3A, %dma_wait3A_44] : memref<100000x128xf32, #tpu.memory_space<hbm>> -> memref<100000x128xf32, #tpu.memory_space<hbm>>
      tpu.wait_indirect_dma semaphore(%arg11 : memref<!tpu.dma_semaphore, #tpu.memory_space<semaphore_mem>>) src(%dma_wait3A_45 : memref<100000x128xf32, #tpu.memory_space<hbm>>) dst(%arg10 : memref<640x128xf32, #tpu.memory_space<vmem>>)
      "tpu.region"() ({
        %run_scoped3A = tpu.sem_alloc : memref<!tpu.dma_semaphore, #tpu.memory_space<semaphore_mem>>
        %dma_start3A_46 = arith.constant 0 : i32
        %dma_start3A_47 = tpu.memref_slice %arg7[%add3A_41, %dma_start3A_46] : memref<90000x128xf32, #tpu.memory_space<hbm>> -> memref<640x128xf32, #tpu.memory_space<hbm>>
        %dma_start3A_48 = arith.constant 0 : i32
        %dma_start3A_49 = tpu.memref_slice %arg7[%add3A_41, %dma_start3A_48] : memref<90000x128xf32, #tpu.memory_space<hbm>> -> memref<640x128xf32, #tpu.memory_space<hbm>>
        tpu.enqueue_dma source(%arg10 : memref<640x128xf32, #tpu.memory_space<vmem>>) target(%dma_start3A_49 : memref<640x128xf32, #tpu.memory_space<hbm>>) target_semaphore(%run_scoped3A : memref<!tpu.dma_semaphore, #tpu.memory_space<semaphore_mem>>)
        %dma_wait3A_50 = arith.constant 0 : i32
        %dma_wait3A_51 = tpu.memref_slice %arg7[%add3A_41, %dma_wait3A_50] : memref<90000x128xf32, #tpu.memory_space<hbm>> -> memref<640x128xf32, #tpu.memory_space<hbm>>
        %dma_wait3A_52 = arith.constant 0 : i32
        %dma_wait3A_53 = tpu.memref_slice %arg7[%add3A_41, %dma_wait3A_52] : memref<90000x128xf32, #tpu.memory_space<hbm>> -> memref<640x128xf32, #tpu.memory_space<hbm>>
        tpu.wait_dma2 semaphore(%run_scoped3A : memref<!tpu.dma_semaphore, #tpu.memory_space<semaphore_mem>>) src(%arg10 : memref<640x128xf32, #tpu.memory_space<vmem>>) dst(%dma_wait3A_53 : memref<640x128xf32, #tpu.memory_space<hbm>>)
        tpu.yield
      }) : () -> ()
    }
    %scan3A_19 = arith.constant 5 : i32
    %mul3A_20 = arith.constant 3752 : i32
    %mul3A_21 = arith.muli %add3A, %mul3A_20 : i32
    %sub3A_22 = arith.constant 120000 : i32
    %sub3A_23 = arith.subi %sub3A_22, %mul3A_21 : i32
    %min3A_24 = arith.constant 3752 : i32
    %min3A_25 = arith.minsi %min3A_24, %sub3A_23 : i32
    %scan3A_26 = arith.constant 0 : i32
    %scan3A_27 = arith.constant 6 : i32
    %scan3A_28 = arith.addi %scan3A_26, %scan3A_27 : i32
    %scan3A_29 = arith.constant 1 : i32
    scf.for %scan3A_31 = %scan3A_26 to %scan3A_28 step %scan3A_29  : i32 {
      %mul3A_32 = arith.constant 1 : i32
      %mul3A_33 = arith.muli %scan3A_31, %mul3A_32 : i32
      %add3A_34 = arith.constant 0 : i32
      %add3A_35 = arith.addi %add3A_34, %mul3A_33 : i32
      %mul3A_36 = arith.constant 640 : i32
      %mul3A_37 = arith.muli %add3A_35, %mul3A_36 : i32
      %sub3A_38 = arith.constant 640 : i32
      %sub3A_39 = arith.subi %min3A_25, %sub3A_38 : i32
      %min3A_40 = arith.minsi %mul3A_37, %sub3A_39 : i32
      %add3A_41 = arith.addi %mul3A_21, %min3A_40 : i32
      "tpu.region"() ({
        %run_scoped3A = tpu.sem_alloc : memref<!tpu.dma_semaphore, #tpu.memory_space<semaphore_mem>>
        %dma_start3A_46 = tpu.memref_slice %arg5[%add3A_41] : memref<120000xi32, #tpu.memory_space<hbm>> -> memref<640xi32, #tpu.memory_space<hbm>>
        %dma_start3A_47 = tpu.memref_slice %arg5[%add3A_41] : memref<120000xi32, #tpu.memory_space<hbm>> -> memref<640xi32, #tpu.memory_space<hbm>>
        tpu.enqueue_dma source(%dma_start3A_47 : memref<640xi32, #tpu.memory_space<hbm>>) target(%arg9 : memref<640xi32, #tpu.memory_space<vmem>>) target_semaphore(%run_scoped3A : memref<!tpu.dma_semaphore, #tpu.memory_space<semaphore_mem>>)
        %dma_wait3A_48 = tpu.memref_slice %arg5[%add3A_41] : memref<120000xi32, #tpu.memory_space<hbm>> -> memref<640xi32, #tpu.memory_space<hbm>>
        %dma_wait3A_49 = tpu.memref_slice %arg5[%add3A_41] : memref<120000xi32, #tpu.memory_space<hbm>> -> memref<640xi32, #tpu.memory_space<hbm>>
        tpu.wait_dma2 semaphore(%run_scoped3A : memref<!tpu.dma_semaphore, #tpu.memory_space<semaphore_mem>>) src(%dma_wait3A_49 : memref<640xi32, #tpu.memory_space<hbm>>) dst(%arg9 : memref<640xi32, #tpu.memory_space<vmem>>)
        tpu.yield
      }) : () -> ()
      %dma_start3A = arith.constant 0 : i32
      %dma_start3A_42 = arith.constant 0 : i32
      %dma_start3A_43 = tpu.memref_slice %arg2[%dma_start3A, %dma_start3A_42] : memref<100000x128xf32, #tpu.memory_space<hbm>> -> memref<100000x128xf32, #tpu.memory_space<hbm>>
      tpu.enqueue_indirect_dma source(%dma_start3A_43 : memref<100000x128xf32, #tpu.memory_space<hbm>>) target(%arg10 : memref<640x128xf32, #tpu.memory_space<vmem>>) offsets(%arg9 : memref<640xi32, #tpu.memory_space<vmem>>) semaphore(%arg11 : memref<!tpu.dma_semaphore, #tpu.memory_space<semaphore_mem>>)
      %dma_wait3A = arith.constant 0 : i32
      %dma_wait3A_44 = arith.constant 0 : i32
      %dma_wait3A_45 = tpu.memref_slice %arg2[%dma_wait3A, %dma_wait3A_44] : memref<100000x128xf32, #tpu.memory_space<hbm>> -> memref<100000x128xf32, #tpu.memory_space<hbm>>
      tpu.wait_indirect_dma semaphore(%arg11 : memref<!tpu.dma_semaphore, #tpu.memory_space<semaphore_mem>>) src(%dma_wait3A_45 : memref<100000x128xf32, #tpu.memory_space<hbm>>) dst(%arg10 : memref<640x128xf32, #tpu.memory_space<vmem>>)
      "tpu.region"() ({
        %run_scoped3A = tpu.sem_alloc : memref<!tpu.dma_semaphore, #tpu.memory_space<semaphore_mem>>
        %dma_start3A_46 = arith.constant 0 : i32
        %dma_start3A_47 = tpu.memref_slice %arg8[%add3A_41, %dma_start3A_46] : memref<120000x128xf32, #tpu.memory_space<hbm>> -> memref<640x128xf32, #tpu.memory_space<hbm>>
        %dma_start3A_48 = arith.constant 0 : i32
        %dma_start3A_49 = tpu.memref_slice %arg8[%add3A_41, %dma_start3A_48] : memref<120000x128xf32, #tpu.memory_space<hbm>> -> memref<640x128xf32, #tpu.memory_space<hbm>>
        tpu.enqueue_dma source(%arg10 : memref<640x128xf32, #tpu.memory_space<vmem>>) target(%dma_start3A_49 : memref<640x128xf32, #tpu.memory_space<hbm>>) target_semaphore(%run_scoped3A : memref<!tpu.dma_semaphore, #tpu.memory_space<semaphore_mem>>)
        %dma_wait3A_50 = arith.constant 0 : i32
        %dma_wait3A_51 = tpu.memref_slice %arg8[%add3A_41, %dma_wait3A_50] : memref<120000x128xf32, #tpu.memory_space<hbm>> -> memref<640x128xf32, #tpu.memory_space<hbm>>
        %dma_wait3A_52 = arith.constant 0 : i32
        %dma_wait3A_53 = tpu.memref_slice %arg8[%add3A_41, %dma_wait3A_52] : memref<120000x128xf32, #tpu.memory_space<hbm>> -> memref<640x128xf32, #tpu.memory_space<hbm>>
        tpu.wait_dma2 semaphore(%run_scoped3A : memref<!tpu.dma_semaphore, #tpu.memory_space<semaphore_mem>>) src(%arg10 : memref<640x128xf32, #tpu.memory_space<vmem>>) dst(%dma_wait3A_53 : memref<640x128xf32, #tpu.memory_space<hbm>>)
        tpu.yield
      }) : () -> ()
    }
    %scan3A_30 = arith.constant 6 : i32
    return
  }
}

#map = affine_map<(d0, d1) -> (0, 0)>
#map1 = affine_map<(d0, d1) -> (0)>
module attributes {stable_mosaic.version = 14 : i64} {
  func.func @body(%arg0: i32, %arg1: i32, %arg2: memref<60000x128xf32, #tpu.memory_space<hbm>>, %arg3: memref<90000x128xf32, #tpu.memory_space<hbm>>, %arg4: memref<120000x128xf32, #tpu.memory_space<hbm>>, %arg5: memref<60000xi32, #tpu.memory_space<hbm>>, %arg6: memref<90000xi32, #tpu.memory_space<hbm>>, %arg7: memref<120000xi32, #tpu.memory_space<hbm>>, %arg8: memref<106496x128xf32, #tpu.memory_space<hbm>>, %arg9: memref<640xi32, #tpu.memory_space<vmem>>, %arg10: memref<640xi32, #tpu.memory_space<vmem>>, %arg11: memref<640x128xf32, #tpu.memory_space<vmem>>, %arg12: memref<104x128xf32, #tpu.memory_space<vmem>>, %arg13: memref<3344x128xf32, #tpu.memory_space<vmem_shared>>, %arg14: memref<!tpu.dma_semaphore, #tpu.memory_space<semaphore_mem>>) attributes {dimension_semantics = [#tpu.dimension_semantics<core_parallel>, #tpu.dimension_semantics<subcore_parallel>], iteration_bounds = array<i64: 2, 16>, scalar_prefetch = 0 : i64, scratch_operands = 6 : i64, tpu.core_type = #tpu.core_type<sc_vector_subcore>, window_params = [{transform_indices = #map}, {transform_indices = #map}, {transform_indices = #map}, {transform_indices = #map1}, {transform_indices = #map1}, {transform_indices = #map1}, {transform_indices = #map}]} {
    %scan3A = arith.constant 0 : i32
    %scan3A_0 = arith.constant 104 : i32
    %scan3A_1 = arith.addi %scan3A, %scan3A_0 : i32
    %scan3A_2 = arith.constant 1 : i32
    scf.for %scan3A_9 = %scan3A to %scan3A_1 step %scan3A_2  : i32 {
      %mul3A = arith.constant 1 : i32
      %mul3A_10 = arith.muli %scan3A_9, %mul3A : i32
      %add3A = arith.constant 0 : i32
      %add3A_11 = arith.addi %add3A, %mul3A_10 : i32
      %broadcast_in_dim3A = arith.constant 0.000000e+00 : f32
      %broadcast_in_dim3A_12 = vector.broadcast %broadcast_in_dim3A : f32 to vector<16xf32>
      %swap3A = arith.index_cast %add3A_11 : i32 to index
      %swap3A_13 = arith.constant 0 : index
      %swap3A_14 = tpu.vector_load %arg12[%swap3A, %swap3A_13] {strides = array<i32>} : memref<104x128xf32, #tpu.memory_space<vmem>>, vector<1x16xf32>,
      %swap3A_15 = vector.shape_cast %swap3A_14 : vector<1x16xf32> to vector<16xf32>
      %swap3A_16 = vector.shape_cast %broadcast_in_dim3A_12 : vector<16xf32> to vector<1x16xf32>
      tpu.vector_store %arg12[%swap3A, %swap3A_13], %swap3A_16 {strides = array<i32>} : memref<104x128xf32, #tpu.memory_space<vmem>>, vector<1x16xf32>,
      %broadcast_in_dim3A_17 = arith.constant 0.000000e+00 : f32
      %broadcast_in_dim3A_18 = vector.broadcast %broadcast_in_dim3A_17 : f32 to vector<16xf32>
      %swap3A_19 = arith.index_cast %add3A_11 : i32 to index
      %swap3A_20 = arith.constant 16 : index
      %swap3A_21 = tpu.vector_load %arg12[%swap3A_19, %swap3A_20] {strides = array<i32>} : memref<104x128xf32, #tpu.memory_space<vmem>>, vector<1x16xf32>,
      %swap3A_22 = vector.shape_cast %swap3A_21 : vector<1x16xf32> to vector<16xf32>
      %swap3A_23 = vector.shape_cast %broadcast_in_dim3A_18 : vector<16xf32> to vector<1x16xf32>
      tpu.vector_store %arg12[%swap3A_19, %swap3A_20], %swap3A_23 {strides = array<i32>} : memref<104x128xf32, #tpu.memory_space<vmem>>, vector<1x16xf32>,
      %broadcast_in_dim3A_24 = arith.constant 0.000000e+00 : f32
      %broadcast_in_dim3A_25 = vector.broadcast %broadcast_in_dim3A_24 : f32 to vector<16xf32>
      %swap3A_26 = arith.index_cast %add3A_11 : i32 to index
      %swap3A_27 = arith.constant 32 : index
      %swap3A_28 = tpu.vector_load %arg12[%swap3A_26, %swap3A_27] {strides = array<i32>} : memref<104x128xf32, #tpu.memory_space<vmem>>, vector<1x16xf32>,
      %swap3A_29 = vector.shape_cast %swap3A_28 : vector<1x16xf32> to vector<16xf32>
      %swap3A_30 = vector.shape_cast %broadcast_in_dim3A_25 : vector<16xf32> to vector<1x16xf32>
      tpu.vector_store %arg12[%swap3A_26, %swap3A_27], %swap3A_30 {strides = array<i32>} : memref<104x128xf32, #tpu.memory_space<vmem>>, vector<1x16xf32>,
      %broadcast_in_dim3A_31 = arith.constant 0.000000e+00 : f32
      %broadcast_in_dim3A_32 = vector.broadcast %broadcast_in_dim3A_31 : f32 to vector<16xf32>
      %swap3A_33 = arith.index_cast %add3A_11 : i32 to index
      %swap3A_34 = arith.constant 48 : index
      %swap3A_35 = tpu.vector_load %arg12[%swap3A_33, %swap3A_34] {strides = array<i32>} : memref<104x128xf32, #tpu.memory_space<vmem>>, vector<1x16xf32>,
      %swap3A_36 = vector.shape_cast %swap3A_35 : vector<1x16xf32> to vector<16xf32>
      %swap3A_37 = vector.shape_cast %broadcast_in_dim3A_32 : vector<16xf32> to vector<1x16xf32>
      tpu.vector_store %arg12[%swap3A_33, %swap3A_34], %swap3A_37 {strides = array<i32>} : memref<104x128xf32, #tpu.memory_space<vmem>>, vector<1x16xf32>,
      %broadcast_in_dim3A_38 = arith.constant 0.000000e+00 : f32
      %broadcast_in_dim3A_39 = vector.broadcast %broadcast_in_dim3A_38 : f32 to vector<16xf32>
      %swap3A_40 = arith.index_cast %add3A_11 : i32 to index
      %swap3A_41 = arith.constant 64 : index
      %swap3A_42 = tpu.vector_load %arg12[%swap3A_40, %swap3A_41] {strides = array<i32>} : memref<104x128xf32, #tpu.memory_space<vmem>>, vector<1x16xf32>,
      %swap3A_43 = vector.shape_cast %swap3A_42 : vector<1x16xf32> to vector<16xf32>
      %swap3A_44 = vector.shape_cast %broadcast_in_dim3A_39 : vector<16xf32> to vector<1x16xf32>
      tpu.vector_store %arg12[%swap3A_40, %swap3A_41], %swap3A_44 {strides = array<i32>} : memref<104x128xf32, #tpu.memory_space<vmem>>, vector<1x16xf32>,
      %broadcast_in_dim3A_45 = arith.constant 0.000000e+00 : f32
      %broadcast_in_dim3A_46 = vector.broadcast %broadcast_in_dim3A_45 : f32 to vector<16xf32>
      %swap3A_47 = arith.index_cast %add3A_11 : i32 to index
      %swap3A_48 = arith.constant 80 : index
      %swap3A_49 = tpu.vector_load %arg12[%swap3A_47, %swap3A_48] {strides = array<i32>} : memref<104x128xf32, #tpu.memory_space<vmem>>, vector<1x16xf32>,
      %swap3A_50 = vector.shape_cast %swap3A_49 : vector<1x16xf32> to vector<16xf32>
      %swap3A_51 = vector.shape_cast %broadcast_in_dim3A_46 : vector<16xf32> to vector<1x16xf32>
      tpu.vector_store %arg12[%swap3A_47, %swap3A_48], %swap3A_51 {strides = array<i32>} : memref<104x128xf32, #tpu.memory_space<vmem>>, vector<1x16xf32>,
      %broadcast_in_dim3A_52 = arith.constant 0.000000e+00 : f32
      %broadcast_in_dim3A_53 = vector.broadcast %broadcast_in_dim3A_52 : f32 to vector<16xf32>
      %swap3A_54 = arith.index_cast %add3A_11 : i32 to index
      %swap3A_55 = arith.constant 96 : index
      %swap3A_56 = tpu.vector_load %arg12[%swap3A_54, %swap3A_55] {strides = array<i32>} : memref<104x128xf32, #tpu.memory_space<vmem>>, vector<1x16xf32>,
      %swap3A_57 = vector.shape_cast %swap3A_56 : vector<1x16xf32> to vector<16xf32>
      %swap3A_58 = vector.shape_cast %broadcast_in_dim3A_53 : vector<16xf32> to vector<1x16xf32>
      tpu.vector_store %arg12[%swap3A_54, %swap3A_55], %swap3A_58 {strides = array<i32>} : memref<104x128xf32, #tpu.memory_space<vmem>>, vector<1x16xf32>,
      %broadcast_in_dim3A_59 = arith.constant 0.000000e+00 : f32
      %broadcast_in_dim3A_60 = vector.broadcast %broadcast_in_dim3A_59 : f32 to vector<16xf32>
      %swap3A_61 = arith.index_cast %add3A_11 : i32 to index
      %swap3A_62 = arith.constant 112 : index
      %swap3A_63 = tpu.vector_load %arg12[%swap3A_61, %swap3A_62] {strides = array<i32>} : memref<104x128xf32, #tpu.memory_space<vmem>>, vector<1x16xf32>,
      %swap3A_64 = vector.shape_cast %swap3A_63 : vector<1x16xf32> to vector<16xf32>
      %swap3A_65 = vector.shape_cast %broadcast_in_dim3A_60 : vector<16xf32> to vector<1x16xf32>
      tpu.vector_store %arg12[%swap3A_61, %swap3A_62], %swap3A_65 {strides = array<i32>} : memref<104x128xf32, #tpu.memory_space<vmem>>, vector<1x16xf32>,
    }
    %scan3A_3 = arith.constant 104 : i32
    %scan3A_4 = arith.constant 0 : i32
    %scan3A_5 = arith.constant 16 : i32
    %scan3A_6 = arith.addi %scan3A_4, %scan3A_5 : i32
    %scan3A_7 = arith.constant 1 : i32
    scf.for %scan3A_9 = %scan3A_4 to %scan3A_6 step %scan3A_7  : i32 {
      %mul3A = arith.constant 1 : i32
      %mul3A_10 = arith.muli %scan3A_9, %mul3A : i32
      %add3A = arith.constant 0 : i32
      %add3A_11 = arith.addi %add3A, %mul3A_10 : i32
      %mul3A_12 = arith.constant 16 : i32
      %mul3A_13 = arith.muli %arg0, %mul3A_12 : i32
      %add3A_14 = arith.addi %mul3A_13, %add3A_11 : i32
      %mul3A_15 = arith.constant 3328 : i32
      %mul3A_16 = arith.muli %add3A_14, %mul3A_15 : i32
      %scan3A_17 = arith.constant 0 : i32
      %scan3A_18 = arith.constant 2 : i32
      %scan3A_19 = arith.addi %scan3A_17, %scan3A_18 : i32
      %scan3A_20 = arith.constant 1 : i32
      scf.for %scan3A_62 = %scan3A_17 to %scan3A_19 step %scan3A_20  : i32 {
        %mul3A_63 = arith.constant 1 : i32
        %mul3A_64 = arith.muli %scan3A_62, %mul3A_63 : i32
        %add3A_65 = arith.constant 0 : i32
        %add3A_66 = arith.addi %add3A_65, %mul3A_64 : i32
        %mul3A_67 = arith.constant 208 : i32
        %mul3A_68 = arith.muli %arg1, %mul3A_67 : i32
        %mul3A_69 = arith.constant 104 : i32
        %mul3A_70 = arith.muli %add3A_66, %mul3A_69 : i32
        %add3A_71 = arith.addi %mul3A_68, %mul3A_70 : i32
        "tpu.region"() ({
          %run_scoped3A = tpu.sem_alloc : memref<!tpu.dma_semaphore, #tpu.memory_space<semaphore_mem>>
          %dma_start3A = arith.constant 0 : i32
          %dma_start3A_72 = tpu.memref_slice %arg13[%add3A_71, %dma_start3A] : memref<3344x128xf32, #tpu.memory_space<vmem_shared>> -> memref<104x128xf32, #tpu.memory_space<vmem_shared>>
          %dma_start3A_73 = arith.constant 0 : i32
          %dma_start3A_74 = tpu.memref_slice %arg13[%add3A_71, %dma_start3A_73] : memref<3344x128xf32, #tpu.memory_space<vmem_shared>> -> memref<104x128xf32, #tpu.memory_space<vmem_shared>>
          tpu.enqueue_dma source(%arg12 : memref<104x128xf32, #tpu.memory_space<vmem>>) target(%dma_start3A_74 : memref<104x128xf32, #tpu.memory_space<vmem_shared>>) target_semaphore(%run_scoped3A : memref<!tpu.dma_semaphore, #tpu.memory_space<semaphore_mem>>)
          %dma_wait3A = arith.constant 0 : i32
          %dma_wait3A_75 = tpu.memref_slice %arg13[%add3A_71, %dma_wait3A] : memref<3344x128xf32, #tpu.memory_space<vmem_shared>> -> memref<104x128xf32, #tpu.memory_space<vmem_shared>>
          %dma_wait3A_76 = arith.constant 0 : i32
          %dma_wait3A_77 = tpu.memref_slice %arg13[%add3A_71, %dma_wait3A_76] : memref<3344x128xf32, #tpu.memory_space<vmem_shared>> -> memref<104x128xf32, #tpu.memory_space<vmem_shared>>
          tpu.wait_dma2 semaphore(%run_scoped3A : memref<!tpu.dma_semaphore, #tpu.memory_space<semaphore_mem>>) src(%arg12 : memref<104x128xf32, #tpu.memory_space<vmem>>) dst(%dma_wait3A_77 : memref<104x128xf32, #tpu.memory_space<vmem_shared>>)
          tpu.yield
        }) : () -> ()
      }
      %scan3A_21 = arith.constant 2 : i32
      %eq3A = arith.constant 0 : i32
      %eq3A_22 = arith.cmpi eq, %arg1, %eq3A : i32
      %convert_element_type3A = arith.extui %eq3A_22 : i1 to i32
      %cond3A = arith.constant 0 : i32
      %cond3A_23 = arith.cmpi ne, %convert_element_type3A, %cond3A : i32
      scf.if %cond3A_23 {
        "tpu.region"() ({
          %run_scoped3A = tpu.sem_alloc : memref<!tpu.dma_semaphore, #tpu.memory_space<semaphore_mem>>
          %dma_start3A = arith.constant 0 : i32
          %dma_start3A_62 = arith.constant 0 : i32
          %dma_start3A_63 = tpu.memref_slice %arg12[%dma_start3A, %dma_start3A_62] : memref<104x128xf32, #tpu.memory_space<vmem>> -> memref<16x128xf32, #tpu.memory_space<vmem>>
          %dma_start3A_64 = arith.constant 3328 : i32
          %dma_start3A_65 = arith.constant 0 : i32
          %dma_start3A_66 = tpu.memref_slice %arg13[%dma_start3A_64, %dma_start3A_65] : memref<3344x128xf32, #tpu.memory_space<vmem_shared>> -> memref<16x128xf32, #tpu.memory_space<vmem_shared>>
          %dma_start3A_67 = arith.constant 3328 : i32
          %dma_start3A_68 = arith.constant 0 : i32
          %dma_start3A_69 = tpu.memref_slice %arg13[%dma_start3A_67, %dma_start3A_68] : memref<3344x128xf32, #tpu.memory_space<vmem_shared>> -> memref<16x128xf32, #tpu.memory_space<vmem_shared>>
          %dma_start3A_70 = arith.constant 0 : i32
          %dma_start3A_71 = arith.constant 0 : i32
          %dma_start3A_72 = tpu.memref_slice %arg12[%dma_start3A_70, %dma_start3A_71] : memref<104x128xf32, #tpu.memory_space<vmem>> -> memref<16x128xf32, #tpu.memory_space<vmem>>
          tpu.enqueue_dma source(%dma_start3A_72 : memref<16x128xf32, #tpu.memory_space<vmem>>) target(%dma_start3A_69 : memref<16x128xf32, #tpu.memory_space<vmem_shared>>) target_semaphore(%run_scoped3A : memref<!tpu.dma_semaphore, #tpu.memory_space<semaphore_mem>>)
          %dma_wait3A = arith.constant 0 : i32
          %dma_wait3A_73 = arith.constant 0 : i32
          %dma_wait3A_74 = tpu.memref_slice %arg12[%dma_wait3A, %dma_wait3A_73] : memref<104x128xf32, #tpu.memory_space<vmem>> -> memref<16x128xf32, #tpu.memory_space<vmem>>
          %dma_wait3A_75 = arith.constant 3328 : i32
          %dma_wait3A_76 = arith.constant 0 : i32
          %dma_wait3A_77 = tpu.memref_slice %arg13[%dma_wait3A_75, %dma_wait3A_76] : memref<3344x128xf32, #tpu.memory_space<vmem_shared>> -> memref<16x128xf32, #tpu.memory_space<vmem_shared>>
          %dma_wait3A_78 = arith.constant 3328 : i32
          %dma_wait3A_79 = arith.constant 0 : i32
          %dma_wait3A_80 = tpu.memref_slice %arg13[%dma_wait3A_78, %dma_wait3A_79] : memref<3344x128xf32, #tpu.memory_space<vmem_shared>> -> memref<16x128xf32, #tpu.memory_space<vmem_shared>>
          %dma_wait3A_81 = arith.constant 0 : i32
          %dma_wait3A_82 = arith.constant 0 : i32
          %dma_wait3A_83 = tpu.memref_slice %arg12[%dma_wait3A_81, %dma_wait3A_82] : memref<104x128xf32, #tpu.memory_space<vmem>> -> memref<16x128xf32, #tpu.memory_space<vmem>>
          tpu.wait_dma2 semaphore(%run_scoped3A : memref<!tpu.dma_semaphore, #tpu.memory_space<semaphore_mem>>) src(%dma_wait3A_83 : memref<16x128xf32, #tpu.memory_space<vmem>>) dst(%dma_wait3A_80 : memref<16x128xf32, #tpu.memory_space<vmem_shared>>)
          tpu.yield
        }) : () -> ()
      } else {
      }
      %barrier3A = arith.constant 0 : index
      tpu.barrier barrier_id(%barrier3A)
      %mul3A_24 = arith.constant 3752 : i32
      %mul3A_25 = arith.muli %arg1, %mul3A_24 : i32
      %sub3A = arith.constant 60000 : i32
      %sub3A_26 = arith.subi %sub3A, %mul3A_25 : i32
      %min3A = arith.constant 3752 : i32
      %min3A_27 = arith.minsi %min3A, %sub3A_26 : i32
      %scan3A_28 = arith.constant 0 : i32
      %scan3A_29 = arith.constant 6 : i32
      %scan3A_30 = arith.addi %scan3A_28, %scan3A_29 : i32
      %scan3A_31 = arith.constant 1 : i32
      scf.for %scan3A_62 = %scan3A_28 to %scan3A_30 step %scan3A_31  : i32 {
        %mul3A_63 = arith.constant 1 : i32
        %mul3A_64 = arith.muli %scan3A_62, %mul3A_63 : i32
        %add3A_65 = arith.constant 0 : i32
        %add3A_66 = arith.addi %add3A_65, %mul3A_64 : i32
        %mul3A_67 = arith.constant 640 : i32
        %mul3A_68 = arith.muli %add3A_66, %mul3A_67 : i32
        %sub3A_69 = arith.constant 640 : i32
        %sub3A_70 = arith.subi %min3A_27, %sub3A_69 : i32
        %min3A_71 = arith.minsi %mul3A_68, %sub3A_70 : i32
        %add3A_72 = arith.addi %mul3A_25, %min3A_71 : i32
        "tpu.region"() ({
          %run_scoped3A = tpu.sem_alloc : memref<!tpu.dma_semaphore, #tpu.memory_space<semaphore_mem>>
          %dma_start3A = tpu.memref_slice %arg5[%add3A_72] : memref<60000xi32, #tpu.memory_space<hbm>> -> memref<640xi32, #tpu.memory_space<hbm>>
          %dma_start3A_1189 = tpu.memref_slice %arg5[%add3A_72] : memref<60000xi32, #tpu.memory_space<hbm>> -> memref<640xi32, #tpu.memory_space<hbm>>
          tpu.enqueue_dma source(%dma_start3A_1189 : memref<640xi32, #tpu.memory_space<hbm>>) target(%arg9 : memref<640xi32, #tpu.memory_space<vmem>>) target_semaphore(%run_scoped3A : memref<!tpu.dma_semaphore, #tpu.memory_space<semaphore_mem>>)
          %dma_wait3A = tpu.memref_slice %arg5[%add3A_72] : memref<60000xi32, #tpu.memory_space<hbm>> -> memref<640xi32, #tpu.memory_space<hbm>>
          %dma_wait3A_1190 = tpu.memref_slice %arg5[%add3A_72] : memref<60000xi32, #tpu.memory_space<hbm>> -> memref<640xi32, #tpu.memory_space<hbm>>
          tpu.wait_dma2 semaphore(%run_scoped3A : memref<!tpu.dma_semaphore, #tpu.memory_space<semaphore_mem>>) src(%dma_wait3A_1190 : memref<640xi32, #tpu.memory_space<hbm>>) dst(%arg9 : memref<640xi32, #tpu.memory_space<vmem>>)
          tpu.yield
        }) : () -> ()
        "tpu.region"() ({
          %run_scoped3A = tpu.sem_alloc : memref<!tpu.dma_semaphore, #tpu.memory_space<semaphore_mem>>
          %dma_start3A = arith.constant 0 : i32
          %dma_start3A_1189 = tpu.memref_slice %arg2[%add3A_72, %dma_start3A] : memref<60000x128xf32, #tpu.memory_space<hbm>> -> memref<640x128xf32, #tpu.memory_space<hbm>>
          %dma_start3A_1190 = arith.constant 0 : i32
          %dma_start3A_1191 = tpu.memref_slice %arg2[%add3A_72, %dma_start3A_1190] : memref<60000x128xf32, #tpu.memory_space<hbm>> -> memref<640x128xf32, #tpu.memory_space<hbm>>
          tpu.enqueue_dma source(%dma_start3A_1191 : memref<640x128xf32, #tpu.memory_space<hbm>>) target(%arg11 : memref<640x128xf32, #tpu.memory_space<vmem>>) target_semaphore(%run_scoped3A : memref<!tpu.dma_semaphore, #tpu.memory_space<semaphore_mem>>)
          %dma_wait3A = arith.constant 0 : i32
          %dma_wait3A_1192 = tpu.memref_slice %arg2[%add3A_72, %dma_wait3A] : memref<60000x128xf32, #tpu.memory_space<hbm>> -> memref<640x128xf32, #tpu.memory_space<hbm>>
          %dma_wait3A_1193 = arith.constant 0 : i32
          %dma_wait3A_1194 = tpu.memref_slice %arg2[%add3A_72, %dma_wait3A_1193] : memref<60000x128xf32, #tpu.memory_space<hbm>> -> memref<640x128xf32, #tpu.memory_space<hbm>>
          tpu.wait_dma2 semaphore(%run_scoped3A : memref<!tpu.dma_semaphore, #tpu.memory_space<semaphore_mem>>) src(%dma_wait3A_1194 : memref<640x128xf32, #tpu.memory_space<hbm>>) dst(%arg11 : memref<640x128xf32, #tpu.memory_space<vmem>>)
          tpu.yield
        }) : () -> ()
        %mul3A_73 = arith.constant 640 : i32
        %mul3A_74 = arith.muli %add3A_66, %mul3A_73 : i32
        %add3A_75 = arith.addi %mul3A_25, %mul3A_74 : i32
        %sub3A_76 = arith.subi %add3A_72, %add3A_75 : i32
        %get3A = arith.constant 0 : index
        %get3A_77 = tpu.vector_load %arg9[%get3A] {strides = array<i32>} : memref<640xi32, #tpu.memory_space<vmem>>, vector<16xi32>,
        %get3A_78 = vector.shape_cast %get3A_77 : vector<16xi32> to vector<16xi32>
        %iota3A = tpu.iota {dimensions = array<i32: 0>} : vector<16xi32>
        %add3A_79 = arith.constant 0 : i32
        %add3A_80 = arith.addi %sub3A_76, %add3A_79 : i32
        %add3A_81 = vector.broadcast %add3A_80 : i32 to vector<16xi32>
        %add3A_82 = arith.addi %iota3A, %add3A_81 : vector<16xi32>
        %sub3A_83 = vector.broadcast %mul3A_16 : i32 to vector<16xi32>
        %sub3A_84 = arith.subi %get3A_78, %sub3A_83 : vector<16xi32>
        %ge3A = arith.constant 0 : i32
        %ge3A_85 = vector.broadcast %ge3A : i32 to vector<16xi32>
        %ge3A_86 = arith.cmpi sge, %add3A_82, %ge3A_85 : vector<16xi32>
        %ge3A_87 = arith.constant 0 : i32
        %ge3A_88 = vector.broadcast %ge3A_87 : i32 to vector<16xi32>
        %ge3A_89 = arith.cmpi sge, %sub3A_84, %ge3A_88 : vector<16xi32>
        %and3A = arith.andi %ge3A_86, %ge3A_89 : vector<16xi1>
        %lt3A = arith.constant 3328 : i32
        %lt3A_90 = vector.broadcast %lt3A : i32 to vector<16xi32>
        %lt3A_91 = arith.cmpi slt, %sub3A_84, %lt3A_90 : vector<16xi32>
        %and3A_92 = arith.andi %and3A, %lt3A_91 : vector<16xi1>
        %broadcast_in_dim3A = arith.constant 3328 : i32
        %broadcast_in_dim3A_93 = vector.broadcast %broadcast_in_dim3A : i32 to vector<16xi32>
        %select_n3A = arith.select %and3A_92, %sub3A_84, %broadcast_in_dim3A_93 : vector<16xi1>, vector<16xi32>
        %swap3A = arith.constant 0 : index
        %swap3A_94 = tpu.vector_load %arg10[%swap3A] {strides = array<i32>} : memref<640xi32, #tpu.memory_space<vmem>>, vector<16xi32>,
        %swap3A_95 = vector.shape_cast %swap3A_94 : vector<16xi32> to vector<16xi32>
        %swap3A_96 = vector.shape_cast %select_n3A : vector<16xi32> to vector<16xi32>
        tpu.vector_store %arg10[%swap3A], %swap3A_96 {strides = array<i32>} : memref<640xi32, #tpu.memory_space<vmem>>, vector<16xi32>,
        %get3A_97 = arith.constant 16 : index
        %get3A_98 = tpu.vector_load %arg9[%get3A_97] {strides = array<i32>} : memref<640xi32, #tpu.memory_space<vmem>>, vector<16xi32>,
        %get3A_99 = vector.shape_cast %get3A_98 : vector<16xi32> to vector<16xi32>
        %iota3A_100 = tpu.iota {dimensions = array<i32: 0>} : vector<16xi32>
        %add3A_101 = arith.constant 16 : i32
        %add3A_102 = arith.addi %sub3A_76, %add3A_101 : i32
        %add3A_103 = vector.broadcast %add3A_102 : i32 to vector<16xi32>
        %add3A_104 = arith.addi %iota3A_100, %add3A_103 : vector<16xi32>
        %sub3A_105 = vector.broadcast %mul3A_16 : i32 to vector<16xi32>
        %sub3A_106 = arith.subi %get3A_99, %sub3A_105 : vector<16xi32>
        %ge3A_107 = arith.constant 0 : i32
        %ge3A_108 = vector.broadcast %ge3A_107 : i32 to vector<16xi32>
        %ge3A_109 = arith.cmpi sge, %add3A_104, %ge3A_108 : vector<16xi32>
        %ge3A_110 = arith.constant 0 : i32
        %ge3A_111 = vector.broadcast %ge3A_110 : i32 to vector<16xi32>
        %ge3A_112 = arith.cmpi sge, %sub3A_106, %ge3A_111 : vector<16xi32>
        %and3A_113 = arith.andi %ge3A_109, %ge3A_112 : vector<16xi1>
        %lt3A_114 = arith.constant 3328 : i32
        %lt3A_115 = vector.broadcast %lt3A_114 : i32 to vector<16xi32>
        %lt3A_116 = arith.cmpi slt, %sub3A_106, %lt3A_115 : vector<16xi32>
        %and3A_117 = arith.andi %and3A_113, %lt3A_116 : vector<16xi1>
        %broadcast_in_dim3A_118 = arith.constant 3328 : i32
        %broadcast_in_dim3A_119 = vector.broadcast %broadcast_in_dim3A_118 : i32 to vector<16xi32>
        %select_n3A_120 = arith.select %and3A_117, %sub3A_106, %broadcast_in_dim3A_119 : vector<16xi1>, vector<16xi32>
        %swap3A_121 = arith.constant 16 : index
        %swap3A_122 = tpu.vector_load %arg10[%swap3A_121] {strides = array<i32>} : memref<640xi32, #tpu.memory_space<vmem>>, vector<16xi32>,
        %swap3A_123 = vector.shape_cast %swap3A_122 : vector<16xi32> to vector<16xi32>
        %swap3A_124 = vector.shape_cast %select_n3A_120 : vector<16xi32> to vector<16xi32>
        tpu.vector_store %arg10[%swap3A_121], %swap3A_124 {strides = array<i32>} : memref<640xi32, #tpu.memory_space<vmem>>, vector<16xi32>,
        %get3A_125 = arith.constant 32 : index
        %get3A_126 = tpu.vector_load %arg9[%get3A_125] {strides = array<i32>} : memref<640xi32, #tpu.memory_space<vmem>>, vector<16xi32>,
        %get3A_127 = vector.shape_cast %get3A_126 : vector<16xi32> to vector<16xi32>
        %iota3A_128 = tpu.iota {dimensions = array<i32: 0>} : vector<16xi32>
        %add3A_129 = arith.constant 32 : i32
        %add3A_130 = arith.addi %sub3A_76, %add3A_129 : i32
        %add3A_131 = vector.broadcast %add3A_130 : i32 to vector<16xi32>
        %add3A_132 = arith.addi %iota3A_128, %add3A_131 : vector<16xi32>
        %sub3A_133 = vector.broadcast %mul3A_16 : i32 to vector<16xi32>
        %sub3A_134 = arith.subi %get3A_127, %sub3A_133 : vector<16xi32>
        %ge3A_135 = arith.constant 0 : i32
        %ge3A_136 = vector.broadcast %ge3A_135 : i32 to vector<16xi32>
        %ge3A_137 = arith.cmpi sge, %add3A_132, %ge3A_136 : vector<16xi32>
        %ge3A_138 = arith.constant 0 : i32
        %ge3A_139 = vector.broadcast %ge3A_138 : i32 to vector<16xi32>
        %ge3A_140 = arith.cmpi sge, %sub3A_134, %ge3A_139 : vector<16xi32>
        %and3A_141 = arith.andi %ge3A_137, %ge3A_140 : vector<16xi1>
        %lt3A_142 = arith.constant 3328 : i32
        %lt3A_143 = vector.broadcast %lt3A_142 : i32 to vector<16xi32>
        %lt3A_144 = arith.cmpi slt, %sub3A_134, %lt3A_143 : vector<16xi32>
        %and3A_145 = arith.andi %and3A_141, %lt3A_144 : vector<16xi1>
        %broadcast_in_dim3A_146 = arith.constant 3328 : i32
        %broadcast_in_dim3A_147 = vector.broadcast %broadcast_in_dim3A_146 : i32 to vector<16xi32>
        %select_n3A_148 = arith.select %and3A_145, %sub3A_134, %broadcast_in_dim3A_147 : vector<16xi1>, vector<16xi32>
        %swap3A_149 = arith.constant 32 : index
        %swap3A_150 = tpu.vector_load %arg10[%swap3A_149] {strides = array<i32>} : memref<640xi32, #tpu.memory_space<vmem>>, vector<16xi32>,
        %swap3A_151 = vector.shape_cast %swap3A_150 : vector<16xi32> to vector<16xi32>
        %swap3A_152 = vector.shape_cast %select_n3A_148 : vector<16xi32> to vector<16xi32>
        tpu.vector_store %arg10[%swap3A_149], %swap3A_152 {strides = array<i32>} : memref<640xi32, #tpu.memory_space<vmem>>, vector<16xi32>,
        %get3A_153 = arith.constant 48 : index
        %get3A_154 = tpu.vector_load %arg9[%get3A_153] {strides = array<i32>} : memref<640xi32, #tpu.memory_space<vmem>>, vector<16xi32>,
        %get3A_155 = vector.shape_cast %get3A_154 : vector<16xi32> to vector<16xi32>
        %iota3A_156 = tpu.iota {dimensions = array<i32: 0>} : vector<16xi32>
        %add3A_157 = arith.constant 48 : i32
        %add3A_158 = arith.addi %sub3A_76, %add3A_157 : i32
        %add3A_159 = vector.broadcast %add3A_158 : i32 to vector<16xi32>
        %add3A_160 = arith.addi %iota3A_156, %add3A_159 : vector<16xi32>
        %sub3A_161 = vector.broadcast %mul3A_16 : i32 to vector<16xi32>
        %sub3A_162 = arith.subi %get3A_155, %sub3A_161 : vector<16xi32>
        %ge3A_163 = arith.constant 0 : i32
        %ge3A_164 = vector.broadcast %ge3A_163 : i32 to vector<16xi32>
        %ge3A_165 = arith.cmpi sge, %add3A_160, %ge3A_164 : vector<16xi32>
        %ge3A_166 = arith.constant 0 : i32
        %ge3A_167 = vector.broadcast %ge3A_166 : i32 to vector<16xi32>
        %ge3A_168 = arith.cmpi sge, %sub3A_162, %ge3A_167 : vector<16xi32>
        %and3A_169 = arith.andi %ge3A_165, %ge3A_168 : vector<16xi1>
        %lt3A_170 = arith.constant 3328 : i32
        %lt3A_171 = vector.broadcast %lt3A_170 : i32 to vector<16xi32>
        %lt3A_172 = arith.cmpi slt, %sub3A_162, %lt3A_171 : vector<16xi32>
        %and3A_173 = arith.andi %and3A_169, %lt3A_172 : vector<16xi1>
        %broadcast_in_dim3A_174 = arith.constant 3328 : i32
        %broadcast_in_dim3A_175 = vector.broadcast %broadcast_in_dim3A_174 : i32 to vector<16xi32>
        %select_n3A_176 = arith.select %and3A_173, %sub3A_162, %broadcast_in_dim3A_175 : vector<16xi1>, vector<16xi32>
        %swap3A_177 = arith.constant 48 : index
        %swap3A_178 = tpu.vector_load %arg10[%swap3A_177] {strides = array<i32>} : memref<640xi32, #tpu.memory_space<vmem>>, vector<16xi32>,
        %swap3A_179 = vector.shape_cast %swap3A_178 : vector<16xi32> to vector<16xi32>
        %swap3A_180 = vector.shape_cast %select_n3A_176 : vector<16xi32> to vector<16xi32>
        tpu.vector_store %arg10[%swap3A_177], %swap3A_180 {strides = array<i32>} : memref<640xi32, #tpu.memory_space<vmem>>, vector<16xi32>,
        %get3A_181 = arith.constant 64 : index
        %get3A_182 = tpu.vector_load %arg9[%get3A_181] {strides = array<i32>} : memref<640xi32, #tpu.memory_space<vmem>>, vector<16xi32>,
        %get3A_183 = vector.shape_cast %get3A_182 : vector<16xi32> to vector<16xi32>
        %iota3A_184 = tpu.iota {dimensions = array<i32: 0>} : vector<16xi32>
        %add3A_185 = arith.constant 64 : i32
        %add3A_186 = arith.addi %sub3A_76, %add3A_185 : i32
        %add3A_187 = vector.broadcast %add3A_186 : i32 to vector<16xi32>
        %add3A_188 = arith.addi %iota3A_184, %add3A_187 : vector<16xi32>
        %sub3A_189 = vector.broadcast %mul3A_16 : i32 to vector<16xi32>
        %sub3A_190 = arith.subi %get3A_183, %sub3A_189 : vector<16xi32>
        %ge3A_191 = arith.constant 0 : i32
        %ge3A_192 = vector.broadcast %ge3A_191 : i32 to vector<16xi32>
        %ge3A_193 = arith.cmpi sge, %add3A_188, %ge3A_192 : vector<16xi32>
        %ge3A_194 = arith.constant 0 : i32
        %ge3A_195 = vector.broadcast %ge3A_194 : i32 to vector<16xi32>
        %ge3A_196 = arith.cmpi sge, %sub3A_190, %ge3A_195 : vector<16xi32>
        %and3A_197 = arith.andi %ge3A_193, %ge3A_196 : vector<16xi1>
        %lt3A_198 = arith.constant 3328 : i32
        %lt3A_199 = vector.broadcast %lt3A_198 : i32 to vector<16xi32>
        %lt3A_200 = arith.cmpi slt, %sub3A_190, %lt3A_199 : vector<16xi32>
        %and3A_201 = arith.andi %and3A_197, %lt3A_200 : vector<16xi1>
        %broadcast_in_dim3A_202 = arith.constant 3328 : i32
        %broadcast_in_dim3A_203 = vector.broadcast %broadcast_in_dim3A_202 : i32 to vector<16xi32>
        %select_n3A_204 = arith.select %and3A_201, %sub3A_190, %broadcast_in_dim3A_203 : vector<16xi1>, vector<16xi32>
        %swap3A_205 = arith.constant 64 : index
        %swap3A_206 = tpu.vector_load %arg10[%swap3A_205] {strides = array<i32>} : memref<640xi32, #tpu.memory_space<vmem>>, vector<16xi32>,
        %swap3A_207 = vector.shape_cast %swap3A_206 : vector<16xi32> to vector<16xi32>
        %swap3A_208 = vector.shape_cast %select_n3A_204 : vector<16xi32> to vector<16xi32>
        tpu.vector_store %arg10[%swap3A_205], %swap3A_208 {strides = array<i32>} : memref<640xi32, #tpu.memory_space<vmem>>, vector<16xi32>,
        %get3A_209 = arith.constant 80 : index
        %get3A_210 = tpu.vector_load %arg9[%get3A_209] {strides = array<i32>} : memref<640xi32, #tpu.memory_space<vmem>>, vector<16xi32>,
        %get3A_211 = vector.shape_cast %get3A_210 : vector<16xi32> to vector<16xi32>
        %iota3A_212 = tpu.iota {dimensions = array<i32: 0>} : vector<16xi32>
        %add3A_213 = arith.constant 80 : i32
        %add3A_214 = arith.addi %sub3A_76, %add3A_213 : i32
        %add3A_215 = vector.broadcast %add3A_214 : i32 to vector<16xi32>
        %add3A_216 = arith.addi %iota3A_212, %add3A_215 : vector<16xi32>
        %sub3A_217 = vector.broadcast %mul3A_16 : i32 to vector<16xi32>
        %sub3A_218 = arith.subi %get3A_211, %sub3A_217 : vector<16xi32>
        %ge3A_219 = arith.constant 0 : i32
        %ge3A_220 = vector.broadcast %ge3A_219 : i32 to vector<16xi32>
        %ge3A_221 = arith.cmpi sge, %add3A_216, %ge3A_220 : vector<16xi32>
        %ge3A_222 = arith.constant 0 : i32
        %ge3A_223 = vector.broadcast %ge3A_222 : i32 to vector<16xi32>
        %ge3A_224 = arith.cmpi sge, %sub3A_218, %ge3A_223 : vector<16xi32>
        %and3A_225 = arith.andi %ge3A_221, %ge3A_224 : vector<16xi1>
        %lt3A_226 = arith.constant 3328 : i32
        %lt3A_227 = vector.broadcast %lt3A_226 : i32 to vector<16xi32>
        %lt3A_228 = arith.cmpi slt, %sub3A_218, %lt3A_227 : vector<16xi32>
        %and3A_229 = arith.andi %and3A_225, %lt3A_228 : vector<16xi1>
        %broadcast_in_dim3A_230 = arith.constant 3328 : i32
        %broadcast_in_dim3A_231 = vector.broadcast %broadcast_in_dim3A_230 : i32 to vector<16xi32>
        %select_n3A_232 = arith.select %and3A_229, %sub3A_218, %broadcast_in_dim3A_231 : vector<16xi1>, vector<16xi32>
        %swap3A_233 = arith.constant 80 : index
        %swap3A_234 = tpu.vector_load %arg10[%swap3A_233] {strides = array<i32>} : memref<640xi32, #tpu.memory_space<vmem>>, vector<16xi32>,
        %swap3A_235 = vector.shape_cast %swap3A_234 : vector<16xi32> to vector<16xi32>
        %swap3A_236 = vector.shape_cast %select_n3A_232 : vector<16xi32> to vector<16xi32>
        tpu.vector_store %arg10[%swap3A_233], %swap3A_236 {strides = array<i32>} : memref<640xi32, #tpu.memory_space<vmem>>, vector<16xi32>,
        %get3A_237 = arith.constant 96 : index
        %get3A_238 = tpu.vector_load %arg9[%get3A_237] {strides = array<i32>} : memref<640xi32, #tpu.memory_space<vmem>>, vector<16xi32>,
        %get3A_239 = vector.shape_cast %get3A_238 : vector<16xi32> to vector<16xi32>
        %iota3A_240 = tpu.iota {dimensions = array<i32: 0>} : vector<16xi32>
        %add3A_241 = arith.constant 96 : i32
        %add3A_242 = arith.addi %sub3A_76, %add3A_241 : i32
        %add3A_243 = vector.broadcast %add3A_242 : i32 to vector<16xi32>
        %add3A_244 = arith.addi %iota3A_240, %add3A_243 : vector<16xi32>
        %sub3A_245 = vector.broadcast %mul3A_16 : i32 to vector<16xi32>
        %sub3A_246 = arith.subi %get3A_239, %sub3A_245 : vector<16xi32>
        %ge3A_247 = arith.constant 0 : i32
        %ge3A_248 = vector.broadcast %ge3A_247 : i32 to vector<16xi32>
        %ge3A_249 = arith.cmpi sge, %add3A_244, %ge3A_248 : vector<16xi32>
        %ge3A_250 = arith.constant 0 : i32
        %ge3A_251 = vector.broadcast %ge3A_250 : i32 to vector<16xi32>
        %ge3A_252 = arith.cmpi sge, %sub3A_246, %ge3A_251 : vector<16xi32>
        %and3A_253 = arith.andi %ge3A_249, %ge3A_252 : vector<16xi1>
        %lt3A_254 = arith.constant 3328 : i32
        %lt3A_255 = vector.broadcast %lt3A_254 : i32 to vector<16xi32>
        %lt3A_256 = arith.cmpi slt, %sub3A_246, %lt3A_255 : vector<16xi32>
        %and3A_257 = arith.andi %and3A_253, %lt3A_256 : vector<16xi1>
        %broadcast_in_dim3A_258 = arith.constant 3328 : i32
        %broadcast_in_dim3A_259 = vector.broadcast %broadcast_in_dim3A_258 : i32 to vector<16xi32>
        %select_n3A_260 = arith.select %and3A_257, %sub3A_246, %broadcast_in_dim3A_259 : vector<16xi1>, vector<16xi32>
        %swap3A_261 = arith.constant 96 : index
        %swap3A_262 = tpu.vector_load %arg10[%swap3A_261] {strides = array<i32>} : memref<640xi32, #tpu.memory_space<vmem>>, vector<16xi32>,
        %swap3A_263 = vector.shape_cast %swap3A_262 : vector<16xi32> to vector<16xi32>
        %swap3A_264 = vector.shape_cast %select_n3A_260 : vector<16xi32> to vector<16xi32>
        tpu.vector_store %arg10[%swap3A_261], %swap3A_264 {strides = array<i32>} : memref<640xi32, #tpu.memory_space<vmem>>, vector<16xi32>,
        %get3A_265 = arith.constant 112 : index
        %get3A_266 = tpu.vector_load %arg9[%get3A_265] {strides = array<i32>} : memref<640xi32, #tpu.memory_space<vmem>>, vector<16xi32>,
        %get3A_267 = vector.shape_cast %get3A_266 : vector<16xi32> to vector<16xi32>
        %iota3A_268 = tpu.iota {dimensions = array<i32: 0>} : vector<16xi32>
        %add3A_269 = arith.constant 112 : i32
        %add3A_270 = arith.addi %sub3A_76, %add3A_269 : i32
        %add3A_271 = vector.broadcast %add3A_270 : i32 to vector<16xi32>
        %add3A_272 = arith.addi %iota3A_268, %add3A_271 : vector<16xi32>
        %sub3A_273 = vector.broadcast %mul3A_16 : i32 to vector<16xi32>
        %sub3A_274 = arith.subi %get3A_267, %sub3A_273 : vector<16xi32>
        %ge3A_275 = arith.constant 0 : i32
        %ge3A_276 = vector.broadcast %ge3A_275 : i32 to vector<16xi32>
        %ge3A_277 = arith.cmpi sge, %add3A_272, %ge3A_276 : vector<16xi32>
        %ge3A_278 = arith.constant 0 : i32
        %ge3A_279 = vector.broadcast %ge3A_278 : i32 to vector<16xi32>
        %ge3A_280 = arith.cmpi sge, %sub3A_274, %ge3A_279 : vector<16xi32>
        %and3A_281 = arith.andi %ge3A_277, %ge3A_280 : vector<16xi1>
        %lt3A_282 = arith.constant 3328 : i32
        %lt3A_283 = vector.broadcast %lt3A_282 : i32 to vector<16xi32>
        %lt3A_284 = arith.cmpi slt, %sub3A_274, %lt3A_283 : vector<16xi32>
        %and3A_285 = arith.andi %and3A_281, %lt3A_284 : vector<16xi1>
        %broadcast_in_dim3A_286 = arith.constant 3328 : i32
        %broadcast_in_dim3A_287 = vector.broadcast %broadcast_in_dim3A_286 : i32 to vector<16xi32>
        %select_n3A_288 = arith.select %and3A_285, %sub3A_274, %broadcast_in_dim3A_287 : vector<16xi1>, vector<16xi32>
        %swap3A_289 = arith.constant 112 : index
        %swap3A_290 = tpu.vector_load %arg10[%swap3A_289] {strides = array<i32>} : memref<640xi32, #tpu.memory_space<vmem>>, vector<16xi32>,
        %swap3A_291 = vector.shape_cast %swap3A_290 : vector<16xi32> to vector<16xi32>
        %swap3A_292 = vector.shape_cast %select_n3A_288 : vector<16xi32> to vector<16xi32>
        tpu.vector_store %arg10[%swap3A_289], %swap3A_292 {strides = array<i32>} : memref<640xi32, #tpu.memory_space<vmem>>, vector<16xi32>,
        %get3A_293 = arith.constant 128 : index
        %get3A_294 = tpu.vector_load %arg9[%get3A_293] {strides = array<i32>} : memref<640xi32, #tpu.memory_space<vmem>>, vector<16xi32>,
        %get3A_295 = vector.shape_cast %get3A_294 : vector<16xi32> to vector<16xi32>
        %iota3A_296 = tpu.iota {dimensions = array<i32: 0>} : vector<16xi32>
        %add3A_297 = arith.constant 128 : i32
        %add3A_298 = arith.addi %sub3A_76, %add3A_297 : i32
        %add3A_299 = vector.broadcast %add3A_298 : i32 to vector<16xi32>
        %add3A_300 = arith.addi %iota3A_296, %add3A_299 : vector<16xi32>
        %sub3A_301 = vector.broadcast %mul3A_16 : i32 to vector<16xi32>
        %sub3A_302 = arith.subi %get3A_295, %sub3A_301 : vector<16xi32>
        %ge3A_303 = arith.constant 0 : i32
        %ge3A_304 = vector.broadcast %ge3A_303 : i32 to vector<16xi32>
        %ge3A_305 = arith.cmpi sge, %add3A_300, %ge3A_304 : vector<16xi32>
        %ge3A_306 = arith.constant 0 : i32
        %ge3A_307 = vector.broadcast %ge3A_306 : i32 to vector<16xi32>
        %ge3A_308 = arith.cmpi sge, %sub3A_302, %ge3A_307 : vector<16xi32>
        %and3A_309 = arith.andi %ge3A_305, %ge3A_308 : vector<16xi1>
        %lt3A_310 = arith.constant 3328 : i32
        %lt3A_311 = vector.broadcast %lt3A_310 : i32 to vector<16xi32>
        %lt3A_312 = arith.cmpi slt, %sub3A_302, %lt3A_311 : vector<16xi32>
        %and3A_313 = arith.andi %and3A_309, %lt3A_312 : vector<16xi1>
        %broadcast_in_dim3A_314 = arith.constant 3328 : i32
        %broadcast_in_dim3A_315 = vector.broadcast %broadcast_in_dim3A_314 : i32 to vector<16xi32>
        %select_n3A_316 = arith.select %and3A_313, %sub3A_302, %broadcast_in_dim3A_315 : vector<16xi1>, vector<16xi32>
        %swap3A_317 = arith.constant 128 : index
        %swap3A_318 = tpu.vector_load %arg10[%swap3A_317] {strides = array<i32>} : memref<640xi32, #tpu.memory_space<vmem>>, vector<16xi32>,
        %swap3A_319 = vector.shape_cast %swap3A_318 : vector<16xi32> to vector<16xi32>
        %swap3A_320 = vector.shape_cast %select_n3A_316 : vector<16xi32> to vector<16xi32>
        tpu.vector_store %arg10[%swap3A_317], %swap3A_320 {strides = array<i32>} : memref<640xi32, #tpu.memory_space<vmem>>, vector<16xi32>,
        %get3A_321 = arith.constant 144 : index
        %get3A_322 = tpu.vector_load %arg9[%get3A_321] {strides = array<i32>} : memref<640xi32, #tpu.memory_space<vmem>>, vector<16xi32>,
        %get3A_323 = vector.shape_cast %get3A_322 : vector<16xi32> to vector<16xi32>
        %iota3A_324 = tpu.iota {dimensions = array<i32: 0>} : vector<16xi32>
        %add3A_325 = arith.constant 144 : i32
        %add3A_326 = arith.addi %sub3A_76, %add3A_325 : i32
        %add3A_327 = vector.broadcast %add3A_326 : i32 to vector<16xi32>
        %add3A_328 = arith.addi %iota3A_324, %add3A_327 : vector<16xi32>
        %sub3A_329 = vector.broadcast %mul3A_16 : i32 to vector<16xi32>
        %sub3A_330 = arith.subi %get3A_323, %sub3A_329 : vector<16xi32>
        %ge3A_331 = arith.constant 0 : i32
        %ge3A_332 = vector.broadcast %ge3A_331 : i32 to vector<16xi32>
        %ge3A_333 = arith.cmpi sge, %add3A_328, %ge3A_332 : vector<16xi32>
        %ge3A_334 = arith.constant 0 : i32
        %ge3A_335 = vector.broadcast %ge3A_334 : i32 to vector<16xi32>
        %ge3A_336 = arith.cmpi sge, %sub3A_330, %ge3A_335 : vector<16xi32>
        %and3A_337 = arith.andi %ge3A_333, %ge3A_336 : vector<16xi1>
        %lt3A_338 = arith.constant 3328 : i32
        %lt3A_339 = vector.broadcast %lt3A_338 : i32 to vector<16xi32>
        %lt3A_340 = arith.cmpi slt, %sub3A_330, %lt3A_339 : vector<16xi32>
        %and3A_341 = arith.andi %and3A_337, %lt3A_340 : vector<16xi1>
        %broadcast_in_dim3A_342 = arith.constant 3328 : i32
        %broadcast_in_dim3A_343 = vector.broadcast %broadcast_in_dim3A_342 : i32 to vector<16xi32>
        %select_n3A_344 = arith.select %and3A_341, %sub3A_330, %broadcast_in_dim3A_343 : vector<16xi1>, vector<16xi32>
        %swap3A_345 = arith.constant 144 : index
        %swap3A_346 = tpu.vector_load %arg10[%swap3A_345] {strides = array<i32>} : memref<640xi32, #tpu.memory_space<vmem>>, vector<16xi32>,
        %swap3A_347 = vector.shape_cast %swap3A_346 : vector<16xi32> to vector<16xi32>
        %swap3A_348 = vector.shape_cast %select_n3A_344 : vector<16xi32> to vector<16xi32>
        tpu.vector_store %arg10[%swap3A_345], %swap3A_348 {strides = array<i32>} : memref<640xi32, #tpu.memory_space<vmem>>, vector<16xi32>,
        %get3A_349 = arith.constant 160 : index
        %get3A_350 = tpu.vector_load %arg9[%get3A_349] {strides = array<i32>} : memref<640xi32, #tpu.memory_space<vmem>>, vector<16xi32>,
        %get3A_351 = vector.shape_cast %get3A_350 : vector<16xi32> to vector<16xi32>
        %iota3A_352 = tpu.iota {dimensions = array<i32: 0>} : vector<16xi32>
        %add3A_353 = arith.constant 160 : i32
        %add3A_354 = arith.addi %sub3A_76, %add3A_353 : i32
        %add3A_355 = vector.broadcast %add3A_354 : i32 to vector<16xi32>
        %add3A_356 = arith.addi %iota3A_352, %add3A_355 : vector<16xi32>
        %sub3A_357 = vector.broadcast %mul3A_16 : i32 to vector<16xi32>
        %sub3A_358 = arith.subi %get3A_351, %sub3A_357 : vector<16xi32>
        %ge3A_359 = arith.constant 0 : i32
        %ge3A_360 = vector.broadcast %ge3A_359 : i32 to vector<16xi32>
        %ge3A_361 = arith.cmpi sge, %add3A_356, %ge3A_360 : vector<16xi32>
        %ge3A_362 = arith.constant 0 : i32
        %ge3A_363 = vector.broadcast %ge3A_362 : i32 to vector<16xi32>
        %ge3A_364 = arith.cmpi sge, %sub3A_358, %ge3A_363 : vector<16xi32>
        %and3A_365 = arith.andi %ge3A_361, %ge3A_364 : vector<16xi1>
        %lt3A_366 = arith.constant 3328 : i32
        %lt3A_367 = vector.broadcast %lt3A_366 : i32 to vector<16xi32>
        %lt3A_368 = arith.cmpi slt, %sub3A_358, %lt3A_367 : vector<16xi32>
        %and3A_369 = arith.andi %and3A_365, %lt3A_368 : vector<16xi1>
        %broadcast_in_dim3A_370 = arith.constant 3328 : i32
        %broadcast_in_dim3A_371 = vector.broadcast %broadcast_in_dim3A_370 : i32 to vector<16xi32>
        %select_n3A_372 = arith.select %and3A_369, %sub3A_358, %broadcast_in_dim3A_371 : vector<16xi1>, vector<16xi32>
        %swap3A_373 = arith.constant 160 : index
        %swap3A_374 = tpu.vector_load %arg10[%swap3A_373] {strides = array<i32>} : memref<640xi32, #tpu.memory_space<vmem>>, vector<16xi32>,
        %swap3A_375 = vector.shape_cast %swap3A_374 : vector<16xi32> to vector<16xi32>
        %swap3A_376 = vector.shape_cast %select_n3A_372 : vector<16xi32> to vector<16xi32>
        tpu.vector_store %arg10[%swap3A_373], %swap3A_376 {strides = array<i32>} : memref<640xi32, #tpu.memory_space<vmem>>, vector<16xi32>,
        %get3A_377 = arith.constant 176 : index
        %get3A_378 = tpu.vector_load %arg9[%get3A_377] {strides = array<i32>} : memref<640xi32, #tpu.memory_space<vmem>>, vector<16xi32>,
        %get3A_379 = vector.shape_cast %get3A_378 : vector<16xi32> to vector<16xi32>
        %iota3A_380 = tpu.iota {dimensions = array<i32: 0>} : vector<16xi32>
        %add3A_381 = arith.constant 176 : i32
        %add3A_382 = arith.addi %sub3A_76, %add3A_381 : i32
        %add3A_383 = vector.broadcast %add3A_382 : i32 to vector<16xi32>
        %add3A_384 = arith.addi %iota3A_380, %add3A_383 : vector<16xi32>
        %sub3A_385 = vector.broadcast %mul3A_16 : i32 to vector<16xi32>
        %sub3A_386 = arith.subi %get3A_379, %sub3A_385 : vector<16xi32>
        %ge3A_387 = arith.constant 0 : i32
        %ge3A_388 = vector.broadcast %ge3A_387 : i32 to vector<16xi32>
        %ge3A_389 = arith.cmpi sge, %add3A_384, %ge3A_388 : vector<16xi32>
        %ge3A_390 = arith.constant 0 : i32
        %ge3A_391 = vector.broadcast %ge3A_390 : i32 to vector<16xi32>
        %ge3A_392 = arith.cmpi sge, %sub3A_386, %ge3A_391 : vector<16xi32>
        %and3A_393 = arith.andi %ge3A_389, %ge3A_392 : vector<16xi1>
        %lt3A_394 = arith.constant 3328 : i32
        %lt3A_395 = vector.broadcast %lt3A_394 : i32 to vector<16xi32>
        %lt3A_396 = arith.cmpi slt, %sub3A_386, %lt3A_395 : vector<16xi32>
        %and3A_397 = arith.andi %and3A_393, %lt3A_396 : vector<16xi1>
        %broadcast_in_dim3A_398 = arith.constant 3328 : i32
        %broadcast_in_dim3A_399 = vector.broadcast %broadcast_in_dim3A_398 : i32 to vector<16xi32>
        %select_n3A_400 = arith.select %and3A_397, %sub3A_386, %broadcast_in_dim3A_399 : vector<16xi1>, vector<16xi32>
        %swap3A_401 = arith.constant 176 : index
        %swap3A_402 = tpu.vector_load %arg10[%swap3A_401] {strides = array<i32>} : memref<640xi32, #tpu.memory_space<vmem>>, vector<16xi32>,
        %swap3A_403 = vector.shape_cast %swap3A_402 : vector<16xi32> to vector<16xi32>
        %swap3A_404 = vector.shape_cast %select_n3A_400 : vector<16xi32> to vector<16xi32>
        tpu.vector_store %arg10[%swap3A_401], %swap3A_404 {strides = array<i32>} : memref<640xi32, #tpu.memory_space<vmem>>, vector<16xi32>,
        %get3A_405 = arith.constant 192 : index
        %get3A_406 = tpu.vector_load %arg9[%get3A_405] {strides = array<i32>} : memref<640xi32, #tpu.memory_space<vmem>>, vector<16xi32>,
        %get3A_407 = vector.shape_cast %get3A_406 : vector<16xi32> to vector<16xi32>
        %iota3A_408 = tpu.iota {dimensions = array<i32: 0>} : vector<16xi32>
        %add3A_409 = arith.constant 192 : i32
        %add3A_410 = arith.addi %sub3A_76, %add3A_409 : i32
        %add3A_411 = vector.broadcast %add3A_410 : i32 to vector<16xi32>
        %add3A_412 = arith.addi %iota3A_408, %add3A_411 : vector<16xi32>
        %sub3A_413 = vector.broadcast %mul3A_16 : i32 to vector<16xi32>
        %sub3A_414 = arith.subi %get3A_407, %sub3A_413 : vector<16xi32>
        %ge3A_415 = arith.constant 0 : i32
        %ge3A_416 = vector.broadcast %ge3A_415 : i32 to vector<16xi32>
        %ge3A_417 = arith.cmpi sge, %add3A_412, %ge3A_416 : vector<16xi32>
        %ge3A_418 = arith.constant 0 : i32
        %ge3A_419 = vector.broadcast %ge3A_418 : i32 to vector<16xi32>
        %ge3A_420 = arith.cmpi sge, %sub3A_414, %ge3A_419 : vector<16xi32>
        %and3A_421 = arith.andi %ge3A_417, %ge3A_420 : vector<16xi1>
        %lt3A_422 = arith.constant 3328 : i32
        %lt3A_423 = vector.broadcast %lt3A_422 : i32 to vector<16xi32>
        %lt3A_424 = arith.cmpi slt, %sub3A_414, %lt3A_423 : vector<16xi32>
        %and3A_425 = arith.andi %and3A_421, %lt3A_424 : vector<16xi1>
        %broadcast_in_dim3A_426 = arith.constant 3328 : i32
        %broadcast_in_dim3A_427 = vector.broadcast %broadcast_in_dim3A_426 : i32 to vector<16xi32>
        %select_n3A_428 = arith.select %and3A_425, %sub3A_414, %broadcast_in_dim3A_427 : vector<16xi1>, vector<16xi32>
        %swap3A_429 = arith.constant 192 : index
        %swap3A_430 = tpu.vector_load %arg10[%swap3A_429] {strides = array<i32>} : memref<640xi32, #tpu.memory_space<vmem>>, vector<16xi32>,
        %swap3A_431 = vector.shape_cast %swap3A_430 : vector<16xi32> to vector<16xi32>
        %swap3A_432 = vector.shape_cast %select_n3A_428 : vector<16xi32> to vector<16xi32>
        tpu.vector_store %arg10[%swap3A_429], %swap3A_432 {strides = array<i32>} : memref<640xi32, #tpu.memory_space<vmem>>, vector<16xi32>,
        %get3A_433 = arith.constant 208 : index
        %get3A_434 = tpu.vector_load %arg9[%get3A_433] {strides = array<i32>} : memref<640xi32, #tpu.memory_space<vmem>>, vector<16xi32>,
        %get3A_435 = vector.shape_cast %get3A_434 : vector<16xi32> to vector<16xi32>
        %iota3A_436 = tpu.iota {dimensions = array<i32: 0>} : vector<16xi32>
        %add3A_437 = arith.constant 208 : i32
        %add3A_438 = arith.addi %sub3A_76, %add3A_437 : i32
        %add3A_439 = vector.broadcast %add3A_438 : i32 to vector<16xi32>
        %add3A_440 = arith.addi %iota3A_436, %add3A_439 : vector<16xi32>
        %sub3A_441 = vector.broadcast %mul3A_16 : i32 to vector<16xi32>
        %sub3A_442 = arith.subi %get3A_435, %sub3A_441 : vector<16xi32>
        %ge3A_443 = arith.constant 0 : i32
        %ge3A_444 = vector.broadcast %ge3A_443 : i32 to vector<16xi32>
        %ge3A_445 = arith.cmpi sge, %add3A_440, %ge3A_444 : vector<16xi32>
        %ge3A_446 = arith.constant 0 : i32
        %ge3A_447 = vector.broadcast %ge3A_446 : i32 to vector<16xi32>
        %ge3A_448 = arith.cmpi sge, %sub3A_442, %ge3A_447 : vector<16xi32>
        %and3A_449 = arith.andi %ge3A_445, %ge3A_448 : vector<16xi1>
        %lt3A_450 = arith.constant 3328 : i32
        %lt3A_451 = vector.broadcast %lt3A_450 : i32 to vector<16xi32>
        %lt3A_452 = arith.cmpi slt, %sub3A_442, %lt3A_451 : vector<16xi32>
        %and3A_453 = arith.andi %and3A_449, %lt3A_452 : vector<16xi1>
        %broadcast_in_dim3A_454 = arith.constant 3328 : i32
        %broadcast_in_dim3A_455 = vector.broadcast %broadcast_in_dim3A_454 : i32 to vector<16xi32>
        %select_n3A_456 = arith.select %and3A_453, %sub3A_442, %broadcast_in_dim3A_455 : vector<16xi1>, vector<16xi32>
        %swap3A_457 = arith.constant 208 : index
        %swap3A_458 = tpu.vector_load %arg10[%swap3A_457] {strides = array<i32>} : memref<640xi32, #tpu.memory_space<vmem>>, vector<16xi32>,
        %swap3A_459 = vector.shape_cast %swap3A_458 : vector<16xi32> to vector<16xi32>
        %swap3A_460 = vector.shape_cast %select_n3A_456 : vector<16xi32> to vector<16xi32>
        tpu.vector_store %arg10[%swap3A_457], %swap3A_460 {strides = array<i32>} : memref<640xi32, #tpu.memory_space<vmem>>, vector<16xi32>,
        %get3A_461 = arith.constant 224 : index
        %get3A_462 = tpu.vector_load %arg9[%get3A_461] {strides = array<i32>} : memref<640xi32, #tpu.memory_space<vmem>>, vector<16xi32>,
        %get3A_463 = vector.shape_cast %get3A_462 : vector<16xi32> to vector<16xi32>
        %iota3A_464 = tpu.iota {dimensions = array<i32: 0>} : vector<16xi32>
        %add3A_465 = arith.constant 224 : i32
        %add3A_466 = arith.addi %sub3A_76, %add3A_465 : i32
        %add3A_467 = vector.broadcast %add3A_466 : i32 to vector<16xi32>
        %add3A_468 = arith.addi %iota3A_464, %add3A_467 : vector<16xi32>
        %sub3A_469 = vector.broadcast %mul3A_16 : i32 to vector<16xi32>
        %sub3A_470 = arith.subi %get3A_463, %sub3A_469 : vector<16xi32>
        %ge3A_471 = arith.constant 0 : i32
        %ge3A_472 = vector.broadcast %ge3A_471 : i32 to vector<16xi32>
        %ge3A_473 = arith.cmpi sge, %add3A_468, %ge3A_472 : vector<16xi32>
        %ge3A_474 = arith.constant 0 : i32
        %ge3A_475 = vector.broadcast %ge3A_474 : i32 to vector<16xi32>
        %ge3A_476 = arith.cmpi sge, %sub3A_470, %ge3A_475 : vector<16xi32>
        %and3A_477 = arith.andi %ge3A_473, %ge3A_476 : vector<16xi1>
        %lt3A_478 = arith.constant 3328 : i32
        %lt3A_479 = vector.broadcast %lt3A_478 : i32 to vector<16xi32>
        %lt3A_480 = arith.cmpi slt, %sub3A_470, %lt3A_479 : vector<16xi32>
        %and3A_481 = arith.andi %and3A_477, %lt3A_480 : vector<16xi1>
        %broadcast_in_dim3A_482 = arith.constant 3328 : i32
        %broadcast_in_dim3A_483 = vector.broadcast %broadcast_in_dim3A_482 : i32 to vector<16xi32>
        %select_n3A_484 = arith.select %and3A_481, %sub3A_470, %broadcast_in_dim3A_483 : vector<16xi1>, vector<16xi32>
        %swap3A_485 = arith.constant 224 : index
        %swap3A_486 = tpu.vector_load %arg10[%swap3A_485] {strides = array<i32>} : memref<640xi32, #tpu.memory_space<vmem>>, vector<16xi32>,
        %swap3A_487 = vector.shape_cast %swap3A_486 : vector<16xi32> to vector<16xi32>
        %swap3A_488 = vector.shape_cast %select_n3A_484 : vector<16xi32> to vector<16xi32>
        tpu.vector_store %arg10[%swap3A_485], %swap3A_488 {strides = array<i32>} : memref<640xi32, #tpu.memory_space<vmem>>, vector<16xi32>,
        %get3A_489 = arith.constant 240 : index
        %get3A_490 = tpu.vector_load %arg9[%get3A_489] {strides = array<i32>} : memref<640xi32, #tpu.memory_space<vmem>>, vector<16xi32>,
        %get3A_491 = vector.shape_cast %get3A_490 : vector<16xi32> to vector<16xi32>
        %iota3A_492 = tpu.iota {dimensions = array<i32: 0>} : vector<16xi32>
        %add3A_493 = arith.constant 240 : i32
        %add3A_494 = arith.addi %sub3A_76, %add3A_493 : i32
        %add3A_495 = vector.broadcast %add3A_494 : i32 to vector<16xi32>
        %add3A_496 = arith.addi %iota3A_492, %add3A_495 : vector<16xi32>
        %sub3A_497 = vector.broadcast %mul3A_16 : i32 to vector<16xi32>
        %sub3A_498 = arith.subi %get3A_491, %sub3A_497 : vector<16xi32>
        %ge3A_499 = arith.constant 0 : i32
        %ge3A_500 = vector.broadcast %ge3A_499 : i32 to vector<16xi32>
        %ge3A_501 = arith.cmpi sge, %add3A_496, %ge3A_500 : vector<16xi32>
        %ge3A_502 = arith.constant 0 : i32
        %ge3A_503 = vector.broadcast %ge3A_502 : i32 to vector<16xi32>
        %ge3A_504 = arith.cmpi sge, %sub3A_498, %ge3A_503 : vector<16xi32>
        %and3A_505 = arith.andi %ge3A_501, %ge3A_504 : vector<16xi1>
        %lt3A_506 = arith.constant 3328 : i32
        %lt3A_507 = vector.broadcast %lt3A_506 : i32 to vector<16xi32>
        %lt3A_508 = arith.cmpi slt, %sub3A_498, %lt3A_507 : vector<16xi32>
        %and3A_509 = arith.andi %and3A_505, %lt3A_508 : vector<16xi1>
        %broadcast_in_dim3A_510 = arith.constant 3328 : i32
        %broadcast_in_dim3A_511 = vector.broadcast %broadcast_in_dim3A_510 : i32 to vector<16xi32>
        %select_n3A_512 = arith.select %and3A_509, %sub3A_498, %broadcast_in_dim3A_511 : vector<16xi1>, vector<16xi32>
        %swap3A_513 = arith.constant 240 : index
        %swap3A_514 = tpu.vector_load %arg10[%swap3A_513] {strides = array<i32>} : memref<640xi32, #tpu.memory_space<vmem>>, vector<16xi32>,
        %swap3A_515 = vector.shape_cast %swap3A_514 : vector<16xi32> to vector<16xi32>
        %swap3A_516 = vector.shape_cast %select_n3A_512 : vector<16xi32> to vector<16xi32>
        tpu.vector_store %arg10[%swap3A_513], %swap3A_516 {strides = array<i32>} : memref<640xi32, #tpu.memory_space<vmem>>, vector<16xi32>,
        %get3A_517 = arith.constant 256 : index
        %get3A_518 = tpu.vector_load %arg9[%get3A_517] {strides = array<i32>} : memref<640xi32, #tpu.memory_space<vmem>>, vector<16xi32>,
        %get3A_519 = vector.shape_cast %get3A_518 : vector<16xi32> to vector<16xi32>
        %iota3A_520 = tpu.iota {dimensions = array<i32: 0>} : vector<16xi32>
        %add3A_521 = arith.constant 256 : i32
        %add3A_522 = arith.addi %sub3A_76, %add3A_521 : i32
        %add3A_523 = vector.broadcast %add3A_522 : i32 to vector<16xi32>
        %add3A_524 = arith.addi %iota3A_520, %add3A_523 : vector<16xi32>
        %sub3A_525 = vector.broadcast %mul3A_16 : i32 to vector<16xi32>
        %sub3A_526 = arith.subi %get3A_519, %sub3A_525 : vector<16xi32>
        %ge3A_527 = arith.constant 0 : i32
        %ge3A_528 = vector.broadcast %ge3A_527 : i32 to vector<16xi32>
        %ge3A_529 = arith.cmpi sge, %add3A_524, %ge3A_528 : vector<16xi32>
        %ge3A_530 = arith.constant 0 : i32
        %ge3A_531 = vector.broadcast %ge3A_530 : i32 to vector<16xi32>
        %ge3A_532 = arith.cmpi sge, %sub3A_526, %ge3A_531 : vector<16xi32>
        %and3A_533 = arith.andi %ge3A_529, %ge3A_532 : vector<16xi1>
        %lt3A_534 = arith.constant 3328 : i32
        %lt3A_535 = vector.broadcast %lt3A_534 : i32 to vector<16xi32>
        %lt3A_536 = arith.cmpi slt, %sub3A_526, %lt3A_535 : vector<16xi32>
        %and3A_537 = arith.andi %and3A_533, %lt3A_536 : vector<16xi1>
        %broadcast_in_dim3A_538 = arith.constant 3328 : i32
        %broadcast_in_dim3A_539 = vector.broadcast %broadcast_in_dim3A_538 : i32 to vector<16xi32>
        %select_n3A_540 = arith.select %and3A_537, %sub3A_526, %broadcast_in_dim3A_539 : vector<16xi1>, vector<16xi32>
        %swap3A_541 = arith.constant 256 : index
        %swap3A_542 = tpu.vector_load %arg10[%swap3A_541] {strides = array<i32>} : memref<640xi32, #tpu.memory_space<vmem>>, vector<16xi32>,
        %swap3A_543 = vector.shape_cast %swap3A_542 : vector<16xi32> to vector<16xi32>
        %swap3A_544 = vector.shape_cast %select_n3A_540 : vector<16xi32> to vector<16xi32>
        tpu.vector_store %arg10[%swap3A_541], %swap3A_544 {strides = array<i32>} : memref<640xi32, #tpu.memory_space<vmem>>, vector<16xi32>,
        %get3A_545 = arith.constant 272 : index
        %get3A_546 = tpu.vector_load %arg9[%get3A_545] {strides = array<i32>} : memref<640xi32, #tpu.memory_space<vmem>>, vector<16xi32>,
        %get3A_547 = vector.shape_cast %get3A_546 : vector<16xi32> to vector<16xi32>
        %iota3A_548 = tpu.iota {dimensions = array<i32: 0>} : vector<16xi32>
        %add3A_549 = arith.constant 272 : i32
        %add3A_550 = arith.addi %sub3A_76, %add3A_549 : i32
        %add3A_551 = vector.broadcast %add3A_550 : i32 to vector<16xi32>
        %add3A_552 = arith.addi %iota3A_548, %add3A_551 : vector<16xi32>
        %sub3A_553 = vector.broadcast %mul3A_16 : i32 to vector<16xi32>
        %sub3A_554 = arith.subi %get3A_547, %sub3A_553 : vector<16xi32>
        %ge3A_555 = arith.constant 0 : i32
        %ge3A_556 = vector.broadcast %ge3A_555 : i32 to vector<16xi32>
        %ge3A_557 = arith.cmpi sge, %add3A_552, %ge3A_556 : vector<16xi32>
        %ge3A_558 = arith.constant 0 : i32
        %ge3A_559 = vector.broadcast %ge3A_558 : i32 to vector<16xi32>
        %ge3A_560 = arith.cmpi sge, %sub3A_554, %ge3A_559 : vector<16xi32>
        %and3A_561 = arith.andi %ge3A_557, %ge3A_560 : vector<16xi1>
        %lt3A_562 = arith.constant 3328 : i32
        %lt3A_563 = vector.broadcast %lt3A_562 : i32 to vector<16xi32>
        %lt3A_564 = arith.cmpi slt, %sub3A_554, %lt3A_563 : vector<16xi32>
        %and3A_565 = arith.andi %and3A_561, %lt3A_564 : vector<16xi1>
        %broadcast_in_dim3A_566 = arith.constant 3328 : i32
        %broadcast_in_dim3A_567 = vector.broadcast %broadcast_in_dim3A_566 : i32 to vector<16xi32>
        %select_n3A_568 = arith.select %and3A_565, %sub3A_554, %broadcast_in_dim3A_567 : vector<16xi1>, vector<16xi32>
        %swap3A_569 = arith.constant 272 : index
        %swap3A_570 = tpu.vector_load %arg10[%swap3A_569] {strides = array<i32>} : memref<640xi32, #tpu.memory_space<vmem>>, vector<16xi32>,
        %swap3A_571 = vector.shape_cast %swap3A_570 : vector<16xi32> to vector<16xi32>
        %swap3A_572 = vector.shape_cast %select_n3A_568 : vector<16xi32> to vector<16xi32>
        tpu.vector_store %arg10[%swap3A_569], %swap3A_572 {strides = array<i32>} : memref<640xi32, #tpu.memory_space<vmem>>, vector<16xi32>,
        %get3A_573 = arith.constant 288 : index
        %get3A_574 = tpu.vector_load %arg9[%get3A_573] {strides = array<i32>} : memref<640xi32, #tpu.memory_space<vmem>>, vector<16xi32>,
        %get3A_575 = vector.shape_cast %get3A_574 : vector<16xi32> to vector<16xi32>
        %iota3A_576 = tpu.iota {dimensions = array<i32: 0>} : vector<16xi32>
        %add3A_577 = arith.constant 288 : i32
        %add3A_578 = arith.addi %sub3A_76, %add3A_577 : i32
        %add3A_579 = vector.broadcast %add3A_578 : i32 to vector<16xi32>
        %add3A_580 = arith.addi %iota3A_576, %add3A_579 : vector<16xi32>
        %sub3A_581 = vector.broadcast %mul3A_16 : i32 to vector<16xi32>
        %sub3A_582 = arith.subi %get3A_575, %sub3A_581 : vector<16xi32>
        %ge3A_583 = arith.constant 0 : i32
        %ge3A_584 = vector.broadcast %ge3A_583 : i32 to vector<16xi32>
        %ge3A_585 = arith.cmpi sge, %add3A_580, %ge3A_584 : vector<16xi32>
        %ge3A_586 = arith.constant 0 : i32
        %ge3A_587 = vector.broadcast %ge3A_586 : i32 to vector<16xi32>
        %ge3A_588 = arith.cmpi sge, %sub3A_582, %ge3A_587 : vector<16xi32>
        %and3A_589 = arith.andi %ge3A_585, %ge3A_588 : vector<16xi1>
        %lt3A_590 = arith.constant 3328 : i32
        %lt3A_591 = vector.broadcast %lt3A_590 : i32 to vector<16xi32>
        %lt3A_592 = arith.cmpi slt, %sub3A_582, %lt3A_591 : vector<16xi32>
        %and3A_593 = arith.andi %and3A_589, %lt3A_592 : vector<16xi1>
        %broadcast_in_dim3A_594 = arith.constant 3328 : i32
        %broadcast_in_dim3A_595 = vector.broadcast %broadcast_in_dim3A_594 : i32 to vector<16xi32>
        %select_n3A_596 = arith.select %and3A_593, %sub3A_582, %broadcast_in_dim3A_595 : vector<16xi1>, vector<16xi32>
        %swap3A_597 = arith.constant 288 : index
        %swap3A_598 = tpu.vector_load %arg10[%swap3A_597] {strides = array<i32>} : memref<640xi32, #tpu.memory_space<vmem>>, vector<16xi32>,
        %swap3A_599 = vector.shape_cast %swap3A_598 : vector<16xi32> to vector<16xi32>
        %swap3A_600 = vector.shape_cast %select_n3A_596 : vector<16xi32> to vector<16xi32>
        tpu.vector_store %arg10[%swap3A_597], %swap3A_600 {strides = array<i32>} : memref<640xi32, #tpu.memory_space<vmem>>, vector<16xi32>,
        %get3A_601 = arith.constant 304 : index
        %get3A_602 = tpu.vector_load %arg9[%get3A_601] {strides = array<i32>} : memref<640xi32, #tpu.memory_space<vmem>>, vector<16xi32>,
        %get3A_603 = vector.shape_cast %get3A_602 : vector<16xi32> to vector<16xi32>
        %iota3A_604 = tpu.iota {dimensions = array<i32: 0>} : vector<16xi32>
        %add3A_605 = arith.constant 304 : i32
        %add3A_606 = arith.addi %sub3A_76, %add3A_605 : i32
        %add3A_607 = vector.broadcast %add3A_606 : i32 to vector<16xi32>
        %add3A_608 = arith.addi %iota3A_604, %add3A_607 : vector<16xi32>
        %sub3A_609 = vector.broadcast %mul3A_16 : i32 to vector<16xi32>
        %sub3A_610 = arith.subi %get3A_603, %sub3A_609 : vector<16xi32>
        %ge3A_611 = arith.constant 0 : i32
        %ge3A_612 = vector.broadcast %ge3A_611 : i32 to vector<16xi32>
        %ge3A_613 = arith.cmpi sge, %add3A_608, %ge3A_612 : vector<16xi32>
        %ge3A_614 = arith.constant 0 : i32
        %ge3A_615 = vector.broadcast %ge3A_614 : i32 to vector<16xi32>
        %ge3A_616 = arith.cmpi sge, %sub3A_610, %ge3A_615 : vector<16xi32>
        %and3A_617 = arith.andi %ge3A_613, %ge3A_616 : vector<16xi1>
        %lt3A_618 = arith.constant 3328 : i32
        %lt3A_619 = vector.broadcast %lt3A_618 : i32 to vector<16xi32>
        %lt3A_620 = arith.cmpi slt, %sub3A_610, %lt3A_619 : vector<16xi32>
        %and3A_621 = arith.andi %and3A_617, %lt3A_620 : vector<16xi1>
        %broadcast_in_dim3A_622 = arith.constant 3328 : i32
        %broadcast_in_dim3A_623 = vector.broadcast %broadcast_in_dim3A_622 : i32 to vector<16xi32>
        %select_n3A_624 = arith.select %and3A_621, %sub3A_610, %broadcast_in_dim3A_623 : vector<16xi1>, vector<16xi32>
        %swap3A_625 = arith.constant 304 : index
        %swap3A_626 = tpu.vector_load %arg10[%swap3A_625] {strides = array<i32>} : memref<640xi32, #tpu.memory_space<vmem>>, vector<16xi32>,
        %swap3A_627 = vector.shape_cast %swap3A_626 : vector<16xi32> to vector<16xi32>
        %swap3A_628 = vector.shape_cast %select_n3A_624 : vector<16xi32> to vector<16xi32>
        tpu.vector_store %arg10[%swap3A_625], %swap3A_628 {strides = array<i32>} : memref<640xi32, #tpu.memory_space<vmem>>, vector<16xi32>,
        %get3A_629 = arith.constant 320 : index
        %get3A_630 = tpu.vector_load %arg9[%get3A_629] {strides = array<i32>} : memref<640xi32, #tpu.memory_space<vmem>>, vector<16xi32>,
        %get3A_631 = vector.shape_cast %get3A_630 : vector<16xi32> to vector<16xi32>
        %iota3A_632 = tpu.iota {dimensions = array<i32: 0>} : vector<16xi32>
        %add3A_633 = arith.constant 320 : i32
        %add3A_634 = arith.addi %sub3A_76, %add3A_633 : i32
        %add3A_635 = vector.broadcast %add3A_634 : i32 to vector<16xi32>
        %add3A_636 = arith.addi %iota3A_632, %add3A_635 : vector<16xi32>
        %sub3A_637 = vector.broadcast %mul3A_16 : i32 to vector<16xi32>
        %sub3A_638 = arith.subi %get3A_631, %sub3A_637 : vector<16xi32>
        %ge3A_639 = arith.constant 0 : i32
        %ge3A_640 = vector.broadcast %ge3A_639 : i32 to vector<16xi32>
        %ge3A_641 = arith.cmpi sge, %add3A_636, %ge3A_640 : vector<16xi32>
        %ge3A_642 = arith.constant 0 : i32
        %ge3A_643 = vector.broadcast %ge3A_642 : i32 to vector<16xi32>
        %ge3A_644 = arith.cmpi sge, %sub3A_638, %ge3A_643 : vector<16xi32>
        %and3A_645 = arith.andi %ge3A_641, %ge3A_644 : vector<16xi1>
        %lt3A_646 = arith.constant 3328 : i32
        %lt3A_647 = vector.broadcast %lt3A_646 : i32 to vector<16xi32>
        %lt3A_648 = arith.cmpi slt, %sub3A_638, %lt3A_647 : vector<16xi32>
        %and3A_649 = arith.andi %and3A_645, %lt3A_648 : vector<16xi1>
        %broadcast_in_dim3A_650 = arith.constant 3328 : i32
        %broadcast_in_dim3A_651 = vector.broadcast %broadcast_in_dim3A_650 : i32 to vector<16xi32>
        %select_n3A_652 = arith.select %and3A_649, %sub3A_638, %broadcast_in_dim3A_651 : vector<16xi1>, vector<16xi32>
        %swap3A_653 = arith.constant 320 : index
        %swap3A_654 = tpu.vector_load %arg10[%swap3A_653] {strides = array<i32>} : memref<640xi32, #tpu.memory_space<vmem>>, vector<16xi32>,
        %swap3A_655 = vector.shape_cast %swap3A_654 : vector<16xi32> to vector<16xi32>
        %swap3A_656 = vector.shape_cast %select_n3A_652 : vector<16xi32> to vector<16xi32>
        tpu.vector_store %arg10[%swap3A_653], %swap3A_656 {strides = array<i32>} : memref<640xi32, #tpu.memory_space<vmem>>, vector<16xi32>,
        %get3A_657 = arith.constant 336 : index
        %get3A_658 = tpu.vector_load %arg9[%get3A_657] {strides = array<i32>} : memref<640xi32, #tpu.memory_space<vmem>>, vector<16xi32>,
        %get3A_659 = vector.shape_cast %get3A_658 : vector<16xi32> to vector<16xi32>
        %iota3A_660 = tpu.iota {dimensions = array<i32: 0>} : vector<16xi32>
        %add3A_661 = arith.constant 336 : i32
        %add3A_662 = arith.addi %sub3A_76, %add3A_661 : i32
        %add3A_663 = vector.broadcast %add3A_662 : i32 to vector<16xi32>
        %add3A_664 = arith.addi %iota3A_660, %add3A_663 : vector<16xi32>
        %sub3A_665 = vector.broadcast %mul3A_16 : i32 to vector<16xi32>
        %sub3A_666 = arith.subi %get3A_659, %sub3A_665 : vector<16xi32>
        %ge3A_667 = arith.constant 0 : i32
        %ge3A_668 = vector.broadcast %ge3A_667 : i32 to vector<16xi32>
        %ge3A_669 = arith.cmpi sge, %add3A_664, %ge3A_668 : vector<16xi32>
        %ge3A_670 = arith.constant 0 : i32
        %ge3A_671 = vector.broadcast %ge3A_670 : i32 to vector<16xi32>
        %ge3A_672 = arith.cmpi sge, %sub3A_666, %ge3A_671 : vector<16xi32>
        %and3A_673 = arith.andi %ge3A_669, %ge3A_672 : vector<16xi1>
        %lt3A_674 = arith.constant 3328 : i32
        %lt3A_675 = vector.broadcast %lt3A_674 : i32 to vector<16xi32>
        %lt3A_676 = arith.cmpi slt, %sub3A_666, %lt3A_675 : vector<16xi32>
        %and3A_677 = arith.andi %and3A_673, %lt3A_676 : vector<16xi1>
        %broadcast_in_dim3A_678 = arith.constant 3328 : i32
        %broadcast_in_dim3A_679 = vector.broadcast %broadcast_in_dim3A_678 : i32 to vector<16xi32>
        %select_n3A_680 = arith.select %and3A_677, %sub3A_666, %broadcast_in_dim3A_679 : vector<16xi1>, vector<16xi32>
        %swap3A_681 = arith.constant 336 : index
        %swap3A_682 = tpu.vector_load %arg10[%swap3A_681] {strides = array<i32>} : memref<640xi32, #tpu.memory_space<vmem>>, vector<16xi32>,
        %swap3A_683 = vector.shape_cast %swap3A_682 : vector<16xi32> to vector<16xi32>
        %swap3A_684 = vector.shape_cast %select_n3A_680 : vector<16xi32> to vector<16xi32>
        tpu.vector_store %arg10[%swap3A_681], %swap3A_684 {strides = array<i32>} : memref<640xi32, #tpu.memory_space<vmem>>, vector<16xi32>,
        %get3A_685 = arith.constant 352 : index
        %get3A_686 = tpu.vector_load %arg9[%get3A_685] {strides = array<i32>} : memref<640xi32, #tpu.memory_space<vmem>>, vector<16xi32>,
        %get3A_687 = vector.shape_cast %get3A_686 : vector<16xi32> to vector<16xi32>
        %iota3A_688 = tpu.iota {dimensions = array<i32: 0>} : vector<16xi32>
        %add3A_689 = arith.constant 352 : i32
        %add3A_690 = arith.addi %sub3A_76, %add3A_689 : i32
        %add3A_691 = vector.broadcast %add3A_690 : i32 to vector<16xi32>
        %add3A_692 = arith.addi %iota3A_688, %add3A_691 : vector<16xi32>
        %sub3A_693 = vector.broadcast %mul3A_16 : i32 to vector<16xi32>
        %sub3A_694 = arith.subi %get3A_687, %sub3A_693 : vector<16xi32>
        %ge3A_695 = arith.constant 0 : i32
        %ge3A_696 = vector.broadcast %ge3A_695 : i32 to vector<16xi32>
        %ge3A_697 = arith.cmpi sge, %add3A_692, %ge3A_696 : vector<16xi32>
        %ge3A_698 = arith.constant 0 : i32
        %ge3A_699 = vector.broadcast %ge3A_698 : i32 to vector<16xi32>
        %ge3A_700 = arith.cmpi sge, %sub3A_694, %ge3A_699 : vector<16xi32>
        %and3A_701 = arith.andi %ge3A_697, %ge3A_700 : vector<16xi1>
        %lt3A_702 = arith.constant 3328 : i32
        %lt3A_703 = vector.broadcast %lt3A_702 : i32 to vector<16xi32>
        %lt3A_704 = arith.cmpi slt, %sub3A_694, %lt3A_703 : vector<16xi32>
        %and3A_705 = arith.andi %and3A_701, %lt3A_704 : vector<16xi1>
        %broadcast_in_dim3A_706 = arith.constant 3328 : i32
        %broadcast_in_dim3A_707 = vector.broadcast %broadcast_in_dim3A_706 : i32 to vector<16xi32>
        %select_n3A_708 = arith.select %and3A_705, %sub3A_694, %broadcast_in_dim3A_707 : vector<16xi1>, vector<16xi32>
        %swap3A_709 = arith.constant 352 : index
        %swap3A_710 = tpu.vector_load %arg10[%swap3A_709] {strides = array<i32>} : memref<640xi32, #tpu.memory_space<vmem>>, vector<16xi32>,
        %swap3A_711 = vector.shape_cast %swap3A_710 : vector<16xi32> to vector<16xi32>
        %swap3A_712 = vector.shape_cast %select_n3A_708 : vector<16xi32> to vector<16xi32>
        tpu.vector_store %arg10[%swap3A_709], %swap3A_712 {strides = array<i32>} : memref<640xi32, #tpu.memory_space<vmem>>, vector<16xi32>,
        %get3A_713 = arith.constant 368 : index
        %get3A_714 = tpu.vector_load %arg9[%get3A_713] {strides = array<i32>} : memref<640xi32, #tpu.memory_space<vmem>>, vector<16xi32>,
        %get3A_715 = vector.shape_cast %get3A_714 : vector<16xi32> to vector<16xi32>
        %iota3A_716 = tpu.iota {dimensions = array<i32: 0>} : vector<16xi32>
        %add3A_717 = arith.constant 368 : i32
        %add3A_718 = arith.addi %sub3A_76, %add3A_717 : i32
        %add3A_719 = vector.broadcast %add3A_718 : i32 to vector<16xi32>
        %add3A_720 = arith.addi %iota3A_716, %add3A_719 : vector<16xi32>
        %sub3A_721 = vector.broadcast %mul3A_16 : i32 to vector<16xi32>
        %sub3A_722 = arith.subi %get3A_715, %sub3A_721 : vector<16xi32>
        %ge3A_723 = arith.constant 0 : i32
        %ge3A_724 = vector.broadcast %ge3A_723 : i32 to vector<16xi32>
        %ge3A_725 = arith.cmpi sge, %add3A_720, %ge3A_724 : vector<16xi32>
        %ge3A_726 = arith.constant 0 : i32
        %ge3A_727 = vector.broadcast %ge3A_726 : i32 to vector<16xi32>
        %ge3A_728 = arith.cmpi sge, %sub3A_722, %ge3A_727 : vector<16xi32>
        %and3A_729 = arith.andi %ge3A_725, %ge3A_728 : vector<16xi1>
        %lt3A_730 = arith.constant 3328 : i32
        %lt3A_731 = vector.broadcast %lt3A_730 : i32 to vector<16xi32>
        %lt3A_732 = arith.cmpi slt, %sub3A_722, %lt3A_731 : vector<16xi32>
        %and3A_733 = arith.andi %and3A_729, %lt3A_732 : vector<16xi1>
        %broadcast_in_dim3A_734 = arith.constant 3328 : i32
        %broadcast_in_dim3A_735 = vector.broadcast %broadcast_in_dim3A_734 : i32 to vector<16xi32>
        %select_n3A_736 = arith.select %and3A_733, %sub3A_722, %broadcast_in_dim3A_735 : vector<16xi1>, vector<16xi32>
        %swap3A_737 = arith.constant 368 : index
        %swap3A_738 = tpu.vector_load %arg10[%swap3A_737] {strides = array<i32>} : memref<640xi32, #tpu.memory_space<vmem>>, vector<16xi32>,
        %swap3A_739 = vector.shape_cast %swap3A_738 : vector<16xi32> to vector<16xi32>
        %swap3A_740 = vector.shape_cast %select_n3A_736 : vector<16xi32> to vector<16xi32>
        tpu.vector_store %arg10[%swap3A_737], %swap3A_740 {strides = array<i32>} : memref<640xi32, #tpu.memory_space<vmem>>, vector<16xi32>,
        %get3A_741 = arith.constant 384 : index
        %get3A_742 = tpu.vector_load %arg9[%get3A_741] {strides = array<i32>} : memref<640xi32, #tpu.memory_space<vmem>>, vector<16xi32>,
        %get3A_743 = vector.shape_cast %get3A_742 : vector<16xi32> to vector<16xi32>
        %iota3A_744 = tpu.iota {dimensions = array<i32: 0>} : vector<16xi32>
        %add3A_745 = arith.constant 384 : i32
        %add3A_746 = arith.addi %sub3A_76, %add3A_745 : i32
        %add3A_747 = vector.broadcast %add3A_746 : i32 to vector<16xi32>
        %add3A_748 = arith.addi %iota3A_744, %add3A_747 : vector<16xi32>
        %sub3A_749 = vector.broadcast %mul3A_16 : i32 to vector<16xi32>
        %sub3A_750 = arith.subi %get3A_743, %sub3A_749 : vector<16xi32>
        %ge3A_751 = arith.constant 0 : i32
        %ge3A_752 = vector.broadcast %ge3A_751 : i32 to vector<16xi32>
        %ge3A_753 = arith.cmpi sge, %add3A_748, %ge3A_752 : vector<16xi32>
        %ge3A_754 = arith.constant 0 : i32
        %ge3A_755 = vector.broadcast %ge3A_754 : i32 to vector<16xi32>
        %ge3A_756 = arith.cmpi sge, %sub3A_750, %ge3A_755 : vector<16xi32>
        %and3A_757 = arith.andi %ge3A_753, %ge3A_756 : vector<16xi1>
        %lt3A_758 = arith.constant 3328 : i32
        %lt3A_759 = vector.broadcast %lt3A_758 : i32 to vector<16xi32>
        %lt3A_760 = arith.cmpi slt, %sub3A_750, %lt3A_759 : vector<16xi32>
        %and3A_761 = arith.andi %and3A_757, %lt3A_760 : vector<16xi1>
        %broadcast_in_dim3A_762 = arith.constant 3328 : i32
        %broadcast_in_dim3A_763 = vector.broadcast %broadcast_in_dim3A_762 : i32 to vector<16xi32>
        %select_n3A_764 = arith.select %and3A_761, %sub3A_750, %broadcast_in_dim3A_763 : vector<16xi1>, vector<16xi32>
        %swap3A_765 = arith.constant 384 : index
        %swap3A_766 = tpu.vector_load %arg10[%swap3A_765] {strides = array<i32>} : memref<640xi32, #tpu.memory_space<vmem>>, vector<16xi32>,
        %swap3A_767 = vector.shape_cast %swap3A_766 : vector<16xi32> to vector<16xi32>
        %swap3A_768 = vector.shape_cast %select_n3A_764 : vector<16xi32> to vector<16xi32>
        tpu.vector_store %arg10[%swap3A_765], %swap3A_768 {strides = array<i32>} : memref<640xi32, #tpu.memory_space<vmem>>, vector<16xi32>,
        %get3A_769 = arith.constant 400 : index
        %get3A_770 = tpu.vector_load %arg9[%get3A_769] {strides = array<i32>} : memref<640xi32, #tpu.memory_space<vmem>>, vector<16xi32>,
        %get3A_771 = vector.shape_cast %get3A_770 : vector<16xi32> to vector<16xi32>
        %iota3A_772 = tpu.iota {dimensions = array<i32: 0>} : vector<16xi32>
        %add3A_773 = arith.constant 400 : i32
        %add3A_774 = arith.addi %sub3A_76, %add3A_773 : i32
        %add3A_775 = vector.broadcast %add3A_774 : i32 to vector<16xi32>
        %add3A_776 = arith.addi %iota3A_772, %add3A_775 : vector<16xi32>
        %sub3A_777 = vector.broadcast %mul3A_16 : i32 to vector<16xi32>
        %sub3A_778 = arith.subi %get3A_771, %sub3A_777 : vector<16xi32>
        %ge3A_779 = arith.constant 0 : i32
        %ge3A_780 = vector.broadcast %ge3A_779 : i32 to vector<16xi32>
        %ge3A_781 = arith.cmpi sge, %add3A_776, %ge3A_780 : vector<16xi32>
        %ge3A_782 = arith.constant 0 : i32
        %ge3A_783 = vector.broadcast %ge3A_782 : i32 to vector<16xi32>
        %ge3A_784 = arith.cmpi sge, %sub3A_778, %ge3A_783 : vector<16xi32>
        %and3A_785 = arith.andi %ge3A_781, %ge3A_784 : vector<16xi1>
        %lt3A_786 = arith.constant 3328 : i32
        %lt3A_787 = vector.broadcast %lt3A_786 : i32 to vector<16xi32>
        %lt3A_788 = arith.cmpi slt, %sub3A_778, %lt3A_787 : vector<16xi32>
        %and3A_789 = arith.andi %and3A_785, %lt3A_788 : vector<16xi1>
        %broadcast_in_dim3A_790 = arith.constant 3328 : i32
        %broadcast_in_dim3A_791 = vector.broadcast %broadcast_in_dim3A_790 : i32 to vector<16xi32>
        %select_n3A_792 = arith.select %and3A_789, %sub3A_778, %broadcast_in_dim3A_791 : vector<16xi1>, vector<16xi32>
        %swap3A_793 = arith.constant 400 : index
        %swap3A_794 = tpu.vector_load %arg10[%swap3A_793] {strides = array<i32>} : memref<640xi32, #tpu.memory_space<vmem>>, vector<16xi32>,
        %swap3A_795 = vector.shape_cast %swap3A_794 : vector<16xi32> to vector<16xi32>
        %swap3A_796 = vector.shape_cast %select_n3A_792 : vector<16xi32> to vector<16xi32>
        tpu.vector_store %arg10[%swap3A_793], %swap3A_796 {strides = array<i32>} : memref<640xi32, #tpu.memory_space<vmem>>, vector<16xi32>,
        %get3A_797 = arith.constant 416 : index
        %get3A_798 = tpu.vector_load %arg9[%get3A_797] {strides = array<i32>} : memref<640xi32, #tpu.memory_space<vmem>>, vector<16xi32>,
        %get3A_799 = vector.shape_cast %get3A_798 : vector<16xi32> to vector<16xi32>
        %iota3A_800 = tpu.iota {dimensions = array<i32: 0>} : vector<16xi32>
        %add3A_801 = arith.constant 416 : i32
        %add3A_802 = arith.addi %sub3A_76, %add3A_801 : i32
        %add3A_803 = vector.broadcast %add3A_802 : i32 to vector<16xi32>
        %add3A_804 = arith.addi %iota3A_800, %add3A_803 : vector<16xi32>
        %sub3A_805 = vector.broadcast %mul3A_16 : i32 to vector<16xi32>
        %sub3A_806 = arith.subi %get3A_799, %sub3A_805 : vector<16xi32>
        %ge3A_807 = arith.constant 0 : i32
        %ge3A_808 = vector.broadcast %ge3A_807 : i32 to vector<16xi32>
        %ge3A_809 = arith.cmpi sge, %add3A_804, %ge3A_808 : vector<16xi32>
        %ge3A_810 = arith.constant 0 : i32
        %ge3A_811 = vector.broadcast %ge3A_810 : i32 to vector<16xi32>
        %ge3A_812 = arith.cmpi sge, %sub3A_806, %ge3A_811 : vector<16xi32>
        %and3A_813 = arith.andi %ge3A_809, %ge3A_812 : vector<16xi1>
        %lt3A_814 = arith.constant 3328 : i32
        %lt3A_815 = vector.broadcast %lt3A_814 : i32 to vector<16xi32>
        %lt3A_816 = arith.cmpi slt, %sub3A_806, %lt3A_815 : vector<16xi32>
        %and3A_817 = arith.andi %and3A_813, %lt3A_816 : vector<16xi1>
        %broadcast_in_dim3A_818 = arith.constant 3328 : i32
        %broadcast_in_dim3A_819 = vector.broadcast %broadcast_in_dim3A_818 : i32 to vector<16xi32>
        %select_n3A_820 = arith.select %and3A_817, %sub3A_806, %broadcast_in_dim3A_819 : vector<16xi1>, vector<16xi32>
        %swap3A_821 = arith.constant 416 : index
        %swap3A_822 = tpu.vector_load %arg10[%swap3A_821] {strides = array<i32>} : memref<640xi32, #tpu.memory_space<vmem>>, vector<16xi32>,
        %swap3A_823 = vector.shape_cast %swap3A_822 : vector<16xi32> to vector<16xi32>
        %swap3A_824 = vector.shape_cast %select_n3A_820 : vector<16xi32> to vector<16xi32>
        tpu.vector_store %arg10[%swap3A_821], %swap3A_824 {strides = array<i32>} : memref<640xi32, #tpu.memory_space<vmem>>, vector<16xi32>,
        %get3A_825 = arith.constant 432 : index
        %get3A_826 = tpu.vector_load %arg9[%get3A_825] {strides = array<i32>} : memref<640xi32, #tpu.memory_space<vmem>>, vector<16xi32>,
        %get3A_827 = vector.shape_cast %get3A_826 : vector<16xi32> to vector<16xi32>
        %iota3A_828 = tpu.iota {dimensions = array<i32: 0>} : vector<16xi32>
        %add3A_829 = arith.constant 432 : i32
        %add3A_830 = arith.addi %sub3A_76, %add3A_829 : i32
        %add3A_831 = vector.broadcast %add3A_830 : i32 to vector<16xi32>
        %add3A_832 = arith.addi %iota3A_828, %add3A_831 : vector<16xi32>
        %sub3A_833 = vector.broadcast %mul3A_16 : i32 to vector<16xi32>
        %sub3A_834 = arith.subi %get3A_827, %sub3A_833 : vector<16xi32>
        %ge3A_835 = arith.constant 0 : i32
        %ge3A_836 = vector.broadcast %ge3A_835 : i32 to vector<16xi32>
        %ge3A_837 = arith.cmpi sge, %add3A_832, %ge3A_836 : vector<16xi32>
        %ge3A_838 = arith.constant 0 : i32
        %ge3A_839 = vector.broadcast %ge3A_838 : i32 to vector<16xi32>
        %ge3A_840 = arith.cmpi sge, %sub3A_834, %ge3A_839 : vector<16xi32>
        %and3A_841 = arith.andi %ge3A_837, %ge3A_840 : vector<16xi1>
        %lt3A_842 = arith.constant 3328 : i32
        %lt3A_843 = vector.broadcast %lt3A_842 : i32 to vector<16xi32>
        %lt3A_844 = arith.cmpi slt, %sub3A_834, %lt3A_843 : vector<16xi32>
        %and3A_845 = arith.andi %and3A_841, %lt3A_844 : vector<16xi1>
        %broadcast_in_dim3A_846 = arith.constant 3328 : i32
        %broadcast_in_dim3A_847 = vector.broadcast %broadcast_in_dim3A_846 : i32 to vector<16xi32>
        %select_n3A_848 = arith.select %and3A_845, %sub3A_834, %broadcast_in_dim3A_847 : vector<16xi1>, vector<16xi32>
        %swap3A_849 = arith.constant 432 : index
        %swap3A_850 = tpu.vector_load %arg10[%swap3A_849] {strides = array<i32>} : memref<640xi32, #tpu.memory_space<vmem>>, vector<16xi32>,
        %swap3A_851 = vector.shape_cast %swap3A_850 : vector<16xi32> to vector<16xi32>
        %swap3A_852 = vector.shape_cast %select_n3A_848 : vector<16xi32> to vector<16xi32>
        tpu.vector_store %arg10[%swap3A_849], %swap3A_852 {strides = array<i32>} : memref<640xi32, #tpu.memory_space<vmem>>, vector<16xi32>,
        %get3A_853 = arith.constant 448 : index
        %get3A_854 = tpu.vector_load %arg9[%get3A_853] {strides = array<i32>} : memref<640xi32, #tpu.memory_space<vmem>>, vector<16xi32>,
        %get3A_855 = vector.shape_cast %get3A_854 : vector<16xi32> to vector<16xi32>
        %iota3A_856 = tpu.iota {dimensions = array<i32: 0>} : vector<16xi32>
        %add3A_857 = arith.constant 448 : i32
        %add3A_858 = arith.addi %sub3A_76, %add3A_857 : i32
        %add3A_859 = vector.broadcast %add3A_858 : i32 to vector<16xi32>
        %add3A_860 = arith.addi %iota3A_856, %add3A_859 : vector<16xi32>
        %sub3A_861 = vector.broadcast %mul3A_16 : i32 to vector<16xi32>
        %sub3A_862 = arith.subi %get3A_855, %sub3A_861 : vector<16xi32>
        %ge3A_863 = arith.constant 0 : i32
        %ge3A_864 = vector.broadcast %ge3A_863 : i32 to vector<16xi32>
        %ge3A_865 = arith.cmpi sge, %add3A_860, %ge3A_864 : vector<16xi32>
        %ge3A_866 = arith.constant 0 : i32
        %ge3A_867 = vector.broadcast %ge3A_866 : i32 to vector<16xi32>
        %ge3A_868 = arith.cmpi sge, %sub3A_862, %ge3A_867 : vector<16xi32>
        %and3A_869 = arith.andi %ge3A_865, %ge3A_868 : vector<16xi1>
        %lt3A_870 = arith.constant 3328 : i32
        %lt3A_871 = vector.broadcast %lt3A_870 : i32 to vector<16xi32>
        %lt3A_872 = arith.cmpi slt, %sub3A_862, %lt3A_871 : vector<16xi32>
        %and3A_873 = arith.andi %and3A_869, %lt3A_872 : vector<16xi1>
        %broadcast_in_dim3A_874 = arith.constant 3328 : i32
        %broadcast_in_dim3A_875 = vector.broadcast %broadcast_in_dim3A_874 : i32 to vector<16xi32>
        %select_n3A_876 = arith.select %and3A_873, %sub3A_862, %broadcast_in_dim3A_875 : vector<16xi1>, vector<16xi32>
        %swap3A_877 = arith.constant 448 : index
        %swap3A_878 = tpu.vector_load %arg10[%swap3A_877] {strides = array<i32>} : memref<640xi32, #tpu.memory_space<vmem>>, vector<16xi32>,
        %swap3A_879 = vector.shape_cast %swap3A_878 : vector<16xi32> to vector<16xi32>
        %swap3A_880 = vector.shape_cast %select_n3A_876 : vector<16xi32> to vector<16xi32>
        tpu.vector_store %arg10[%swap3A_877], %swap3A_880 {strides = array<i32>} : memref<640xi32, #tpu.memory_space<vmem>>, vector<16xi32>,
        %get3A_881 = arith.constant 464 : index
        %get3A_882 = tpu.vector_load %arg9[%get3A_881] {strides = array<i32>} : memref<640xi32, #tpu.memory_space<vmem>>, vector<16xi32>,
        %get3A_883 = vector.shape_cast %get3A_882 : vector<16xi32> to vector<16xi32>
        %iota3A_884 = tpu.iota {dimensions = array<i32: 0>} : vector<16xi32>
        %add3A_885 = arith.constant 464 : i32
        %add3A_886 = arith.addi %sub3A_76, %add3A_885 : i32
        %add3A_887 = vector.broadcast %add3A_886 : i32 to vector<16xi32>
        %add3A_888 = arith.addi %iota3A_884, %add3A_887 : vector<16xi32>
        %sub3A_889 = vector.broadcast %mul3A_16 : i32 to vector<16xi32>
        %sub3A_890 = arith.subi %get3A_883, %sub3A_889 : vector<16xi32>
        %ge3A_891 = arith.constant 0 : i32
        %ge3A_892 = vector.broadcast %ge3A_891 : i32 to vector<16xi32>
        %ge3A_893 = arith.cmpi sge, %add3A_888, %ge3A_892 : vector<16xi32>
        %ge3A_894 = arith.constant 0 : i32
        %ge3A_895 = vector.broadcast %ge3A_894 : i32 to vector<16xi32>
        %ge3A_896 = arith.cmpi sge, %sub3A_890, %ge3A_895 : vector<16xi32>
        %and3A_897 = arith.andi %ge3A_893, %ge3A_896 : vector<16xi1>
        %lt3A_898 = arith.constant 3328 : i32
        %lt3A_899 = vector.broadcast %lt3A_898 : i32 to vector<16xi32>
        %lt3A_900 = arith.cmpi slt, %sub3A_890, %lt3A_899 : vector<16xi32>
        %and3A_901 = arith.andi %and3A_897, %lt3A_900 : vector<16xi1>
        %broadcast_in_dim3A_902 = arith.constant 3328 : i32
        %broadcast_in_dim3A_903 = vector.broadcast %broadcast_in_dim3A_902 : i32 to vector<16xi32>
        %select_n3A_904 = arith.select %and3A_901, %sub3A_890, %broadcast_in_dim3A_903 : vector<16xi1>, vector<16xi32>
        %swap3A_905 = arith.constant 464 : index
        %swap3A_906 = tpu.vector_load %arg10[%swap3A_905] {strides = array<i32>} : memref<640xi32, #tpu.memory_space<vmem>>, vector<16xi32>,
        %swap3A_907 = vector.shape_cast %swap3A_906 : vector<16xi32> to vector<16xi32>
        %swap3A_908 = vector.shape_cast %select_n3A_904 : vector<16xi32> to vector<16xi32>
        tpu.vector_store %arg10[%swap3A_905], %swap3A_908 {strides = array<i32>} : memref<640xi32, #tpu.memory_space<vmem>>, vector<16xi32>,
        %get3A_909 = arith.constant 480 : index
        %get3A_910 = tpu.vector_load %arg9[%get3A_909] {strides = array<i32>} : memref<640xi32, #tpu.memory_space<vmem>>, vector<16xi32>,
        %get3A_911 = vector.shape_cast %get3A_910 : vector<16xi32> to vector<16xi32>
        %iota3A_912 = tpu.iota {dimensions = array<i32: 0>} : vector<16xi32>
        %add3A_913 = arith.constant 480 : i32
        %add3A_914 = arith.addi %sub3A_76, %add3A_913 : i32
        %add3A_915 = vector.broadcast %add3A_914 : i32 to vector<16xi32>
        %add3A_916 = arith.addi %iota3A_912, %add3A_915 : vector<16xi32>
        %sub3A_917 = vector.broadcast %mul3A_16 : i32 to vector<16xi32>
        %sub3A_918 = arith.subi %get3A_911, %sub3A_917 : vector<16xi32>
        %ge3A_919 = arith.constant 0 : i32
        %ge3A_920 = vector.broadcast %ge3A_919 : i32 to vector<16xi32>
        %ge3A_921 = arith.cmpi sge, %add3A_916, %ge3A_920 : vector<16xi32>
        %ge3A_922 = arith.constant 0 : i32
        %ge3A_923 = vector.broadcast %ge3A_922 : i32 to vector<16xi32>
        %ge3A_924 = arith.cmpi sge, %sub3A_918, %ge3A_923 : vector<16xi32>
        %and3A_925 = arith.andi %ge3A_921, %ge3A_924 : vector<16xi1>
        %lt3A_926 = arith.constant 3328 : i32
        %lt3A_927 = vector.broadcast %lt3A_926 : i32 to vector<16xi32>
        %lt3A_928 = arith.cmpi slt, %sub3A_918, %lt3A_927 : vector<16xi32>
        %and3A_929 = arith.andi %and3A_925, %lt3A_928 : vector<16xi1>
        %broadcast_in_dim3A_930 = arith.constant 3328 : i32
        %broadcast_in_dim3A_931 = vector.broadcast %broadcast_in_dim3A_930 : i32 to vector<16xi32>
        %select_n3A_932 = arith.select %and3A_929, %sub3A_918, %broadcast_in_dim3A_931 : vector<16xi1>, vector<16xi32>
        %swap3A_933 = arith.constant 480 : index
        %swap3A_934 = tpu.vector_load %arg10[%swap3A_933] {strides = array<i32>} : memref<640xi32, #tpu.memory_space<vmem>>, vector<16xi32>,
        %swap3A_935 = vector.shape_cast %swap3A_934 : vector<16xi32> to vector<16xi32>
        %swap3A_936 = vector.shape_cast %select_n3A_932 : vector<16xi32> to vector<16xi32>
        tpu.vector_store %arg10[%swap3A_933], %swap3A_936 {strides = array<i32>} : memref<640xi32, #tpu.memory_space<vmem>>, vector<16xi32>,
        %get3A_937 = arith.constant 496 : index
        %get3A_938 = tpu.vector_load %arg9[%get3A_937] {strides = array<i32>} : memref<640xi32, #tpu.memory_space<vmem>>, vector<16xi32>,
        %get3A_939 = vector.shape_cast %get3A_938 : vector<16xi32> to vector<16xi32>
        %iota3A_940 = tpu.iota {dimensions = array<i32: 0>} : vector<16xi32>
        %add3A_941 = arith.constant 496 : i32
        %add3A_942 = arith.addi %sub3A_76, %add3A_941 : i32
        %add3A_943 = vector.broadcast %add3A_942 : i32 to vector<16xi32>
        %add3A_944 = arith.addi %iota3A_940, %add3A_943 : vector<16xi32>
        %sub3A_945 = vector.broadcast %mul3A_16 : i32 to vector<16xi32>
        %sub3A_946 = arith.subi %get3A_939, %sub3A_945 : vector<16xi32>
        %ge3A_947 = arith.constant 0 : i32
        %ge3A_948 = vector.broadcast %ge3A_947 : i32 to vector<16xi32>
        %ge3A_949 = arith.cmpi sge, %add3A_944, %ge3A_948 : vector<16xi32>
        %ge3A_950 = arith.constant 0 : i32
        %ge3A_951 = vector.broadcast %ge3A_950 : i32 to vector<16xi32>
        %ge3A_952 = arith.cmpi sge, %sub3A_946, %ge3A_951 : vector<16xi32>
        %and3A_953 = arith.andi %ge3A_949, %ge3A_952 : vector<16xi1>
        %lt3A_954 = arith.constant 3328 : i32
        %lt3A_955 = vector.broadcast %lt3A_954 : i32 to vector<16xi32>
        %lt3A_956 = arith.cmpi slt, %sub3A_946, %lt3A_955 : vector<16xi32>
        %and3A_957 = arith.andi %and3A_953, %lt3A_956 : vector<16xi1>
        %broadcast_in_dim3A_958 = arith.constant 3328 : i32
        %broadcast_in_dim3A_959 = vector.broadcast %broadcast_in_dim3A_958 : i32 to vector<16xi32>
        %select_n3A_960 = arith.select %and3A_957, %sub3A_946, %broadcast_in_dim3A_959 : vector<16xi1>, vector<16xi32>
        %swap3A_961 = arith.constant 496 : index
        %swap3A_962 = tpu.vector_load %arg10[%swap3A_961] {strides = array<i32>} : memref<640xi32, #tpu.memory_space<vmem>>, vector<16xi32>,
        %swap3A_963 = vector.shape_cast %swap3A_962 : vector<16xi32> to vector<16xi32>
        %swap3A_964 = vector.shape_cast %select_n3A_960 : vector<16xi32> to vector<16xi32>
        tpu.vector_store %arg10[%swap3A_961], %swap3A_964 {strides = array<i32>} : memref<640xi32, #tpu.memory_space<vmem>>, vector<16xi32>,
        %get3A_965 = arith.constant 512 : index
        %get3A_966 = tpu.vector_load %arg9[%get3A_965] {strides = array<i32>} : memref<640xi32, #tpu.memory_space<vmem>>, vector<16xi32>,
        %get3A_967 = vector.shape_cast %get3A_966 : vector<16xi32> to vector<16xi32>
        %iota3A_968 = tpu.iota {dimensions = array<i32: 0>} : vector<16xi32>
        %add3A_969 = arith.constant 512 : i32
        %add3A_970 = arith.addi %sub3A_76, %add3A_969 : i32
        %add3A_971 = vector.broadcast %add3A_970 : i32 to vector<16xi32>
        %add3A_972 = arith.addi %iota3A_968, %add3A_971 : vector<16xi32>
        %sub3A_973 = vector.broadcast %mul3A_16 : i32 to vector<16xi32>
        %sub3A_974 = arith.subi %get3A_967, %sub3A_973 : vector<16xi32>
        %ge3A_975 = arith.constant 0 : i32
        %ge3A_976 = vector.broadcast %ge3A_975 : i32 to vector<16xi32>
        %ge3A_977 = arith.cmpi sge, %add3A_972, %ge3A_976 : vector<16xi32>
        %ge3A_978 = arith.constant 0 : i32
        %ge3A_979 = vector.broadcast %ge3A_978 : i32 to vector<16xi32>
        %ge3A_980 = arith.cmpi sge, %sub3A_974, %ge3A_979 : vector<16xi32>
        %and3A_981 = arith.andi %ge3A_977, %ge3A_980 : vector<16xi1>
        %lt3A_982 = arith.constant 3328 : i32
        %lt3A_983 = vector.broadcast %lt3A_982 : i32 to vector<16xi32>
        %lt3A_984 = arith.cmpi slt, %sub3A_974, %lt3A_983 : vector<16xi32>
        %and3A_985 = arith.andi %and3A_981, %lt3A_984 : vector<16xi1>
        %broadcast_in_dim3A_986 = arith.constant 3328 : i32
        %broadcast_in_dim3A_987 = vector.broadcast %broadcast_in_dim3A_986 : i32 to vector<16xi32>
        %select_n3A_988 = arith.select %and3A_985, %sub3A_974, %broadcast_in_dim3A_987 : vector<16xi1>, vector<16xi32>
        %swap3A_989 = arith.constant 512 : index
        %swap3A_990 = tpu.vector_load %arg10[%swap3A_989] {strides = array<i32>} : memref<640xi32, #tpu.memory_space<vmem>>, vector<16xi32>,
        %swap3A_991 = vector.shape_cast %swap3A_990 : vector<16xi32> to vector<16xi32>
        %swap3A_992 = vector.shape_cast %select_n3A_988 : vector<16xi32> to vector<16xi32>
        tpu.vector_store %arg10[%swap3A_989], %swap3A_992 {strides = array<i32>} : memref<640xi32, #tpu.memory_space<vmem>>, vector<16xi32>,
        %get3A_993 = arith.constant 528 : index
        %get3A_994 = tpu.vector_load %arg9[%get3A_993] {strides = array<i32>} : memref<640xi32, #tpu.memory_space<vmem>>, vector<16xi32>,
        %get3A_995 = vector.shape_cast %get3A_994 : vector<16xi32> to vector<16xi32>
        %iota3A_996 = tpu.iota {dimensions = array<i32: 0>} : vector<16xi32>
        %add3A_997 = arith.constant 528 : i32
        %add3A_998 = arith.addi %sub3A_76, %add3A_997 : i32
        %add3A_999 = vector.broadcast %add3A_998 : i32 to vector<16xi32>
        %add3A_1000 = arith.addi %iota3A_996, %add3A_999 : vector<16xi32>
        %sub3A_1001 = vector.broadcast %mul3A_16 : i32 to vector<16xi32>
        %sub3A_1002 = arith.subi %get3A_995, %sub3A_1001 : vector<16xi32>
        %ge3A_1003 = arith.constant 0 : i32
        %ge3A_1004 = vector.broadcast %ge3A_1003 : i32 to vector<16xi32>
        %ge3A_1005 = arith.cmpi sge, %add3A_1000, %ge3A_1004 : vector<16xi32>
        %ge3A_1006 = arith.constant 0 : i32
        %ge3A_1007 = vector.broadcast %ge3A_1006 : i32 to vector<16xi32>
        %ge3A_1008 = arith.cmpi sge, %sub3A_1002, %ge3A_1007 : vector<16xi32>
        %and3A_1009 = arith.andi %ge3A_1005, %ge3A_1008 : vector<16xi1>
        %lt3A_1010 = arith.constant 3328 : i32
        %lt3A_1011 = vector.broadcast %lt3A_1010 : i32 to vector<16xi32>
        %lt3A_1012 = arith.cmpi slt, %sub3A_1002, %lt3A_1011 : vector<16xi32>
        %and3A_1013 = arith.andi %and3A_1009, %lt3A_1012 : vector<16xi1>
        %broadcast_in_dim3A_1014 = arith.constant 3328 : i32
        %broadcast_in_dim3A_1015 = vector.broadcast %broadcast_in_dim3A_1014 : i32 to vector<16xi32>
        %select_n3A_1016 = arith.select %and3A_1013, %sub3A_1002, %broadcast_in_dim3A_1015 : vector<16xi1>, vector<16xi32>
        %swap3A_1017 = arith.constant 528 : index
        %swap3A_1018 = tpu.vector_load %arg10[%swap3A_1017] {strides = array<i32>} : memref<640xi32, #tpu.memory_space<vmem>>, vector<16xi32>,
        %swap3A_1019 = vector.shape_cast %swap3A_1018 : vector<16xi32> to vector<16xi32>
        %swap3A_1020 = vector.shape_cast %select_n3A_1016 : vector<16xi32> to vector<16xi32>
        tpu.vector_store %arg10[%swap3A_1017], %swap3A_1020 {strides = array<i32>} : memref<640xi32, #tpu.memory_space<vmem>>, vector<16xi32>,
        %get3A_1021 = arith.constant 544 : index
        %get3A_1022 = tpu.vector_load %arg9[%get3A_1021] {strides = array<i32>} : memref<640xi32, #tpu.memory_space<vmem>>, vector<16xi32>,
        %get3A_1023 = vector.shape_cast %get3A_1022 : vector<16xi32> to vector<16xi32>
        %iota3A_1024 = tpu.iota {dimensions = array<i32: 0>} : vector<16xi32>
        %add3A_1025 = arith.constant 544 : i32
        %add3A_1026 = arith.addi %sub3A_76, %add3A_1025 : i32
        %add3A_1027 = vector.broadcast %add3A_1026 : i32 to vector<16xi32>
        %add3A_1028 = arith.addi %iota3A_1024, %add3A_1027 : vector<16xi32>
        %sub3A_1029 = vector.broadcast %mul3A_16 : i32 to vector<16xi32>
        %sub3A_1030 = arith.subi %get3A_1023, %sub3A_1029 : vector<16xi32>
        %ge3A_1031 = arith.constant 0 : i32
        %ge3A_1032 = vector.broadcast %ge3A_1031 : i32 to vector<16xi32>
        %ge3A_1033 = arith.cmpi sge, %add3A_1028, %ge3A_1032 : vector<16xi32>
        %ge3A_1034 = arith.constant 0 : i32
        %ge3A_1035 = vector.broadcast %ge3A_1034 : i32 to vector<16xi32>
        %ge3A_1036 = arith.cmpi sge, %sub3A_1030, %ge3A_1035 : vector<16xi32>
        %and3A_1037 = arith.andi %ge3A_1033, %ge3A_1036 : vector<16xi1>
        %lt3A_1038 = arith.constant 3328 : i32
        %lt3A_1039 = vector.broadcast %lt3A_1038 : i32 to vector<16xi32>
        %lt3A_1040 = arith.cmpi slt, %sub3A_1030, %lt3A_1039 : vector<16xi32>
        %and3A_1041 = arith.andi %and3A_1037, %lt3A_1040 : vector<16xi1>
        %broadcast_in_dim3A_1042 = arith.constant 3328 : i32
        %broadcast_in_dim3A_1043 = vector.broadcast %broadcast_in_dim3A_1042 : i32 to vector<16xi32>
        %select_n3A_1044 = arith.select %and3A_1041, %sub3A_1030, %broadcast_in_dim3A_1043 : vector<16xi1>, vector<16xi32>
        %swap3A_1045 = arith.constant 544 : index
        %swap3A_1046 = tpu.vector_load %arg10[%swap3A_1045] {strides = array<i32>} : memref<640xi32, #tpu.memory_space<vmem>>, vector<16xi32>,
        %swap3A_1047 = vector.shape_cast %swap3A_1046 : vector<16xi32> to vector<16xi32>
        %swap3A_1048 = vector.shape_cast %select_n3A_1044 : vector<16xi32> to vector<16xi32>
        tpu.vector_store %arg10[%swap3A_1045], %swap3A_1048 {strides = array<i32>} : memref<640xi32, #tpu.memory_space<vmem>>, vector<16xi32>,
        %get3A_1049 = arith.constant 560 : index
        %get3A_1050 = tpu.vector_load %arg9[%get3A_1049] {strides = array<i32>} : memref<640xi32, #tpu.memory_space<vmem>>, vector<16xi32>,
        %get3A_1051 = vector.shape_cast %get3A_1050 : vector<16xi32> to vector<16xi32>
        %iota3A_1052 = tpu.iota {dimensions = array<i32: 0>} : vector<16xi32>
        %add3A_1053 = arith.constant 560 : i32
        %add3A_1054 = arith.addi %sub3A_76, %add3A_1053 : i32
        %add3A_1055 = vector.broadcast %add3A_1054 : i32 to vector<16xi32>
        %add3A_1056 = arith.addi %iota3A_1052, %add3A_1055 : vector<16xi32>
        %sub3A_1057 = vector.broadcast %mul3A_16 : i32 to vector<16xi32>
        %sub3A_1058 = arith.subi %get3A_1051, %sub3A_1057 : vector<16xi32>
        %ge3A_1059 = arith.constant 0 : i32
        %ge3A_1060 = vector.broadcast %ge3A_1059 : i32 to vector<16xi32>
        %ge3A_1061 = arith.cmpi sge, %add3A_1056, %ge3A_1060 : vector<16xi32>
        %ge3A_1062 = arith.constant 0 : i32
        %ge3A_1063 = vector.broadcast %ge3A_1062 : i32 to vector<16xi32>
        %ge3A_1064 = arith.cmpi sge, %sub3A_1058, %ge3A_1063 : vector<16xi32>
        %and3A_1065 = arith.andi %ge3A_1061, %ge3A_1064 : vector<16xi1>
        %lt3A_1066 = arith.constant 3328 : i32
        %lt3A_1067 = vector.broadcast %lt3A_1066 : i32 to vector<16xi32>
        %lt3A_1068 = arith.cmpi slt, %sub3A_1058, %lt3A_1067 : vector<16xi32>
        %and3A_1069 = arith.andi %and3A_1065, %lt3A_1068 : vector<16xi1>
        %broadcast_in_dim3A_1070 = arith.constant 3328 : i32
        %broadcast_in_dim3A_1071 = vector.broadcast %broadcast_in_dim3A_1070 : i32 to vector<16xi32>
        %select_n3A_1072 = arith.select %and3A_1069, %sub3A_1058, %broadcast_in_dim3A_1071 : vector<16xi1>, vector<16xi32>
        %swap3A_1073 = arith.constant 560 : index
        %swap3A_1074 = tpu.vector_load %arg10[%swap3A_1073] {strides = array<i32>} : memref<640xi32, #tpu.memory_space<vmem>>, vector<16xi32>,
        %swap3A_1075 = vector.shape_cast %swap3A_1074 : vector<16xi32> to vector<16xi32>
        %swap3A_1076 = vector.shape_cast %select_n3A_1072 : vector<16xi32> to vector<16xi32>
        tpu.vector_store %arg10[%swap3A_1073], %swap3A_1076 {strides = array<i32>} : memref<640xi32, #tpu.memory_space<vmem>>, vector<16xi32>,
        %get3A_1077 = arith.constant 576 : index
        %get3A_1078 = tpu.vector_load %arg9[%get3A_1077] {strides = array<i32>} : memref<640xi32, #tpu.memory_space<vmem>>, vector<16xi32>,
        %get3A_1079 = vector.shape_cast %get3A_1078 : vector<16xi32> to vector<16xi32>
        %iota3A_1080 = tpu.iota {dimensions = array<i32: 0>} : vector<16xi32>
        %add3A_1081 = arith.constant 576 : i32
        %add3A_1082 = arith.addi %sub3A_76, %add3A_1081 : i32
        %add3A_1083 = vector.broadcast %add3A_1082 : i32 to vector<16xi32>
        %add3A_1084 = arith.addi %iota3A_1080, %add3A_1083 : vector<16xi32>
        %sub3A_1085 = vector.broadcast %mul3A_16 : i32 to vector<16xi32>
        %sub3A_1086 = arith.subi %get3A_1079, %sub3A_1085 : vector<16xi32>
        %ge3A_1087 = arith.constant 0 : i32
        %ge3A_1088 = vector.broadcast %ge3A_1087 : i32 to vector<16xi32>
        %ge3A_1089 = arith.cmpi sge, %add3A_1084, %ge3A_1088 : vector<16xi32>
        %ge3A_1090 = arith.constant 0 : i32
        %ge3A_1091 = vector.broadcast %ge3A_1090 : i32 to vector<16xi32>
        %ge3A_1092 = arith.cmpi sge, %sub3A_1086, %ge3A_1091 : vector<16xi32>
        %and3A_1093 = arith.andi %ge3A_1089, %ge3A_1092 : vector<16xi1>
        %lt3A_1094 = arith.constant 3328 : i32
        %lt3A_1095 = vector.broadcast %lt3A_1094 : i32 to vector<16xi32>
        %lt3A_1096 = arith.cmpi slt, %sub3A_1086, %lt3A_1095 : vector<16xi32>
        %and3A_1097 = arith.andi %and3A_1093, %lt3A_1096 : vector<16xi1>
        %broadcast_in_dim3A_1098 = arith.constant 3328 : i32
        %broadcast_in_dim3A_1099 = vector.broadcast %broadcast_in_dim3A_1098 : i32 to vector<16xi32>
        %select_n3A_1100 = arith.select %and3A_1097, %sub3A_1086, %broadcast_in_dim3A_1099 : vector<16xi1>, vector<16xi32>
        %swap3A_1101 = arith.constant 576 : index
        %swap3A_1102 = tpu.vector_load %arg10[%swap3A_1101] {strides = array<i32>} : memref<640xi32, #tpu.memory_space<vmem>>, vector<16xi32>,
        %swap3A_1103 = vector.shape_cast %swap3A_1102 : vector<16xi32> to vector<16xi32>
        %swap3A_1104 = vector.shape_cast %select_n3A_1100 : vector<16xi32> to vector<16xi32>
        tpu.vector_store %arg10[%swap3A_1101], %swap3A_1104 {strides = array<i32>} : memref<640xi32, #tpu.memory_space<vmem>>, vector<16xi32>,
        %get3A_1105 = arith.constant 592 : index
        %get3A_1106 = tpu.vector_load %arg9[%get3A_1105] {strides = array<i32>} : memref<640xi32, #tpu.memory_space<vmem>>, vector<16xi32>,
        %get3A_1107 = vector.shape_cast %get3A_1106 : vector<16xi32> to vector<16xi32>
        %iota3A_1108 = tpu.iota {dimensions = array<i32: 0>} : vector<16xi32>
        %add3A_1109 = arith.constant 592 : i32
        %add3A_1110 = arith.addi %sub3A_76, %add3A_1109 : i32
        %add3A_1111 = vector.broadcast %add3A_1110 : i32 to vector<16xi32>
        %add3A_1112 = arith.addi %iota3A_1108, %add3A_1111 : vector<16xi32>
        %sub3A_1113 = vector.broadcast %mul3A_16 : i32 to vector<16xi32>
        %sub3A_1114 = arith.subi %get3A_1107, %sub3A_1113 : vector<16xi32>
        %ge3A_1115 = arith.constant 0 : i32
        %ge3A_1116 = vector.broadcast %ge3A_1115 : i32 to vector<16xi32>
        %ge3A_1117 = arith.cmpi sge, %add3A_1112, %ge3A_1116 : vector<16xi32>
        %ge3A_1118 = arith.constant 0 : i32
        %ge3A_1119 = vector.broadcast %ge3A_1118 : i32 to vector<16xi32>
        %ge3A_1120 = arith.cmpi sge, %sub3A_1114, %ge3A_1119 : vector<16xi32>
        %and3A_1121 = arith.andi %ge3A_1117, %ge3A_1120 : vector<16xi1>
        %lt3A_1122 = arith.constant 3328 : i32
        %lt3A_1123 = vector.broadcast %lt3A_1122 : i32 to vector<16xi32>
        %lt3A_1124 = arith.cmpi slt, %sub3A_1114, %lt3A_1123 : vector<16xi32>
        %and3A_1125 = arith.andi %and3A_1121, %lt3A_1124 : vector<16xi1>
        %broadcast_in_dim3A_1126 = arith.constant 3328 : i32
        %broadcast_in_dim3A_1127 = vector.broadcast %broadcast_in_dim3A_1126 : i32 to vector<16xi32>
        %select_n3A_1128 = arith.select %and3A_1125, %sub3A_1114, %broadcast_in_dim3A_1127 : vector<16xi1>, vector<16xi32>
        %swap3A_1129 = arith.constant 592 : index
        %swap3A_1130 = tpu.vector_load %arg10[%swap3A_1129] {strides = array<i32>} : memref<640xi32, #tpu.memory_space<vmem>>, vector<16xi32>,
        %swap3A_1131 = vector.shape_cast %swap3A_1130 : vector<16xi32> to vector<16xi32>
        %swap3A_1132 = vector.shape_cast %select_n3A_1128 : vector<16xi32> to vector<16xi32>
        tpu.vector_store %arg10[%swap3A_1129], %swap3A_1132 {strides = array<i32>} : memref<640xi32, #tpu.memory_space<vmem>>, vector<16xi32>,
        %get3A_1133 = arith.constant 608 : index
        %get3A_1134 = tpu.vector_load %arg9[%get3A_1133] {strides = array<i32>} : memref<640xi32, #tpu.memory_space<vmem>>, vector<16xi32>,
        %get3A_1135 = vector.shape_cast %get3A_1134 : vector<16xi32> to vector<16xi32>
        %iota3A_1136 = tpu.iota {dimensions = array<i32: 0>} : vector<16xi32>
        %add3A_1137 = arith.constant 608 : i32
        %add3A_1138 = arith.addi %sub3A_76, %add3A_1137 : i32
        %add3A_1139 = vector.broadcast %add3A_1138 : i32 to vector<16xi32>
        %add3A_1140 = arith.addi %iota3A_1136, %add3A_1139 : vector<16xi32>
        %sub3A_1141 = vector.broadcast %mul3A_16 : i32 to vector<16xi32>
        %sub3A_1142 = arith.subi %get3A_1135, %sub3A_1141 : vector<16xi32>
        %ge3A_1143 = arith.constant 0 : i32
        %ge3A_1144 = vector.broadcast %ge3A_1143 : i32 to vector<16xi32>
        %ge3A_1145 = arith.cmpi sge, %add3A_1140, %ge3A_1144 : vector<16xi32>
        %ge3A_1146 = arith.constant 0 : i32
        %ge3A_1147 = vector.broadcast %ge3A_1146 : i32 to vector<16xi32>
        %ge3A_1148 = arith.cmpi sge, %sub3A_1142, %ge3A_1147 : vector<16xi32>
        %and3A_1149 = arith.andi %ge3A_1145, %ge3A_1148 : vector<16xi1>
        %lt3A_1150 = arith.constant 3328 : i32
        %lt3A_1151 = vector.broadcast %lt3A_1150 : i32 to vector<16xi32>
        %lt3A_1152 = arith.cmpi slt, %sub3A_1142, %lt3A_1151 : vector<16xi32>
        %and3A_1153 = arith.andi %and3A_1149, %lt3A_1152 : vector<16xi1>
        %broadcast_in_dim3A_1154 = arith.constant 3328 : i32
        %broadcast_in_dim3A_1155 = vector.broadcast %broadcast_in_dim3A_1154 : i32 to vector<16xi32>
        %select_n3A_1156 = arith.select %and3A_1153, %sub3A_1142, %broadcast_in_dim3A_1155 : vector<16xi1>, vector<16xi32>
        %swap3A_1157 = arith.constant 608 : index
        %swap3A_1158 = tpu.vector_load %arg10[%swap3A_1157] {strides = array<i32>} : memref<640xi32, #tpu.memory_space<vmem>>, vector<16xi32>,
        %swap3A_1159 = vector.shape_cast %swap3A_1158 : vector<16xi32> to vector<16xi32>
        %swap3A_1160 = vector.shape_cast %select_n3A_1156 : vector<16xi32> to vector<16xi32>
        tpu.vector_store %arg10[%swap3A_1157], %swap3A_1160 {strides = array<i32>} : memref<640xi32, #tpu.memory_space<vmem>>, vector<16xi32>,
        %get3A_1161 = arith.constant 624 : index
        %get3A_1162 = tpu.vector_load %arg9[%get3A_1161] {strides = array<i32>} : memref<640xi32, #tpu.memory_space<vmem>>, vector<16xi32>,
        %get3A_1163 = vector.shape_cast %get3A_1162 : vector<16xi32> to vector<16xi32>
        %iota3A_1164 = tpu.iota {dimensions = array<i32: 0>} : vector<16xi32>
        %add3A_1165 = arith.constant 624 : i32
        %add3A_1166 = arith.addi %sub3A_76, %add3A_1165 : i32
        %add3A_1167 = vector.broadcast %add3A_1166 : i32 to vector<16xi32>
        %add3A_1168 = arith.addi %iota3A_1164, %add3A_1167 : vector<16xi32>
        %sub3A_1169 = vector.broadcast %mul3A_16 : i32 to vector<16xi32>
        %sub3A_1170 = arith.subi %get3A_1163, %sub3A_1169 : vector<16xi32>
        %ge3A_1171 = arith.constant 0 : i32
        %ge3A_1172 = vector.broadcast %ge3A_1171 : i32 to vector<16xi32>
        %ge3A_1173 = arith.cmpi sge, %add3A_1168, %ge3A_1172 : vector<16xi32>
        %ge3A_1174 = arith.constant 0 : i32
        %ge3A_1175 = vector.broadcast %ge3A_1174 : i32 to vector<16xi32>
        %ge3A_1176 = arith.cmpi sge, %sub3A_1170, %ge3A_1175 : vector<16xi32>
        %and3A_1177 = arith.andi %ge3A_1173, %ge3A_1176 : vector<16xi1>
        %lt3A_1178 = arith.constant 3328 : i32
        %lt3A_1179 = vector.broadcast %lt3A_1178 : i32 to vector<16xi32>
        %lt3A_1180 = arith.cmpi slt, %sub3A_1170, %lt3A_1179 : vector<16xi32>
        %and3A_1181 = arith.andi %and3A_1177, %lt3A_1180 : vector<16xi1>
        %broadcast_in_dim3A_1182 = arith.constant 3328 : i32
        %broadcast_in_dim3A_1183 = vector.broadcast %broadcast_in_dim3A_1182 : i32 to vector<16xi32>
        %select_n3A_1184 = arith.select %and3A_1181, %sub3A_1170, %broadcast_in_dim3A_1183 : vector<16xi1>, vector<16xi32>
        %swap3A_1185 = arith.constant 624 : index
        %swap3A_1186 = tpu.vector_load %arg10[%swap3A_1185] {strides = array<i32>} : memref<640xi32, #tpu.memory_space<vmem>>, vector<16xi32>,
        %swap3A_1187 = vector.shape_cast %swap3A_1186 : vector<16xi32> to vector<16xi32>
        %swap3A_1188 = vector.shape_cast %select_n3A_1184 : vector<16xi32> to vector<16xi32>
        tpu.vector_store %arg10[%swap3A_1185], %swap3A_1188 {strides = array<i32>} : memref<640xi32, #tpu.memory_space<vmem>>, vector<16xi32>,
        "tpu.region"() ({
          %run_scoped3A = tpu.sem_alloc : memref<!tpu.dma_semaphore, #tpu.memory_space<semaphore_mem>>
          %dma_start3A = arith.constant 0 : i32
          %dma_start3A_1189 = arith.constant 0 : i32
          %dma_start3A_1190 = tpu.memref_slice %arg13[%dma_start3A, %dma_start3A_1189] : memref<3344x128xf32, #tpu.memory_space<vmem_shared>> -> memref<3344x128xf32, #tpu.memory_space<vmem_shared>>
          tpu.enqueue_indirect_dma source(%arg11 : memref<640x128xf32, #tpu.memory_space<vmem>>) target(%dma_start3A_1190 : memref<3344x128xf32, #tpu.memory_space<vmem_shared>>) offsets(%arg10 : memref<640xi32, #tpu.memory_space<vmem>>) semaphore(%run_scoped3A : memref<!tpu.dma_semaphore, #tpu.memory_space<semaphore_mem>>) {add = true}
          %dma_wait3A = arith.constant 0 : i32
          %dma_wait3A_1191 = arith.constant 0 : i32
          %dma_wait3A_1192 = tpu.memref_slice %arg13[%dma_wait3A, %dma_wait3A_1191] : memref<3344x128xf32, #tpu.memory_space<vmem_shared>> -> memref<3344x128xf32, #tpu.memory_space<vmem_shared>>
          tpu.wait_indirect_dma semaphore(%run_scoped3A : memref<!tpu.dma_semaphore, #tpu.memory_space<semaphore_mem>>) src(%arg11 : memref<640x128xf32, #tpu.memory_space<vmem>>) dst(%dma_wait3A_1192 : memref<3344x128xf32, #tpu.memory_space<vmem_shared>>)
          tpu.yield
        }) : () -> ()
      }
      %scan3A_32 = arith.constant 6 : i32
      %mul3A_33 = arith.constant 5632 : i32
      %mul3A_34 = arith.muli %arg1, %mul3A_33 : i32
      %sub3A_35 = arith.constant 90000 : i32
      %sub3A_36 = arith.subi %sub3A_35, %mul3A_34 : i32
      %min3A_37 = arith.constant 5632 : i32
      %min3A_38 = arith.minsi %min3A_37, %sub3A_36 : i32
      %scan3A_39 = arith.constant 0 : i32
      %scan3A_40 = arith.constant 9 : i32
      %scan3A_41 = arith.addi %scan3A_39, %scan3A_40 : i32
      %scan3A_42 = arith.constant 1 : i32
      scf.for %scan3A_62 = %scan3A_39 to %scan3A_41 step %scan3A_42  : i32 {
        %mul3A_63 = arith.constant 1 : i32
        %mul3A_64 = arith.muli %scan3A_62, %mul3A_63 : i32
        %add3A_65 = arith.constant 0 : i32
        %add3A_66 = arith.addi %add3A_65, %mul3A_64 : i32
        %mul3A_67 = arith.constant 640 : i32
        %mul3A_68 = arith.muli %add3A_66, %mul3A_67 : i32
        %sub3A_69 = arith.constant 640 : i32
        %sub3A_70 = arith.subi %min3A_38, %sub3A_69 : i32
        %min3A_71 = arith.minsi %mul3A_68, %sub3A_70 : i32
        %add3A_72 = arith.addi %mul3A_34, %min3A_71 : i32
        "tpu.region"() ({
          %run_scoped3A = tpu.sem_alloc : memref<!tpu.dma_semaphore, #tpu.memory_space<semaphore_mem>>
          %dma_start3A = tpu.memref_slice %arg6[%add3A_72] : memref<90000xi32, #tpu.memory_space<hbm>> -> memref<640xi32, #tpu.memory_space<hbm>>
          %dma_start3A_1189 = tpu.memref_slice %arg6[%add3A_72] : memref<90000xi32, #tpu.memory_space<hbm>> -> memref<640xi32, #tpu.memory_space<hbm>>
          tpu.enqueue_dma source(%dma_start3A_1189 : memref<640xi32, #tpu.memory_space<hbm>>) target(%arg9 : memref<640xi32, #tpu.memory_space<vmem>>) target_semaphore(%run_scoped3A : memref<!tpu.dma_semaphore, #tpu.memory_space<semaphore_mem>>)
          %dma_wait3A = tpu.memref_slice %arg6[%add3A_72] : memref<90000xi32, #tpu.memory_space<hbm>> -> memref<640xi32, #tpu.memory_space<hbm>>
          %dma_wait3A_1190 = tpu.memref_slice %arg6[%add3A_72] : memref<90000xi32, #tpu.memory_space<hbm>> -> memref<640xi32, #tpu.memory_space<hbm>>
          tpu.wait_dma2 semaphore(%run_scoped3A : memref<!tpu.dma_semaphore, #tpu.memory_space<semaphore_mem>>) src(%dma_wait3A_1190 : memref<640xi32, #tpu.memory_space<hbm>>) dst(%arg9 : memref<640xi32, #tpu.memory_space<vmem>>)
          tpu.yield
        }) : () -> ()
        "tpu.region"() ({
          %run_scoped3A = tpu.sem_alloc : memref<!tpu.dma_semaphore, #tpu.memory_space<semaphore_mem>>
          %dma_start3A = arith.constant 0 : i32
          %dma_start3A_1189 = tpu.memref_slice %arg3[%add3A_72, %dma_start3A] : memref<90000x128xf32, #tpu.memory_space<hbm>> -> memref<640x128xf32, #tpu.memory_space<hbm>>
          %dma_start3A_1190 = arith.constant 0 : i32
          %dma_start3A_1191 = tpu.memref_slice %arg3[%add3A_72, %dma_start3A_1190] : memref<90000x128xf32, #tpu.memory_space<hbm>> -> memref<640x128xf32, #tpu.memory_space<hbm>>
          tpu.enqueue_dma source(%dma_start3A_1191 : memref<640x128xf32, #tpu.memory_space<hbm>>) target(%arg11 : memref<640x128xf32, #tpu.memory_space<vmem>>) target_semaphore(%run_scoped3A : memref<!tpu.dma_semaphore, #tpu.memory_space<semaphore_mem>>)
          %dma_wait3A = arith.constant 0 : i32
          %dma_wait3A_1192 = tpu.memref_slice %arg3[%add3A_72, %dma_wait3A] : memref<90000x128xf32, #tpu.memory_space<hbm>> -> memref<640x128xf32, #tpu.memory_space<hbm>>
          %dma_wait3A_1193 = arith.constant 0 : i32
          %dma_wait3A_1194 = tpu.memref_slice %arg3[%add3A_72, %dma_wait3A_1193] : memref<90000x128xf32, #tpu.memory_space<hbm>> -> memref<640x128xf32, #tpu.memory_space<hbm>>
          tpu.wait_dma2 semaphore(%run_scoped3A : memref<!tpu.dma_semaphore, #tpu.memory_space<semaphore_mem>>) src(%dma_wait3A_1194 : memref<640x128xf32, #tpu.memory_space<hbm>>) dst(%arg11 : memref<640x128xf32, #tpu.memory_space<vmem>>)
          tpu.yield
        }) : () -> ()
        %mul3A_73 = arith.constant 640 : i32
        %mul3A_74 = arith.muli %add3A_66, %mul3A_73 : i32
        %add3A_75 = arith.addi %mul3A_34, %mul3A_74 : i32
        %sub3A_76 = arith.subi %add3A_72, %add3A_75 : i32
        %get3A = arith.constant 0 : index
        %get3A_77 = tpu.vector_load %arg9[%get3A] {strides = array<i32>} : memref<640xi32, #tpu.memory_space<vmem>>, vector<16xi32>,
        %get3A_78 = vector.shape_cast %get3A_77 : vector<16xi32> to vector<16xi32>
        %iota3A = tpu.iota {dimensions = array<i32: 0>} : vector<16xi32>
        %add3A_79 = arith.constant 0 : i32
        %add3A_80 = arith.addi %sub3A_76, %add3A_79 : i32
        %add3A_81 = vector.broadcast %add3A_80 : i32 to vector<16xi32>
        %add3A_82 = arith.addi %iota3A, %add3A_81 : vector<16xi32>
        %sub3A_83 = vector.broadcast %mul3A_16 : i32 to vector<16xi32>
        %sub3A_84 = arith.subi %get3A_78, %sub3A_83 : vector<16xi32>
        %ge3A = arith.constant 0 : i32
        %ge3A_85 = vector.broadcast %ge3A : i32 to vector<16xi32>
        %ge3A_86 = arith.cmpi sge, %add3A_82, %ge3A_85 : vector<16xi32>
        %ge3A_87 = arith.constant 0 : i32
        %ge3A_88 = vector.broadcast %ge3A_87 : i32 to vector<16xi32>
        %ge3A_89 = arith.cmpi sge, %sub3A_84, %ge3A_88 : vector<16xi32>
        %and3A = arith.andi %ge3A_86, %ge3A_89 : vector<16xi1>
        %lt3A = arith.constant 3328 : i32
        %lt3A_90 = vector.broadcast %lt3A : i32 to vector<16xi32>
        %lt3A_91 = arith.cmpi slt, %sub3A_84, %lt3A_90 : vector<16xi32>
        %and3A_92 = arith.andi %and3A, %lt3A_91 : vector<16xi1>
        %broadcast_in_dim3A = arith.constant 3328 : i32
        %broadcast_in_dim3A_93 = vector.broadcast %broadcast_in_dim3A : i32 to vector<16xi32>
        %select_n3A = arith.select %and3A_92, %sub3A_84, %broadcast_in_dim3A_93 : vector<16xi1>, vector<16xi32>
        %swap3A = arith.constant 0 : index
        %swap3A_94 = tpu.vector_load %arg10[%swap3A] {strides = array<i32>} : memref<640xi32, #tpu.memory_space<vmem>>, vector<16xi32>,
        %swap3A_95 = vector.shape_cast %swap3A_94 : vector<16xi32> to vector<16xi32>
        %swap3A_96 = vector.shape_cast %select_n3A : vector<16xi32> to vector<16xi32>
        tpu.vector_store %arg10[%swap3A], %swap3A_96 {strides = array<i32>} : memref<640xi32, #tpu.memory_space<vmem>>, vector<16xi32>,
        %get3A_97 = arith.constant 16 : index
        %get3A_98 = tpu.vector_load %arg9[%get3A_97] {strides = array<i32>} : memref<640xi32, #tpu.memory_space<vmem>>, vector<16xi32>,
        %get3A_99 = vector.shape_cast %get3A_98 : vector<16xi32> to vector<16xi32>
        %iota3A_100 = tpu.iota {dimensions = array<i32: 0>} : vector<16xi32>
        %add3A_101 = arith.constant 16 : i32
        %add3A_102 = arith.addi %sub3A_76, %add3A_101 : i32
        %add3A_103 = vector.broadcast %add3A_102 : i32 to vector<16xi32>
        %add3A_104 = arith.addi %iota3A_100, %add3A_103 : vector<16xi32>
        %sub3A_105 = vector.broadcast %mul3A_16 : i32 to vector<16xi32>
        %sub3A_106 = arith.subi %get3A_99, %sub3A_105 : vector<16xi32>
        %ge3A_107 = arith.constant 0 : i32
        %ge3A_108 = vector.broadcast %ge3A_107 : i32 to vector<16xi32>
        %ge3A_109 = arith.cmpi sge, %add3A_104, %ge3A_108 : vector<16xi32>
        %ge3A_110 = arith.constant 0 : i32
        %ge3A_111 = vector.broadcast %ge3A_110 : i32 to vector<16xi32>
        %ge3A_112 = arith.cmpi sge, %sub3A_106, %ge3A_111 : vector<16xi32>
        %and3A_113 = arith.andi %ge3A_109, %ge3A_112 : vector<16xi1>
        %lt3A_114 = arith.constant 3328 : i32
        %lt3A_115 = vector.broadcast %lt3A_114 : i32 to vector<16xi32>
        %lt3A_116 = arith.cmpi slt, %sub3A_106, %lt3A_115 : vector<16xi32>
        %and3A_117 = arith.andi %and3A_113, %lt3A_116 : vector<16xi1>
        %broadcast_in_dim3A_118 = arith.constant 3328 : i32
        %broadcast_in_dim3A_119 = vector.broadcast %broadcast_in_dim3A_118 : i32 to vector<16xi32>
        %select_n3A_120 = arith.select %and3A_117, %sub3A_106, %broadcast_in_dim3A_119 : vector<16xi1>, vector<16xi32>
        %swap3A_121 = arith.constant 16 : index
        %swap3A_122 = tpu.vector_load %arg10[%swap3A_121] {strides = array<i32>} : memref<640xi32, #tpu.memory_space<vmem>>, vector<16xi32>,
        %swap3A_123 = vector.shape_cast %swap3A_122 : vector<16xi32> to vector<16xi32>
        %swap3A_124 = vector.shape_cast %select_n3A_120 : vector<16xi32> to vector<16xi32>
        tpu.vector_store %arg10[%swap3A_121], %swap3A_124 {strides = array<i32>} : memref<640xi32, #tpu.memory_space<vmem>>, vector<16xi32>,
        %get3A_125 = arith.constant 32 : index
        %get3A_126 = tpu.vector_load %arg9[%get3A_125] {strides = array<i32>} : memref<640xi32, #tpu.memory_space<vmem>>, vector<16xi32>,
        %get3A_127 = vector.shape_cast %get3A_126 : vector<16xi32> to vector<16xi32>
        %iota3A_128 = tpu.iota {dimensions = array<i32: 0>} : vector<16xi32>
        %add3A_129 = arith.constant 32 : i32
        %add3A_130 = arith.addi %sub3A_76, %add3A_129 : i32
        %add3A_131 = vector.broadcast %add3A_130 : i32 to vector<16xi32>
        %add3A_132 = arith.addi %iota3A_128, %add3A_131 : vector<16xi32>
        %sub3A_133 = vector.broadcast %mul3A_16 : i32 to vector<16xi32>
        %sub3A_134 = arith.subi %get3A_127, %sub3A_133 : vector<16xi32>
        %ge3A_135 = arith.constant 0 : i32
        %ge3A_136 = vector.broadcast %ge3A_135 : i32 to vector<16xi32>
        %ge3A_137 = arith.cmpi sge, %add3A_132, %ge3A_136 : vector<16xi32>
        %ge3A_138 = arith.constant 0 : i32
        %ge3A_139 = vector.broadcast %ge3A_138 : i32 to vector<16xi32>
        %ge3A_140 = arith.cmpi sge, %sub3A_134, %ge3A_139 : vector<16xi32>
        %and3A_141 = arith.andi %ge3A_137, %ge3A_140 : vector<16xi1>
        %lt3A_142 = arith.constant 3328 : i32
        %lt3A_143 = vector.broadcast %lt3A_142 : i32 to vector<16xi32>
        %lt3A_144 = arith.cmpi slt, %sub3A_134, %lt3A_143 : vector<16xi32>
        %and3A_145 = arith.andi %and3A_141, %lt3A_144 : vector<16xi1>
        %broadcast_in_dim3A_146 = arith.constant 3328 : i32
        %broadcast_in_dim3A_147 = vector.broadcast %broadcast_in_dim3A_146 : i32 to vector<16xi32>
        %select_n3A_148 = arith.select %and3A_145, %sub3A_134, %broadcast_in_dim3A_147 : vector<16xi1>, vector<16xi32>
        %swap3A_149 = arith.constant 32 : index
        %swap3A_150 = tpu.vector_load %arg10[%swap3A_149] {strides = array<i32>} : memref<640xi32, #tpu.memory_space<vmem>>, vector<16xi32>,
        %swap3A_151 = vector.shape_cast %swap3A_150 : vector<16xi32> to vector<16xi32>
        %swap3A_152 = vector.shape_cast %select_n3A_148 : vector<16xi32> to vector<16xi32>
        tpu.vector_store %arg10[%swap3A_149], %swap3A_152 {strides = array<i32>} : memref<640xi32, #tpu.memory_space<vmem>>, vector<16xi32>,
        %get3A_153 = arith.constant 48 : index
        %get3A_154 = tpu.vector_load %arg9[%get3A_153] {strides = array<i32>} : memref<640xi32, #tpu.memory_space<vmem>>, vector<16xi32>,
        %get3A_155 = vector.shape_cast %get3A_154 : vector<16xi32> to vector<16xi32>
        %iota3A_156 = tpu.iota {dimensions = array<i32: 0>} : vector<16xi32>
        %add3A_157 = arith.constant 48 : i32
        %add3A_158 = arith.addi %sub3A_76, %add3A_157 : i32
        %add3A_159 = vector.broadcast %add3A_158 : i32 to vector<16xi32>
        %add3A_160 = arith.addi %iota3A_156, %add3A_159 : vector<16xi32>
        %sub3A_161 = vector.broadcast %mul3A_16 : i32 to vector<16xi32>
        %sub3A_162 = arith.subi %get3A_155, %sub3A_161 : vector<16xi32>
        %ge3A_163 = arith.constant 0 : i32
        %ge3A_164 = vector.broadcast %ge3A_163 : i32 to vector<16xi32>
        %ge3A_165 = arith.cmpi sge, %add3A_160, %ge3A_164 : vector<16xi32>
        %ge3A_166 = arith.constant 0 : i32
        %ge3A_167 = vector.broadcast %ge3A_166 : i32 to vector<16xi32>
        %ge3A_168 = arith.cmpi sge, %sub3A_162, %ge3A_167 : vector<16xi32>
        %and3A_169 = arith.andi %ge3A_165, %ge3A_168 : vector<16xi1>
        %lt3A_170 = arith.constant 3328 : i32
        %lt3A_171 = vector.broadcast %lt3A_170 : i32 to vector<16xi32>
        %lt3A_172 = arith.cmpi slt, %sub3A_162, %lt3A_171 : vector<16xi32>
        %and3A_173 = arith.andi %and3A_169, %lt3A_172 : vector<16xi1>
        %broadcast_in_dim3A_174 = arith.constant 3328 : i32
        %broadcast_in_dim3A_175 = vector.broadcast %broadcast_in_dim3A_174 : i32 to vector<16xi32>
        %select_n3A_176 = arith.select %and3A_173, %sub3A_162, %broadcast_in_dim3A_175 : vector<16xi1>, vector<16xi32>
        %swap3A_177 = arith.constant 48 : index
        %swap3A_178 = tpu.vector_load %arg10[%swap3A_177] {strides = array<i32>} : memref<640xi32, #tpu.memory_space<vmem>>, vector<16xi32>,
        %swap3A_179 = vector.shape_cast %swap3A_178 : vector<16xi32> to vector<16xi32>
        %swap3A_180 = vector.shape_cast %select_n3A_176 : vector<16xi32> to vector<16xi32>
        tpu.vector_store %arg10[%swap3A_177], %swap3A_180 {strides = array<i32>} : memref<640xi32, #tpu.memory_space<vmem>>, vector<16xi32>,
        %get3A_181 = arith.constant 64 : index
        %get3A_182 = tpu.vector_load %arg9[%get3A_181] {strides = array<i32>} : memref<640xi32, #tpu.memory_space<vmem>>, vector<16xi32>,
        %get3A_183 = vector.shape_cast %get3A_182 : vector<16xi32> to vector<16xi32>
        %iota3A_184 = tpu.iota {dimensions = array<i32: 0>} : vector<16xi32>
        %add3A_185 = arith.constant 64 : i32
        %add3A_186 = arith.addi %sub3A_76, %add3A_185 : i32
        %add3A_187 = vector.broadcast %add3A_186 : i32 to vector<16xi32>
        %add3A_188 = arith.addi %iota3A_184, %add3A_187 : vector<16xi32>
        %sub3A_189 = vector.broadcast %mul3A_16 : i32 to vector<16xi32>
        %sub3A_190 = arith.subi %get3A_183, %sub3A_189 : vector<16xi32>
        %ge3A_191 = arith.constant 0 : i32
        %ge3A_192 = vector.broadcast %ge3A_191 : i32 to vector<16xi32>
        %ge3A_193 = arith.cmpi sge, %add3A_188, %ge3A_192 : vector<16xi32>
        %ge3A_194 = arith.constant 0 : i32
        %ge3A_195 = vector.broadcast %ge3A_194 : i32 to vector<16xi32>
        %ge3A_196 = arith.cmpi sge, %sub3A_190, %ge3A_195 : vector<16xi32>
        %and3A_197 = arith.andi %ge3A_193, %ge3A_196 : vector<16xi1>
        %lt3A_198 = arith.constant 3328 : i32
        %lt3A_199 = vector.broadcast %lt3A_198 : i32 to vector<16xi32>
        %lt3A_200 = arith.cmpi slt, %sub3A_190, %lt3A_199 : vector<16xi32>
        %and3A_201 = arith.andi %and3A_197, %lt3A_200 : vector<16xi1>
        %broadcast_in_dim3A_202 = arith.constant 3328 : i32
        %broadcast_in_dim3A_203 = vector.broadcast %broadcast_in_dim3A_202 : i32 to vector<16xi32>
        %select_n3A_204 = arith.select %and3A_201, %sub3A_190, %broadcast_in_dim3A_203 : vector<16xi1>, vector<16xi32>
        %swap3A_205 = arith.constant 64 : index
        %swap3A_206 = tpu.vector_load %arg10[%swap3A_205] {strides = array<i32>} : memref<640xi32, #tpu.memory_space<vmem>>, vector<16xi32>,
        %swap3A_207 = vector.shape_cast %swap3A_206 : vector<16xi32> to vector<16xi32>
        %swap3A_208 = vector.shape_cast %select_n3A_204 : vector<16xi32> to vector<16xi32>
        tpu.vector_store %arg10[%swap3A_205], %swap3A_208 {strides = array<i32>} : memref<640xi32, #tpu.memory_space<vmem>>, vector<16xi32>,
        %get3A_209 = arith.constant 80 : index
        %get3A_210 = tpu.vector_load %arg9[%get3A_209] {strides = array<i32>} : memref<640xi32, #tpu.memory_space<vmem>>, vector<16xi32>,
        %get3A_211 = vector.shape_cast %get3A_210 : vector<16xi32> to vector<16xi32>
        %iota3A_212 = tpu.iota {dimensions = array<i32: 0>} : vector<16xi32>
        %add3A_213 = arith.constant 80 : i32
        %add3A_214 = arith.addi %sub3A_76, %add3A_213 : i32
        %add3A_215 = vector.broadcast %add3A_214 : i32 to vector<16xi32>
        %add3A_216 = arith.addi %iota3A_212, %add3A_215 : vector<16xi32>
        %sub3A_217 = vector.broadcast %mul3A_16 : i32 to vector<16xi32>
        %sub3A_218 = arith.subi %get3A_211, %sub3A_217 : vector<16xi32>
        %ge3A_219 = arith.constant 0 : i32
        %ge3A_220 = vector.broadcast %ge3A_219 : i32 to vector<16xi32>
        %ge3A_221 = arith.cmpi sge, %add3A_216, %ge3A_220 : vector<16xi32>
        %ge3A_222 = arith.constant 0 : i32
        %ge3A_223 = vector.broadcast %ge3A_222 : i32 to vector<16xi32>
        %ge3A_224 = arith.cmpi sge, %sub3A_218, %ge3A_223 : vector<16xi32>
        %and3A_225 = arith.andi %ge3A_221, %ge3A_224 : vector<16xi1>
        %lt3A_226 = arith.constant 3328 : i32
        %lt3A_227 = vector.broadcast %lt3A_226 : i32 to vector<16xi32>
        %lt3A_228 = arith.cmpi slt, %sub3A_218, %lt3A_227 : vector<16xi32>
        %and3A_229 = arith.andi %and3A_225, %lt3A_228 : vector<16xi1>
        %broadcast_in_dim3A_230 = arith.constant 3328 : i32
        %broadcast_in_dim3A_231 = vector.broadcast %broadcast_in_dim3A_230 : i32 to vector<16xi32>
        %select_n3A_232 = arith.select %and3A_229, %sub3A_218, %broadcast_in_dim3A_231 : vector<16xi1>, vector<16xi32>
        %swap3A_233 = arith.constant 80 : index
        %swap3A_234 = tpu.vector_load %arg10[%swap3A_233] {strides = array<i32>} : memref<640xi32, #tpu.memory_space<vmem>>, vector<16xi32>,
        %swap3A_235 = vector.shape_cast %swap3A_234 : vector<16xi32> to vector<16xi32>
        %swap3A_236 = vector.shape_cast %select_n3A_232 : vector<16xi32> to vector<16xi32>
        tpu.vector_store %arg10[%swap3A_233], %swap3A_236 {strides = array<i32>} : memref<640xi32, #tpu.memory_space<vmem>>, vector<16xi32>,
        %get3A_237 = arith.constant 96 : index
        %get3A_238 = tpu.vector_load %arg9[%get3A_237] {strides = array<i32>} : memref<640xi32, #tpu.memory_space<vmem>>, vector<16xi32>,
        %get3A_239 = vector.shape_cast %get3A_238 : vector<16xi32> to vector<16xi32>
        %iota3A_240 = tpu.iota {dimensions = array<i32: 0>} : vector<16xi32>
        %add3A_241 = arith.constant 96 : i32
        %add3A_242 = arith.addi %sub3A_76, %add3A_241 : i32
        %add3A_243 = vector.broadcast %add3A_242 : i32 to vector<16xi32>
        %add3A_244 = arith.addi %iota3A_240, %add3A_243 : vector<16xi32>
        %sub3A_245 = vector.broadcast %mul3A_16 : i32 to vector<16xi32>
        %sub3A_246 = arith.subi %get3A_239, %sub3A_245 : vector<16xi32>
        %ge3A_247 = arith.constant 0 : i32
        %ge3A_248 = vector.broadcast %ge3A_247 : i32 to vector<16xi32>
        %ge3A_249 = arith.cmpi sge, %add3A_244, %ge3A_248 : vector<16xi32>
        %ge3A_250 = arith.constant 0 : i32
        %ge3A_251 = vector.broadcast %ge3A_250 : i32 to vector<16xi32>
        %ge3A_252 = arith.cmpi sge, %sub3A_246, %ge3A_251 : vector<16xi32>
        %and3A_253 = arith.andi %ge3A_249, %ge3A_252 : vector<16xi1>
        %lt3A_254 = arith.constant 3328 : i32
        %lt3A_255 = vector.broadcast %lt3A_254 : i32 to vector<16xi32>
        %lt3A_256 = arith.cmpi slt, %sub3A_246, %lt3A_255 : vector<16xi32>
        %and3A_257 = arith.andi %and3A_253, %lt3A_256 : vector<16xi1>
        %broadcast_in_dim3A_258 = arith.constant 3328 : i32
        %broadcast_in_dim3A_259 = vector.broadcast %broadcast_in_dim3A_258 : i32 to vector<16xi32>
        %select_n3A_260 = arith.select %and3A_257, %sub3A_246, %broadcast_in_dim3A_259 : vector<16xi1>, vector<16xi32>
        %swap3A_261 = arith.constant 96 : index
        %swap3A_262 = tpu.vector_load %arg10[%swap3A_261] {strides = array<i32>} : memref<640xi32, #tpu.memory_space<vmem>>, vector<16xi32>,
        %swap3A_263 = vector.shape_cast %swap3A_262 : vector<16xi32> to vector<16xi32>
        %swap3A_264 = vector.shape_cast %select_n3A_260 : vector<16xi32> to vector<16xi32>
        tpu.vector_store %arg10[%swap3A_261], %swap3A_264 {strides = array<i32>} : memref<640xi32, #tpu.memory_space<vmem>>, vector<16xi32>,
        %get3A_265 = arith.constant 112 : index
        %get3A_266 = tpu.vector_load %arg9[%get3A_265] {strides = array<i32>} : memref<640xi32, #tpu.memory_space<vmem>>, vector<16xi32>,
        %get3A_267 = vector.shape_cast %get3A_266 : vector<16xi32> to vector<16xi32>
        %iota3A_268 = tpu.iota {dimensions = array<i32: 0>} : vector<16xi32>
        %add3A_269 = arith.constant 112 : i32
        %add3A_270 = arith.addi %sub3A_76, %add3A_269 : i32
        %add3A_271 = vector.broadcast %add3A_270 : i32 to vector<16xi32>
        %add3A_272 = arith.addi %iota3A_268, %add3A_271 : vector<16xi32>
        %sub3A_273 = vector.broadcast %mul3A_16 : i32 to vector<16xi32>
        %sub3A_274 = arith.subi %get3A_267, %sub3A_273 : vector<16xi32>
        %ge3A_275 = arith.constant 0 : i32
        %ge3A_276 = vector.broadcast %ge3A_275 : i32 to vector<16xi32>
        %ge3A_277 = arith.cmpi sge, %add3A_272, %ge3A_276 : vector<16xi32>
        %ge3A_278 = arith.constant 0 : i32
        %ge3A_279 = vector.broadcast %ge3A_278 : i32 to vector<16xi32>
        %ge3A_280 = arith.cmpi sge, %sub3A_274, %ge3A_279 : vector<16xi32>
        %and3A_281 = arith.andi %ge3A_277, %ge3A_280 : vector<16xi1>
        %lt3A_282 = arith.constant 3328 : i32
        %lt3A_283 = vector.broadcast %lt3A_282 : i32 to vector<16xi32>
        %lt3A_284 = arith.cmpi slt, %sub3A_274, %lt3A_283 : vector<16xi32>
        %and3A_285 = arith.andi %and3A_281, %lt3A_284 : vector<16xi1>
        %broadcast_in_dim3A_286 = arith.constant 3328 : i32
        %broadcast_in_dim3A_287 = vector.broadcast %broadcast_in_dim3A_286 : i32 to vector<16xi32>
        %select_n3A_288 = arith.select %and3A_285, %sub3A_274, %broadcast_in_dim3A_287 : vector<16xi1>, vector<16xi32>
        %swap3A_289 = arith.constant 112 : index
        %swap3A_290 = tpu.vector_load %arg10[%swap3A_289] {strides = array<i32>} : memref<640xi32, #tpu.memory_space<vmem>>, vector<16xi32>,
        %swap3A_291 = vector.shape_cast %swap3A_290 : vector<16xi32> to vector<16xi32>
        %swap3A_292 = vector.shape_cast %select_n3A_288 : vector<16xi32> to vector<16xi32>
        tpu.vector_store %arg10[%swap3A_289], %swap3A_292 {strides = array<i32>} : memref<640xi32, #tpu.memory_space<vmem>>, vector<16xi32>,
        %get3A_293 = arith.constant 128 : index
        %get3A_294 = tpu.vector_load %arg9[%get3A_293] {strides = array<i32>} : memref<640xi32, #tpu.memory_space<vmem>>, vector<16xi32>,
        %get3A_295 = vector.shape_cast %get3A_294 : vector<16xi32> to vector<16xi32>
        %iota3A_296 = tpu.iota {dimensions = array<i32: 0>} : vector<16xi32>
        %add3A_297 = arith.constant 128 : i32
        %add3A_298 = arith.addi %sub3A_76, %add3A_297 : i32
        %add3A_299 = vector.broadcast %add3A_298 : i32 to vector<16xi32>
        %add3A_300 = arith.addi %iota3A_296, %add3A_299 : vector<16xi32>
        %sub3A_301 = vector.broadcast %mul3A_16 : i32 to vector<16xi32>
        %sub3A_302 = arith.subi %get3A_295, %sub3A_301 : vector<16xi32>
        %ge3A_303 = arith.constant 0 : i32
        %ge3A_304 = vector.broadcast %ge3A_303 : i32 to vector<16xi32>
        %ge3A_305 = arith.cmpi sge, %add3A_300, %ge3A_304 : vector<16xi32>
        %ge3A_306 = arith.constant 0 : i32
        %ge3A_307 = vector.broadcast %ge3A_306 : i32 to vector<16xi32>
        %ge3A_308 = arith.cmpi sge, %sub3A_302, %ge3A_307 : vector<16xi32>
        %and3A_309 = arith.andi %ge3A_305, %ge3A_308 : vector<16xi1>
        %lt3A_310 = arith.constant 3328 : i32
        %lt3A_311 = vector.broadcast %lt3A_310 : i32 to vector<16xi32>
        %lt3A_312 = arith.cmpi slt, %sub3A_302, %lt3A_311 : vector<16xi32>
        %and3A_313 = arith.andi %and3A_309, %lt3A_312 : vector<16xi1>
        %broadcast_in_dim3A_314 = arith.constant 3328 : i32
        %broadcast_in_dim3A_315 = vector.broadcast %broadcast_in_dim3A_314 : i32 to vector<16xi32>
        %select_n3A_316 = arith.select %and3A_313, %sub3A_302, %broadcast_in_dim3A_315 : vector<16xi1>, vector<16xi32>
        %swap3A_317 = arith.constant 128 : index
        %swap3A_318 = tpu.vector_load %arg10[%swap3A_317] {strides = array<i32>} : memref<640xi32, #tpu.memory_space<vmem>>, vector<16xi32>,
        %swap3A_319 = vector.shape_cast %swap3A_318 : vector<16xi32> to vector<16xi32>
        %swap3A_320 = vector.shape_cast %select_n3A_316 : vector<16xi32> to vector<16xi32>
        tpu.vector_store %arg10[%swap3A_317], %swap3A_320 {strides = array<i32>} : memref<640xi32, #tpu.memory_space<vmem>>, vector<16xi32>,
        %get3A_321 = arith.constant 144 : index
        %get3A_322 = tpu.vector_load %arg9[%get3A_321] {strides = array<i32>} : memref<640xi32, #tpu.memory_space<vmem>>, vector<16xi32>,
        %get3A_323 = vector.shape_cast %get3A_322 : vector<16xi32> to vector<16xi32>
        %iota3A_324 = tpu.iota {dimensions = array<i32: 0>} : vector<16xi32>
        %add3A_325 = arith.constant 144 : i32
        %add3A_326 = arith.addi %sub3A_76, %add3A_325 : i32
        %add3A_327 = vector.broadcast %add3A_326 : i32 to vector<16xi32>
        %add3A_328 = arith.addi %iota3A_324, %add3A_327 : vector<16xi32>
        %sub3A_329 = vector.broadcast %mul3A_16 : i32 to vector<16xi32>
        %sub3A_330 = arith.subi %get3A_323, %sub3A_329 : vector<16xi32>
        %ge3A_331 = arith.constant 0 : i32
        %ge3A_332 = vector.broadcast %ge3A_331 : i32 to vector<16xi32>
        %ge3A_333 = arith.cmpi sge, %add3A_328, %ge3A_332 : vector<16xi32>
        %ge3A_334 = arith.constant 0 : i32
        %ge3A_335 = vector.broadcast %ge3A_334 : i32 to vector<16xi32>
        %ge3A_336 = arith.cmpi sge, %sub3A_330, %ge3A_335 : vector<16xi32>
        %and3A_337 = arith.andi %ge3A_333, %ge3A_336 : vector<16xi1>
        %lt3A_338 = arith.constant 3328 : i32
        %lt3A_339 = vector.broadcast %lt3A_338 : i32 to vector<16xi32>
        %lt3A_340 = arith.cmpi slt, %sub3A_330, %lt3A_339 : vector<16xi32>
        %and3A_341 = arith.andi %and3A_337, %lt3A_340 : vector<16xi1>
        %broadcast_in_dim3A_342 = arith.constant 3328 : i32
        %broadcast_in_dim3A_343 = vector.broadcast %broadcast_in_dim3A_342 : i32 to vector<16xi32>
        %select_n3A_344 = arith.select %and3A_341, %sub3A_330, %broadcast_in_dim3A_343 : vector<16xi1>, vector<16xi32>
        %swap3A_345 = arith.constant 144 : index
        %swap3A_346 = tpu.vector_load %arg10[%swap3A_345] {strides = array<i32>} : memref<640xi32, #tpu.memory_space<vmem>>, vector<16xi32>,
        %swap3A_347 = vector.shape_cast %swap3A_346 : vector<16xi32> to vector<16xi32>
        %swap3A_348 = vector.shape_cast %select_n3A_344 : vector<16xi32> to vector<16xi32>
        tpu.vector_store %arg10[%swap3A_345], %swap3A_348 {strides = array<i32>} : memref<640xi32, #tpu.memory_space<vmem>>, vector<16xi32>,
        %get3A_349 = arith.constant 160 : index
        %get3A_350 = tpu.vector_load %arg9[%get3A_349] {strides = array<i32>} : memref<640xi32, #tpu.memory_space<vmem>>, vector<16xi32>,
        %get3A_351 = vector.shape_cast %get3A_350 : vector<16xi32> to vector<16xi32>
        %iota3A_352 = tpu.iota {dimensions = array<i32: 0>} : vector<16xi32>
        %add3A_353 = arith.constant 160 : i32
        %add3A_354 = arith.addi %sub3A_76, %add3A_353 : i32
        %add3A_355 = vector.broadcast %add3A_354 : i32 to vector<16xi32>
        %add3A_356 = arith.addi %iota3A_352, %add3A_355 : vector<16xi32>
        %sub3A_357 = vector.broadcast %mul3A_16 : i32 to vector<16xi32>
        %sub3A_358 = arith.subi %get3A_351, %sub3A_357 : vector<16xi32>
        %ge3A_359 = arith.constant 0 : i32
        %ge3A_360 = vector.broadcast %ge3A_359 : i32 to vector<16xi32>
        %ge3A_361 = arith.cmpi sge, %add3A_356, %ge3A_360 : vector<16xi32>
        %ge3A_362 = arith.constant 0 : i32
        %ge3A_363 = vector.broadcast %ge3A_362 : i32 to vector<16xi32>
        %ge3A_364 = arith.cmpi sge, %sub3A_358, %ge3A_363 : vector<16xi32>
        %and3A_365 = arith.andi %ge3A_361, %ge3A_364 : vector<16xi1>
        %lt3A_366 = arith.constant 3328 : i32
        %lt3A_367 = vector.broadcast %lt3A_366 : i32 to vector<16xi32>
        %lt3A_368 = arith.cmpi slt, %sub3A_358, %lt3A_367 : vector<16xi32>
        %and3A_369 = arith.andi %and3A_365, %lt3A_368 : vector<16xi1>
        %broadcast_in_dim3A_370 = arith.constant 3328 : i32
        %broadcast_in_dim3A_371 = vector.broadcast %broadcast_in_dim3A_370 : i32 to vector<16xi32>
        %select_n3A_372 = arith.select %and3A_369, %sub3A_358, %broadcast_in_dim3A_371 : vector<16xi1>, vector<16xi32>
        %swap3A_373 = arith.constant 160 : index
        %swap3A_374 = tpu.vector_load %arg10[%swap3A_373] {strides = array<i32>} : memref<640xi32, #tpu.memory_space<vmem>>, vector<16xi32>,
        %swap3A_375 = vector.shape_cast %swap3A_374 : vector<16xi32> to vector<16xi32>
        %swap3A_376 = vector.shape_cast %select_n3A_372 : vector<16xi32> to vector<16xi32>
        tpu.vector_store %arg10[%swap3A_373], %swap3A_376 {strides = array<i32>} : memref<640xi32, #tpu.memory_space<vmem>>, vector<16xi32>,
        %get3A_377 = arith.constant 176 : index
        %get3A_378 = tpu.vector_load %arg9[%get3A_377] {strides = array<i32>} : memref<640xi32, #tpu.memory_space<vmem>>, vector<16xi32>,
        %get3A_379 = vector.shape_cast %get3A_378 : vector<16xi32> to vector<16xi32>
        %iota3A_380 = tpu.iota {dimensions = array<i32: 0>} : vector<16xi32>
        %add3A_381 = arith.constant 176 : i32
        %add3A_382 = arith.addi %sub3A_76, %add3A_381 : i32
        %add3A_383 = vector.broadcast %add3A_382 : i32 to vector<16xi32>
        %add3A_384 = arith.addi %iota3A_380, %add3A_383 : vector<16xi32>
        %sub3A_385 = vector.broadcast %mul3A_16 : i32 to vector<16xi32>
        %sub3A_386 = arith.subi %get3A_379, %sub3A_385 : vector<16xi32>
        %ge3A_387 = arith.constant 0 : i32
        %ge3A_388 = vector.broadcast %ge3A_387 : i32 to vector<16xi32>
        %ge3A_389 = arith.cmpi sge, %add3A_384, %ge3A_388 : vector<16xi32>
        %ge3A_390 = arith.constant 0 : i32
        %ge3A_391 = vector.broadcast %ge3A_390 : i32 to vector<16xi32>
        %ge3A_392 = arith.cmpi sge, %sub3A_386, %ge3A_391 : vector<16xi32>
        %and3A_393 = arith.andi %ge3A_389, %ge3A_392 : vector<16xi1>
        %lt3A_394 = arith.constant 3328 : i32
        %lt3A_395 = vector.broadcast %lt3A_394 : i32 to vector<16xi32>
        %lt3A_396 = arith.cmpi slt, %sub3A_386, %lt3A_395 : vector<16xi32>
        %and3A_397 = arith.andi %and3A_393, %lt3A_396 : vector<16xi1>
        %broadcast_in_dim3A_398 = arith.constant 3328 : i32
        %broadcast_in_dim3A_399 = vector.broadcast %broadcast_in_dim3A_398 : i32 to vector<16xi32>
        %select_n3A_400 = arith.select %and3A_397, %sub3A_386, %broadcast_in_dim3A_399 : vector<16xi1>, vector<16xi32>
        %swap3A_401 = arith.constant 176 : index
        %swap3A_402 = tpu.vector_load %arg10[%swap3A_401] {strides = array<i32>} : memref<640xi32, #tpu.memory_space<vmem>>, vector<16xi32>,
        %swap3A_403 = vector.shape_cast %swap3A_402 : vector<16xi32> to vector<16xi32>
        %swap3A_404 = vector.shape_cast %select_n3A_400 : vector<16xi32> to vector<16xi32>
        tpu.vector_store %arg10[%swap3A_401], %swap3A_404 {strides = array<i32>} : memref<640xi32, #tpu.memory_space<vmem>>, vector<16xi32>,
        %get3A_405 = arith.constant 192 : index
        %get3A_406 = tpu.vector_load %arg9[%get3A_405] {strides = array<i32>} : memref<640xi32, #tpu.memory_space<vmem>>, vector<16xi32>,
        %get3A_407 = vector.shape_cast %get3A_406 : vector<16xi32> to vector<16xi32>
        %iota3A_408 = tpu.iota {dimensions = array<i32: 0>} : vector<16xi32>
        %add3A_409 = arith.constant 192 : i32
        %add3A_410 = arith.addi %sub3A_76, %add3A_409 : i32
        %add3A_411 = vector.broadcast %add3A_410 : i32 to vector<16xi32>
        %add3A_412 = arith.addi %iota3A_408, %add3A_411 : vector<16xi32>
        %sub3A_413 = vector.broadcast %mul3A_16 : i32 to vector<16xi32>
        %sub3A_414 = arith.subi %get3A_407, %sub3A_413 : vector<16xi32>
        %ge3A_415 = arith.constant 0 : i32
        %ge3A_416 = vector.broadcast %ge3A_415 : i32 to vector<16xi32>
        %ge3A_417 = arith.cmpi sge, %add3A_412, %ge3A_416 : vector<16xi32>
        %ge3A_418 = arith.constant 0 : i32
        %ge3A_419 = vector.broadcast %ge3A_418 : i32 to vector<16xi32>
        %ge3A_420 = arith.cmpi sge, %sub3A_414, %ge3A_419 : vector<16xi32>
        %and3A_421 = arith.andi %ge3A_417, %ge3A_420 : vector<16xi1>
        %lt3A_422 = arith.constant 3328 : i32
        %lt3A_423 = vector.broadcast %lt3A_422 : i32 to vector<16xi32>
        %lt3A_424 = arith.cmpi slt, %sub3A_414, %lt3A_423 : vector<16xi32>
        %and3A_425 = arith.andi %and3A_421, %lt3A_424 : vector<16xi1>
        %broadcast_in_dim3A_426 = arith.constant 3328 : i32
        %broadcast_in_dim3A_427 = vector.broadcast %broadcast_in_dim3A_426 : i32 to vector<16xi32>
        %select_n3A_428 = arith.select %and3A_425, %sub3A_414, %broadcast_in_dim3A_427 : vector<16xi1>, vector<16xi32>
        %swap3A_429 = arith.constant 192 : index
        %swap3A_430 = tpu.vector_load %arg10[%swap3A_429] {strides = array<i32>} : memref<640xi32, #tpu.memory_space<vmem>>, vector<16xi32>,
        %swap3A_431 = vector.shape_cast %swap3A_430 : vector<16xi32> to vector<16xi32>
        %swap3A_432 = vector.shape_cast %select_n3A_428 : vector<16xi32> to vector<16xi32>
        tpu.vector_store %arg10[%swap3A_429], %swap3A_432 {strides = array<i32>} : memref<640xi32, #tpu.memory_space<vmem>>, vector<16xi32>,
        %get3A_433 = arith.constant 208 : index
        %get3A_434 = tpu.vector_load %arg9[%get3A_433] {strides = array<i32>} : memref<640xi32, #tpu.memory_space<vmem>>, vector<16xi32>,
        %get3A_435 = vector.shape_cast %get3A_434 : vector<16xi32> to vector<16xi32>
        %iota3A_436 = tpu.iota {dimensions = array<i32: 0>} : vector<16xi32>
        %add3A_437 = arith.constant 208 : i32
        %add3A_438 = arith.addi %sub3A_76, %add3A_437 : i32
        %add3A_439 = vector.broadcast %add3A_438 : i32 to vector<16xi32>
        %add3A_440 = arith.addi %iota3A_436, %add3A_439 : vector<16xi32>
        %sub3A_441 = vector.broadcast %mul3A_16 : i32 to vector<16xi32>
        %sub3A_442 = arith.subi %get3A_435, %sub3A_441 : vector<16xi32>
        %ge3A_443 = arith.constant 0 : i32
        %ge3A_444 = vector.broadcast %ge3A_443 : i32 to vector<16xi32>
        %ge3A_445 = arith.cmpi sge, %add3A_440, %ge3A_444 : vector<16xi32>
        %ge3A_446 = arith.constant 0 : i32
        %ge3A_447 = vector.broadcast %ge3A_446 : i32 to vector<16xi32>
        %ge3A_448 = arith.cmpi sge, %sub3A_442, %ge3A_447 : vector<16xi32>
        %and3A_449 = arith.andi %ge3A_445, %ge3A_448 : vector<16xi1>
        %lt3A_450 = arith.constant 3328 : i32
        %lt3A_451 = vector.broadcast %lt3A_450 : i32 to vector<16xi32>
        %lt3A_452 = arith.cmpi slt, %sub3A_442, %lt3A_451 : vector<16xi32>
        %and3A_453 = arith.andi %and3A_449, %lt3A_452 : vector<16xi1>
        %broadcast_in_dim3A_454 = arith.constant 3328 : i32
        %broadcast_in_dim3A_455 = vector.broadcast %broadcast_in_dim3A_454 : i32 to vector<16xi32>
        %select_n3A_456 = arith.select %and3A_453, %sub3A_442, %broadcast_in_dim3A_455 : vector<16xi1>, vector<16xi32>
        %swap3A_457 = arith.constant 208 : index
        %swap3A_458 = tpu.vector_load %arg10[%swap3A_457] {strides = array<i32>} : memref<640xi32, #tpu.memory_space<vmem>>, vector<16xi32>,
        %swap3A_459 = vector.shape_cast %swap3A_458 : vector<16xi32> to vector<16xi32>
        %swap3A_460 = vector.shape_cast %select_n3A_456 : vector<16xi32> to vector<16xi32>
        tpu.vector_store %arg10[%swap3A_457], %swap3A_460 {strides = array<i32>} : memref<640xi32, #tpu.memory_space<vmem>>, vector<16xi32>,
        %get3A_461 = arith.constant 224 : index
        %get3A_462 = tpu.vector_load %arg9[%get3A_461] {strides = array<i32>} : memref<640xi32, #tpu.memory_space<vmem>>, vector<16xi32>,
        %get3A_463 = vector.shape_cast %get3A_462 : vector<16xi32> to vector<16xi32>
        %iota3A_464 = tpu.iota {dimensions = array<i32: 0>} : vector<16xi32>
        %add3A_465 = arith.constant 224 : i32
        %add3A_466 = arith.addi %sub3A_76, %add3A_465 : i32
        %add3A_467 = vector.broadcast %add3A_466 : i32 to vector<16xi32>
        %add3A_468 = arith.addi %iota3A_464, %add3A_467 : vector<16xi32>
        %sub3A_469 = vector.broadcast %mul3A_16 : i32 to vector<16xi32>
        %sub3A_470 = arith.subi %get3A_463, %sub3A_469 : vector<16xi32>
        %ge3A_471 = arith.constant 0 : i32
        %ge3A_472 = vector.broadcast %ge3A_471 : i32 to vector<16xi32>
        %ge3A_473 = arith.cmpi sge, %add3A_468, %ge3A_472 : vector<16xi32>
        %ge3A_474 = arith.constant 0 : i32
        %ge3A_475 = vector.broadcast %ge3A_474 : i32 to vector<16xi32>
        %ge3A_476 = arith.cmpi sge, %sub3A_470, %ge3A_475 : vector<16xi32>
        %and3A_477 = arith.andi %ge3A_473, %ge3A_476 : vector<16xi1>
        %lt3A_478 = arith.constant 3328 : i32
        %lt3A_479 = vector.broadcast %lt3A_478 : i32 to vector<16xi32>
        %lt3A_480 = arith.cmpi slt, %sub3A_470, %lt3A_479 : vector<16xi32>
        %and3A_481 = arith.andi %and3A_477, %lt3A_480 : vector<16xi1>
        %broadcast_in_dim3A_482 = arith.constant 3328 : i32
        %broadcast_in_dim3A_483 = vector.broadcast %broadcast_in_dim3A_482 : i32 to vector<16xi32>
        %select_n3A_484 = arith.select %and3A_481, %sub3A_470, %broadcast_in_dim3A_483 : vector<16xi1>, vector<16xi32>
        %swap3A_485 = arith.constant 224 : index
        %swap3A_486 = tpu.vector_load %arg10[%swap3A_485] {strides = array<i32>} : memref<640xi32, #tpu.memory_space<vmem>>, vector<16xi32>,
        %swap3A_487 = vector.shape_cast %swap3A_486 : vector<16xi32> to vector<16xi32>
        %swap3A_488 = vector.shape_cast %select_n3A_484 : vector<16xi32> to vector<16xi32>
        tpu.vector_store %arg10[%swap3A_485], %swap3A_488 {strides = array<i32>} : memref<640xi32, #tpu.memory_space<vmem>>, vector<16xi32>,
        %get3A_489 = arith.constant 240 : index
        %get3A_490 = tpu.vector_load %arg9[%get3A_489] {strides = array<i32>} : memref<640xi32, #tpu.memory_space<vmem>>, vector<16xi32>,
        %get3A_491 = vector.shape_cast %get3A_490 : vector<16xi32> to vector<16xi32>
        %iota3A_492 = tpu.iota {dimensions = array<i32: 0>} : vector<16xi32>
        %add3A_493 = arith.constant 240 : i32
        %add3A_494 = arith.addi %sub3A_76, %add3A_493 : i32
        %add3A_495 = vector.broadcast %add3A_494 : i32 to vector<16xi32>
        %add3A_496 = arith.addi %iota3A_492, %add3A_495 : vector<16xi32>
        %sub3A_497 = vector.broadcast %mul3A_16 : i32 to vector<16xi32>
        %sub3A_498 = arith.subi %get3A_491, %sub3A_497 : vector<16xi32>
        %ge3A_499 = arith.constant 0 : i32
        %ge3A_500 = vector.broadcast %ge3A_499 : i32 to vector<16xi32>
        %ge3A_501 = arith.cmpi sge, %add3A_496, %ge3A_500 : vector<16xi32>
        %ge3A_502 = arith.constant 0 : i32
        %ge3A_503 = vector.broadcast %ge3A_502 : i32 to vector<16xi32>
        %ge3A_504 = arith.cmpi sge, %sub3A_498, %ge3A_503 : vector<16xi32>
        %and3A_505 = arith.andi %ge3A_501, %ge3A_504 : vector<16xi1>
        %lt3A_506 = arith.constant 3328 : i32
        %lt3A_507 = vector.broadcast %lt3A_506 : i32 to vector<16xi32>
        %lt3A_508 = arith.cmpi slt, %sub3A_498, %lt3A_507 : vector<16xi32>
        %and3A_509 = arith.andi %and3A_505, %lt3A_508 : vector<16xi1>
        %broadcast_in_dim3A_510 = arith.constant 3328 : i32
        %broadcast_in_dim3A_511 = vector.broadcast %broadcast_in_dim3A_510 : i32 to vector<16xi32>
        %select_n3A_512 = arith.select %and3A_509, %sub3A_498, %broadcast_in_dim3A_511 : vector<16xi1>, vector<16xi32>
        %swap3A_513 = arith.constant 240 : index
        %swap3A_514 = tpu.vector_load %arg10[%swap3A_513] {strides = array<i32>} : memref<640xi32, #tpu.memory_space<vmem>>, vector<16xi32>,
        %swap3A_515 = vector.shape_cast %swap3A_514 : vector<16xi32> to vector<16xi32>
        %swap3A_516 = vector.shape_cast %select_n3A_512 : vector<16xi32> to vector<16xi32>
        tpu.vector_store %arg10[%swap3A_513], %swap3A_516 {strides = array<i32>} : memref<640xi32, #tpu.memory_space<vmem>>, vector<16xi32>,
        %get3A_517 = arith.constant 256 : index
        %get3A_518 = tpu.vector_load %arg9[%get3A_517] {strides = array<i32>} : memref<640xi32, #tpu.memory_space<vmem>>, vector<16xi32>,
        %get3A_519 = vector.shape_cast %get3A_518 : vector<16xi32> to vector<16xi32>
        %iota3A_520 = tpu.iota {dimensions = array<i32: 0>} : vector<16xi32>
        %add3A_521 = arith.constant 256 : i32
        %add3A_522 = arith.addi %sub3A_76, %add3A_521 : i32
        %add3A_523 = vector.broadcast %add3A_522 : i32 to vector<16xi32>
        %add3A_524 = arith.addi %iota3A_520, %add3A_523 : vector<16xi32>
        %sub3A_525 = vector.broadcast %mul3A_16 : i32 to vector<16xi32>
        %sub3A_526 = arith.subi %get3A_519, %sub3A_525 : vector<16xi32>
        %ge3A_527 = arith.constant 0 : i32
        %ge3A_528 = vector.broadcast %ge3A_527 : i32 to vector<16xi32>
        %ge3A_529 = arith.cmpi sge, %add3A_524, %ge3A_528 : vector<16xi32>
        %ge3A_530 = arith.constant 0 : i32
        %ge3A_531 = vector.broadcast %ge3A_530 : i32 to vector<16xi32>
        %ge3A_532 = arith.cmpi sge, %sub3A_526, %ge3A_531 : vector<16xi32>
        %and3A_533 = arith.andi %ge3A_529, %ge3A_532 : vector<16xi1>
        %lt3A_534 = arith.constant 3328 : i32
        %lt3A_535 = vector.broadcast %lt3A_534 : i32 to vector<16xi32>
        %lt3A_536 = arith.cmpi slt, %sub3A_526, %lt3A_535 : vector<16xi32>
        %and3A_537 = arith.andi %and3A_533, %lt3A_536 : vector<16xi1>
        %broadcast_in_dim3A_538 = arith.constant 3328 : i32
        %broadcast_in_dim3A_539 = vector.broadcast %broadcast_in_dim3A_538 : i32 to vector<16xi32>
        %select_n3A_540 = arith.select %and3A_537, %sub3A_526, %broadcast_in_dim3A_539 : vector<16xi1>, vector<16xi32>
        %swap3A_541 = arith.constant 256 : index
        %swap3A_542 = tpu.vector_load %arg10[%swap3A_541] {strides = array<i32>} : memref<640xi32, #tpu.memory_space<vmem>>, vector<16xi32>,
        %swap3A_543 = vector.shape_cast %swap3A_542 : vector<16xi32> to vector<16xi32>
        %swap3A_544 = vector.shape_cast %select_n3A_540 : vector<16xi32> to vector<16xi32>
        tpu.vector_store %arg10[%swap3A_541], %swap3A_544 {strides = array<i32>} : memref<640xi32, #tpu.memory_space<vmem>>, vector<16xi32>,
        %get3A_545 = arith.constant 272 : index
        %get3A_546 = tpu.vector_load %arg9[%get3A_545] {strides = array<i32>} : memref<640xi32, #tpu.memory_space<vmem>>, vector<16xi32>,
        %get3A_547 = vector.shape_cast %get3A_546 : vector<16xi32> to vector<16xi32>
        %iota3A_548 = tpu.iota {dimensions = array<i32: 0>} : vector<16xi32>
        %add3A_549 = arith.constant 272 : i32
        %add3A_550 = arith.addi %sub3A_76, %add3A_549 : i32
        %add3A_551 = vector.broadcast %add3A_550 : i32 to vector<16xi32>
        %add3A_552 = arith.addi %iota3A_548, %add3A_551 : vector<16xi32>
        %sub3A_553 = vector.broadcast %mul3A_16 : i32 to vector<16xi32>
        %sub3A_554 = arith.subi %get3A_547, %sub3A_553 : vector<16xi32>
        %ge3A_555 = arith.constant 0 : i32
        %ge3A_556 = vector.broadcast %ge3A_555 : i32 to vector<16xi32>
        %ge3A_557 = arith.cmpi sge, %add3A_552, %ge3A_556 : vector<16xi32>
        %ge3A_558 = arith.constant 0 : i32
        %ge3A_559 = vector.broadcast %ge3A_558 : i32 to vector<16xi32>
        %ge3A_560 = arith.cmpi sge, %sub3A_554, %ge3A_559 : vector<16xi32>
        %and3A_561 = arith.andi %ge3A_557, %ge3A_560 : vector<16xi1>
        %lt3A_562 = arith.constant 3328 : i32
        %lt3A_563 = vector.broadcast %lt3A_562 : i32 to vector<16xi32>
        %lt3A_564 = arith.cmpi slt, %sub3A_554, %lt3A_563 : vector<16xi32>
        %and3A_565 = arith.andi %and3A_561, %lt3A_564 : vector<16xi1>
        %broadcast_in_dim3A_566 = arith.constant 3328 : i32
        %broadcast_in_dim3A_567 = vector.broadcast %broadcast_in_dim3A_566 : i32 to vector<16xi32>
        %select_n3A_568 = arith.select %and3A_565, %sub3A_554, %broadcast_in_dim3A_567 : vector<16xi1>, vector<16xi32>
        %swap3A_569 = arith.constant 272 : index
        %swap3A_570 = tpu.vector_load %arg10[%swap3A_569] {strides = array<i32>} : memref<640xi32, #tpu.memory_space<vmem>>, vector<16xi32>,
        %swap3A_571 = vector.shape_cast %swap3A_570 : vector<16xi32> to vector<16xi32>
        %swap3A_572 = vector.shape_cast %select_n3A_568 : vector<16xi32> to vector<16xi32>
        tpu.vector_store %arg10[%swap3A_569], %swap3A_572 {strides = array<i32>} : memref<640xi32, #tpu.memory_space<vmem>>, vector<16xi32>,
        %get3A_573 = arith.constant 288 : index
        %get3A_574 = tpu.vector_load %arg9[%get3A_573] {strides = array<i32>} : memref<640xi32, #tpu.memory_space<vmem>>, vector<16xi32>,
        %get3A_575 = vector.shape_cast %get3A_574 : vector<16xi32> to vector<16xi32>
        %iota3A_576 = tpu.iota {dimensions = array<i32: 0>} : vector<16xi32>
        %add3A_577 = arith.constant 288 : i32
        %add3A_578 = arith.addi %sub3A_76, %add3A_577 : i32
        %add3A_579 = vector.broadcast %add3A_578 : i32 to vector<16xi32>
        %add3A_580 = arith.addi %iota3A_576, %add3A_579 : vector<16xi32>
        %sub3A_581 = vector.broadcast %mul3A_16 : i32 to vector<16xi32>
        %sub3A_582 = arith.subi %get3A_575, %sub3A_581 : vector<16xi32>
        %ge3A_583 = arith.constant 0 : i32
        %ge3A_584 = vector.broadcast %ge3A_583 : i32 to vector<16xi32>
        %ge3A_585 = arith.cmpi sge, %add3A_580, %ge3A_584 : vector<16xi32>
        %ge3A_586 = arith.constant 0 : i32
        %ge3A_587 = vector.broadcast %ge3A_586 : i32 to vector<16xi32>
        %ge3A_588 = arith.cmpi sge, %sub3A_582, %ge3A_587 : vector<16xi32>
        %and3A_589 = arith.andi %ge3A_585, %ge3A_588 : vector<16xi1>
        %lt3A_590 = arith.constant 3328 : i32
        %lt3A_591 = vector.broadcast %lt3A_590 : i32 to vector<16xi32>
        %lt3A_592 = arith.cmpi slt, %sub3A_582, %lt3A_591 : vector<16xi32>
        %and3A_593 = arith.andi %and3A_589, %lt3A_592 : vector<16xi1>
        %broadcast_in_dim3A_594 = arith.constant 3328 : i32
        %broadcast_in_dim3A_595 = vector.broadcast %broadcast_in_dim3A_594 : i32 to vector<16xi32>
        %select_n3A_596 = arith.select %and3A_593, %sub3A_582, %broadcast_in_dim3A_595 : vector<16xi1>, vector<16xi32>
        %swap3A_597 = arith.constant 288 : index
        %swap3A_598 = tpu.vector_load %arg10[%swap3A_597] {strides = array<i32>} : memref<640xi32, #tpu.memory_space<vmem>>, vector<16xi32>,
        %swap3A_599 = vector.shape_cast %swap3A_598 : vector<16xi32> to vector<16xi32>
        %swap3A_600 = vector.shape_cast %select_n3A_596 : vector<16xi32> to vector<16xi32>
        tpu.vector_store %arg10[%swap3A_597], %swap3A_600 {strides = array<i32>} : memref<640xi32, #tpu.memory_space<vmem>>, vector<16xi32>,
        %get3A_601 = arith.constant 304 : index
        %get3A_602 = tpu.vector_load %arg9[%get3A_601] {strides = array<i32>} : memref<640xi32, #tpu.memory_space<vmem>>, vector<16xi32>,
        %get3A_603 = vector.shape_cast %get3A_602 : vector<16xi32> to vector<16xi32>
        %iota3A_604 = tpu.iota {dimensions = array<i32: 0>} : vector<16xi32>
        %add3A_605 = arith.constant 304 : i32
        %add3A_606 = arith.addi %sub3A_76, %add3A_605 : i32
        %add3A_607 = vector.broadcast %add3A_606 : i32 to vector<16xi32>
        %add3A_608 = arith.addi %iota3A_604, %add3A_607 : vector<16xi32>
        %sub3A_609 = vector.broadcast %mul3A_16 : i32 to vector<16xi32>
        %sub3A_610 = arith.subi %get3A_603, %sub3A_609 : vector<16xi32>
        %ge3A_611 = arith.constant 0 : i32
        %ge3A_612 = vector.broadcast %ge3A_611 : i32 to vector<16xi32>
        %ge3A_613 = arith.cmpi sge, %add3A_608, %ge3A_612 : vector<16xi32>
        %ge3A_614 = arith.constant 0 : i32
        %ge3A_615 = vector.broadcast %ge3A_614 : i32 to vector<16xi32>
        %ge3A_616 = arith.cmpi sge, %sub3A_610, %ge3A_615 : vector<16xi32>
        %and3A_617 = arith.andi %ge3A_613, %ge3A_616 : vector<16xi1>
        %lt3A_618 = arith.constant 3328 : i32
        %lt3A_619 = vector.broadcast %lt3A_618 : i32 to vector<16xi32>
        %lt3A_620 = arith.cmpi slt, %sub3A_610, %lt3A_619 : vector<16xi32>
        %and3A_621 = arith.andi %and3A_617, %lt3A_620 : vector<16xi1>
        %broadcast_in_dim3A_622 = arith.constant 3328 : i32
        %broadcast_in_dim3A_623 = vector.broadcast %broadcast_in_dim3A_622 : i32 to vector<16xi32>
        %select_n3A_624 = arith.select %and3A_621, %sub3A_610, %broadcast_in_dim3A_623 : vector<16xi1>, vector<16xi32>
        %swap3A_625 = arith.constant 304 : index
        %swap3A_626 = tpu.vector_load %arg10[%swap3A_625] {strides = array<i32>} : memref<640xi32, #tpu.memory_space<vmem>>, vector<16xi32>,
        %swap3A_627 = vector.shape_cast %swap3A_626 : vector<16xi32> to vector<16xi32>
        %swap3A_628 = vector.shape_cast %select_n3A_624 : vector<16xi32> to vector<16xi32>
        tpu.vector_store %arg10[%swap3A_625], %swap3A_628 {strides = array<i32>} : memref<640xi32, #tpu.memory_space<vmem>>, vector<16xi32>,
        %get3A_629 = arith.constant 320 : index
        %get3A_630 = tpu.vector_load %arg9[%get3A_629] {strides = array<i32>} : memref<640xi32, #tpu.memory_space<vmem>>, vector<16xi32>,
        %get3A_631 = vector.shape_cast %get3A_630 : vector<16xi32> to vector<16xi32>
        %iota3A_632 = tpu.iota {dimensions = array<i32: 0>} : vector<16xi32>
        %add3A_633 = arith.constant 320 : i32
        %add3A_634 = arith.addi %sub3A_76, %add3A_633 : i32
        %add3A_635 = vector.broadcast %add3A_634 : i32 to vector<16xi32>
        %add3A_636 = arith.addi %iota3A_632, %add3A_635 : vector<16xi32>
        %sub3A_637 = vector.broadcast %mul3A_16 : i32 to vector<16xi32>
        %sub3A_638 = arith.subi %get3A_631, %sub3A_637 : vector<16xi32>
        %ge3A_639 = arith.constant 0 : i32
        %ge3A_640 = vector.broadcast %ge3A_639 : i32 to vector<16xi32>
        %ge3A_641 = arith.cmpi sge, %add3A_636, %ge3A_640 : vector<16xi32>
        %ge3A_642 = arith.constant 0 : i32
        %ge3A_643 = vector.broadcast %ge3A_642 : i32 to vector<16xi32>
        %ge3A_644 = arith.cmpi sge, %sub3A_638, %ge3A_643 : vector<16xi32>
        %and3A_645 = arith.andi %ge3A_641, %ge3A_644 : vector<16xi1>
        %lt3A_646 = arith.constant 3328 : i32
        %lt3A_647 = vector.broadcast %lt3A_646 : i32 to vector<16xi32>
        %lt3A_648 = arith.cmpi slt, %sub3A_638, %lt3A_647 : vector<16xi32>
        %and3A_649 = arith.andi %and3A_645, %lt3A_648 : vector<16xi1>
        %broadcast_in_dim3A_650 = arith.constant 3328 : i32
        %broadcast_in_dim3A_651 = vector.broadcast %broadcast_in_dim3A_650 : i32 to vector<16xi32>
        %select_n3A_652 = arith.select %and3A_649, %sub3A_638, %broadcast_in_dim3A_651 : vector<16xi1>, vector<16xi32>
        %swap3A_653 = arith.constant 320 : index
        %swap3A_654 = tpu.vector_load %arg10[%swap3A_653] {strides = array<i32>} : memref<640xi32, #tpu.memory_space<vmem>>, vector<16xi32>,
        %swap3A_655 = vector.shape_cast %swap3A_654 : vector<16xi32> to vector<16xi32>
        %swap3A_656 = vector.shape_cast %select_n3A_652 : vector<16xi32> to vector<16xi32>
        tpu.vector_store %arg10[%swap3A_653], %swap3A_656 {strides = array<i32>} : memref<640xi32, #tpu.memory_space<vmem>>, vector<16xi32>,
        %get3A_657 = arith.constant 336 : index
        %get3A_658 = tpu.vector_load %arg9[%get3A_657] {strides = array<i32>} : memref<640xi32, #tpu.memory_space<vmem>>, vector<16xi32>,
        %get3A_659 = vector.shape_cast %get3A_658 : vector<16xi32> to vector<16xi32>
        %iota3A_660 = tpu.iota {dimensions = array<i32: 0>} : vector<16xi32>
        %add3A_661 = arith.constant 336 : i32
        %add3A_662 = arith.addi %sub3A_76, %add3A_661 : i32
        %add3A_663 = vector.broadcast %add3A_662 : i32 to vector<16xi32>
        %add3A_664 = arith.addi %iota3A_660, %add3A_663 : vector<16xi32>
        %sub3A_665 = vector.broadcast %mul3A_16 : i32 to vector<16xi32>
        %sub3A_666 = arith.subi %get3A_659, %sub3A_665 : vector<16xi32>
        %ge3A_667 = arith.constant 0 : i32
        %ge3A_668 = vector.broadcast %ge3A_667 : i32 to vector<16xi32>
        %ge3A_669 = arith.cmpi sge, %add3A_664, %ge3A_668 : vector<16xi32>
        %ge3A_670 = arith.constant 0 : i32
        %ge3A_671 = vector.broadcast %ge3A_670 : i32 to vector<16xi32>
        %ge3A_672 = arith.cmpi sge, %sub3A_666, %ge3A_671 : vector<16xi32>
        %and3A_673 = arith.andi %ge3A_669, %ge3A_672 : vector<16xi1>
        %lt3A_674 = arith.constant 3328 : i32
        %lt3A_675 = vector.broadcast %lt3A_674 : i32 to vector<16xi32>
        %lt3A_676 = arith.cmpi slt, %sub3A_666, %lt3A_675 : vector<16xi32>
        %and3A_677 = arith.andi %and3A_673, %lt3A_676 : vector<16xi1>
        %broadcast_in_dim3A_678 = arith.constant 3328 : i32
        %broadcast_in_dim3A_679 = vector.broadcast %broadcast_in_dim3A_678 : i32 to vector<16xi32>
        %select_n3A_680 = arith.select %and3A_677, %sub3A_666, %broadcast_in_dim3A_679 : vector<16xi1>, vector<16xi32>
        %swap3A_681 = arith.constant 336 : index
        %swap3A_682 = tpu.vector_load %arg10[%swap3A_681] {strides = array<i32>} : memref<640xi32, #tpu.memory_space<vmem>>, vector<16xi32>,
        %swap3A_683 = vector.shape_cast %swap3A_682 : vector<16xi32> to vector<16xi32>
        %swap3A_684 = vector.shape_cast %select_n3A_680 : vector<16xi32> to vector<16xi32>
        tpu.vector_store %arg10[%swap3A_681], %swap3A_684 {strides = array<i32>} : memref<640xi32, #tpu.memory_space<vmem>>, vector<16xi32>,
        %get3A_685 = arith.constant 352 : index
        %get3A_686 = tpu.vector_load %arg9[%get3A_685] {strides = array<i32>} : memref<640xi32, #tpu.memory_space<vmem>>, vector<16xi32>,
        %get3A_687 = vector.shape_cast %get3A_686 : vector<16xi32> to vector<16xi32>
        %iota3A_688 = tpu.iota {dimensions = array<i32: 0>} : vector<16xi32>
        %add3A_689 = arith.constant 352 : i32
        %add3A_690 = arith.addi %sub3A_76, %add3A_689 : i32
        %add3A_691 = vector.broadcast %add3A_690 : i32 to vector<16xi32>
        %add3A_692 = arith.addi %iota3A_688, %add3A_691 : vector<16xi32>
        %sub3A_693 = vector.broadcast %mul3A_16 : i32 to vector<16xi32>
        %sub3A_694 = arith.subi %get3A_687, %sub3A_693 : vector<16xi32>
        %ge3A_695 = arith.constant 0 : i32
        %ge3A_696 = vector.broadcast %ge3A_695 : i32 to vector<16xi32>
        %ge3A_697 = arith.cmpi sge, %add3A_692, %ge3A_696 : vector<16xi32>
        %ge3A_698 = arith.constant 0 : i32
        %ge3A_699 = vector.broadcast %ge3A_698 : i32 to vector<16xi32>
        %ge3A_700 = arith.cmpi sge, %sub3A_694, %ge3A_699 : vector<16xi32>
        %and3A_701 = arith.andi %ge3A_697, %ge3A_700 : vector<16xi1>
        %lt3A_702 = arith.constant 3328 : i32
        %lt3A_703 = vector.broadcast %lt3A_702 : i32 to vector<16xi32>
        %lt3A_704 = arith.cmpi slt, %sub3A_694, %lt3A_703 : vector<16xi32>
        %and3A_705 = arith.andi %and3A_701, %lt3A_704 : vector<16xi1>
        %broadcast_in_dim3A_706 = arith.constant 3328 : i32
        %broadcast_in_dim3A_707 = vector.broadcast %broadcast_in_dim3A_706 : i32 to vector<16xi32>
        %select_n3A_708 = arith.select %and3A_705, %sub3A_694, %broadcast_in_dim3A_707 : vector<16xi1>, vector<16xi32>
        %swap3A_709 = arith.constant 352 : index
        %swap3A_710 = tpu.vector_load %arg10[%swap3A_709] {strides = array<i32>} : memref<640xi32, #tpu.memory_space<vmem>>, vector<16xi32>,
        %swap3A_711 = vector.shape_cast %swap3A_710 : vector<16xi32> to vector<16xi32>
        %swap3A_712 = vector.shape_cast %select_n3A_708 : vector<16xi32> to vector<16xi32>
        tpu.vector_store %arg10[%swap3A_709], %swap3A_712 {strides = array<i32>} : memref<640xi32, #tpu.memory_space<vmem>>, vector<16xi32>,
        %get3A_713 = arith.constant 368 : index
        %get3A_714 = tpu.vector_load %arg9[%get3A_713] {strides = array<i32>} : memref<640xi32, #tpu.memory_space<vmem>>, vector<16xi32>,
        %get3A_715 = vector.shape_cast %get3A_714 : vector<16xi32> to vector<16xi32>
        %iota3A_716 = tpu.iota {dimensions = array<i32: 0>} : vector<16xi32>
        %add3A_717 = arith.constant 368 : i32
        %add3A_718 = arith.addi %sub3A_76, %add3A_717 : i32
        %add3A_719 = vector.broadcast %add3A_718 : i32 to vector<16xi32>
        %add3A_720 = arith.addi %iota3A_716, %add3A_719 : vector<16xi32>
        %sub3A_721 = vector.broadcast %mul3A_16 : i32 to vector<16xi32>
        %sub3A_722 = arith.subi %get3A_715, %sub3A_721 : vector<16xi32>
        %ge3A_723 = arith.constant 0 : i32
        %ge3A_724 = vector.broadcast %ge3A_723 : i32 to vector<16xi32>
        %ge3A_725 = arith.cmpi sge, %add3A_720, %ge3A_724 : vector<16xi32>
        %ge3A_726 = arith.constant 0 : i32
        %ge3A_727 = vector.broadcast %ge3A_726 : i32 to vector<16xi32>
        %ge3A_728 = arith.cmpi sge, %sub3A_722, %ge3A_727 : vector<16xi32>
        %and3A_729 = arith.andi %ge3A_725, %ge3A_728 : vector<16xi1>
        %lt3A_730 = arith.constant 3328 : i32
        %lt3A_731 = vector.broadcast %lt3A_730 : i32 to vector<16xi32>
        %lt3A_732 = arith.cmpi slt, %sub3A_722, %lt3A_731 : vector<16xi32>
        %and3A_733 = arith.andi %and3A_729, %lt3A_732 : vector<16xi1>
        %broadcast_in_dim3A_734 = arith.constant 3328 : i32
        %broadcast_in_dim3A_735 = vector.broadcast %broadcast_in_dim3A_734 : i32 to vector<16xi32>
        %select_n3A_736 = arith.select %and3A_733, %sub3A_722, %broadcast_in_dim3A_735 : vector<16xi1>, vector<16xi32>
        %swap3A_737 = arith.constant 368 : index
        %swap3A_738 = tpu.vector_load %arg10[%swap3A_737] {strides = array<i32>} : memref<640xi32, #tpu.memory_space<vmem>>, vector<16xi32>,
        %swap3A_739 = vector.shape_cast %swap3A_738 : vector<16xi32> to vector<16xi32>
        %swap3A_740 = vector.shape_cast %select_n3A_736 : vector<16xi32> to vector<16xi32>
        tpu.vector_store %arg10[%swap3A_737], %swap3A_740 {strides = array<i32>} : memref<640xi32, #tpu.memory_space<vmem>>, vector<16xi32>,
        %get3A_741 = arith.constant 384 : index
        %get3A_742 = tpu.vector_load %arg9[%get3A_741] {strides = array<i32>} : memref<640xi32, #tpu.memory_space<vmem>>, vector<16xi32>,
        %get3A_743 = vector.shape_cast %get3A_742 : vector<16xi32> to vector<16xi32>
        %iota3A_744 = tpu.iota {dimensions = array<i32: 0>} : vector<16xi32>
        %add3A_745 = arith.constant 384 : i32
        %add3A_746 = arith.addi %sub3A_76, %add3A_745 : i32
        %add3A_747 = vector.broadcast %add3A_746 : i32 to vector<16xi32>
        %add3A_748 = arith.addi %iota3A_744, %add3A_747 : vector<16xi32>
        %sub3A_749 = vector.broadcast %mul3A_16 : i32 to vector<16xi32>
        %sub3A_750 = arith.subi %get3A_743, %sub3A_749 : vector<16xi32>
        %ge3A_751 = arith.constant 0 : i32
        %ge3A_752 = vector.broadcast %ge3A_751 : i32 to vector<16xi32>
        %ge3A_753 = arith.cmpi sge, %add3A_748, %ge3A_752 : vector<16xi32>
        %ge3A_754 = arith.constant 0 : i32
        %ge3A_755 = vector.broadcast %ge3A_754 : i32 to vector<16xi32>
        %ge3A_756 = arith.cmpi sge, %sub3A_750, %ge3A_755 : vector<16xi32>
        %and3A_757 = arith.andi %ge3A_753, %ge3A_756 : vector<16xi1>
        %lt3A_758 = arith.constant 3328 : i32
        %lt3A_759 = vector.broadcast %lt3A_758 : i32 to vector<16xi32>
        %lt3A_760 = arith.cmpi slt, %sub3A_750, %lt3A_759 : vector<16xi32>
        %and3A_761 = arith.andi %and3A_757, %lt3A_760 : vector<16xi1>
        %broadcast_in_dim3A_762 = arith.constant 3328 : i32
        %broadcast_in_dim3A_763 = vector.broadcast %broadcast_in_dim3A_762 : i32 to vector<16xi32>
        %select_n3A_764 = arith.select %and3A_761, %sub3A_750, %broadcast_in_dim3A_763 : vector<16xi1>, vector<16xi32>
        %swap3A_765 = arith.constant 384 : index
        %swap3A_766 = tpu.vector_load %arg10[%swap3A_765] {strides = array<i32>} : memref<640xi32, #tpu.memory_space<vmem>>, vector<16xi32>,
        %swap3A_767 = vector.shape_cast %swap3A_766 : vector<16xi32> to vector<16xi32>
        %swap3A_768 = vector.shape_cast %select_n3A_764 : vector<16xi32> to vector<16xi32>
        tpu.vector_store %arg10[%swap3A_765], %swap3A_768 {strides = array<i32>} : memref<640xi32, #tpu.memory_space<vmem>>, vector<16xi32>,
        %get3A_769 = arith.constant 400 : index
        %get3A_770 = tpu.vector_load %arg9[%get3A_769] {strides = array<i32>} : memref<640xi32, #tpu.memory_space<vmem>>, vector<16xi32>,
        %get3A_771 = vector.shape_cast %get3A_770 : vector<16xi32> to vector<16xi32>
        %iota3A_772 = tpu.iota {dimensions = array<i32: 0>} : vector<16xi32>
        %add3A_773 = arith.constant 400 : i32
        %add3A_774 = arith.addi %sub3A_76, %add3A_773 : i32
        %add3A_775 = vector.broadcast %add3A_774 : i32 to vector<16xi32>
        %add3A_776 = arith.addi %iota3A_772, %add3A_775 : vector<16xi32>
        %sub3A_777 = vector.broadcast %mul3A_16 : i32 to vector<16xi32>
        %sub3A_778 = arith.subi %get3A_771, %sub3A_777 : vector<16xi32>
        %ge3A_779 = arith.constant 0 : i32
        %ge3A_780 = vector.broadcast %ge3A_779 : i32 to vector<16xi32>
        %ge3A_781 = arith.cmpi sge, %add3A_776, %ge3A_780 : vector<16xi32>
        %ge3A_782 = arith.constant 0 : i32
        %ge3A_783 = vector.broadcast %ge3A_782 : i32 to vector<16xi32>
        %ge3A_784 = arith.cmpi sge, %sub3A_778, %ge3A_783 : vector<16xi32>
        %and3A_785 = arith.andi %ge3A_781, %ge3A_784 : vector<16xi1>
        %lt3A_786 = arith.constant 3328 : i32
        %lt3A_787 = vector.broadcast %lt3A_786 : i32 to vector<16xi32>
        %lt3A_788 = arith.cmpi slt, %sub3A_778, %lt3A_787 : vector<16xi32>
        %and3A_789 = arith.andi %and3A_785, %lt3A_788 : vector<16xi1>
        %broadcast_in_dim3A_790 = arith.constant 3328 : i32
        %broadcast_in_dim3A_791 = vector.broadcast %broadcast_in_dim3A_790 : i32 to vector<16xi32>
        %select_n3A_792 = arith.select %and3A_789, %sub3A_778, %broadcast_in_dim3A_791 : vector<16xi1>, vector<16xi32>
        %swap3A_793 = arith.constant 400 : index
        %swap3A_794 = tpu.vector_load %arg10[%swap3A_793] {strides = array<i32>} : memref<640xi32, #tpu.memory_space<vmem>>, vector<16xi32>,
        %swap3A_795 = vector.shape_cast %swap3A_794 : vector<16xi32> to vector<16xi32>
        %swap3A_796 = vector.shape_cast %select_n3A_792 : vector<16xi32> to vector<16xi32>
        tpu.vector_store %arg10[%swap3A_793], %swap3A_796 {strides = array<i32>} : memref<640xi32, #tpu.memory_space<vmem>>, vector<16xi32>,
        %get3A_797 = arith.constant 416 : index
        %get3A_798 = tpu.vector_load %arg9[%get3A_797] {strides = array<i32>} : memref<640xi32, #tpu.memory_space<vmem>>, vector<16xi32>,
        %get3A_799 = vector.shape_cast %get3A_798 : vector<16xi32> to vector<16xi32>
        %iota3A_800 = tpu.iota {dimensions = array<i32: 0>} : vector<16xi32>
        %add3A_801 = arith.constant 416 : i32
        %add3A_802 = arith.addi %sub3A_76, %add3A_801 : i32
        %add3A_803 = vector.broadcast %add3A_802 : i32 to vector<16xi32>
        %add3A_804 = arith.addi %iota3A_800, %add3A_803 : vector<16xi32>
        %sub3A_805 = vector.broadcast %mul3A_16 : i32 to vector<16xi32>
        %sub3A_806 = arith.subi %get3A_799, %sub3A_805 : vector<16xi32>
        %ge3A_807 = arith.constant 0 : i32
        %ge3A_808 = vector.broadcast %ge3A_807 : i32 to vector<16xi32>
        %ge3A_809 = arith.cmpi sge, %add3A_804, %ge3A_808 : vector<16xi32>
        %ge3A_810 = arith.constant 0 : i32
        %ge3A_811 = vector.broadcast %ge3A_810 : i32 to vector<16xi32>
        %ge3A_812 = arith.cmpi sge, %sub3A_806, %ge3A_811 : vector<16xi32>
        %and3A_813 = arith.andi %ge3A_809, %ge3A_812 : vector<16xi1>
        %lt3A_814 = arith.constant 3328 : i32
        %lt3A_815 = vector.broadcast %lt3A_814 : i32 to vector<16xi32>
        %lt3A_816 = arith.cmpi slt, %sub3A_806, %lt3A_815 : vector<16xi32>
        %and3A_817 = arith.andi %and3A_813, %lt3A_816 : vector<16xi1>
        %broadcast_in_dim3A_818 = arith.constant 3328 : i32
        %broadcast_in_dim3A_819 = vector.broadcast %broadcast_in_dim3A_818 : i32 to vector<16xi32>
        %select_n3A_820 = arith.select %and3A_817, %sub3A_806, %broadcast_in_dim3A_819 : vector<16xi1>, vector<16xi32>
        %swap3A_821 = arith.constant 416 : index
        %swap3A_822 = tpu.vector_load %arg10[%swap3A_821] {strides = array<i32>} : memref<640xi32, #tpu.memory_space<vmem>>, vector<16xi32>,
        %swap3A_823 = vector.shape_cast %swap3A_822 : vector<16xi32> to vector<16xi32>
        %swap3A_824 = vector.shape_cast %select_n3A_820 : vector<16xi32> to vector<16xi32>
        tpu.vector_store %arg10[%swap3A_821], %swap3A_824 {strides = array<i32>} : memref<640xi32, #tpu.memory_space<vmem>>, vector<16xi32>,
        %get3A_825 = arith.constant 432 : index
        %get3A_826 = tpu.vector_load %arg9[%get3A_825] {strides = array<i32>} : memref<640xi32, #tpu.memory_space<vmem>>, vector<16xi32>,
        %get3A_827 = vector.shape_cast %get3A_826 : vector<16xi32> to vector<16xi32>
        %iota3A_828 = tpu.iota {dimensions = array<i32: 0>} : vector<16xi32>
        %add3A_829 = arith.constant 432 : i32
        %add3A_830 = arith.addi %sub3A_76, %add3A_829 : i32
        %add3A_831 = vector.broadcast %add3A_830 : i32 to vector<16xi32>
        %add3A_832 = arith.addi %iota3A_828, %add3A_831 : vector<16xi32>
        %sub3A_833 = vector.broadcast %mul3A_16 : i32 to vector<16xi32>
        %sub3A_834 = arith.subi %get3A_827, %sub3A_833 : vector<16xi32>
        %ge3A_835 = arith.constant 0 : i32
        %ge3A_836 = vector.broadcast %ge3A_835 : i32 to vector<16xi32>
        %ge3A_837 = arith.cmpi sge, %add3A_832, %ge3A_836 : vector<16xi32>
        %ge3A_838 = arith.constant 0 : i32
        %ge3A_839 = vector.broadcast %ge3A_838 : i32 to vector<16xi32>
        %ge3A_840 = arith.cmpi sge, %sub3A_834, %ge3A_839 : vector<16xi32>
        %and3A_841 = arith.andi %ge3A_837, %ge3A_840 : vector<16xi1>
        %lt3A_842 = arith.constant 3328 : i32
        %lt3A_843 = vector.broadcast %lt3A_842 : i32 to vector<16xi32>
        %lt3A_844 = arith.cmpi slt, %sub3A_834, %lt3A_843 : vector<16xi32>
        %and3A_845 = arith.andi %and3A_841, %lt3A_844 : vector<16xi1>
        %broadcast_in_dim3A_846 = arith.constant 3328 : i32
        %broadcast_in_dim3A_847 = vector.broadcast %broadcast_in_dim3A_846 : i32 to vector<16xi32>
        %select_n3A_848 = arith.select %and3A_845, %sub3A_834, %broadcast_in_dim3A_847 : vector<16xi1>, vector<16xi32>
        %swap3A_849 = arith.constant 432 : index
        %swap3A_850 = tpu.vector_load %arg10[%swap3A_849] {strides = array<i32>} : memref<640xi32, #tpu.memory_space<vmem>>, vector<16xi32>,
        %swap3A_851 = vector.shape_cast %swap3A_850 : vector<16xi32> to vector<16xi32>
        %swap3A_852 = vector.shape_cast %select_n3A_848 : vector<16xi32> to vector<16xi32>
        tpu.vector_store %arg10[%swap3A_849], %swap3A_852 {strides = array<i32>} : memref<640xi32, #tpu.memory_space<vmem>>, vector<16xi32>,
        %get3A_853 = arith.constant 448 : index
        %get3A_854 = tpu.vector_load %arg9[%get3A_853] {strides = array<i32>} : memref<640xi32, #tpu.memory_space<vmem>>, vector<16xi32>,
        %get3A_855 = vector.shape_cast %get3A_854 : vector<16xi32> to vector<16xi32>
        %iota3A_856 = tpu.iota {dimensions = array<i32: 0>} : vector<16xi32>
        %add3A_857 = arith.constant 448 : i32
        %add3A_858 = arith.addi %sub3A_76, %add3A_857 : i32
        %add3A_859 = vector.broadcast %add3A_858 : i32 to vector<16xi32>
        %add3A_860 = arith.addi %iota3A_856, %add3A_859 : vector<16xi32>
        %sub3A_861 = vector.broadcast %mul3A_16 : i32 to vector<16xi32>
        %sub3A_862 = arith.subi %get3A_855, %sub3A_861 : vector<16xi32>
        %ge3A_863 = arith.constant 0 : i32
        %ge3A_864 = vector.broadcast %ge3A_863 : i32 to vector<16xi32>
        %ge3A_865 = arith.cmpi sge, %add3A_860, %ge3A_864 : vector<16xi32>
        %ge3A_866 = arith.constant 0 : i32
        %ge3A_867 = vector.broadcast %ge3A_866 : i32 to vector<16xi32>
        %ge3A_868 = arith.cmpi sge, %sub3A_862, %ge3A_867 : vector<16xi32>
        %and3A_869 = arith.andi %ge3A_865, %ge3A_868 : vector<16xi1>
        %lt3A_870 = arith.constant 3328 : i32
        %lt3A_871 = vector.broadcast %lt3A_870 : i32 to vector<16xi32>
        %lt3A_872 = arith.cmpi slt, %sub3A_862, %lt3A_871 : vector<16xi32>
        %and3A_873 = arith.andi %and3A_869, %lt3A_872 : vector<16xi1>
        %broadcast_in_dim3A_874 = arith.constant 3328 : i32
        %broadcast_in_dim3A_875 = vector.broadcast %broadcast_in_dim3A_874 : i32 to vector<16xi32>
        %select_n3A_876 = arith.select %and3A_873, %sub3A_862, %broadcast_in_dim3A_875 : vector<16xi1>, vector<16xi32>
        %swap3A_877 = arith.constant 448 : index
        %swap3A_878 = tpu.vector_load %arg10[%swap3A_877] {strides = array<i32>} : memref<640xi32, #tpu.memory_space<vmem>>, vector<16xi32>,
        %swap3A_879 = vector.shape_cast %swap3A_878 : vector<16xi32> to vector<16xi32>
        %swap3A_880 = vector.shape_cast %select_n3A_876 : vector<16xi32> to vector<16xi32>
        tpu.vector_store %arg10[%swap3A_877], %swap3A_880 {strides = array<i32>} : memref<640xi32, #tpu.memory_space<vmem>>, vector<16xi32>,
        %get3A_881 = arith.constant 464 : index
        %get3A_882 = tpu.vector_load %arg9[%get3A_881] {strides = array<i32>} : memref<640xi32, #tpu.memory_space<vmem>>, vector<16xi32>,
        %get3A_883 = vector.shape_cast %get3A_882 : vector<16xi32> to vector<16xi32>
        %iota3A_884 = tpu.iota {dimensions = array<i32: 0>} : vector<16xi32>
        %add3A_885 = arith.constant 464 : i32
        %add3A_886 = arith.addi %sub3A_76, %add3A_885 : i32
        %add3A_887 = vector.broadcast %add3A_886 : i32 to vector<16xi32>
        %add3A_888 = arith.addi %iota3A_884, %add3A_887 : vector<16xi32>
        %sub3A_889 = vector.broadcast %mul3A_16 : i32 to vector<16xi32>
        %sub3A_890 = arith.subi %get3A_883, %sub3A_889 : vector<16xi32>
        %ge3A_891 = arith.constant 0 : i32
        %ge3A_892 = vector.broadcast %ge3A_891 : i32 to vector<16xi32>
        %ge3A_893 = arith.cmpi sge, %add3A_888, %ge3A_892 : vector<16xi32>
        %ge3A_894 = arith.constant 0 : i32
        %ge3A_895 = vector.broadcast %ge3A_894 : i32 to vector<16xi32>
        %ge3A_896 = arith.cmpi sge, %sub3A_890, %ge3A_895 : vector<16xi32>
        %and3A_897 = arith.andi %ge3A_893, %ge3A_896 : vector<16xi1>
        %lt3A_898 = arith.constant 3328 : i32
        %lt3A_899 = vector.broadcast %lt3A_898 : i32 to vector<16xi32>
        %lt3A_900 = arith.cmpi slt, %sub3A_890, %lt3A_899 : vector<16xi32>
        %and3A_901 = arith.andi %and3A_897, %lt3A_900 : vector<16xi1>
        %broadcast_in_dim3A_902 = arith.constant 3328 : i32
        %broadcast_in_dim3A_903 = vector.broadcast %broadcast_in_dim3A_902 : i32 to vector<16xi32>
        %select_n3A_904 = arith.select %and3A_901, %sub3A_890, %broadcast_in_dim3A_903 : vector<16xi1>, vector<16xi32>
        %swap3A_905 = arith.constant 464 : index
        %swap3A_906 = tpu.vector_load %arg10[%swap3A_905] {strides = array<i32>} : memref<640xi32, #tpu.memory_space<vmem>>, vector<16xi32>,
        %swap3A_907 = vector.shape_cast %swap3A_906 : vector<16xi32> to vector<16xi32>
        %swap3A_908 = vector.shape_cast %select_n3A_904 : vector<16xi32> to vector<16xi32>
        tpu.vector_store %arg10[%swap3A_905], %swap3A_908 {strides = array<i32>} : memref<640xi32, #tpu.memory_space<vmem>>, vector<16xi32>,
        %get3A_909 = arith.constant 480 : index
        %get3A_910 = tpu.vector_load %arg9[%get3A_909] {strides = array<i32>} : memref<640xi32, #tpu.memory_space<vmem>>, vector<16xi32>,
        %get3A_911 = vector.shape_cast %get3A_910 : vector<16xi32> to vector<16xi32>
        %iota3A_912 = tpu.iota {dimensions = array<i32: 0>} : vector<16xi32>
        %add3A_913 = arith.constant 480 : i32
        %add3A_914 = arith.addi %sub3A_76, %add3A_913 : i32
        %add3A_915 = vector.broadcast %add3A_914 : i32 to vector<16xi32>
        %add3A_916 = arith.addi %iota3A_912, %add3A_915 : vector<16xi32>
        %sub3A_917 = vector.broadcast %mul3A_16 : i32 to vector<16xi32>
        %sub3A_918 = arith.subi %get3A_911, %sub3A_917 : vector<16xi32>
        %ge3A_919 = arith.constant 0 : i32
        %ge3A_920 = vector.broadcast %ge3A_919 : i32 to vector<16xi32>
        %ge3A_921 = arith.cmpi sge, %add3A_916, %ge3A_920 : vector<16xi32>
        %ge3A_922 = arith.constant 0 : i32
        %ge3A_923 = vector.broadcast %ge3A_922 : i32 to vector<16xi32>
        %ge3A_924 = arith.cmpi sge, %sub3A_918, %ge3A_923 : vector<16xi32>
        %and3A_925 = arith.andi %ge3A_921, %ge3A_924 : vector<16xi1>
        %lt3A_926 = arith.constant 3328 : i32
        %lt3A_927 = vector.broadcast %lt3A_926 : i32 to vector<16xi32>
        %lt3A_928 = arith.cmpi slt, %sub3A_918, %lt3A_927 : vector<16xi32>
        %and3A_929 = arith.andi %and3A_925, %lt3A_928 : vector<16xi1>
        %broadcast_in_dim3A_930 = arith.constant 3328 : i32
        %broadcast_in_dim3A_931 = vector.broadcast %broadcast_in_dim3A_930 : i32 to vector<16xi32>
        %select_n3A_932 = arith.select %and3A_929, %sub3A_918, %broadcast_in_dim3A_931 : vector<16xi1>, vector<16xi32>
        %swap3A_933 = arith.constant 480 : index
        %swap3A_934 = tpu.vector_load %arg10[%swap3A_933] {strides = array<i32>} : memref<640xi32, #tpu.memory_space<vmem>>, vector<16xi32>,
        %swap3A_935 = vector.shape_cast %swap3A_934 : vector<16xi32> to vector<16xi32>
        %swap3A_936 = vector.shape_cast %select_n3A_932 : vector<16xi32> to vector<16xi32>
        tpu.vector_store %arg10[%swap3A_933], %swap3A_936 {strides = array<i32>} : memref<640xi32, #tpu.memory_space<vmem>>, vector<16xi32>,
        %get3A_937 = arith.constant 496 : index
        %get3A_938 = tpu.vector_load %arg9[%get3A_937] {strides = array<i32>} : memref<640xi32, #tpu.memory_space<vmem>>, vector<16xi32>,
        %get3A_939 = vector.shape_cast %get3A_938 : vector<16xi32> to vector<16xi32>
        %iota3A_940 = tpu.iota {dimensions = array<i32: 0>} : vector<16xi32>
        %add3A_941 = arith.constant 496 : i32
        %add3A_942 = arith.addi %sub3A_76, %add3A_941 : i32
        %add3A_943 = vector.broadcast %add3A_942 : i32 to vector<16xi32>
        %add3A_944 = arith.addi %iota3A_940, %add3A_943 : vector<16xi32>
        %sub3A_945 = vector.broadcast %mul3A_16 : i32 to vector<16xi32>
        %sub3A_946 = arith.subi %get3A_939, %sub3A_945 : vector<16xi32>
        %ge3A_947 = arith.constant 0 : i32
        %ge3A_948 = vector.broadcast %ge3A_947 : i32 to vector<16xi32>
        %ge3A_949 = arith.cmpi sge, %add3A_944, %ge3A_948 : vector<16xi32>
        %ge3A_950 = arith.constant 0 : i32
        %ge3A_951 = vector.broadcast %ge3A_950 : i32 to vector<16xi32>
        %ge3A_952 = arith.cmpi sge, %sub3A_946, %ge3A_951 : vector<16xi32>
        %and3A_953 = arith.andi %ge3A_949, %ge3A_952 : vector<16xi1>
        %lt3A_954 = arith.constant 3328 : i32
        %lt3A_955 = vector.broadcast %lt3A_954 : i32 to vector<16xi32>
        %lt3A_956 = arith.cmpi slt, %sub3A_946, %lt3A_955 : vector<16xi32>
        %and3A_957 = arith.andi %and3A_953, %lt3A_956 : vector<16xi1>
        %broadcast_in_dim3A_958 = arith.constant 3328 : i32
        %broadcast_in_dim3A_959 = vector.broadcast %broadcast_in_dim3A_958 : i32 to vector<16xi32>
        %select_n3A_960 = arith.select %and3A_957, %sub3A_946, %broadcast_in_dim3A_959 : vector<16xi1>, vector<16xi32>
        %swap3A_961 = arith.constant 496 : index
        %swap3A_962 = tpu.vector_load %arg10[%swap3A_961] {strides = array<i32>} : memref<640xi32, #tpu.memory_space<vmem>>, vector<16xi32>,
        %swap3A_963 = vector.shape_cast %swap3A_962 : vector<16xi32> to vector<16xi32>
        %swap3A_964 = vector.shape_cast %select_n3A_960 : vector<16xi32> to vector<16xi32>
        tpu.vector_store %arg10[%swap3A_961], %swap3A_964 {strides = array<i32>} : memref<640xi32, #tpu.memory_space<vmem>>, vector<16xi32>,
        %get3A_965 = arith.constant 512 : index
        %get3A_966 = tpu.vector_load %arg9[%get3A_965] {strides = array<i32>} : memref<640xi32, #tpu.memory_space<vmem>>, vector<16xi32>,
        %get3A_967 = vector.shape_cast %get3A_966 : vector<16xi32> to vector<16xi32>
        %iota3A_968 = tpu.iota {dimensions = array<i32: 0>} : vector<16xi32>
        %add3A_969 = arith.constant 512 : i32
        %add3A_970 = arith.addi %sub3A_76, %add3A_969 : i32
        %add3A_971 = vector.broadcast %add3A_970 : i32 to vector<16xi32>
        %add3A_972 = arith.addi %iota3A_968, %add3A_971 : vector<16xi32>
        %sub3A_973 = vector.broadcast %mul3A_16 : i32 to vector<16xi32>
        %sub3A_974 = arith.subi %get3A_967, %sub3A_973 : vector<16xi32>
        %ge3A_975 = arith.constant 0 : i32
        %ge3A_976 = vector.broadcast %ge3A_975 : i32 to vector<16xi32>
        %ge3A_977 = arith.cmpi sge, %add3A_972, %ge3A_976 : vector<16xi32>
        %ge3A_978 = arith.constant 0 : i32
        %ge3A_979 = vector.broadcast %ge3A_978 : i32 to vector<16xi32>
        %ge3A_980 = arith.cmpi sge, %sub3A_974, %ge3A_979 : vector<16xi32>
        %and3A_981 = arith.andi %ge3A_977, %ge3A_980 : vector<16xi1>
        %lt3A_982 = arith.constant 3328 : i32
        %lt3A_983 = vector.broadcast %lt3A_982 : i32 to vector<16xi32>
        %lt3A_984 = arith.cmpi slt, %sub3A_974, %lt3A_983 : vector<16xi32>
        %and3A_985 = arith.andi %and3A_981, %lt3A_984 : vector<16xi1>
        %broadcast_in_dim3A_986 = arith.constant 3328 : i32
        %broadcast_in_dim3A_987 = vector.broadcast %broadcast_in_dim3A_986 : i32 to vector<16xi32>
        %select_n3A_988 = arith.select %and3A_985, %sub3A_974, %broadcast_in_dim3A_987 : vector<16xi1>, vector<16xi32>
        %swap3A_989 = arith.constant 512 : index
        %swap3A_990 = tpu.vector_load %arg10[%swap3A_989] {strides = array<i32>} : memref<640xi32, #tpu.memory_space<vmem>>, vector<16xi32>,
        %swap3A_991 = vector.shape_cast %swap3A_990 : vector<16xi32> to vector<16xi32>
        %swap3A_992 = vector.shape_cast %select_n3A_988 : vector<16xi32> to vector<16xi32>
        tpu.vector_store %arg10[%swap3A_989], %swap3A_992 {strides = array<i32>} : memref<640xi32, #tpu.memory_space<vmem>>, vector<16xi32>,
        %get3A_993 = arith.constant 528 : index
        %get3A_994 = tpu.vector_load %arg9[%get3A_993] {strides = array<i32>} : memref<640xi32, #tpu.memory_space<vmem>>, vector<16xi32>,
        %get3A_995 = vector.shape_cast %get3A_994 : vector<16xi32> to vector<16xi32>
        %iota3A_996 = tpu.iota {dimensions = array<i32: 0>} : vector<16xi32>
        %add3A_997 = arith.constant 528 : i32
        %add3A_998 = arith.addi %sub3A_76, %add3A_997 : i32
        %add3A_999 = vector.broadcast %add3A_998 : i32 to vector<16xi32>
        %add3A_1000 = arith.addi %iota3A_996, %add3A_999 : vector<16xi32>
        %sub3A_1001 = vector.broadcast %mul3A_16 : i32 to vector<16xi32>
        %sub3A_1002 = arith.subi %get3A_995, %sub3A_1001 : vector<16xi32>
        %ge3A_1003 = arith.constant 0 : i32
        %ge3A_1004 = vector.broadcast %ge3A_1003 : i32 to vector<16xi32>
        %ge3A_1005 = arith.cmpi sge, %add3A_1000, %ge3A_1004 : vector<16xi32>
        %ge3A_1006 = arith.constant 0 : i32
        %ge3A_1007 = vector.broadcast %ge3A_1006 : i32 to vector<16xi32>
        %ge3A_1008 = arith.cmpi sge, %sub3A_1002, %ge3A_1007 : vector<16xi32>
        %and3A_1009 = arith.andi %ge3A_1005, %ge3A_1008 : vector<16xi1>
        %lt3A_1010 = arith.constant 3328 : i32
        %lt3A_1011 = vector.broadcast %lt3A_1010 : i32 to vector<16xi32>
        %lt3A_1012 = arith.cmpi slt, %sub3A_1002, %lt3A_1011 : vector<16xi32>
        %and3A_1013 = arith.andi %and3A_1009, %lt3A_1012 : vector<16xi1>
        %broadcast_in_dim3A_1014 = arith.constant 3328 : i32
        %broadcast_in_dim3A_1015 = vector.broadcast %broadcast_in_dim3A_1014 : i32 to vector<16xi32>
        %select_n3A_1016 = arith.select %and3A_1013, %sub3A_1002, %broadcast_in_dim3A_1015 : vector<16xi1>, vector<16xi32>
        %swap3A_1017 = arith.constant 528 : index
        %swap3A_1018 = tpu.vector_load %arg10[%swap3A_1017] {strides = array<i32>} : memref<640xi32, #tpu.memory_space<vmem>>, vector<16xi32>,
        %swap3A_1019 = vector.shape_cast %swap3A_1018 : vector<16xi32> to vector<16xi32>
        %swap3A_1020 = vector.shape_cast %select_n3A_1016 : vector<16xi32> to vector<16xi32>
        tpu.vector_store %arg10[%swap3A_1017], %swap3A_1020 {strides = array<i32>} : memref<640xi32, #tpu.memory_space<vmem>>, vector<16xi32>,
        %get3A_1021 = arith.constant 544 : index
        %get3A_1022 = tpu.vector_load %arg9[%get3A_1021] {strides = array<i32>} : memref<640xi32, #tpu.memory_space<vmem>>, vector<16xi32>,
        %get3A_1023 = vector.shape_cast %get3A_1022 : vector<16xi32> to vector<16xi32>
        %iota3A_1024 = tpu.iota {dimensions = array<i32: 0>} : vector<16xi32>
        %add3A_1025 = arith.constant 544 : i32
        %add3A_1026 = arith.addi %sub3A_76, %add3A_1025 : i32
        %add3A_1027 = vector.broadcast %add3A_1026 : i32 to vector<16xi32>
        %add3A_1028 = arith.addi %iota3A_1024, %add3A_1027 : vector<16xi32>
        %sub3A_1029 = vector.broadcast %mul3A_16 : i32 to vector<16xi32>
        %sub3A_1030 = arith.subi %get3A_1023, %sub3A_1029 : vector<16xi32>
        %ge3A_1031 = arith.constant 0 : i32
        %ge3A_1032 = vector.broadcast %ge3A_1031 : i32 to vector<16xi32>
        %ge3A_1033 = arith.cmpi sge, %add3A_1028, %ge3A_1032 : vector<16xi32>
        %ge3A_1034 = arith.constant 0 : i32
        %ge3A_1035 = vector.broadcast %ge3A_1034 : i32 to vector<16xi32>
        %ge3A_1036 = arith.cmpi sge, %sub3A_1030, %ge3A_1035 : vector<16xi32>
        %and3A_1037 = arith.andi %ge3A_1033, %ge3A_1036 : vector<16xi1>
        %lt3A_1038 = arith.constant 3328 : i32
        %lt3A_1039 = vector.broadcast %lt3A_1038 : i32 to vector<16xi32>
        %lt3A_1040 = arith.cmpi slt, %sub3A_1030, %lt3A_1039 : vector<16xi32>
        %and3A_1041 = arith.andi %and3A_1037, %lt3A_1040 : vector<16xi1>
        %broadcast_in_dim3A_1042 = arith.constant 3328 : i32
        %broadcast_in_dim3A_1043 = vector.broadcast %broadcast_in_dim3A_1042 : i32 to vector<16xi32>
        %select_n3A_1044 = arith.select %and3A_1041, %sub3A_1030, %broadcast_in_dim3A_1043 : vector<16xi1>, vector<16xi32>
        %swap3A_1045 = arith.constant 544 : index
        %swap3A_1046 = tpu.vector_load %arg10[%swap3A_1045] {strides = array<i32>} : memref<640xi32, #tpu.memory_space<vmem>>, vector<16xi32>,
        %swap3A_1047 = vector.shape_cast %swap3A_1046 : vector<16xi32> to vector<16xi32>
        %swap3A_1048 = vector.shape_cast %select_n3A_1044 : vector<16xi32> to vector<16xi32>
        tpu.vector_store %arg10[%swap3A_1045], %swap3A_1048 {strides = array<i32>} : memref<640xi32, #tpu.memory_space<vmem>>, vector<16xi32>,
        %get3A_1049 = arith.constant 560 : index
        %get3A_1050 = tpu.vector_load %arg9[%get3A_1049] {strides = array<i32>} : memref<640xi32, #tpu.memory_space<vmem>>, vector<16xi32>,
        %get3A_1051 = vector.shape_cast %get3A_1050 : vector<16xi32> to vector<16xi32>
        %iota3A_1052 = tpu.iota {dimensions = array<i32: 0>} : vector<16xi32>
        %add3A_1053 = arith.constant 560 : i32
        %add3A_1054 = arith.addi %sub3A_76, %add3A_1053 : i32
        %add3A_1055 = vector.broadcast %add3A_1054 : i32 to vector<16xi32>
        %add3A_1056 = arith.addi %iota3A_1052, %add3A_1055 : vector<16xi32>
        %sub3A_1057 = vector.broadcast %mul3A_16 : i32 to vector<16xi32>
        %sub3A_1058 = arith.subi %get3A_1051, %sub3A_1057 : vector<16xi32>
        %ge3A_1059 = arith.constant 0 : i32
        %ge3A_1060 = vector.broadcast %ge3A_1059 : i32 to vector<16xi32>
        %ge3A_1061 = arith.cmpi sge, %add3A_1056, %ge3A_1060 : vector<16xi32>
        %ge3A_1062 = arith.constant 0 : i32
        %ge3A_1063 = vector.broadcast %ge3A_1062 : i32 to vector<16xi32>
        %ge3A_1064 = arith.cmpi sge, %sub3A_1058, %ge3A_1063 : vector<16xi32>
        %and3A_1065 = arith.andi %ge3A_1061, %ge3A_1064 : vector<16xi1>
        %lt3A_1066 = arith.constant 3328 : i32
        %lt3A_1067 = vector.broadcast %lt3A_1066 : i32 to vector<16xi32>
        %lt3A_1068 = arith.cmpi slt, %sub3A_1058, %lt3A_1067 : vector<16xi32>
        %and3A_1069 = arith.andi %and3A_1065, %lt3A_1068 : vector<16xi1>
        %broadcast_in_dim3A_1070 = arith.constant 3328 : i32
        %broadcast_in_dim3A_1071 = vector.broadcast %broadcast_in_dim3A_1070 : i32 to vector<16xi32>
        %select_n3A_1072 = arith.select %and3A_1069, %sub3A_1058, %broadcast_in_dim3A_1071 : vector<16xi1>, vector<16xi32>
        %swap3A_1073 = arith.constant 560 : index
        %swap3A_1074 = tpu.vector_load %arg10[%swap3A_1073] {strides = array<i32>} : memref<640xi32, #tpu.memory_space<vmem>>, vector<16xi32>,
        %swap3A_1075 = vector.shape_cast %swap3A_1074 : vector<16xi32> to vector<16xi32>
        %swap3A_1076 = vector.shape_cast %select_n3A_1072 : vector<16xi32> to vector<16xi32>
        tpu.vector_store %arg10[%swap3A_1073], %swap3A_1076 {strides = array<i32>} : memref<640xi32, #tpu.memory_space<vmem>>, vector<16xi32>,
        %get3A_1077 = arith.constant 576 : index
        %get3A_1078 = tpu.vector_load %arg9[%get3A_1077] {strides = array<i32>} : memref<640xi32, #tpu.memory_space<vmem>>, vector<16xi32>,
        %get3A_1079 = vector.shape_cast %get3A_1078 : vector<16xi32> to vector<16xi32>
        %iota3A_1080 = tpu.iota {dimensions = array<i32: 0>} : vector<16xi32>
        %add3A_1081 = arith.constant 576 : i32
        %add3A_1082 = arith.addi %sub3A_76, %add3A_1081 : i32
        %add3A_1083 = vector.broadcast %add3A_1082 : i32 to vector<16xi32>
        %add3A_1084 = arith.addi %iota3A_1080, %add3A_1083 : vector<16xi32>
        %sub3A_1085 = vector.broadcast %mul3A_16 : i32 to vector<16xi32>
        %sub3A_1086 = arith.subi %get3A_1079, %sub3A_1085 : vector<16xi32>
        %ge3A_1087 = arith.constant 0 : i32
        %ge3A_1088 = vector.broadcast %ge3A_1087 : i32 to vector<16xi32>
        %ge3A_1089 = arith.cmpi sge, %add3A_1084, %ge3A_1088 : vector<16xi32>
        %ge3A_1090 = arith.constant 0 : i32
        %ge3A_1091 = vector.broadcast %ge3A_1090 : i32 to vector<16xi32>
        %ge3A_1092 = arith.cmpi sge, %sub3A_1086, %ge3A_1091 : vector<16xi32>
        %and3A_1093 = arith.andi %ge3A_1089, %ge3A_1092 : vector<16xi1>
        %lt3A_1094 = arith.constant 3328 : i32
        %lt3A_1095 = vector.broadcast %lt3A_1094 : i32 to vector<16xi32>
        %lt3A_1096 = arith.cmpi slt, %sub3A_1086, %lt3A_1095 : vector<16xi32>
        %and3A_1097 = arith.andi %and3A_1093, %lt3A_1096 : vector<16xi1>
        %broadcast_in_dim3A_1098 = arith.constant 3328 : i32
        %broadcast_in_dim3A_1099 = vector.broadcast %broadcast_in_dim3A_1098 : i32 to vector<16xi32>
        %select_n3A_1100 = arith.select %and3A_1097, %sub3A_1086, %broadcast_in_dim3A_1099 : vector<16xi1>, vector<16xi32>
        %swap3A_1101 = arith.constant 576 : index
        %swap3A_1102 = tpu.vector_load %arg10[%swap3A_1101] {strides = array<i32>} : memref<640xi32, #tpu.memory_space<vmem>>, vector<16xi32>,
        %swap3A_1103 = vector.shape_cast %swap3A_1102 : vector<16xi32> to vector<16xi32>
        %swap3A_1104 = vector.shape_cast %select_n3A_1100 : vector<16xi32> to vector<16xi32>
        tpu.vector_store %arg10[%swap3A_1101], %swap3A_1104 {strides = array<i32>} : memref<640xi32, #tpu.memory_space<vmem>>, vector<16xi32>,
        %get3A_1105 = arith.constant 592 : index
        %get3A_1106 = tpu.vector_load %arg9[%get3A_1105] {strides = array<i32>} : memref<640xi32, #tpu.memory_space<vmem>>, vector<16xi32>,
        %get3A_1107 = vector.shape_cast %get3A_1106 : vector<16xi32> to vector<16xi32>
        %iota3A_1108 = tpu.iota {dimensions = array<i32: 0>} : vector<16xi32>
        %add3A_1109 = arith.constant 592 : i32
        %add3A_1110 = arith.addi %sub3A_76, %add3A_1109 : i32
        %add3A_1111 = vector.broadcast %add3A_1110 : i32 to vector<16xi32>
        %add3A_1112 = arith.addi %iota3A_1108, %add3A_1111 : vector<16xi32>
        %sub3A_1113 = vector.broadcast %mul3A_16 : i32 to vector<16xi32>
        %sub3A_1114 = arith.subi %get3A_1107, %sub3A_1113 : vector<16xi32>
        %ge3A_1115 = arith.constant 0 : i32
        %ge3A_1116 = vector.broadcast %ge3A_1115 : i32 to vector<16xi32>
        %ge3A_1117 = arith.cmpi sge, %add3A_1112, %ge3A_1116 : vector<16xi32>
        %ge3A_1118 = arith.constant 0 : i32
        %ge3A_1119 = vector.broadcast %ge3A_1118 : i32 to vector<16xi32>
        %ge3A_1120 = arith.cmpi sge, %sub3A_1114, %ge3A_1119 : vector<16xi32>
        %and3A_1121 = arith.andi %ge3A_1117, %ge3A_1120 : vector<16xi1>
        %lt3A_1122 = arith.constant 3328 : i32
        %lt3A_1123 = vector.broadcast %lt3A_1122 : i32 to vector<16xi32>
        %lt3A_1124 = arith.cmpi slt, %sub3A_1114, %lt3A_1123 : vector<16xi32>
        %and3A_1125 = arith.andi %and3A_1121, %lt3A_1124 : vector<16xi1>
        %broadcast_in_dim3A_1126 = arith.constant 3328 : i32
        %broadcast_in_dim3A_1127 = vector.broadcast %broadcast_in_dim3A_1126 : i32 to vector<16xi32>
        %select_n3A_1128 = arith.select %and3A_1125, %sub3A_1114, %broadcast_in_dim3A_1127 : vector<16xi1>, vector<16xi32>
        %swap3A_1129 = arith.constant 592 : index
        %swap3A_1130 = tpu.vector_load %arg10[%swap3A_1129] {strides = array<i32>} : memref<640xi32, #tpu.memory_space<vmem>>, vector<16xi32>,
        %swap3A_1131 = vector.shape_cast %swap3A_1130 : vector<16xi32> to vector<16xi32>
        %swap3A_1132 = vector.shape_cast %select_n3A_1128 : vector<16xi32> to vector<16xi32>
        tpu.vector_store %arg10[%swap3A_1129], %swap3A_1132 {strides = array<i32>} : memref<640xi32, #tpu.memory_space<vmem>>, vector<16xi32>,
        %get3A_1133 = arith.constant 608 : index
        %get3A_1134 = tpu.vector_load %arg9[%get3A_1133] {strides = array<i32>} : memref<640xi32, #tpu.memory_space<vmem>>, vector<16xi32>,
        %get3A_1135 = vector.shape_cast %get3A_1134 : vector<16xi32> to vector<16xi32>
        %iota3A_1136 = tpu.iota {dimensions = array<i32: 0>} : vector<16xi32>
        %add3A_1137 = arith.constant 608 : i32
        %add3A_1138 = arith.addi %sub3A_76, %add3A_1137 : i32
        %add3A_1139 = vector.broadcast %add3A_1138 : i32 to vector<16xi32>
        %add3A_1140 = arith.addi %iota3A_1136, %add3A_1139 : vector<16xi32>
        %sub3A_1141 = vector.broadcast %mul3A_16 : i32 to vector<16xi32>
        %sub3A_1142 = arith.subi %get3A_1135, %sub3A_1141 : vector<16xi32>
        %ge3A_1143 = arith.constant 0 : i32
        %ge3A_1144 = vector.broadcast %ge3A_1143 : i32 to vector<16xi32>
        %ge3A_1145 = arith.cmpi sge, %add3A_1140, %ge3A_1144 : vector<16xi32>
        %ge3A_1146 = arith.constant 0 : i32
        %ge3A_1147 = vector.broadcast %ge3A_1146 : i32 to vector<16xi32>
        %ge3A_1148 = arith.cmpi sge, %sub3A_1142, %ge3A_1147 : vector<16xi32>
        %and3A_1149 = arith.andi %ge3A_1145, %ge3A_1148 : vector<16xi1>
        %lt3A_1150 = arith.constant 3328 : i32
        %lt3A_1151 = vector.broadcast %lt3A_1150 : i32 to vector<16xi32>
        %lt3A_1152 = arith.cmpi slt, %sub3A_1142, %lt3A_1151 : vector<16xi32>
        %and3A_1153 = arith.andi %and3A_1149, %lt3A_1152 : vector<16xi1>
        %broadcast_in_dim3A_1154 = arith.constant 3328 : i32
        %broadcast_in_dim3A_1155 = vector.broadcast %broadcast_in_dim3A_1154 : i32 to vector<16xi32>
        %select_n3A_1156 = arith.select %and3A_1153, %sub3A_1142, %broadcast_in_dim3A_1155 : vector<16xi1>, vector<16xi32>
        %swap3A_1157 = arith.constant 608 : index
        %swap3A_1158 = tpu.vector_load %arg10[%swap3A_1157] {strides = array<i32>} : memref<640xi32, #tpu.memory_space<vmem>>, vector<16xi32>,
        %swap3A_1159 = vector.shape_cast %swap3A_1158 : vector<16xi32> to vector<16xi32>
        %swap3A_1160 = vector.shape_cast %select_n3A_1156 : vector<16xi32> to vector<16xi32>
        tpu.vector_store %arg10[%swap3A_1157], %swap3A_1160 {strides = array<i32>} : memref<640xi32, #tpu.memory_space<vmem>>, vector<16xi32>,
        %get3A_1161 = arith.constant 624 : index
        %get3A_1162 = tpu.vector_load %arg9[%get3A_1161] {strides = array<i32>} : memref<640xi32, #tpu.memory_space<vmem>>, vector<16xi32>,
        %get3A_1163 = vector.shape_cast %get3A_1162 : vector<16xi32> to vector<16xi32>
        %iota3A_1164 = tpu.iota {dimensions = array<i32: 0>} : vector<16xi32>
        %add3A_1165 = arith.constant 624 : i32
        %add3A_1166 = arith.addi %sub3A_76, %add3A_1165 : i32
        %add3A_1167 = vector.broadcast %add3A_1166 : i32 to vector<16xi32>
        %add3A_1168 = arith.addi %iota3A_1164, %add3A_1167 : vector<16xi32>
        %sub3A_1169 = vector.broadcast %mul3A_16 : i32 to vector<16xi32>
        %sub3A_1170 = arith.subi %get3A_1163, %sub3A_1169 : vector<16xi32>
        %ge3A_1171 = arith.constant 0 : i32
        %ge3A_1172 = vector.broadcast %ge3A_1171 : i32 to vector<16xi32>
        %ge3A_1173 = arith.cmpi sge, %add3A_1168, %ge3A_1172 : vector<16xi32>
        %ge3A_1174 = arith.constant 0 : i32
        %ge3A_1175 = vector.broadcast %ge3A_1174 : i32 to vector<16xi32>
        %ge3A_1176 = arith.cmpi sge, %sub3A_1170, %ge3A_1175 : vector<16xi32>
        %and3A_1177 = arith.andi %ge3A_1173, %ge3A_1176 : vector<16xi1>
        %lt3A_1178 = arith.constant 3328 : i32
        %lt3A_1179 = vector.broadcast %lt3A_1178 : i32 to vector<16xi32>
        %lt3A_1180 = arith.cmpi slt, %sub3A_1170, %lt3A_1179 : vector<16xi32>
        %and3A_1181 = arith.andi %and3A_1177, %lt3A_1180 : vector<16xi1>
        %broadcast_in_dim3A_1182 = arith.constant 3328 : i32
        %broadcast_in_dim3A_1183 = vector.broadcast %broadcast_in_dim3A_1182 : i32 to vector<16xi32>
        %select_n3A_1184 = arith.select %and3A_1181, %sub3A_1170, %broadcast_in_dim3A_1183 : vector<16xi1>, vector<16xi32>
        %swap3A_1185 = arith.constant 624 : index
        %swap3A_1186 = tpu.vector_load %arg10[%swap3A_1185] {strides = array<i32>} : memref<640xi32, #tpu.memory_space<vmem>>, vector<16xi32>,
        %swap3A_1187 = vector.shape_cast %swap3A_1186 : vector<16xi32> to vector<16xi32>
        %swap3A_1188 = vector.shape_cast %select_n3A_1184 : vector<16xi32> to vector<16xi32>
        tpu.vector_store %arg10[%swap3A_1185], %swap3A_1188 {strides = array<i32>} : memref<640xi32, #tpu.memory_space<vmem>>, vector<16xi32>,
        "tpu.region"() ({
          %run_scoped3A = tpu.sem_alloc : memref<!tpu.dma_semaphore, #tpu.memory_space<semaphore_mem>>
          %dma_start3A = arith.constant 0 : i32
          %dma_start3A_1189 = arith.constant 0 : i32
          %dma_start3A_1190 = tpu.memref_slice %arg13[%dma_start3A, %dma_start3A_1189] : memref<3344x128xf32, #tpu.memory_space<vmem_shared>> -> memref<3344x128xf32, #tpu.memory_space<vmem_shared>>
          tpu.enqueue_indirect_dma source(%arg11 : memref<640x128xf32, #tpu.memory_space<vmem>>) target(%dma_start3A_1190 : memref<3344x128xf32, #tpu.memory_space<vmem_shared>>) offsets(%arg10 : memref<640xi32, #tpu.memory_space<vmem>>) semaphore(%run_scoped3A : memref<!tpu.dma_semaphore, #tpu.memory_space<semaphore_mem>>) {add = true}
          %dma_wait3A = arith.constant 0 : i32
          %dma_wait3A_1191 = arith.constant 0 : i32
          %dma_wait3A_1192 = tpu.memref_slice %arg13[%dma_wait3A, %dma_wait3A_1191] : memref<3344x128xf32, #tpu.memory_space<vmem_shared>> -> memref<3344x128xf32, #tpu.memory_space<vmem_shared>>
          tpu.wait_indirect_dma semaphore(%run_scoped3A : memref<!tpu.dma_semaphore, #tpu.memory_space<semaphore_mem>>) src(%arg11 : memref<640x128xf32, #tpu.memory_space<vmem>>) dst(%dma_wait3A_1192 : memref<3344x128xf32, #tpu.memory_space<vmem_shared>>)
          tpu.yield
        }) : () -> ()
      }
      %scan3A_43 = arith.constant 9 : i32
      %mul3A_44 = arith.constant 7504 : i32
      %mul3A_45 = arith.muli %arg1, %mul3A_44 : i32
      %sub3A_46 = arith.constant 120000 : i32
      %sub3A_47 = arith.subi %sub3A_46, %mul3A_45 : i32
      %min3A_48 = arith.constant 7504 : i32
      %min3A_49 = arith.minsi %min3A_48, %sub3A_47 : i32
      %scan3A_50 = arith.constant 0 : i32
      %scan3A_51 = arith.constant 12 : i32
      %scan3A_52 = arith.addi %scan3A_50, %scan3A_51 : i32
      %scan3A_53 = arith.constant 1 : i32
      scf.for %scan3A_62 = %scan3A_50 to %scan3A_52 step %scan3A_53  : i32 {
        %mul3A_63 = arith.constant 1 : i32
        %mul3A_64 = arith.muli %scan3A_62, %mul3A_63 : i32
        %add3A_65 = arith.constant 0 : i32
        %add3A_66 = arith.addi %add3A_65, %mul3A_64 : i32
        %mul3A_67 = arith.constant 640 : i32
        %mul3A_68 = arith.muli %add3A_66, %mul3A_67 : i32
        %sub3A_69 = arith.constant 640 : i32
        %sub3A_70 = arith.subi %min3A_49, %sub3A_69 : i32
        %min3A_71 = arith.minsi %mul3A_68, %sub3A_70 : i32
        %add3A_72 = arith.addi %mul3A_45, %min3A_71 : i32
        "tpu.region"() ({
          %run_scoped3A = tpu.sem_alloc : memref<!tpu.dma_semaphore, #tpu.memory_space<semaphore_mem>>
          %dma_start3A = tpu.memref_slice %arg7[%add3A_72] : memref<120000xi32, #tpu.memory_space<hbm>> -> memref<640xi32, #tpu.memory_space<hbm>>
          %dma_start3A_1189 = tpu.memref_slice %arg7[%add3A_72] : memref<120000xi32, #tpu.memory_space<hbm>> -> memref<640xi32, #tpu.memory_space<hbm>>
          tpu.enqueue_dma source(%dma_start3A_1189 : memref<640xi32, #tpu.memory_space<hbm>>) target(%arg9 : memref<640xi32, #tpu.memory_space<vmem>>) target_semaphore(%run_scoped3A : memref<!tpu.dma_semaphore, #tpu.memory_space<semaphore_mem>>)
          %dma_wait3A = tpu.memref_slice %arg7[%add3A_72] : memref<120000xi32, #tpu.memory_space<hbm>> -> memref<640xi32, #tpu.memory_space<hbm>>
          %dma_wait3A_1190 = tpu.memref_slice %arg7[%add3A_72] : memref<120000xi32, #tpu.memory_space<hbm>> -> memref<640xi32, #tpu.memory_space<hbm>>
          tpu.wait_dma2 semaphore(%run_scoped3A : memref<!tpu.dma_semaphore, #tpu.memory_space<semaphore_mem>>) src(%dma_wait3A_1190 : memref<640xi32, #tpu.memory_space<hbm>>) dst(%arg9 : memref<640xi32, #tpu.memory_space<vmem>>)
          tpu.yield
        }) : () -> ()
        "tpu.region"() ({
          %run_scoped3A = tpu.sem_alloc : memref<!tpu.dma_semaphore, #tpu.memory_space<semaphore_mem>>
          %dma_start3A = arith.constant 0 : i32
          %dma_start3A_1189 = tpu.memref_slice %arg4[%add3A_72, %dma_start3A] : memref<120000x128xf32, #tpu.memory_space<hbm>> -> memref<640x128xf32, #tpu.memory_space<hbm>>
          %dma_start3A_1190 = arith.constant 0 : i32
          %dma_start3A_1191 = tpu.memref_slice %arg4[%add3A_72, %dma_start3A_1190] : memref<120000x128xf32, #tpu.memory_space<hbm>> -> memref<640x128xf32, #tpu.memory_space<hbm>>
          tpu.enqueue_dma source(%dma_start3A_1191 : memref<640x128xf32, #tpu.memory_space<hbm>>) target(%arg11 : memref<640x128xf32, #tpu.memory_space<vmem>>) target_semaphore(%run_scoped3A : memref<!tpu.dma_semaphore, #tpu.memory_space<semaphore_mem>>)
          %dma_wait3A = arith.constant 0 : i32
          %dma_wait3A_1192 = tpu.memref_slice %arg4[%add3A_72, %dma_wait3A] : memref<120000x128xf32, #tpu.memory_space<hbm>> -> memref<640x128xf32, #tpu.memory_space<hbm>>
          %dma_wait3A_1193 = arith.constant 0 : i32
          %dma_wait3A_1194 = tpu.memref_slice %arg4[%add3A_72, %dma_wait3A_1193] : memref<120000x128xf32, #tpu.memory_space<hbm>> -> memref<640x128xf32, #tpu.memory_space<hbm>>
          tpu.wait_dma2 semaphore(%run_scoped3A : memref<!tpu.dma_semaphore, #tpu.memory_space<semaphore_mem>>) src(%dma_wait3A_1194 : memref<640x128xf32, #tpu.memory_space<hbm>>) dst(%arg11 : memref<640x128xf32, #tpu.memory_space<vmem>>)
          tpu.yield
        }) : () -> ()
        %mul3A_73 = arith.constant 640 : i32
        %mul3A_74 = arith.muli %add3A_66, %mul3A_73 : i32
        %add3A_75 = arith.addi %mul3A_45, %mul3A_74 : i32
        %sub3A_76 = arith.subi %add3A_72, %add3A_75 : i32
        %get3A = arith.constant 0 : index
        %get3A_77 = tpu.vector_load %arg9[%get3A] {strides = array<i32>} : memref<640xi32, #tpu.memory_space<vmem>>, vector<16xi32>,
        %get3A_78 = vector.shape_cast %get3A_77 : vector<16xi32> to vector<16xi32>
        %iota3A = tpu.iota {dimensions = array<i32: 0>} : vector<16xi32>
        %add3A_79 = arith.constant 0 : i32
        %add3A_80 = arith.addi %sub3A_76, %add3A_79 : i32
        %add3A_81 = vector.broadcast %add3A_80 : i32 to vector<16xi32>
        %add3A_82 = arith.addi %iota3A, %add3A_81 : vector<16xi32>
        %sub3A_83 = vector.broadcast %mul3A_16 : i32 to vector<16xi32>
        %sub3A_84 = arith.subi %get3A_78, %sub3A_83 : vector<16xi32>
        %ge3A = arith.constant 0 : i32
        %ge3A_85 = vector.broadcast %ge3A : i32 to vector<16xi32>
        %ge3A_86 = arith.cmpi sge, %add3A_82, %ge3A_85 : vector<16xi32>
        %ge3A_87 = arith.constant 0 : i32
        %ge3A_88 = vector.broadcast %ge3A_87 : i32 to vector<16xi32>
        %ge3A_89 = arith.cmpi sge, %sub3A_84, %ge3A_88 : vector<16xi32>
        %and3A = arith.andi %ge3A_86, %ge3A_89 : vector<16xi1>
        %lt3A = arith.constant 3328 : i32
        %lt3A_90 = vector.broadcast %lt3A : i32 to vector<16xi32>
        %lt3A_91 = arith.cmpi slt, %sub3A_84, %lt3A_90 : vector<16xi32>
        %and3A_92 = arith.andi %and3A, %lt3A_91 : vector<16xi1>
        %broadcast_in_dim3A = arith.constant 3328 : i32
        %broadcast_in_dim3A_93 = vector.broadcast %broadcast_in_dim3A : i32 to vector<16xi32>
        %select_n3A = arith.select %and3A_92, %sub3A_84, %broadcast_in_dim3A_93 : vector<16xi1>, vector<16xi32>
        %swap3A = arith.constant 0 : index
        %swap3A_94 = tpu.vector_load %arg10[%swap3A] {strides = array<i32>} : memref<640xi32, #tpu.memory_space<vmem>>, vector<16xi32>,
        %swap3A_95 = vector.shape_cast %swap3A_94 : vector<16xi32> to vector<16xi32>
        %swap3A_96 = vector.shape_cast %select_n3A : vector<16xi32> to vector<16xi32>
        tpu.vector_store %arg10[%swap3A], %swap3A_96 {strides = array<i32>} : memref<640xi32, #tpu.memory_space<vmem>>, vector<16xi32>,
        %get3A_97 = arith.constant 16 : index
        %get3A_98 = tpu.vector_load %arg9[%get3A_97] {strides = array<i32>} : memref<640xi32, #tpu.memory_space<vmem>>, vector<16xi32>,
        %get3A_99 = vector.shape_cast %get3A_98 : vector<16xi32> to vector<16xi32>
        %iota3A_100 = tpu.iota {dimensions = array<i32: 0>} : vector<16xi32>
        %add3A_101 = arith.constant 16 : i32
        %add3A_102 = arith.addi %sub3A_76, %add3A_101 : i32
        %add3A_103 = vector.broadcast %add3A_102 : i32 to vector<16xi32>
        %add3A_104 = arith.addi %iota3A_100, %add3A_103 : vector<16xi32>
        %sub3A_105 = vector.broadcast %mul3A_16 : i32 to vector<16xi32>
        %sub3A_106 = arith.subi %get3A_99, %sub3A_105 : vector<16xi32>
        %ge3A_107 = arith.constant 0 : i32
        %ge3A_108 = vector.broadcast %ge3A_107 : i32 to vector<16xi32>
        %ge3A_109 = arith.cmpi sge, %add3A_104, %ge3A_108 : vector<16xi32>
        %ge3A_110 = arith.constant 0 : i32
        %ge3A_111 = vector.broadcast %ge3A_110 : i32 to vector<16xi32>
        %ge3A_112 = arith.cmpi sge, %sub3A_106, %ge3A_111 : vector<16xi32>
        %and3A_113 = arith.andi %ge3A_109, %ge3A_112 : vector<16xi1>
        %lt3A_114 = arith.constant 3328 : i32
        %lt3A_115 = vector.broadcast %lt3A_114 : i32 to vector<16xi32>
        %lt3A_116 = arith.cmpi slt, %sub3A_106, %lt3A_115 : vector<16xi32>
        %and3A_117 = arith.andi %and3A_113, %lt3A_116 : vector<16xi1>
        %broadcast_in_dim3A_118 = arith.constant 3328 : i32
        %broadcast_in_dim3A_119 = vector.broadcast %broadcast_in_dim3A_118 : i32 to vector<16xi32>
        %select_n3A_120 = arith.select %and3A_117, %sub3A_106, %broadcast_in_dim3A_119 : vector<16xi1>, vector<16xi32>
        %swap3A_121 = arith.constant 16 : index
        %swap3A_122 = tpu.vector_load %arg10[%swap3A_121] {strides = array<i32>} : memref<640xi32, #tpu.memory_space<vmem>>, vector<16xi32>,
        %swap3A_123 = vector.shape_cast %swap3A_122 : vector<16xi32> to vector<16xi32>
        %swap3A_124 = vector.shape_cast %select_n3A_120 : vector<16xi32> to vector<16xi32>
        tpu.vector_store %arg10[%swap3A_121], %swap3A_124 {strides = array<i32>} : memref<640xi32, #tpu.memory_space<vmem>>, vector<16xi32>,
        %get3A_125 = arith.constant 32 : index
        %get3A_126 = tpu.vector_load %arg9[%get3A_125] {strides = array<i32>} : memref<640xi32, #tpu.memory_space<vmem>>, vector<16xi32>,
        %get3A_127 = vector.shape_cast %get3A_126 : vector<16xi32> to vector<16xi32>
        %iota3A_128 = tpu.iota {dimensions = array<i32: 0>} : vector<16xi32>
        %add3A_129 = arith.constant 32 : i32
        %add3A_130 = arith.addi %sub3A_76, %add3A_129 : i32
        %add3A_131 = vector.broadcast %add3A_130 : i32 to vector<16xi32>
        %add3A_132 = arith.addi %iota3A_128, %add3A_131 : vector<16xi32>
        %sub3A_133 = vector.broadcast %mul3A_16 : i32 to vector<16xi32>
        %sub3A_134 = arith.subi %get3A_127, %sub3A_133 : vector<16xi32>
        %ge3A_135 = arith.constant 0 : i32
        %ge3A_136 = vector.broadcast %ge3A_135 : i32 to vector<16xi32>
        %ge3A_137 = arith.cmpi sge, %add3A_132, %ge3A_136 : vector<16xi32>
        %ge3A_138 = arith.constant 0 : i32
        %ge3A_139 = vector.broadcast %ge3A_138 : i32 to vector<16xi32>
        %ge3A_140 = arith.cmpi sge, %sub3A_134, %ge3A_139 : vector<16xi32>
        %and3A_141 = arith.andi %ge3A_137, %ge3A_140 : vector<16xi1>
        %lt3A_142 = arith.constant 3328 : i32
        %lt3A_143 = vector.broadcast %lt3A_142 : i32 to vector<16xi32>
        %lt3A_144 = arith.cmpi slt, %sub3A_134, %lt3A_143 : vector<16xi32>
        %and3A_145 = arith.andi %and3A_141, %lt3A_144 : vector<16xi1>
        %broadcast_in_dim3A_146 = arith.constant 3328 : i32
        %broadcast_in_dim3A_147 = vector.broadcast %broadcast_in_dim3A_146 : i32 to vector<16xi32>
        %select_n3A_148 = arith.select %and3A_145, %sub3A_134, %broadcast_in_dim3A_147 : vector<16xi1>, vector<16xi32>
        %swap3A_149 = arith.constant 32 : index
        %swap3A_150 = tpu.vector_load %arg10[%swap3A_149] {strides = array<i32>} : memref<640xi32, #tpu.memory_space<vmem>>, vector<16xi32>,
        %swap3A_151 = vector.shape_cast %swap3A_150 : vector<16xi32> to vector<16xi32>
        %swap3A_152 = vector.shape_cast %select_n3A_148 : vector<16xi32> to vector<16xi32>
        tpu.vector_store %arg10[%swap3A_149], %swap3A_152 {strides = array<i32>} : memref<640xi32, #tpu.memory_space<vmem>>, vector<16xi32>,
        %get3A_153 = arith.constant 48 : index
        %get3A_154 = tpu.vector_load %arg9[%get3A_153] {strides = array<i32>} : memref<640xi32, #tpu.memory_space<vmem>>, vector<16xi32>,
        %get3A_155 = vector.shape_cast %get3A_154 : vector<16xi32> to vector<16xi32>
        %iota3A_156 = tpu.iota {dimensions = array<i32: 0>} : vector<16xi32>
        %add3A_157 = arith.constant 48 : i32
        %add3A_158 = arith.addi %sub3A_76, %add3A_157 : i32
        %add3A_159 = vector.broadcast %add3A_158 : i32 to vector<16xi32>
        %add3A_160 = arith.addi %iota3A_156, %add3A_159 : vector<16xi32>
        %sub3A_161 = vector.broadcast %mul3A_16 : i32 to vector<16xi32>
        %sub3A_162 = arith.subi %get3A_155, %sub3A_161 : vector<16xi32>
        %ge3A_163 = arith.constant 0 : i32
        %ge3A_164 = vector.broadcast %ge3A_163 : i32 to vector<16xi32>
        %ge3A_165 = arith.cmpi sge, %add3A_160, %ge3A_164 : vector<16xi32>
        %ge3A_166 = arith.constant 0 : i32
        %ge3A_167 = vector.broadcast %ge3A_166 : i32 to vector<16xi32>
        %ge3A_168 = arith.cmpi sge, %sub3A_162, %ge3A_167 : vector<16xi32>
        %and3A_169 = arith.andi %ge3A_165, %ge3A_168 : vector<16xi1>
        %lt3A_170 = arith.constant 3328 : i32
        %lt3A_171 = vector.broadcast %lt3A_170 : i32 to vector<16xi32>
        %lt3A_172 = arith.cmpi slt, %sub3A_162, %lt3A_171 : vector<16xi32>
        %and3A_173 = arith.andi %and3A_169, %lt3A_172 : vector<16xi1>
        %broadcast_in_dim3A_174 = arith.constant 3328 : i32
        %broadcast_in_dim3A_175 = vector.broadcast %broadcast_in_dim3A_174 : i32 to vector<16xi32>
        %select_n3A_176 = arith.select %and3A_173, %sub3A_162, %broadcast_in_dim3A_175 : vector<16xi1>, vector<16xi32>
        %swap3A_177 = arith.constant 48 : index
        %swap3A_178 = tpu.vector_load %arg10[%swap3A_177] {strides = array<i32>} : memref<640xi32, #tpu.memory_space<vmem>>, vector<16xi32>,
        %swap3A_179 = vector.shape_cast %swap3A_178 : vector<16xi32> to vector<16xi32>
        %swap3A_180 = vector.shape_cast %select_n3A_176 : vector<16xi32> to vector<16xi32>
        tpu.vector_store %arg10[%swap3A_177], %swap3A_180 {strides = array<i32>} : memref<640xi32, #tpu.memory_space<vmem>>, vector<16xi32>,
        %get3A_181 = arith.constant 64 : index
        %get3A_182 = tpu.vector_load %arg9[%get3A_181] {strides = array<i32>} : memref<640xi32, #tpu.memory_space<vmem>>, vector<16xi32>,
        %get3A_183 = vector.shape_cast %get3A_182 : vector<16xi32> to vector<16xi32>
        %iota3A_184 = tpu.iota {dimensions = array<i32: 0>} : vector<16xi32>
        %add3A_185 = arith.constant 64 : i32
        %add3A_186 = arith.addi %sub3A_76, %add3A_185 : i32
        %add3A_187 = vector.broadcast %add3A_186 : i32 to vector<16xi32>
        %add3A_188 = arith.addi %iota3A_184, %add3A_187 : vector<16xi32>
        %sub3A_189 = vector.broadcast %mul3A_16 : i32 to vector<16xi32>
        %sub3A_190 = arith.subi %get3A_183, %sub3A_189 : vector<16xi32>
        %ge3A_191 = arith.constant 0 : i32
        %ge3A_192 = vector.broadcast %ge3A_191 : i32 to vector<16xi32>
        %ge3A_193 = arith.cmpi sge, %add3A_188, %ge3A_192 : vector<16xi32>
        %ge3A_194 = arith.constant 0 : i32
        %ge3A_195 = vector.broadcast %ge3A_194 : i32 to vector<16xi32>
        %ge3A_196 = arith.cmpi sge, %sub3A_190, %ge3A_195 : vector<16xi32>
        %and3A_197 = arith.andi %ge3A_193, %ge3A_196 : vector<16xi1>
        %lt3A_198 = arith.constant 3328 : i32
        %lt3A_199 = vector.broadcast %lt3A_198 : i32 to vector<16xi32>
        %lt3A_200 = arith.cmpi slt, %sub3A_190, %lt3A_199 : vector<16xi32>
        %and3A_201 = arith.andi %and3A_197, %lt3A_200 : vector<16xi1>
        %broadcast_in_dim3A_202 = arith.constant 3328 : i32
        %broadcast_in_dim3A_203 = vector.broadcast %broadcast_in_dim3A_202 : i32 to vector<16xi32>
        %select_n3A_204 = arith.select %and3A_201, %sub3A_190, %broadcast_in_dim3A_203 : vector<16xi1>, vector<16xi32>
        %swap3A_205 = arith.constant 64 : index
        %swap3A_206 = tpu.vector_load %arg10[%swap3A_205] {strides = array<i32>} : memref<640xi32, #tpu.memory_space<vmem>>, vector<16xi32>,
        %swap3A_207 = vector.shape_cast %swap3A_206 : vector<16xi32> to vector<16xi32>
        %swap3A_208 = vector.shape_cast %select_n3A_204 : vector<16xi32> to vector<16xi32>
        tpu.vector_store %arg10[%swap3A_205], %swap3A_208 {strides = array<i32>} : memref<640xi32, #tpu.memory_space<vmem>>, vector<16xi32>,
        %get3A_209 = arith.constant 80 : index
        %get3A_210 = tpu.vector_load %arg9[%get3A_209] {strides = array<i32>} : memref<640xi32, #tpu.memory_space<vmem>>, vector<16xi32>,
        %get3A_211 = vector.shape_cast %get3A_210 : vector<16xi32> to vector<16xi32>
        %iota3A_212 = tpu.iota {dimensions = array<i32: 0>} : vector<16xi32>
        %add3A_213 = arith.constant 80 : i32
        %add3A_214 = arith.addi %sub3A_76, %add3A_213 : i32
        %add3A_215 = vector.broadcast %add3A_214 : i32 to vector<16xi32>
        %add3A_216 = arith.addi %iota3A_212, %add3A_215 : vector<16xi32>
        %sub3A_217 = vector.broadcast %mul3A_16 : i32 to vector<16xi32>
        %sub3A_218 = arith.subi %get3A_211, %sub3A_217 : vector<16xi32>
        %ge3A_219 = arith.constant 0 : i32
        %ge3A_220 = vector.broadcast %ge3A_219 : i32 to vector<16xi32>
        %ge3A_221 = arith.cmpi sge, %add3A_216, %ge3A_220 : vector<16xi32>
        %ge3A_222 = arith.constant 0 : i32
        %ge3A_223 = vector.broadcast %ge3A_222 : i32 to vector<16xi32>
        %ge3A_224 = arith.cmpi sge, %sub3A_218, %ge3A_223 : vector<16xi32>
        %and3A_225 = arith.andi %ge3A_221, %ge3A_224 : vector<16xi1>
        %lt3A_226 = arith.constant 3328 : i32
        %lt3A_227 = vector.broadcast %lt3A_226 : i32 to vector<16xi32>
        %lt3A_228 = arith.cmpi slt, %sub3A_218, %lt3A_227 : vector<16xi32>
        %and3A_229 = arith.andi %and3A_225, %lt3A_228 : vector<16xi1>
        %broadcast_in_dim3A_230 = arith.constant 3328 : i32
        %broadcast_in_dim3A_231 = vector.broadcast %broadcast_in_dim3A_230 : i32 to vector<16xi32>
        %select_n3A_232 = arith.select %and3A_229, %sub3A_218, %broadcast_in_dim3A_231 : vector<16xi1>, vector<16xi32>
        %swap3A_233 = arith.constant 80 : index
        %swap3A_234 = tpu.vector_load %arg10[%swap3A_233] {strides = array<i32>} : memref<640xi32, #tpu.memory_space<vmem>>, vector<16xi32>,
        %swap3A_235 = vector.shape_cast %swap3A_234 : vector<16xi32> to vector<16xi32>
        %swap3A_236 = vector.shape_cast %select_n3A_232 : vector<16xi32> to vector<16xi32>
        tpu.vector_store %arg10[%swap3A_233], %swap3A_236 {strides = array<i32>} : memref<640xi32, #tpu.memory_space<vmem>>, vector<16xi32>,
        %get3A_237 = arith.constant 96 : index
        %get3A_238 = tpu.vector_load %arg9[%get3A_237] {strides = array<i32>} : memref<640xi32, #tpu.memory_space<vmem>>, vector<16xi32>,
        %get3A_239 = vector.shape_cast %get3A_238 : vector<16xi32> to vector<16xi32>
        %iota3A_240 = tpu.iota {dimensions = array<i32: 0>} : vector<16xi32>
        %add3A_241 = arith.constant 96 : i32
        %add3A_242 = arith.addi %sub3A_76, %add3A_241 : i32
        %add3A_243 = vector.broadcast %add3A_242 : i32 to vector<16xi32>
        %add3A_244 = arith.addi %iota3A_240, %add3A_243 : vector<16xi32>
        %sub3A_245 = vector.broadcast %mul3A_16 : i32 to vector<16xi32>
        %sub3A_246 = arith.subi %get3A_239, %sub3A_245 : vector<16xi32>
        %ge3A_247 = arith.constant 0 : i32
        %ge3A_248 = vector.broadcast %ge3A_247 : i32 to vector<16xi32>
        %ge3A_249 = arith.cmpi sge, %add3A_244, %ge3A_248 : vector<16xi32>
        %ge3A_250 = arith.constant 0 : i32
        %ge3A_251 = vector.broadcast %ge3A_250 : i32 to vector<16xi32>
        %ge3A_252 = arith.cmpi sge, %sub3A_246, %ge3A_251 : vector<16xi32>
        %and3A_253 = arith.andi %ge3A_249, %ge3A_252 : vector<16xi1>
        %lt3A_254 = arith.constant 3328 : i32
        %lt3A_255 = vector.broadcast %lt3A_254 : i32 to vector<16xi32>
        %lt3A_256 = arith.cmpi slt, %sub3A_246, %lt3A_255 : vector<16xi32>
        %and3A_257 = arith.andi %and3A_253, %lt3A_256 : vector<16xi1>
        %broadcast_in_dim3A_258 = arith.constant 3328 : i32
        %broadcast_in_dim3A_259 = vector.broadcast %broadcast_in_dim3A_258 : i32 to vector<16xi32>
        %select_n3A_260 = arith.select %and3A_257, %sub3A_246, %broadcast_in_dim3A_259 : vector<16xi1>, vector<16xi32>
        %swap3A_261 = arith.constant 96 : index
        %swap3A_262 = tpu.vector_load %arg10[%swap3A_261] {strides = array<i32>} : memref<640xi32, #tpu.memory_space<vmem>>, vector<16xi32>,
        %swap3A_263 = vector.shape_cast %swap3A_262 : vector<16xi32> to vector<16xi32>
        %swap3A_264 = vector.shape_cast %select_n3A_260 : vector<16xi32> to vector<16xi32>
        tpu.vector_store %arg10[%swap3A_261], %swap3A_264 {strides = array<i32>} : memref<640xi32, #tpu.memory_space<vmem>>, vector<16xi32>,
        %get3A_265 = arith.constant 112 : index
        %get3A_266 = tpu.vector_load %arg9[%get3A_265] {strides = array<i32>} : memref<640xi32, #tpu.memory_space<vmem>>, vector<16xi32>,
        %get3A_267 = vector.shape_cast %get3A_266 : vector<16xi32> to vector<16xi32>
        %iota3A_268 = tpu.iota {dimensions = array<i32: 0>} : vector<16xi32>
        %add3A_269 = arith.constant 112 : i32
        %add3A_270 = arith.addi %sub3A_76, %add3A_269 : i32
        %add3A_271 = vector.broadcast %add3A_270 : i32 to vector<16xi32>
        %add3A_272 = arith.addi %iota3A_268, %add3A_271 : vector<16xi32>
        %sub3A_273 = vector.broadcast %mul3A_16 : i32 to vector<16xi32>
        %sub3A_274 = arith.subi %get3A_267, %sub3A_273 : vector<16xi32>
        %ge3A_275 = arith.constant 0 : i32
        %ge3A_276 = vector.broadcast %ge3A_275 : i32 to vector<16xi32>
        %ge3A_277 = arith.cmpi sge, %add3A_272, %ge3A_276 : vector<16xi32>
        %ge3A_278 = arith.constant 0 : i32
        %ge3A_279 = vector.broadcast %ge3A_278 : i32 to vector<16xi32>
        %ge3A_280 = arith.cmpi sge, %sub3A_274, %ge3A_279 : vector<16xi32>
        %and3A_281 = arith.andi %ge3A_277, %ge3A_280 : vector<16xi1>
        %lt3A_282 = arith.constant 3328 : i32
        %lt3A_283 = vector.broadcast %lt3A_282 : i32 to vector<16xi32>
        %lt3A_284 = arith.cmpi slt, %sub3A_274, %lt3A_283 : vector<16xi32>
        %and3A_285 = arith.andi %and3A_281, %lt3A_284 : vector<16xi1>
        %broadcast_in_dim3A_286 = arith.constant 3328 : i32
        %broadcast_in_dim3A_287 = vector.broadcast %broadcast_in_dim3A_286 : i32 to vector<16xi32>
        %select_n3A_288 = arith.select %and3A_285, %sub3A_274, %broadcast_in_dim3A_287 : vector<16xi1>, vector<16xi32>
        %swap3A_289 = arith.constant 112 : index
        %swap3A_290 = tpu.vector_load %arg10[%swap3A_289] {strides = array<i32>} : memref<640xi32, #tpu.memory_space<vmem>>, vector<16xi32>,
        %swap3A_291 = vector.shape_cast %swap3A_290 : vector<16xi32> to vector<16xi32>
        %swap3A_292 = vector.shape_cast %select_n3A_288 : vector<16xi32> to vector<16xi32>
        tpu.vector_store %arg10[%swap3A_289], %swap3A_292 {strides = array<i32>} : memref<640xi32, #tpu.memory_space<vmem>>, vector<16xi32>,
        %get3A_293 = arith.constant 128 : index
        %get3A_294 = tpu.vector_load %arg9[%get3A_293] {strides = array<i32>} : memref<640xi32, #tpu.memory_space<vmem>>, vector<16xi32>,
        %get3A_295 = vector.shape_cast %get3A_294 : vector<16xi32> to vector<16xi32>
        %iota3A_296 = tpu.iota {dimensions = array<i32: 0>} : vector<16xi32>
        %add3A_297 = arith.constant 128 : i32
        %add3A_298 = arith.addi %sub3A_76, %add3A_297 : i32
        %add3A_299 = vector.broadcast %add3A_298 : i32 to vector<16xi32>
        %add3A_300 = arith.addi %iota3A_296, %add3A_299 : vector<16xi32>
        %sub3A_301 = vector.broadcast %mul3A_16 : i32 to vector<16xi32>
        %sub3A_302 = arith.subi %get3A_295, %sub3A_301 : vector<16xi32>
        %ge3A_303 = arith.constant 0 : i32
        %ge3A_304 = vector.broadcast %ge3A_303 : i32 to vector<16xi32>
        %ge3A_305 = arith.cmpi sge, %add3A_300, %ge3A_304 : vector<16xi32>
        %ge3A_306 = arith.constant 0 : i32
        %ge3A_307 = vector.broadcast %ge3A_306 : i32 to vector<16xi32>
        %ge3A_308 = arith.cmpi sge, %sub3A_302, %ge3A_307 : vector<16xi32>
        %and3A_309 = arith.andi %ge3A_305, %ge3A_308 : vector<16xi1>
        %lt3A_310 = arith.constant 3328 : i32
        %lt3A_311 = vector.broadcast %lt3A_310 : i32 to vector<16xi32>
        %lt3A_312 = arith.cmpi slt, %sub3A_302, %lt3A_311 : vector<16xi32>
        %and3A_313 = arith.andi %and3A_309, %lt3A_312 : vector<16xi1>
        %broadcast_in_dim3A_314 = arith.constant 3328 : i32
        %broadcast_in_dim3A_315 = vector.broadcast %broadcast_in_dim3A_314 : i32 to vector<16xi32>
        %select_n3A_316 = arith.select %and3A_313, %sub3A_302, %broadcast_in_dim3A_315 : vector<16xi1>, vector<16xi32>
        %swap3A_317 = arith.constant 128 : index
        %swap3A_318 = tpu.vector_load %arg10[%swap3A_317] {strides = array<i32>} : memref<640xi32, #tpu.memory_space<vmem>>, vector<16xi32>,
        %swap3A_319 = vector.shape_cast %swap3A_318 : vector<16xi32> to vector<16xi32>
        %swap3A_320 = vector.shape_cast %select_n3A_316 : vector<16xi32> to vector<16xi32>
        tpu.vector_store %arg10[%swap3A_317], %swap3A_320 {strides = array<i32>} : memref<640xi32, #tpu.memory_space<vmem>>, vector<16xi32>,
        %get3A_321 = arith.constant 144 : index
        %get3A_322 = tpu.vector_load %arg9[%get3A_321] {strides = array<i32>} : memref<640xi32, #tpu.memory_space<vmem>>, vector<16xi32>,
        %get3A_323 = vector.shape_cast %get3A_322 : vector<16xi32> to vector<16xi32>
        %iota3A_324 = tpu.iota {dimensions = array<i32: 0>} : vector<16xi32>
        %add3A_325 = arith.constant 144 : i32
        %add3A_326 = arith.addi %sub3A_76, %add3A_325 : i32
        %add3A_327 = vector.broadcast %add3A_326 : i32 to vector<16xi32>
        %add3A_328 = arith.addi %iota3A_324, %add3A_327 : vector<16xi32>
        %sub3A_329 = vector.broadcast %mul3A_16 : i32 to vector<16xi32>
        %sub3A_330 = arith.subi %get3A_323, %sub3A_329 : vector<16xi32>
        %ge3A_331 = arith.constant 0 : i32
        %ge3A_332 = vector.broadcast %ge3A_331 : i32 to vector<16xi32>
        %ge3A_333 = arith.cmpi sge, %add3A_328, %ge3A_332 : vector<16xi32>
        %ge3A_334 = arith.constant 0 : i32
        %ge3A_335 = vector.broadcast %ge3A_334 : i32 to vector<16xi32>
        %ge3A_336 = arith.cmpi sge, %sub3A_330, %ge3A_335 : vector<16xi32>
        %and3A_337 = arith.andi %ge3A_333, %ge3A_336 : vector<16xi1>
        %lt3A_338 = arith.constant 3328 : i32
        %lt3A_339 = vector.broadcast %lt3A_338 : i32 to vector<16xi32>
        %lt3A_340 = arith.cmpi slt, %sub3A_330, %lt3A_339 : vector<16xi32>
        %and3A_341 = arith.andi %and3A_337, %lt3A_340 : vector<16xi1>
        %broadcast_in_dim3A_342 = arith.constant 3328 : i32
        %broadcast_in_dim3A_343 = vector.broadcast %broadcast_in_dim3A_342 : i32 to vector<16xi32>
        %select_n3A_344 = arith.select %and3A_341, %sub3A_330, %broadcast_in_dim3A_343 : vector<16xi1>, vector<16xi32>
        %swap3A_345 = arith.constant 144 : index
        %swap3A_346 = tpu.vector_load %arg10[%swap3A_345] {strides = array<i32>} : memref<640xi32, #tpu.memory_space<vmem>>, vector<16xi32>,
        %swap3A_347 = vector.shape_cast %swap3A_346 : vector<16xi32> to vector<16xi32>
        %swap3A_348 = vector.shape_cast %select_n3A_344 : vector<16xi32> to vector<16xi32>
        tpu.vector_store %arg10[%swap3A_345], %swap3A_348 {strides = array<i32>} : memref<640xi32, #tpu.memory_space<vmem>>, vector<16xi32>,
        %get3A_349 = arith.constant 160 : index
        %get3A_350 = tpu.vector_load %arg9[%get3A_349] {strides = array<i32>} : memref<640xi32, #tpu.memory_space<vmem>>, vector<16xi32>,
        %get3A_351 = vector.shape_cast %get3A_350 : vector<16xi32> to vector<16xi32>
        %iota3A_352 = tpu.iota {dimensions = array<i32: 0>} : vector<16xi32>
        %add3A_353 = arith.constant 160 : i32
        %add3A_354 = arith.addi %sub3A_76, %add3A_353 : i32
        %add3A_355 = vector.broadcast %add3A_354 : i32 to vector<16xi32>
        %add3A_356 = arith.addi %iota3A_352, %add3A_355 : vector<16xi32>
        %sub3A_357 = vector.broadcast %mul3A_16 : i32 to vector<16xi32>
        %sub3A_358 = arith.subi %get3A_351, %sub3A_357 : vector<16xi32>
        %ge3A_359 = arith.constant 0 : i32
        %ge3A_360 = vector.broadcast %ge3A_359 : i32 to vector<16xi32>
        %ge3A_361 = arith.cmpi sge, %add3A_356, %ge3A_360 : vector<16xi32>
        %ge3A_362 = arith.constant 0 : i32
        %ge3A_363 = vector.broadcast %ge3A_362 : i32 to vector<16xi32>
        %ge3A_364 = arith.cmpi sge, %sub3A_358, %ge3A_363 : vector<16xi32>
        %and3A_365 = arith.andi %ge3A_361, %ge3A_364 : vector<16xi1>
        %lt3A_366 = arith.constant 3328 : i32
        %lt3A_367 = vector.broadcast %lt3A_366 : i32 to vector<16xi32>
        %lt3A_368 = arith.cmpi slt, %sub3A_358, %lt3A_367 : vector<16xi32>
        %and3A_369 = arith.andi %and3A_365, %lt3A_368 : vector<16xi1>
        %broadcast_in_dim3A_370 = arith.constant 3328 : i32
        %broadcast_in_dim3A_371 = vector.broadcast %broadcast_in_dim3A_370 : i32 to vector<16xi32>
        %select_n3A_372 = arith.select %and3A_369, %sub3A_358, %broadcast_in_dim3A_371 : vector<16xi1>, vector<16xi32>
        %swap3A_373 = arith.constant 160 : index
        %swap3A_374 = tpu.vector_load %arg10[%swap3A_373] {strides = array<i32>} : memref<640xi32, #tpu.memory_space<vmem>>, vector<16xi32>,
        %swap3A_375 = vector.shape_cast %swap3A_374 : vector<16xi32> to vector<16xi32>
        %swap3A_376 = vector.shape_cast %select_n3A_372 : vector<16xi32> to vector<16xi32>
        tpu.vector_store %arg10[%swap3A_373], %swap3A_376 {strides = array<i32>} : memref<640xi32, #tpu.memory_space<vmem>>, vector<16xi32>,
        %get3A_377 = arith.constant 176 : index
        %get3A_378 = tpu.vector_load %arg9[%get3A_377] {strides = array<i32>} : memref<640xi32, #tpu.memory_space<vmem>>, vector<16xi32>,
        %get3A_379 = vector.shape_cast %get3A_378 : vector<16xi32> to vector<16xi32>
        %iota3A_380 = tpu.iota {dimensions = array<i32: 0>} : vector<16xi32>
        %add3A_381 = arith.constant 176 : i32
        %add3A_382 = arith.addi %sub3A_76, %add3A_381 : i32
        %add3A_383 = vector.broadcast %add3A_382 : i32 to vector<16xi32>
        %add3A_384 = arith.addi %iota3A_380, %add3A_383 : vector<16xi32>
        %sub3A_385 = vector.broadcast %mul3A_16 : i32 to vector<16xi32>
        %sub3A_386 = arith.subi %get3A_379, %sub3A_385 : vector<16xi32>
        %ge3A_387 = arith.constant 0 : i32
        %ge3A_388 = vector.broadcast %ge3A_387 : i32 to vector<16xi32>
        %ge3A_389 = arith.cmpi sge, %add3A_384, %ge3A_388 : vector<16xi32>
        %ge3A_390 = arith.constant 0 : i32
        %ge3A_391 = vector.broadcast %ge3A_390 : i32 to vector<16xi32>
        %ge3A_392 = arith.cmpi sge, %sub3A_386, %ge3A_391 : vector<16xi32>
        %and3A_393 = arith.andi %ge3A_389, %ge3A_392 : vector<16xi1>
        %lt3A_394 = arith.constant 3328 : i32
        %lt3A_395 = vector.broadcast %lt3A_394 : i32 to vector<16xi32>
        %lt3A_396 = arith.cmpi slt, %sub3A_386, %lt3A_395 : vector<16xi32>
        %and3A_397 = arith.andi %and3A_393, %lt3A_396 : vector<16xi1>
        %broadcast_in_dim3A_398 = arith.constant 3328 : i32
        %broadcast_in_dim3A_399 = vector.broadcast %broadcast_in_dim3A_398 : i32 to vector<16xi32>
        %select_n3A_400 = arith.select %and3A_397, %sub3A_386, %broadcast_in_dim3A_399 : vector<16xi1>, vector<16xi32>
        %swap3A_401 = arith.constant 176 : index
        %swap3A_402 = tpu.vector_load %arg10[%swap3A_401] {strides = array<i32>} : memref<640xi32, #tpu.memory_space<vmem>>, vector<16xi32>,
        %swap3A_403 = vector.shape_cast %swap3A_402 : vector<16xi32> to vector<16xi32>
        %swap3A_404 = vector.shape_cast %select_n3A_400 : vector<16xi32> to vector<16xi32>
        tpu.vector_store %arg10[%swap3A_401], %swap3A_404 {strides = array<i32>} : memref<640xi32, #tpu.memory_space<vmem>>, vector<16xi32>,
        %get3A_405 = arith.constant 192 : index
        %get3A_406 = tpu.vector_load %arg9[%get3A_405] {strides = array<i32>} : memref<640xi32, #tpu.memory_space<vmem>>, vector<16xi32>,
        %get3A_407 = vector.shape_cast %get3A_406 : vector<16xi32> to vector<16xi32>
        %iota3A_408 = tpu.iota {dimensions = array<i32: 0>} : vector<16xi32>
        %add3A_409 = arith.constant 192 : i32
        %add3A_410 = arith.addi %sub3A_76, %add3A_409 : i32
        %add3A_411 = vector.broadcast %add3A_410 : i32 to vector<16xi32>
        %add3A_412 = arith.addi %iota3A_408, %add3A_411 : vector<16xi32>
        %sub3A_413 = vector.broadcast %mul3A_16 : i32 to vector<16xi32>
        %sub3A_414 = arith.subi %get3A_407, %sub3A_413 : vector<16xi32>
        %ge3A_415 = arith.constant 0 : i32
        %ge3A_416 = vector.broadcast %ge3A_415 : i32 to vector<16xi32>
        %ge3A_417 = arith.cmpi sge, %add3A_412, %ge3A_416 : vector<16xi32>
        %ge3A_418 = arith.constant 0 : i32
        %ge3A_419 = vector.broadcast %ge3A_418 : i32 to vector<16xi32>
        %ge3A_420 = arith.cmpi sge, %sub3A_414, %ge3A_419 : vector<16xi32>
        %and3A_421 = arith.andi %ge3A_417, %ge3A_420 : vector<16xi1>
        %lt3A_422 = arith.constant 3328 : i32
        %lt3A_423 = vector.broadcast %lt3A_422 : i32 to vector<16xi32>
        %lt3A_424 = arith.cmpi slt, %sub3A_414, %lt3A_423 : vector<16xi32>
        %and3A_425 = arith.andi %and3A_421, %lt3A_424 : vector<16xi1>
        %broadcast_in_dim3A_426 = arith.constant 3328 : i32
        %broadcast_in_dim3A_427 = vector.broadcast %broadcast_in_dim3A_426 : i32 to vector<16xi32>
        %select_n3A_428 = arith.select %and3A_425, %sub3A_414, %broadcast_in_dim3A_427 : vector<16xi1>, vector<16xi32>
        %swap3A_429 = arith.constant 192 : index
        %swap3A_430 = tpu.vector_load %arg10[%swap3A_429] {strides = array<i32>} : memref<640xi32, #tpu.memory_space<vmem>>, vector<16xi32>,
        %swap3A_431 = vector.shape_cast %swap3A_430 : vector<16xi32> to vector<16xi32>
        %swap3A_432 = vector.shape_cast %select_n3A_428 : vector<16xi32> to vector<16xi32>
        tpu.vector_store %arg10[%swap3A_429], %swap3A_432 {strides = array<i32>} : memref<640xi32, #tpu.memory_space<vmem>>, vector<16xi32>,
        %get3A_433 = arith.constant 208 : index
        %get3A_434 = tpu.vector_load %arg9[%get3A_433] {strides = array<i32>} : memref<640xi32, #tpu.memory_space<vmem>>, vector<16xi32>,
        %get3A_435 = vector.shape_cast %get3A_434 : vector<16xi32> to vector<16xi32>
        %iota3A_436 = tpu.iota {dimensions = array<i32: 0>} : vector<16xi32>
        %add3A_437 = arith.constant 208 : i32
        %add3A_438 = arith.addi %sub3A_76, %add3A_437 : i32
        %add3A_439 = vector.broadcast %add3A_438 : i32 to vector<16xi32>
        %add3A_440 = arith.addi %iota3A_436, %add3A_439 : vector<16xi32>
        %sub3A_441 = vector.broadcast %mul3A_16 : i32 to vector<16xi32>
        %sub3A_442 = arith.subi %get3A_435, %sub3A_441 : vector<16xi32>
        %ge3A_443 = arith.constant 0 : i32
        %ge3A_444 = vector.broadcast %ge3A_443 : i32 to vector<16xi32>
        %ge3A_445 = arith.cmpi sge, %add3A_440, %ge3A_444 : vector<16xi32>
        %ge3A_446 = arith.constant 0 : i32
        %ge3A_447 = vector.broadcast %ge3A_446 : i32 to vector<16xi32>
        %ge3A_448 = arith.cmpi sge, %sub3A_442, %ge3A_447 : vector<16xi32>
        %and3A_449 = arith.andi %ge3A_445, %ge3A_448 : vector<16xi1>
        %lt3A_450 = arith.constant 3328 : i32
        %lt3A_451 = vector.broadcast %lt3A_450 : i32 to vector<16xi32>
        %lt3A_452 = arith.cmpi slt, %sub3A_442, %lt3A_451 : vector<16xi32>
        %and3A_453 = arith.andi %and3A_449, %lt3A_452 : vector<16xi1>
        %broadcast_in_dim3A_454 = arith.constant 3328 : i32
        %broadcast_in_dim3A_455 = vector.broadcast %broadcast_in_dim3A_454 : i32 to vector<16xi32>
        %select_n3A_456 = arith.select %and3A_453, %sub3A_442, %broadcast_in_dim3A_455 : vector<16xi1>, vector<16xi32>
        %swap3A_457 = arith.constant 208 : index
        %swap3A_458 = tpu.vector_load %arg10[%swap3A_457] {strides = array<i32>} : memref<640xi32, #tpu.memory_space<vmem>>, vector<16xi32>,
        %swap3A_459 = vector.shape_cast %swap3A_458 : vector<16xi32> to vector<16xi32>
        %swap3A_460 = vector.shape_cast %select_n3A_456 : vector<16xi32> to vector<16xi32>
        tpu.vector_store %arg10[%swap3A_457], %swap3A_460 {strides = array<i32>} : memref<640xi32, #tpu.memory_space<vmem>>, vector<16xi32>,
        %get3A_461 = arith.constant 224 : index
        %get3A_462 = tpu.vector_load %arg9[%get3A_461] {strides = array<i32>} : memref<640xi32, #tpu.memory_space<vmem>>, vector<16xi32>,
        %get3A_463 = vector.shape_cast %get3A_462 : vector<16xi32> to vector<16xi32>
        %iota3A_464 = tpu.iota {dimensions = array<i32: 0>} : vector<16xi32>
        %add3A_465 = arith.constant 224 : i32
        %add3A_466 = arith.addi %sub3A_76, %add3A_465 : i32
        %add3A_467 = vector.broadcast %add3A_466 : i32 to vector<16xi32>
        %add3A_468 = arith.addi %iota3A_464, %add3A_467 : vector<16xi32>
        %sub3A_469 = vector.broadcast %mul3A_16 : i32 to vector<16xi32>
        %sub3A_470 = arith.subi %get3A_463, %sub3A_469 : vector<16xi32>
        %ge3A_471 = arith.constant 0 : i32
        %ge3A_472 = vector.broadcast %ge3A_471 : i32 to vector<16xi32>
        %ge3A_473 = arith.cmpi sge, %add3A_468, %ge3A_472 : vector<16xi32>
        %ge3A_474 = arith.constant 0 : i32
        %ge3A_475 = vector.broadcast %ge3A_474 : i32 to vector<16xi32>
        %ge3A_476 = arith.cmpi sge, %sub3A_470, %ge3A_475 : vector<16xi32>
        %and3A_477 = arith.andi %ge3A_473, %ge3A_476 : vector<16xi1>
        %lt3A_478 = arith.constant 3328 : i32
        %lt3A_479 = vector.broadcast %lt3A_478 : i32 to vector<16xi32>
        %lt3A_480 = arith.cmpi slt, %sub3A_470, %lt3A_479 : vector<16xi32>
        %and3A_481 = arith.andi %and3A_477, %lt3A_480 : vector<16xi1>
        %broadcast_in_dim3A_482 = arith.constant 3328 : i32
        %broadcast_in_dim3A_483 = vector.broadcast %broadcast_in_dim3A_482 : i32 to vector<16xi32>
        %select_n3A_484 = arith.select %and3A_481, %sub3A_470, %broadcast_in_dim3A_483 : vector<16xi1>, vector<16xi32>
        %swap3A_485 = arith.constant 224 : index
        %swap3A_486 = tpu.vector_load %arg10[%swap3A_485] {strides = array<i32>} : memref<640xi32, #tpu.memory_space<vmem>>, vector<16xi32>,
        %swap3A_487 = vector.shape_cast %swap3A_486 : vector<16xi32> to vector<16xi32>
        %swap3A_488 = vector.shape_cast %select_n3A_484 : vector<16xi32> to vector<16xi32>
        tpu.vector_store %arg10[%swap3A_485], %swap3A_488 {strides = array<i32>} : memref<640xi32, #tpu.memory_space<vmem>>, vector<16xi32>,
        %get3A_489 = arith.constant 240 : index
        %get3A_490 = tpu.vector_load %arg9[%get3A_489] {strides = array<i32>} : memref<640xi32, #tpu.memory_space<vmem>>, vector<16xi32>,
        %get3A_491 = vector.shape_cast %get3A_490 : vector<16xi32> to vector<16xi32>
        %iota3A_492 = tpu.iota {dimensions = array<i32: 0>} : vector<16xi32>
        %add3A_493 = arith.constant 240 : i32
        %add3A_494 = arith.addi %sub3A_76, %add3A_493 : i32
        %add3A_495 = vector.broadcast %add3A_494 : i32 to vector<16xi32>
        %add3A_496 = arith.addi %iota3A_492, %add3A_495 : vector<16xi32>
        %sub3A_497 = vector.broadcast %mul3A_16 : i32 to vector<16xi32>
        %sub3A_498 = arith.subi %get3A_491, %sub3A_497 : vector<16xi32>
        %ge3A_499 = arith.constant 0 : i32
        %ge3A_500 = vector.broadcast %ge3A_499 : i32 to vector<16xi32>
        %ge3A_501 = arith.cmpi sge, %add3A_496, %ge3A_500 : vector<16xi32>
        %ge3A_502 = arith.constant 0 : i32
        %ge3A_503 = vector.broadcast %ge3A_502 : i32 to vector<16xi32>
        %ge3A_504 = arith.cmpi sge, %sub3A_498, %ge3A_503 : vector<16xi32>
        %and3A_505 = arith.andi %ge3A_501, %ge3A_504 : vector<16xi1>
        %lt3A_506 = arith.constant 3328 : i32
        %lt3A_507 = vector.broadcast %lt3A_506 : i32 to vector<16xi32>
        %lt3A_508 = arith.cmpi slt, %sub3A_498, %lt3A_507 : vector<16xi32>
        %and3A_509 = arith.andi %and3A_505, %lt3A_508 : vector<16xi1>
        %broadcast_in_dim3A_510 = arith.constant 3328 : i32
        %broadcast_in_dim3A_511 = vector.broadcast %broadcast_in_dim3A_510 : i32 to vector<16xi32>
        %select_n3A_512 = arith.select %and3A_509, %sub3A_498, %broadcast_in_dim3A_511 : vector<16xi1>, vector<16xi32>
        %swap3A_513 = arith.constant 240 : index
        %swap3A_514 = tpu.vector_load %arg10[%swap3A_513] {strides = array<i32>} : memref<640xi32, #tpu.memory_space<vmem>>, vector<16xi32>,
        %swap3A_515 = vector.shape_cast %swap3A_514 : vector<16xi32> to vector<16xi32>
        %swap3A_516 = vector.shape_cast %select_n3A_512 : vector<16xi32> to vector<16xi32>
        tpu.vector_store %arg10[%swap3A_513], %swap3A_516 {strides = array<i32>} : memref<640xi32, #tpu.memory_space<vmem>>, vector<16xi32>,
        %get3A_517 = arith.constant 256 : index
        %get3A_518 = tpu.vector_load %arg9[%get3A_517] {strides = array<i32>} : memref<640xi32, #tpu.memory_space<vmem>>, vector<16xi32>,
        %get3A_519 = vector.shape_cast %get3A_518 : vector<16xi32> to vector<16xi32>
        %iota3A_520 = tpu.iota {dimensions = array<i32: 0>} : vector<16xi32>
        %add3A_521 = arith.constant 256 : i32
        %add3A_522 = arith.addi %sub3A_76, %add3A_521 : i32
        %add3A_523 = vector.broadcast %add3A_522 : i32 to vector<16xi32>
        %add3A_524 = arith.addi %iota3A_520, %add3A_523 : vector<16xi32>
        %sub3A_525 = vector.broadcast %mul3A_16 : i32 to vector<16xi32>
        %sub3A_526 = arith.subi %get3A_519, %sub3A_525 : vector<16xi32>
        %ge3A_527 = arith.constant 0 : i32
        %ge3A_528 = vector.broadcast %ge3A_527 : i32 to vector<16xi32>
        %ge3A_529 = arith.cmpi sge, %add3A_524, %ge3A_528 : vector<16xi32>
        %ge3A_530 = arith.constant 0 : i32
        %ge3A_531 = vector.broadcast %ge3A_530 : i32 to vector<16xi32>
        %ge3A_532 = arith.cmpi sge, %sub3A_526, %ge3A_531 : vector<16xi32>
        %and3A_533 = arith.andi %ge3A_529, %ge3A_532 : vector<16xi1>
        %lt3A_534 = arith.constant 3328 : i32
        %lt3A_535 = vector.broadcast %lt3A_534 : i32 to vector<16xi32>
        %lt3A_536 = arith.cmpi slt, %sub3A_526, %lt3A_535 : vector<16xi32>
        %and3A_537 = arith.andi %and3A_533, %lt3A_536 : vector<16xi1>
        %broadcast_in_dim3A_538 = arith.constant 3328 : i32
        %broadcast_in_dim3A_539 = vector.broadcast %broadcast_in_dim3A_538 : i32 to vector<16xi32>
        %select_n3A_540 = arith.select %and3A_537, %sub3A_526, %broadcast_in_dim3A_539 : vector<16xi1>, vector<16xi32>
        %swap3A_541 = arith.constant 256 : index
        %swap3A_542 = tpu.vector_load %arg10[%swap3A_541] {strides = array<i32>} : memref<640xi32, #tpu.memory_space<vmem>>, vector<16xi32>,
        %swap3A_543 = vector.shape_cast %swap3A_542 : vector<16xi32> to vector<16xi32>
        %swap3A_544 = vector.shape_cast %select_n3A_540 : vector<16xi32> to vector<16xi32>
        tpu.vector_store %arg10[%swap3A_541], %swap3A_544 {strides = array<i32>} : memref<640xi32, #tpu.memory_space<vmem>>, vector<16xi32>,
        %get3A_545 = arith.constant 272 : index
        %get3A_546 = tpu.vector_load %arg9[%get3A_545] {strides = array<i32>} : memref<640xi32, #tpu.memory_space<vmem>>, vector<16xi32>,
        %get3A_547 = vector.shape_cast %get3A_546 : vector<16xi32> to vector<16xi32>
        %iota3A_548 = tpu.iota {dimensions = array<i32: 0>} : vector<16xi32>
        %add3A_549 = arith.constant 272 : i32
        %add3A_550 = arith.addi %sub3A_76, %add3A_549 : i32
        %add3A_551 = vector.broadcast %add3A_550 : i32 to vector<16xi32>
        %add3A_552 = arith.addi %iota3A_548, %add3A_551 : vector<16xi32>
        %sub3A_553 = vector.broadcast %mul3A_16 : i32 to vector<16xi32>
        %sub3A_554 = arith.subi %get3A_547, %sub3A_553 : vector<16xi32>
        %ge3A_555 = arith.constant 0 : i32
        %ge3A_556 = vector.broadcast %ge3A_555 : i32 to vector<16xi32>
        %ge3A_557 = arith.cmpi sge, %add3A_552, %ge3A_556 : vector<16xi32>
        %ge3A_558 = arith.constant 0 : i32
        %ge3A_559 = vector.broadcast %ge3A_558 : i32 to vector<16xi32>
        %ge3A_560 = arith.cmpi sge, %sub3A_554, %ge3A_559 : vector<16xi32>
        %and3A_561 = arith.andi %ge3A_557, %ge3A_560 : vector<16xi1>
        %lt3A_562 = arith.constant 3328 : i32
        %lt3A_563 = vector.broadcast %lt3A_562 : i32 to vector<16xi32>
        %lt3A_564 = arith.cmpi slt, %sub3A_554, %lt3A_563 : vector<16xi32>
        %and3A_565 = arith.andi %and3A_561, %lt3A_564 : vector<16xi1>
        %broadcast_in_dim3A_566 = arith.constant 3328 : i32
        %broadcast_in_dim3A_567 = vector.broadcast %broadcast_in_dim3A_566 : i32 to vector<16xi32>
        %select_n3A_568 = arith.select %and3A_565, %sub3A_554, %broadcast_in_dim3A_567 : vector<16xi1>, vector<16xi32>
        %swap3A_569 = arith.constant 272 : index
        %swap3A_570 = tpu.vector_load %arg10[%swap3A_569] {strides = array<i32>} : memref<640xi32, #tpu.memory_space<vmem>>, vector<16xi32>,
        %swap3A_571 = vector.shape_cast %swap3A_570 : vector<16xi32> to vector<16xi32>
        %swap3A_572 = vector.shape_cast %select_n3A_568 : vector<16xi32> to vector<16xi32>
        tpu.vector_store %arg10[%swap3A_569], %swap3A_572 {strides = array<i32>} : memref<640xi32, #tpu.memory_space<vmem>>, vector<16xi32>,
        %get3A_573 = arith.constant 288 : index
        %get3A_574 = tpu.vector_load %arg9[%get3A_573] {strides = array<i32>} : memref<640xi32, #tpu.memory_space<vmem>>, vector<16xi32>,
        %get3A_575 = vector.shape_cast %get3A_574 : vector<16xi32> to vector<16xi32>
        %iota3A_576 = tpu.iota {dimensions = array<i32: 0>} : vector<16xi32>
        %add3A_577 = arith.constant 288 : i32
        %add3A_578 = arith.addi %sub3A_76, %add3A_577 : i32
        %add3A_579 = vector.broadcast %add3A_578 : i32 to vector<16xi32>
        %add3A_580 = arith.addi %iota3A_576, %add3A_579 : vector<16xi32>
        %sub3A_581 = vector.broadcast %mul3A_16 : i32 to vector<16xi32>
        %sub3A_582 = arith.subi %get3A_575, %sub3A_581 : vector<16xi32>
        %ge3A_583 = arith.constant 0 : i32
        %ge3A_584 = vector.broadcast %ge3A_583 : i32 to vector<16xi32>
        %ge3A_585 = arith.cmpi sge, %add3A_580, %ge3A_584 : vector<16xi32>
        %ge3A_586 = arith.constant 0 : i32
        %ge3A_587 = vector.broadcast %ge3A_586 : i32 to vector<16xi32>
        %ge3A_588 = arith.cmpi sge, %sub3A_582, %ge3A_587 : vector<16xi32>
        %and3A_589 = arith.andi %ge3A_585, %ge3A_588 : vector<16xi1>
        %lt3A_590 = arith.constant 3328 : i32
        %lt3A_591 = vector.broadcast %lt3A_590 : i32 to vector<16xi32>
        %lt3A_592 = arith.cmpi slt, %sub3A_582, %lt3A_591 : vector<16xi32>
        %and3A_593 = arith.andi %and3A_589, %lt3A_592 : vector<16xi1>
        %broadcast_in_dim3A_594 = arith.constant 3328 : i32
        %broadcast_in_dim3A_595 = vector.broadcast %broadcast_in_dim3A_594 : i32 to vector<16xi32>
        %select_n3A_596 = arith.select %and3A_593, %sub3A_582, %broadcast_in_dim3A_595 : vector<16xi1>, vector<16xi32>
        %swap3A_597 = arith.constant 288 : index
        %swap3A_598 = tpu.vector_load %arg10[%swap3A_597] {strides = array<i32>} : memref<640xi32, #tpu.memory_space<vmem>>, vector<16xi32>,
        %swap3A_599 = vector.shape_cast %swap3A_598 : vector<16xi32> to vector<16xi32>
        %swap3A_600 = vector.shape_cast %select_n3A_596 : vector<16xi32> to vector<16xi32>
        tpu.vector_store %arg10[%swap3A_597], %swap3A_600 {strides = array<i32>} : memref<640xi32, #tpu.memory_space<vmem>>, vector<16xi32>,
        %get3A_601 = arith.constant 304 : index
        %get3A_602 = tpu.vector_load %arg9[%get3A_601] {strides = array<i32>} : memref<640xi32, #tpu.memory_space<vmem>>, vector<16xi32>,
        %get3A_603 = vector.shape_cast %get3A_602 : vector<16xi32> to vector<16xi32>
        %iota3A_604 = tpu.iota {dimensions = array<i32: 0>} : vector<16xi32>
        %add3A_605 = arith.constant 304 : i32
        %add3A_606 = arith.addi %sub3A_76, %add3A_605 : i32
        %add3A_607 = vector.broadcast %add3A_606 : i32 to vector<16xi32>
        %add3A_608 = arith.addi %iota3A_604, %add3A_607 : vector<16xi32>
        %sub3A_609 = vector.broadcast %mul3A_16 : i32 to vector<16xi32>
        %sub3A_610 = arith.subi %get3A_603, %sub3A_609 : vector<16xi32>
        %ge3A_611 = arith.constant 0 : i32
        %ge3A_612 = vector.broadcast %ge3A_611 : i32 to vector<16xi32>
        %ge3A_613 = arith.cmpi sge, %add3A_608, %ge3A_612 : vector<16xi32>
        %ge3A_614 = arith.constant 0 : i32
        %ge3A_615 = vector.broadcast %ge3A_614 : i32 to vector<16xi32>
        %ge3A_616 = arith.cmpi sge, %sub3A_610, %ge3A_615 : vector<16xi32>
        %and3A_617 = arith.andi %ge3A_613, %ge3A_616 : vector<16xi1>
        %lt3A_618 = arith.constant 3328 : i32
        %lt3A_619 = vector.broadcast %lt3A_618 : i32 to vector<16xi32>
        %lt3A_620 = arith.cmpi slt, %sub3A_610, %lt3A_619 : vector<16xi32>
        %and3A_621 = arith.andi %and3A_617, %lt3A_620 : vector<16xi1>
        %broadcast_in_dim3A_622 = arith.constant 3328 : i32
        %broadcast_in_dim3A_623 = vector.broadcast %broadcast_in_dim3A_622 : i32 to vector<16xi32>
        %select_n3A_624 = arith.select %and3A_621, %sub3A_610, %broadcast_in_dim3A_623 : vector<16xi1>, vector<16xi32>
        %swap3A_625 = arith.constant 304 : index
        %swap3A_626 = tpu.vector_load %arg10[%swap3A_625] {strides = array<i32>} : memref<640xi32, #tpu.memory_space<vmem>>, vector<16xi32>,
        %swap3A_627 = vector.shape_cast %swap3A_626 : vector<16xi32> to vector<16xi32>
        %swap3A_628 = vector.shape_cast %select_n3A_624 : vector<16xi32> to vector<16xi32>
        tpu.vector_store %arg10[%swap3A_625], %swap3A_628 {strides = array<i32>} : memref<640xi32, #tpu.memory_space<vmem>>, vector<16xi32>,
        %get3A_629 = arith.constant 320 : index
        %get3A_630 = tpu.vector_load %arg9[%get3A_629] {strides = array<i32>} : memref<640xi32, #tpu.memory_space<vmem>>, vector<16xi32>,
        %get3A_631 = vector.shape_cast %get3A_630 : vector<16xi32> to vector<16xi32>
        %iota3A_632 = tpu.iota {dimensions = array<i32: 0>} : vector<16xi32>
        %add3A_633 = arith.constant 320 : i32
        %add3A_634 = arith.addi %sub3A_76, %add3A_633 : i32
        %add3A_635 = vector.broadcast %add3A_634 : i32 to vector<16xi32>
        %add3A_636 = arith.addi %iota3A_632, %add3A_635 : vector<16xi32>
        %sub3A_637 = vector.broadcast %mul3A_16 : i32 to vector<16xi32>
        %sub3A_638 = arith.subi %get3A_631, %sub3A_637 : vector<16xi32>
        %ge3A_639 = arith.constant 0 : i32
        %ge3A_640 = vector.broadcast %ge3A_639 : i32 to vector<16xi32>
        %ge3A_641 = arith.cmpi sge, %add3A_636, %ge3A_640 : vector<16xi32>
        %ge3A_642 = arith.constant 0 : i32
        %ge3A_643 = vector.broadcast %ge3A_642 : i32 to vector<16xi32>
        %ge3A_644 = arith.cmpi sge, %sub3A_638, %ge3A_643 : vector<16xi32>
        %and3A_645 = arith.andi %ge3A_641, %ge3A_644 : vector<16xi1>
        %lt3A_646 = arith.constant 3328 : i32
        %lt3A_647 = vector.broadcast %lt3A_646 : i32 to vector<16xi32>
        %lt3A_648 = arith.cmpi slt, %sub3A_638, %lt3A_647 : vector<16xi32>
        %and3A_649 = arith.andi %and3A_645, %lt3A_648 : vector<16xi1>
        %broadcast_in_dim3A_650 = arith.constant 3328 : i32
        %broadcast_in_dim3A_651 = vector.broadcast %broadcast_in_dim3A_650 : i32 to vector<16xi32>
        %select_n3A_652 = arith.select %and3A_649, %sub3A_638, %broadcast_in_dim3A_651 : vector<16xi1>, vector<16xi32>
        %swap3A_653 = arith.constant 320 : index
        %swap3A_654 = tpu.vector_load %arg10[%swap3A_653] {strides = array<i32>} : memref<640xi32, #tpu.memory_space<vmem>>, vector<16xi32>,
        %swap3A_655 = vector.shape_cast %swap3A_654 : vector<16xi32> to vector<16xi32>
        %swap3A_656 = vector.shape_cast %select_n3A_652 : vector<16xi32> to vector<16xi32>
        tpu.vector_store %arg10[%swap3A_653], %swap3A_656 {strides = array<i32>} : memref<640xi32, #tpu.memory_space<vmem>>, vector<16xi32>,
        %get3A_657 = arith.constant 336 : index
        %get3A_658 = tpu.vector_load %arg9[%get3A_657] {strides = array<i32>} : memref<640xi32, #tpu.memory_space<vmem>>, vector<16xi32>,
        %get3A_659 = vector.shape_cast %get3A_658 : vector<16xi32> to vector<16xi32>
        %iota3A_660 = tpu.iota {dimensions = array<i32: 0>} : vector<16xi32>
        %add3A_661 = arith.constant 336 : i32
        %add3A_662 = arith.addi %sub3A_76, %add3A_661 : i32
        %add3A_663 = vector.broadcast %add3A_662 : i32 to vector<16xi32>
        %add3A_664 = arith.addi %iota3A_660, %add3A_663 : vector<16xi32>
        %sub3A_665 = vector.broadcast %mul3A_16 : i32 to vector<16xi32>
        %sub3A_666 = arith.subi %get3A_659, %sub3A_665 : vector<16xi32>
        %ge3A_667 = arith.constant 0 : i32
        %ge3A_668 = vector.broadcast %ge3A_667 : i32 to vector<16xi32>
        %ge3A_669 = arith.cmpi sge, %add3A_664, %ge3A_668 : vector<16xi32>
        %ge3A_670 = arith.constant 0 : i32
        %ge3A_671 = vector.broadcast %ge3A_670 : i32 to vector<16xi32>
        %ge3A_672 = arith.cmpi sge, %sub3A_666, %ge3A_671 : vector<16xi32>
        %and3A_673 = arith.andi %ge3A_669, %ge3A_672 : vector<16xi1>
        %lt3A_674 = arith.constant 3328 : i32
        %lt3A_675 = vector.broadcast %lt3A_674 : i32 to vector<16xi32>
        %lt3A_676 = arith.cmpi slt, %sub3A_666, %lt3A_675 : vector<16xi32>
        %and3A_677 = arith.andi %and3A_673, %lt3A_676 : vector<16xi1>
        %broadcast_in_dim3A_678 = arith.constant 3328 : i32
        %broadcast_in_dim3A_679 = vector.broadcast %broadcast_in_dim3A_678 : i32 to vector<16xi32>
        %select_n3A_680 = arith.select %and3A_677, %sub3A_666, %broadcast_in_dim3A_679 : vector<16xi1>, vector<16xi32>
        %swap3A_681 = arith.constant 336 : index
        %swap3A_682 = tpu.vector_load %arg10[%swap3A_681] {strides = array<i32>} : memref<640xi32, #tpu.memory_space<vmem>>, vector<16xi32>,
        %swap3A_683 = vector.shape_cast %swap3A_682 : vector<16xi32> to vector<16xi32>
        %swap3A_684 = vector.shape_cast %select_n3A_680 : vector<16xi32> to vector<16xi32>
        tpu.vector_store %arg10[%swap3A_681], %swap3A_684 {strides = array<i32>} : memref<640xi32, #tpu.memory_space<vmem>>, vector<16xi32>,
        %get3A_685 = arith.constant 352 : index
        %get3A_686 = tpu.vector_load %arg9[%get3A_685] {strides = array<i32>} : memref<640xi32, #tpu.memory_space<vmem>>, vector<16xi32>,
        %get3A_687 = vector.shape_cast %get3A_686 : vector<16xi32> to vector<16xi32>
        %iota3A_688 = tpu.iota {dimensions = array<i32: 0>} : vector<16xi32>
        %add3A_689 = arith.constant 352 : i32
        %add3A_690 = arith.addi %sub3A_76, %add3A_689 : i32
        %add3A_691 = vector.broadcast %add3A_690 : i32 to vector<16xi32>
        %add3A_692 = arith.addi %iota3A_688, %add3A_691 : vector<16xi32>
        %sub3A_693 = vector.broadcast %mul3A_16 : i32 to vector<16xi32>
        %sub3A_694 = arith.subi %get3A_687, %sub3A_693 : vector<16xi32>
        %ge3A_695 = arith.constant 0 : i32
        %ge3A_696 = vector.broadcast %ge3A_695 : i32 to vector<16xi32>
        %ge3A_697 = arith.cmpi sge, %add3A_692, %ge3A_696 : vector<16xi32>
        %ge3A_698 = arith.constant 0 : i32
        %ge3A_699 = vector.broadcast %ge3A_698 : i32 to vector<16xi32>
        %ge3A_700 = arith.cmpi sge, %sub3A_694, %ge3A_699 : vector<16xi32>
        %and3A_701 = arith.andi %ge3A_697, %ge3A_700 : vector<16xi1>
        %lt3A_702 = arith.constant 3328 : i32
        %lt3A_703 = vector.broadcast %lt3A_702 : i32 to vector<16xi32>
        %lt3A_704 = arith.cmpi slt, %sub3A_694, %lt3A_703 : vector<16xi32>
        %and3A_705 = arith.andi %and3A_701, %lt3A_704 : vector<16xi1>
        %broadcast_in_dim3A_706 = arith.constant 3328 : i32
        %broadcast_in_dim3A_707 = vector.broadcast %broadcast_in_dim3A_706 : i32 to vector<16xi32>
        %select_n3A_708 = arith.select %and3A_705, %sub3A_694, %broadcast_in_dim3A_707 : vector<16xi1>, vector<16xi32>
        %swap3A_709 = arith.constant 352 : index
        %swap3A_710 = tpu.vector_load %arg10[%swap3A_709] {strides = array<i32>} : memref<640xi32, #tpu.memory_space<vmem>>, vector<16xi32>,
        %swap3A_711 = vector.shape_cast %swap3A_710 : vector<16xi32> to vector<16xi32>
        %swap3A_712 = vector.shape_cast %select_n3A_708 : vector<16xi32> to vector<16xi32>
        tpu.vector_store %arg10[%swap3A_709], %swap3A_712 {strides = array<i32>} : memref<640xi32, #tpu.memory_space<vmem>>, vector<16xi32>,
        %get3A_713 = arith.constant 368 : index
        %get3A_714 = tpu.vector_load %arg9[%get3A_713] {strides = array<i32>} : memref<640xi32, #tpu.memory_space<vmem>>, vector<16xi32>,
        %get3A_715 = vector.shape_cast %get3A_714 : vector<16xi32> to vector<16xi32>
        %iota3A_716 = tpu.iota {dimensions = array<i32: 0>} : vector<16xi32>
        %add3A_717 = arith.constant 368 : i32
        %add3A_718 = arith.addi %sub3A_76, %add3A_717 : i32
        %add3A_719 = vector.broadcast %add3A_718 : i32 to vector<16xi32>
        %add3A_720 = arith.addi %iota3A_716, %add3A_719 : vector<16xi32>
        %sub3A_721 = vector.broadcast %mul3A_16 : i32 to vector<16xi32>
        %sub3A_722 = arith.subi %get3A_715, %sub3A_721 : vector<16xi32>
        %ge3A_723 = arith.constant 0 : i32
        %ge3A_724 = vector.broadcast %ge3A_723 : i32 to vector<16xi32>
        %ge3A_725 = arith.cmpi sge, %add3A_720, %ge3A_724 : vector<16xi32>
        %ge3A_726 = arith.constant 0 : i32
        %ge3A_727 = vector.broadcast %ge3A_726 : i32 to vector<16xi32>
        %ge3A_728 = arith.cmpi sge, %sub3A_722, %ge3A_727 : vector<16xi32>
        %and3A_729 = arith.andi %ge3A_725, %ge3A_728 : vector<16xi1>
        %lt3A_730 = arith.constant 3328 : i32
        %lt3A_731 = vector.broadcast %lt3A_730 : i32 to vector<16xi32>
        %lt3A_732 = arith.cmpi slt, %sub3A_722, %lt3A_731 : vector<16xi32>
        %and3A_733 = arith.andi %and3A_729, %lt3A_732 : vector<16xi1>
        %broadcast_in_dim3A_734 = arith.constant 3328 : i32
        %broadcast_in_dim3A_735 = vector.broadcast %broadcast_in_dim3A_734 : i32 to vector<16xi32>
        %select_n3A_736 = arith.select %and3A_733, %sub3A_722, %broadcast_in_dim3A_735 : vector<16xi1>, vector<16xi32>
        %swap3A_737 = arith.constant 368 : index
        %swap3A_738 = tpu.vector_load %arg10[%swap3A_737] {strides = array<i32>} : memref<640xi32, #tpu.memory_space<vmem>>, vector<16xi32>,
        %swap3A_739 = vector.shape_cast %swap3A_738 : vector<16xi32> to vector<16xi32>
        %swap3A_740 = vector.shape_cast %select_n3A_736 : vector<16xi32> to vector<16xi32>
        tpu.vector_store %arg10[%swap3A_737], %swap3A_740 {strides = array<i32>} : memref<640xi32, #tpu.memory_space<vmem>>, vector<16xi32>,
        %get3A_741 = arith.constant 384 : index
        %get3A_742 = tpu.vector_load %arg9[%get3A_741] {strides = array<i32>} : memref<640xi32, #tpu.memory_space<vmem>>, vector<16xi32>,
        %get3A_743 = vector.shape_cast %get3A_742 : vector<16xi32> to vector<16xi32>
        %iota3A_744 = tpu.iota {dimensions = array<i32: 0>} : vector<16xi32>
        %add3A_745 = arith.constant 384 : i32
        %add3A_746 = arith.addi %sub3A_76, %add3A_745 : i32
        %add3A_747 = vector.broadcast %add3A_746 : i32 to vector<16xi32>
        %add3A_748 = arith.addi %iota3A_744, %add3A_747 : vector<16xi32>
        %sub3A_749 = vector.broadcast %mul3A_16 : i32 to vector<16xi32>
        %sub3A_750 = arith.subi %get3A_743, %sub3A_749 : vector<16xi32>
        %ge3A_751 = arith.constant 0 : i32
        %ge3A_752 = vector.broadcast %ge3A_751 : i32 to vector<16xi32>
        %ge3A_753 = arith.cmpi sge, %add3A_748, %ge3A_752 : vector<16xi32>
        %ge3A_754 = arith.constant 0 : i32
        %ge3A_755 = vector.broadcast %ge3A_754 : i32 to vector<16xi32>
        %ge3A_756 = arith.cmpi sge, %sub3A_750, %ge3A_755 : vector<16xi32>
        %and3A_757 = arith.andi %ge3A_753, %ge3A_756 : vector<16xi1>
        %lt3A_758 = arith.constant 3328 : i32
        %lt3A_759 = vector.broadcast %lt3A_758 : i32 to vector<16xi32>
        %lt3A_760 = arith.cmpi slt, %sub3A_750, %lt3A_759 : vector<16xi32>
        %and3A_761 = arith.andi %and3A_757, %lt3A_760 : vector<16xi1>
        %broadcast_in_dim3A_762 = arith.constant 3328 : i32
        %broadcast_in_dim3A_763 = vector.broadcast %broadcast_in_dim3A_762 : i32 to vector<16xi32>
        %select_n3A_764 = arith.select %and3A_761, %sub3A_750, %broadcast_in_dim3A_763 : vector<16xi1>, vector<16xi32>
        %swap3A_765 = arith.constant 384 : index
        %swap3A_766 = tpu.vector_load %arg10[%swap3A_765] {strides = array<i32>} : memref<640xi32, #tpu.memory_space<vmem>>, vector<16xi32>,
        %swap3A_767 = vector.shape_cast %swap3A_766 : vector<16xi32> to vector<16xi32>
        %swap3A_768 = vector.shape_cast %select_n3A_764 : vector<16xi32> to vector<16xi32>
        tpu.vector_store %arg10[%swap3A_765], %swap3A_768 {strides = array<i32>} : memref<640xi32, #tpu.memory_space<vmem>>, vector<16xi32>,
        %get3A_769 = arith.constant 400 : index
        %get3A_770 = tpu.vector_load %arg9[%get3A_769] {strides = array<i32>} : memref<640xi32, #tpu.memory_space<vmem>>, vector<16xi32>,
        %get3A_771 = vector.shape_cast %get3A_770 : vector<16xi32> to vector<16xi32>
        %iota3A_772 = tpu.iota {dimensions = array<i32: 0>} : vector<16xi32>
        %add3A_773 = arith.constant 400 : i32
        %add3A_774 = arith.addi %sub3A_76, %add3A_773 : i32
        %add3A_775 = vector.broadcast %add3A_774 : i32 to vector<16xi32>
        %add3A_776 = arith.addi %iota3A_772, %add3A_775 : vector<16xi32>
        %sub3A_777 = vector.broadcast %mul3A_16 : i32 to vector<16xi32>
        %sub3A_778 = arith.subi %get3A_771, %sub3A_777 : vector<16xi32>
        %ge3A_779 = arith.constant 0 : i32
        %ge3A_780 = vector.broadcast %ge3A_779 : i32 to vector<16xi32>
        %ge3A_781 = arith.cmpi sge, %add3A_776, %ge3A_780 : vector<16xi32>
        %ge3A_782 = arith.constant 0 : i32
        %ge3A_783 = vector.broadcast %ge3A_782 : i32 to vector<16xi32>
        %ge3A_784 = arith.cmpi sge, %sub3A_778, %ge3A_783 : vector<16xi32>
        %and3A_785 = arith.andi %ge3A_781, %ge3A_784 : vector<16xi1>
        %lt3A_786 = arith.constant 3328 : i32
        %lt3A_787 = vector.broadcast %lt3A_786 : i32 to vector<16xi32>
        %lt3A_788 = arith.cmpi slt, %sub3A_778, %lt3A_787 : vector<16xi32>
        %and3A_789 = arith.andi %and3A_785, %lt3A_788 : vector<16xi1>
        %broadcast_in_dim3A_790 = arith.constant 3328 : i32
        %broadcast_in_dim3A_791 = vector.broadcast %broadcast_in_dim3A_790 : i32 to vector<16xi32>
        %select_n3A_792 = arith.select %and3A_789, %sub3A_778, %broadcast_in_dim3A_791 : vector<16xi1>, vector<16xi32>
        %swap3A_793 = arith.constant 400 : index
        %swap3A_794 = tpu.vector_load %arg10[%swap3A_793] {strides = array<i32>} : memref<640xi32, #tpu.memory_space<vmem>>, vector<16xi32>,
        %swap3A_795 = vector.shape_cast %swap3A_794 : vector<16xi32> to vector<16xi32>
        %swap3A_796 = vector.shape_cast %select_n3A_792 : vector<16xi32> to vector<16xi32>
        tpu.vector_store %arg10[%swap3A_793], %swap3A_796 {strides = array<i32>} : memref<640xi32, #tpu.memory_space<vmem>>, vector<16xi32>,
        %get3A_797 = arith.constant 416 : index
        %get3A_798 = tpu.vector_load %arg9[%get3A_797] {strides = array<i32>} : memref<640xi32, #tpu.memory_space<vmem>>, vector<16xi32>,
        %get3A_799 = vector.shape_cast %get3A_798 : vector<16xi32> to vector<16xi32>
        %iota3A_800 = tpu.iota {dimensions = array<i32: 0>} : vector<16xi32>
        %add3A_801 = arith.constant 416 : i32
        %add3A_802 = arith.addi %sub3A_76, %add3A_801 : i32
        %add3A_803 = vector.broadcast %add3A_802 : i32 to vector<16xi32>
        %add3A_804 = arith.addi %iota3A_800, %add3A_803 : vector<16xi32>
        %sub3A_805 = vector.broadcast %mul3A_16 : i32 to vector<16xi32>
        %sub3A_806 = arith.subi %get3A_799, %sub3A_805 : vector<16xi32>
        %ge3A_807 = arith.constant 0 : i32
        %ge3A_808 = vector.broadcast %ge3A_807 : i32 to vector<16xi32>
        %ge3A_809 = arith.cmpi sge, %add3A_804, %ge3A_808 : vector<16xi32>
        %ge3A_810 = arith.constant 0 : i32
        %ge3A_811 = vector.broadcast %ge3A_810 : i32 to vector<16xi32>
        %ge3A_812 = arith.cmpi sge, %sub3A_806, %ge3A_811 : vector<16xi32>
        %and3A_813 = arith.andi %ge3A_809, %ge3A_812 : vector<16xi1>
        %lt3A_814 = arith.constant 3328 : i32
        %lt3A_815 = vector.broadcast %lt3A_814 : i32 to vector<16xi32>
        %lt3A_816 = arith.cmpi slt, %sub3A_806, %lt3A_815 : vector<16xi32>
        %and3A_817 = arith.andi %and3A_813, %lt3A_816 : vector<16xi1>
        %broadcast_in_dim3A_818 = arith.constant 3328 : i32
        %broadcast_in_dim3A_819 = vector.broadcast %broadcast_in_dim3A_818 : i32 to vector<16xi32>
        %select_n3A_820 = arith.select %and3A_817, %sub3A_806, %broadcast_in_dim3A_819 : vector<16xi1>, vector<16xi32>
        %swap3A_821 = arith.constant 416 : index
        %swap3A_822 = tpu.vector_load %arg10[%swap3A_821] {strides = array<i32>} : memref<640xi32, #tpu.memory_space<vmem>>, vector<16xi32>,
        %swap3A_823 = vector.shape_cast %swap3A_822 : vector<16xi32> to vector<16xi32>
        %swap3A_824 = vector.shape_cast %select_n3A_820 : vector<16xi32> to vector<16xi32>
        tpu.vector_store %arg10[%swap3A_821], %swap3A_824 {strides = array<i32>} : memref<640xi32, #tpu.memory_space<vmem>>, vector<16xi32>,
        %get3A_825 = arith.constant 432 : index
        %get3A_826 = tpu.vector_load %arg9[%get3A_825] {strides = array<i32>} : memref<640xi32, #tpu.memory_space<vmem>>, vector<16xi32>,
        %get3A_827 = vector.shape_cast %get3A_826 : vector<16xi32> to vector<16xi32>
        %iota3A_828 = tpu.iota {dimensions = array<i32: 0>} : vector<16xi32>
        %add3A_829 = arith.constant 432 : i32
        %add3A_830 = arith.addi %sub3A_76, %add3A_829 : i32
        %add3A_831 = vector.broadcast %add3A_830 : i32 to vector<16xi32>
        %add3A_832 = arith.addi %iota3A_828, %add3A_831 : vector<16xi32>
        %sub3A_833 = vector.broadcast %mul3A_16 : i32 to vector<16xi32>
        %sub3A_834 = arith.subi %get3A_827, %sub3A_833 : vector<16xi32>
        %ge3A_835 = arith.constant 0 : i32
        %ge3A_836 = vector.broadcast %ge3A_835 : i32 to vector<16xi32>
        %ge3A_837 = arith.cmpi sge, %add3A_832, %ge3A_836 : vector<16xi32>
        %ge3A_838 = arith.constant 0 : i32
        %ge3A_839 = vector.broadcast %ge3A_838 : i32 to vector<16xi32>
        %ge3A_840 = arith.cmpi sge, %sub3A_834, %ge3A_839 : vector<16xi32>
        %and3A_841 = arith.andi %ge3A_837, %ge3A_840 : vector<16xi1>
        %lt3A_842 = arith.constant 3328 : i32
        %lt3A_843 = vector.broadcast %lt3A_842 : i32 to vector<16xi32>
        %lt3A_844 = arith.cmpi slt, %sub3A_834, %lt3A_843 : vector<16xi32>
        %and3A_845 = arith.andi %and3A_841, %lt3A_844 : vector<16xi1>
        %broadcast_in_dim3A_846 = arith.constant 3328 : i32
        %broadcast_in_dim3A_847 = vector.broadcast %broadcast_in_dim3A_846 : i32 to vector<16xi32>
        %select_n3A_848 = arith.select %and3A_845, %sub3A_834, %broadcast_in_dim3A_847 : vector<16xi1>, vector<16xi32>
        %swap3A_849 = arith.constant 432 : index
        %swap3A_850 = tpu.vector_load %arg10[%swap3A_849] {strides = array<i32>} : memref<640xi32, #tpu.memory_space<vmem>>, vector<16xi32>,
        %swap3A_851 = vector.shape_cast %swap3A_850 : vector<16xi32> to vector<16xi32>
        %swap3A_852 = vector.shape_cast %select_n3A_848 : vector<16xi32> to vector<16xi32>
        tpu.vector_store %arg10[%swap3A_849], %swap3A_852 {strides = array<i32>} : memref<640xi32, #tpu.memory_space<vmem>>, vector<16xi32>,
        %get3A_853 = arith.constant 448 : index
        %get3A_854 = tpu.vector_load %arg9[%get3A_853] {strides = array<i32>} : memref<640xi32, #tpu.memory_space<vmem>>, vector<16xi32>,
        %get3A_855 = vector.shape_cast %get3A_854 : vector<16xi32> to vector<16xi32>
        %iota3A_856 = tpu.iota {dimensions = array<i32: 0>} : vector<16xi32>
        %add3A_857 = arith.constant 448 : i32
        %add3A_858 = arith.addi %sub3A_76, %add3A_857 : i32
        %add3A_859 = vector.broadcast %add3A_858 : i32 to vector<16xi32>
        %add3A_860 = arith.addi %iota3A_856, %add3A_859 : vector<16xi32>
        %sub3A_861 = vector.broadcast %mul3A_16 : i32 to vector<16xi32>
        %sub3A_862 = arith.subi %get3A_855, %sub3A_861 : vector<16xi32>
        %ge3A_863 = arith.constant 0 : i32
        %ge3A_864 = vector.broadcast %ge3A_863 : i32 to vector<16xi32>
        %ge3A_865 = arith.cmpi sge, %add3A_860, %ge3A_864 : vector<16xi32>
        %ge3A_866 = arith.constant 0 : i32
        %ge3A_867 = vector.broadcast %ge3A_866 : i32 to vector<16xi32>
        %ge3A_868 = arith.cmpi sge, %sub3A_862, %ge3A_867 : vector<16xi32>
        %and3A_869 = arith.andi %ge3A_865, %ge3A_868 : vector<16xi1>
        %lt3A_870 = arith.constant 3328 : i32
        %lt3A_871 = vector.broadcast %lt3A_870 : i32 to vector<16xi32>
        %lt3A_872 = arith.cmpi slt, %sub3A_862, %lt3A_871 : vector<16xi32>
        %and3A_873 = arith.andi %and3A_869, %lt3A_872 : vector<16xi1>
        %broadcast_in_dim3A_874 = arith.constant 3328 : i32
        %broadcast_in_dim3A_875 = vector.broadcast %broadcast_in_dim3A_874 : i32 to vector<16xi32>
        %select_n3A_876 = arith.select %and3A_873, %sub3A_862, %broadcast_in_dim3A_875 : vector<16xi1>, vector<16xi32>
        %swap3A_877 = arith.constant 448 : index
        %swap3A_878 = tpu.vector_load %arg10[%swap3A_877] {strides = array<i32>} : memref<640xi32, #tpu.memory_space<vmem>>, vector<16xi32>,
        %swap3A_879 = vector.shape_cast %swap3A_878 : vector<16xi32> to vector<16xi32>
        %swap3A_880 = vector.shape_cast %select_n3A_876 : vector<16xi32> to vector<16xi32>
        tpu.vector_store %arg10[%swap3A_877], %swap3A_880 {strides = array<i32>} : memref<640xi32, #tpu.memory_space<vmem>>, vector<16xi32>,
        %get3A_881 = arith.constant 464 : index
        %get3A_882 = tpu.vector_load %arg9[%get3A_881] {strides = array<i32>} : memref<640xi32, #tpu.memory_space<vmem>>, vector<16xi32>,
        %get3A_883 = vector.shape_cast %get3A_882 : vector<16xi32> to vector<16xi32>
        %iota3A_884 = tpu.iota {dimensions = array<i32: 0>} : vector<16xi32>
        %add3A_885 = arith.constant 464 : i32
        %add3A_886 = arith.addi %sub3A_76, %add3A_885 : i32
        %add3A_887 = vector.broadcast %add3A_886 : i32 to vector<16xi32>
        %add3A_888 = arith.addi %iota3A_884, %add3A_887 : vector<16xi32>
        %sub3A_889 = vector.broadcast %mul3A_16 : i32 to vector<16xi32>
        %sub3A_890 = arith.subi %get3A_883, %sub3A_889 : vector<16xi32>
        %ge3A_891 = arith.constant 0 : i32
        %ge3A_892 = vector.broadcast %ge3A_891 : i32 to vector<16xi32>
        %ge3A_893 = arith.cmpi sge, %add3A_888, %ge3A_892 : vector<16xi32>
        %ge3A_894 = arith.constant 0 : i32
        %ge3A_895 = vector.broadcast %ge3A_894 : i32 to vector<16xi32>
        %ge3A_896 = arith.cmpi sge, %sub3A_890, %ge3A_895 : vector<16xi32>
        %and3A_897 = arith.andi %ge3A_893, %ge3A_896 : vector<16xi1>
        %lt3A_898 = arith.constant 3328 : i32
        %lt3A_899 = vector.broadcast %lt3A_898 : i32 to vector<16xi32>
        %lt3A_900 = arith.cmpi slt, %sub3A_890, %lt3A_899 : vector<16xi32>
        %and3A_901 = arith.andi %and3A_897, %lt3A_900 : vector<16xi1>
        %broadcast_in_dim3A_902 = arith.constant 3328 : i32
        %broadcast_in_dim3A_903 = vector.broadcast %broadcast_in_dim3A_902 : i32 to vector<16xi32>
        %select_n3A_904 = arith.select %and3A_901, %sub3A_890, %broadcast_in_dim3A_903 : vector<16xi1>, vector<16xi32>
        %swap3A_905 = arith.constant 464 : index
        %swap3A_906 = tpu.vector_load %arg10[%swap3A_905] {strides = array<i32>} : memref<640xi32, #tpu.memory_space<vmem>>, vector<16xi32>,
        %swap3A_907 = vector.shape_cast %swap3A_906 : vector<16xi32> to vector<16xi32>
        %swap3A_908 = vector.shape_cast %select_n3A_904 : vector<16xi32> to vector<16xi32>
        tpu.vector_store %arg10[%swap3A_905], %swap3A_908 {strides = array<i32>} : memref<640xi32, #tpu.memory_space<vmem>>, vector<16xi32>,
        %get3A_909 = arith.constant 480 : index
        %get3A_910 = tpu.vector_load %arg9[%get3A_909] {strides = array<i32>} : memref<640xi32, #tpu.memory_space<vmem>>, vector<16xi32>,
        %get3A_911 = vector.shape_cast %get3A_910 : vector<16xi32> to vector<16xi32>
        %iota3A_912 = tpu.iota {dimensions = array<i32: 0>} : vector<16xi32>
        %add3A_913 = arith.constant 480 : i32
        %add3A_914 = arith.addi %sub3A_76, %add3A_913 : i32
        %add3A_915 = vector.broadcast %add3A_914 : i32 to vector<16xi32>
        %add3A_916 = arith.addi %iota3A_912, %add3A_915 : vector<16xi32>
        %sub3A_917 = vector.broadcast %mul3A_16 : i32 to vector<16xi32>
        %sub3A_918 = arith.subi %get3A_911, %sub3A_917 : vector<16xi32>
        %ge3A_919 = arith.constant 0 : i32
        %ge3A_920 = vector.broadcast %ge3A_919 : i32 to vector<16xi32>
        %ge3A_921 = arith.cmpi sge, %add3A_916, %ge3A_920 : vector<16xi32>
        %ge3A_922 = arith.constant 0 : i32
        %ge3A_923 = vector.broadcast %ge3A_922 : i32 to vector<16xi32>
        %ge3A_924 = arith.cmpi sge, %sub3A_918, %ge3A_923 : vector<16xi32>
        %and3A_925 = arith.andi %ge3A_921, %ge3A_924 : vector<16xi1>
        %lt3A_926 = arith.constant 3328 : i32
        %lt3A_927 = vector.broadcast %lt3A_926 : i32 to vector<16xi32>
        %lt3A_928 = arith.cmpi slt, %sub3A_918, %lt3A_927 : vector<16xi32>
        %and3A_929 = arith.andi %and3A_925, %lt3A_928 : vector<16xi1>
        %broadcast_in_dim3A_930 = arith.constant 3328 : i32
        %broadcast_in_dim3A_931 = vector.broadcast %broadcast_in_dim3A_930 : i32 to vector<16xi32>
        %select_n3A_932 = arith.select %and3A_929, %sub3A_918, %broadcast_in_dim3A_931 : vector<16xi1>, vector<16xi32>
        %swap3A_933 = arith.constant 480 : index
        %swap3A_934 = tpu.vector_load %arg10[%swap3A_933] {strides = array<i32>} : memref<640xi32, #tpu.memory_space<vmem>>, vector<16xi32>,
        %swap3A_935 = vector.shape_cast %swap3A_934 : vector<16xi32> to vector<16xi32>
        %swap3A_936 = vector.shape_cast %select_n3A_932 : vector<16xi32> to vector<16xi32>
        tpu.vector_store %arg10[%swap3A_933], %swap3A_936 {strides = array<i32>} : memref<640xi32, #tpu.memory_space<vmem>>, vector<16xi32>,
        %get3A_937 = arith.constant 496 : index
        %get3A_938 = tpu.vector_load %arg9[%get3A_937] {strides = array<i32>} : memref<640xi32, #tpu.memory_space<vmem>>, vector<16xi32>,
        %get3A_939 = vector.shape_cast %get3A_938 : vector<16xi32> to vector<16xi32>
        %iota3A_940 = tpu.iota {dimensions = array<i32: 0>} : vector<16xi32>
        %add3A_941 = arith.constant 496 : i32
        %add3A_942 = arith.addi %sub3A_76, %add3A_941 : i32
        %add3A_943 = vector.broadcast %add3A_942 : i32 to vector<16xi32>
        %add3A_944 = arith.addi %iota3A_940, %add3A_943 : vector<16xi32>
        %sub3A_945 = vector.broadcast %mul3A_16 : i32 to vector<16xi32>
        %sub3A_946 = arith.subi %get3A_939, %sub3A_945 : vector<16xi32>
        %ge3A_947 = arith.constant 0 : i32
        %ge3A_948 = vector.broadcast %ge3A_947 : i32 to vector<16xi32>
        %ge3A_949 = arith.cmpi sge, %add3A_944, %ge3A_948 : vector<16xi32>
        %ge3A_950 = arith.constant 0 : i32
        %ge3A_951 = vector.broadcast %ge3A_950 : i32 to vector<16xi32>
        %ge3A_952 = arith.cmpi sge, %sub3A_946, %ge3A_951 : vector<16xi32>
        %and3A_953 = arith.andi %ge3A_949, %ge3A_952 : vector<16xi1>
        %lt3A_954 = arith.constant 3328 : i32
        %lt3A_955 = vector.broadcast %lt3A_954 : i32 to vector<16xi32>
        %lt3A_956 = arith.cmpi slt, %sub3A_946, %lt3A_955 : vector<16xi32>
        %and3A_957 = arith.andi %and3A_953, %lt3A_956 : vector<16xi1>
        %broadcast_in_dim3A_958 = arith.constant 3328 : i32
        %broadcast_in_dim3A_959 = vector.broadcast %broadcast_in_dim3A_958 : i32 to vector<16xi32>
        %select_n3A_960 = arith.select %and3A_957, %sub3A_946, %broadcast_in_dim3A_959 : vector<16xi1>, vector<16xi32>
        %swap3A_961 = arith.constant 496 : index
        %swap3A_962 = tpu.vector_load %arg10[%swap3A_961] {strides = array<i32>} : memref<640xi32, #tpu.memory_space<vmem>>, vector<16xi32>,
        %swap3A_963 = vector.shape_cast %swap3A_962 : vector<16xi32> to vector<16xi32>
        %swap3A_964 = vector.shape_cast %select_n3A_960 : vector<16xi32> to vector<16xi32>
        tpu.vector_store %arg10[%swap3A_961], %swap3A_964 {strides = array<i32>} : memref<640xi32, #tpu.memory_space<vmem>>, vector<16xi32>,
        %get3A_965 = arith.constant 512 : index
        %get3A_966 = tpu.vector_load %arg9[%get3A_965] {strides = array<i32>} : memref<640xi32, #tpu.memory_space<vmem>>, vector<16xi32>,
        %get3A_967 = vector.shape_cast %get3A_966 : vector<16xi32> to vector<16xi32>
        %iota3A_968 = tpu.iota {dimensions = array<i32: 0>} : vector<16xi32>
        %add3A_969 = arith.constant 512 : i32
        %add3A_970 = arith.addi %sub3A_76, %add3A_969 : i32
        %add3A_971 = vector.broadcast %add3A_970 : i32 to vector<16xi32>
        %add3A_972 = arith.addi %iota3A_968, %add3A_971 : vector<16xi32>
        %sub3A_973 = vector.broadcast %mul3A_16 : i32 to vector<16xi32>
        %sub3A_974 = arith.subi %get3A_967, %sub3A_973 : vector<16xi32>
        %ge3A_975 = arith.constant 0 : i32
        %ge3A_976 = vector.broadcast %ge3A_975 : i32 to vector<16xi32>
        %ge3A_977 = arith.cmpi sge, %add3A_972, %ge3A_976 : vector<16xi32>
        %ge3A_978 = arith.constant 0 : i32
        %ge3A_979 = vector.broadcast %ge3A_978 : i32 to vector<16xi32>
        %ge3A_980 = arith.cmpi sge, %sub3A_974, %ge3A_979 : vector<16xi32>
        %and3A_981 = arith.andi %ge3A_977, %ge3A_980 : vector<16xi1>
        %lt3A_982 = arith.constant 3328 : i32
        %lt3A_983 = vector.broadcast %lt3A_982 : i32 to vector<16xi32>
        %lt3A_984 = arith.cmpi slt, %sub3A_974, %lt3A_983 : vector<16xi32>
        %and3A_985 = arith.andi %and3A_981, %lt3A_984 : vector<16xi1>
        %broadcast_in_dim3A_986 = arith.constant 3328 : i32
        %broadcast_in_dim3A_987 = vector.broadcast %broadcast_in_dim3A_986 : i32 to vector<16xi32>
        %select_n3A_988 = arith.select %and3A_985, %sub3A_974, %broadcast_in_dim3A_987 : vector<16xi1>, vector<16xi32>
        %swap3A_989 = arith.constant 512 : index
        %swap3A_990 = tpu.vector_load %arg10[%swap3A_989] {strides = array<i32>} : memref<640xi32, #tpu.memory_space<vmem>>, vector<16xi32>,
        %swap3A_991 = vector.shape_cast %swap3A_990 : vector<16xi32> to vector<16xi32>
        %swap3A_992 = vector.shape_cast %select_n3A_988 : vector<16xi32> to vector<16xi32>
        tpu.vector_store %arg10[%swap3A_989], %swap3A_992 {strides = array<i32>} : memref<640xi32, #tpu.memory_space<vmem>>, vector<16xi32>,
        %get3A_993 = arith.constant 528 : index
        %get3A_994 = tpu.vector_load %arg9[%get3A_993] {strides = array<i32>} : memref<640xi32, #tpu.memory_space<vmem>>, vector<16xi32>,
        %get3A_995 = vector.shape_cast %get3A_994 : vector<16xi32> to vector<16xi32>
        %iota3A_996 = tpu.iota {dimensions = array<i32: 0>} : vector<16xi32>
        %add3A_997 = arith.constant 528 : i32
        %add3A_998 = arith.addi %sub3A_76, %add3A_997 : i32
        %add3A_999 = vector.broadcast %add3A_998 : i32 to vector<16xi32>
        %add3A_1000 = arith.addi %iota3A_996, %add3A_999 : vector<16xi32>
        %sub3A_1001 = vector.broadcast %mul3A_16 : i32 to vector<16xi32>
        %sub3A_1002 = arith.subi %get3A_995, %sub3A_1001 : vector<16xi32>
        %ge3A_1003 = arith.constant 0 : i32
        %ge3A_1004 = vector.broadcast %ge3A_1003 : i32 to vector<16xi32>
        %ge3A_1005 = arith.cmpi sge, %add3A_1000, %ge3A_1004 : vector<16xi32>
        %ge3A_1006 = arith.constant 0 : i32
        %ge3A_1007 = vector.broadcast %ge3A_1006 : i32 to vector<16xi32>
        %ge3A_1008 = arith.cmpi sge, %sub3A_1002, %ge3A_1007 : vector<16xi32>
        %and3A_1009 = arith.andi %ge3A_1005, %ge3A_1008 : vector<16xi1>
        %lt3A_1010 = arith.constant 3328 : i32
        %lt3A_1011 = vector.broadcast %lt3A_1010 : i32 to vector<16xi32>
        %lt3A_1012 = arith.cmpi slt, %sub3A_1002, %lt3A_1011 : vector<16xi32>
        %and3A_1013 = arith.andi %and3A_1009, %lt3A_1012 : vector<16xi1>
        %broadcast_in_dim3A_1014 = arith.constant 3328 : i32
        %broadcast_in_dim3A_1015 = vector.broadcast %broadcast_in_dim3A_1014 : i32 to vector<16xi32>
        %select_n3A_1016 = arith.select %and3A_1013, %sub3A_1002, %broadcast_in_dim3A_1015 : vector<16xi1>, vector<16xi32>
        %swap3A_1017 = arith.constant 528 : index
        %swap3A_1018 = tpu.vector_load %arg10[%swap3A_1017] {strides = array<i32>} : memref<640xi32, #tpu.memory_space<vmem>>, vector<16xi32>,
        %swap3A_1019 = vector.shape_cast %swap3A_1018 : vector<16xi32> to vector<16xi32>
        %swap3A_1020 = vector.shape_cast %select_n3A_1016 : vector<16xi32> to vector<16xi32>
        tpu.vector_store %arg10[%swap3A_1017], %swap3A_1020 {strides = array<i32>} : memref<640xi32, #tpu.memory_space<vmem>>, vector<16xi32>,
        %get3A_1021 = arith.constant 544 : index
        %get3A_1022 = tpu.vector_load %arg9[%get3A_1021] {strides = array<i32>} : memref<640xi32, #tpu.memory_space<vmem>>, vector<16xi32>,
        %get3A_1023 = vector.shape_cast %get3A_1022 : vector<16xi32> to vector<16xi32>
        %iota3A_1024 = tpu.iota {dimensions = array<i32: 0>} : vector<16xi32>
        %add3A_1025 = arith.constant 544 : i32
        %add3A_1026 = arith.addi %sub3A_76, %add3A_1025 : i32
        %add3A_1027 = vector.broadcast %add3A_1026 : i32 to vector<16xi32>
        %add3A_1028 = arith.addi %iota3A_1024, %add3A_1027 : vector<16xi32>
        %sub3A_1029 = vector.broadcast %mul3A_16 : i32 to vector<16xi32>
        %sub3A_1030 = arith.subi %get3A_1023, %sub3A_1029 : vector<16xi32>
        %ge3A_1031 = arith.constant 0 : i32
        %ge3A_1032 = vector.broadcast %ge3A_1031 : i32 to vector<16xi32>
        %ge3A_1033 = arith.cmpi sge, %add3A_1028, %ge3A_1032 : vector<16xi32>
        %ge3A_1034 = arith.constant 0 : i32
        %ge3A_1035 = vector.broadcast %ge3A_1034 : i32 to vector<16xi32>
        %ge3A_1036 = arith.cmpi sge, %sub3A_1030, %ge3A_1035 : vector<16xi32>
        %and3A_1037 = arith.andi %ge3A_1033, %ge3A_1036 : vector<16xi1>
        %lt3A_1038 = arith.constant 3328 : i32
        %lt3A_1039 = vector.broadcast %lt3A_1038 : i32 to vector<16xi32>
        %lt3A_1040 = arith.cmpi slt, %sub3A_1030, %lt3A_1039 : vector<16xi32>
        %and3A_1041 = arith.andi %and3A_1037, %lt3A_1040 : vector<16xi1>
        %broadcast_in_dim3A_1042 = arith.constant 3328 : i32
        %broadcast_in_dim3A_1043 = vector.broadcast %broadcast_in_dim3A_1042 : i32 to vector<16xi32>
        %select_n3A_1044 = arith.select %and3A_1041, %sub3A_1030, %broadcast_in_dim3A_1043 : vector<16xi1>, vector<16xi32>
        %swap3A_1045 = arith.constant 544 : index
        %swap3A_1046 = tpu.vector_load %arg10[%swap3A_1045] {strides = array<i32>} : memref<640xi32, #tpu.memory_space<vmem>>, vector<16xi32>,
        %swap3A_1047 = vector.shape_cast %swap3A_1046 : vector<16xi32> to vector<16xi32>
        %swap3A_1048 = vector.shape_cast %select_n3A_1044 : vector<16xi32> to vector<16xi32>
        tpu.vector_store %arg10[%swap3A_1045], %swap3A_1048 {strides = array<i32>} : memref<640xi32, #tpu.memory_space<vmem>>, vector<16xi32>,
        %get3A_1049 = arith.constant 560 : index
        %get3A_1050 = tpu.vector_load %arg9[%get3A_1049] {strides = array<i32>} : memref<640xi32, #tpu.memory_space<vmem>>, vector<16xi32>,
        %get3A_1051 = vector.shape_cast %get3A_1050 : vector<16xi32> to vector<16xi32>
        %iota3A_1052 = tpu.iota {dimensions = array<i32: 0>} : vector<16xi32>
        %add3A_1053 = arith.constant 560 : i32
        %add3A_1054 = arith.addi %sub3A_76, %add3A_1053 : i32
        %add3A_1055 = vector.broadcast %add3A_1054 : i32 to vector<16xi32>
        %add3A_1056 = arith.addi %iota3A_1052, %add3A_1055 : vector<16xi32>
        %sub3A_1057 = vector.broadcast %mul3A_16 : i32 to vector<16xi32>
        %sub3A_1058 = arith.subi %get3A_1051, %sub3A_1057 : vector<16xi32>
        %ge3A_1059 = arith.constant 0 : i32
        %ge3A_1060 = vector.broadcast %ge3A_1059 : i32 to vector<16xi32>
        %ge3A_1061 = arith.cmpi sge, %add3A_1056, %ge3A_1060 : vector<16xi32>
        %ge3A_1062 = arith.constant 0 : i32
        %ge3A_1063 = vector.broadcast %ge3A_1062 : i32 to vector<16xi32>
        %ge3A_1064 = arith.cmpi sge, %sub3A_1058, %ge3A_1063 : vector<16xi32>
        %and3A_1065 = arith.andi %ge3A_1061, %ge3A_1064 : vector<16xi1>
        %lt3A_1066 = arith.constant 3328 : i32
        %lt3A_1067 = vector.broadcast %lt3A_1066 : i32 to vector<16xi32>
        %lt3A_1068 = arith.cmpi slt, %sub3A_1058, %lt3A_1067 : vector<16xi32>
        %and3A_1069 = arith.andi %and3A_1065, %lt3A_1068 : vector<16xi1>
        %broadcast_in_dim3A_1070 = arith.constant 3328 : i32
        %broadcast_in_dim3A_1071 = vector.broadcast %broadcast_in_dim3A_1070 : i32 to vector<16xi32>
        %select_n3A_1072 = arith.select %and3A_1069, %sub3A_1058, %broadcast_in_dim3A_1071 : vector<16xi1>, vector<16xi32>
        %swap3A_1073 = arith.constant 560 : index
        %swap3A_1074 = tpu.vector_load %arg10[%swap3A_1073] {strides = array<i32>} : memref<640xi32, #tpu.memory_space<vmem>>, vector<16xi32>,
        %swap3A_1075 = vector.shape_cast %swap3A_1074 : vector<16xi32> to vector<16xi32>
        %swap3A_1076 = vector.shape_cast %select_n3A_1072 : vector<16xi32> to vector<16xi32>
        tpu.vector_store %arg10[%swap3A_1073], %swap3A_1076 {strides = array<i32>} : memref<640xi32, #tpu.memory_space<vmem>>, vector<16xi32>,
        %get3A_1077 = arith.constant 576 : index
        %get3A_1078 = tpu.vector_load %arg9[%get3A_1077] {strides = array<i32>} : memref<640xi32, #tpu.memory_space<vmem>>, vector<16xi32>,
        %get3A_1079 = vector.shape_cast %get3A_1078 : vector<16xi32> to vector<16xi32>
        %iota3A_1080 = tpu.iota {dimensions = array<i32: 0>} : vector<16xi32>
        %add3A_1081 = arith.constant 576 : i32
        %add3A_1082 = arith.addi %sub3A_76, %add3A_1081 : i32
        %add3A_1083 = vector.broadcast %add3A_1082 : i32 to vector<16xi32>
        %add3A_1084 = arith.addi %iota3A_1080, %add3A_1083 : vector<16xi32>
        %sub3A_1085 = vector.broadcast %mul3A_16 : i32 to vector<16xi32>
        %sub3A_1086 = arith.subi %get3A_1079, %sub3A_1085 : vector<16xi32>
        %ge3A_1087 = arith.constant 0 : i32
        %ge3A_1088 = vector.broadcast %ge3A_1087 : i32 to vector<16xi32>
        %ge3A_1089 = arith.cmpi sge, %add3A_1084, %ge3A_1088 : vector<16xi32>
        %ge3A_1090 = arith.constant 0 : i32
        %ge3A_1091 = vector.broadcast %ge3A_1090 : i32 to vector<16xi32>
        %ge3A_1092 = arith.cmpi sge, %sub3A_1086, %ge3A_1091 : vector<16xi32>
        %and3A_1093 = arith.andi %ge3A_1089, %ge3A_1092 : vector<16xi1>
        %lt3A_1094 = arith.constant 3328 : i32
        %lt3A_1095 = vector.broadcast %lt3A_1094 : i32 to vector<16xi32>
        %lt3A_1096 = arith.cmpi slt, %sub3A_1086, %lt3A_1095 : vector<16xi32>
        %and3A_1097 = arith.andi %and3A_1093, %lt3A_1096 : vector<16xi1>
        %broadcast_in_dim3A_1098 = arith.constant 3328 : i32
        %broadcast_in_dim3A_1099 = vector.broadcast %broadcast_in_dim3A_1098 : i32 to vector<16xi32>
        %select_n3A_1100 = arith.select %and3A_1097, %sub3A_1086, %broadcast_in_dim3A_1099 : vector<16xi1>, vector<16xi32>
        %swap3A_1101 = arith.constant 576 : index
        %swap3A_1102 = tpu.vector_load %arg10[%swap3A_1101] {strides = array<i32>} : memref<640xi32, #tpu.memory_space<vmem>>, vector<16xi32>,
        %swap3A_1103 = vector.shape_cast %swap3A_1102 : vector<16xi32> to vector<16xi32>
        %swap3A_1104 = vector.shape_cast %select_n3A_1100 : vector<16xi32> to vector<16xi32>
        tpu.vector_store %arg10[%swap3A_1101], %swap3A_1104 {strides = array<i32>} : memref<640xi32, #tpu.memory_space<vmem>>, vector<16xi32>,
        %get3A_1105 = arith.constant 592 : index
        %get3A_1106 = tpu.vector_load %arg9[%get3A_1105] {strides = array<i32>} : memref<640xi32, #tpu.memory_space<vmem>>, vector<16xi32>,
        %get3A_1107 = vector.shape_cast %get3A_1106 : vector<16xi32> to vector<16xi32>
        %iota3A_1108 = tpu.iota {dimensions = array<i32: 0>} : vector<16xi32>
        %add3A_1109 = arith.constant 592 : i32
        %add3A_1110 = arith.addi %sub3A_76, %add3A_1109 : i32
        %add3A_1111 = vector.broadcast %add3A_1110 : i32 to vector<16xi32>
        %add3A_1112 = arith.addi %iota3A_1108, %add3A_1111 : vector<16xi32>
        %sub3A_1113 = vector.broadcast %mul3A_16 : i32 to vector<16xi32>
        %sub3A_1114 = arith.subi %get3A_1107, %sub3A_1113 : vector<16xi32>
        %ge3A_1115 = arith.constant 0 : i32
        %ge3A_1116 = vector.broadcast %ge3A_1115 : i32 to vector<16xi32>
        %ge3A_1117 = arith.cmpi sge, %add3A_1112, %ge3A_1116 : vector<16xi32>
        %ge3A_1118 = arith.constant 0 : i32
        %ge3A_1119 = vector.broadcast %ge3A_1118 : i32 to vector<16xi32>
        %ge3A_1120 = arith.cmpi sge, %sub3A_1114, %ge3A_1119 : vector<16xi32>
        %and3A_1121 = arith.andi %ge3A_1117, %ge3A_1120 : vector<16xi1>
        %lt3A_1122 = arith.constant 3328 : i32
        %lt3A_1123 = vector.broadcast %lt3A_1122 : i32 to vector<16xi32>
        %lt3A_1124 = arith.cmpi slt, %sub3A_1114, %lt3A_1123 : vector<16xi32>
        %and3A_1125 = arith.andi %and3A_1121, %lt3A_1124 : vector<16xi1>
        %broadcast_in_dim3A_1126 = arith.constant 3328 : i32
        %broadcast_in_dim3A_1127 = vector.broadcast %broadcast_in_dim3A_1126 : i32 to vector<16xi32>
        %select_n3A_1128 = arith.select %and3A_1125, %sub3A_1114, %broadcast_in_dim3A_1127 : vector<16xi1>, vector<16xi32>
        %swap3A_1129 = arith.constant 592 : index
        %swap3A_1130 = tpu.vector_load %arg10[%swap3A_1129] {strides = array<i32>} : memref<640xi32, #tpu.memory_space<vmem>>, vector<16xi32>,
        %swap3A_1131 = vector.shape_cast %swap3A_1130 : vector<16xi32> to vector<16xi32>
        %swap3A_1132 = vector.shape_cast %select_n3A_1128 : vector<16xi32> to vector<16xi32>
        tpu.vector_store %arg10[%swap3A_1129], %swap3A_1132 {strides = array<i32>} : memref<640xi32, #tpu.memory_space<vmem>>, vector<16xi32>,
        %get3A_1133 = arith.constant 608 : index
        %get3A_1134 = tpu.vector_load %arg9[%get3A_1133] {strides = array<i32>} : memref<640xi32, #tpu.memory_space<vmem>>, vector<16xi32>,
        %get3A_1135 = vector.shape_cast %get3A_1134 : vector<16xi32> to vector<16xi32>
        %iota3A_1136 = tpu.iota {dimensions = array<i32: 0>} : vector<16xi32>
        %add3A_1137 = arith.constant 608 : i32
        %add3A_1138 = arith.addi %sub3A_76, %add3A_1137 : i32
        %add3A_1139 = vector.broadcast %add3A_1138 : i32 to vector<16xi32>
        %add3A_1140 = arith.addi %iota3A_1136, %add3A_1139 : vector<16xi32>
        %sub3A_1141 = vector.broadcast %mul3A_16 : i32 to vector<16xi32>
        %sub3A_1142 = arith.subi %get3A_1135, %sub3A_1141 : vector<16xi32>
        %ge3A_1143 = arith.constant 0 : i32
        %ge3A_1144 = vector.broadcast %ge3A_1143 : i32 to vector<16xi32>
        %ge3A_1145 = arith.cmpi sge, %add3A_1140, %ge3A_1144 : vector<16xi32>
        %ge3A_1146 = arith.constant 0 : i32
        %ge3A_1147 = vector.broadcast %ge3A_1146 : i32 to vector<16xi32>
        %ge3A_1148 = arith.cmpi sge, %sub3A_1142, %ge3A_1147 : vector<16xi32>
        %and3A_1149 = arith.andi %ge3A_1145, %ge3A_1148 : vector<16xi1>
        %lt3A_1150 = arith.constant 3328 : i32
        %lt3A_1151 = vector.broadcast %lt3A_1150 : i32 to vector<16xi32>
        %lt3A_1152 = arith.cmpi slt, %sub3A_1142, %lt3A_1151 : vector<16xi32>
        %and3A_1153 = arith.andi %and3A_1149, %lt3A_1152 : vector<16xi1>
        %broadcast_in_dim3A_1154 = arith.constant 3328 : i32
        %broadcast_in_dim3A_1155 = vector.broadcast %broadcast_in_dim3A_1154 : i32 to vector<16xi32>
        %select_n3A_1156 = arith.select %and3A_1153, %sub3A_1142, %broadcast_in_dim3A_1155 : vector<16xi1>, vector<16xi32>
        %swap3A_1157 = arith.constant 608 : index
        %swap3A_1158 = tpu.vector_load %arg10[%swap3A_1157] {strides = array<i32>} : memref<640xi32, #tpu.memory_space<vmem>>, vector<16xi32>,
        %swap3A_1159 = vector.shape_cast %swap3A_1158 : vector<16xi32> to vector<16xi32>
        %swap3A_1160 = vector.shape_cast %select_n3A_1156 : vector<16xi32> to vector<16xi32>
        tpu.vector_store %arg10[%swap3A_1157], %swap3A_1160 {strides = array<i32>} : memref<640xi32, #tpu.memory_space<vmem>>, vector<16xi32>,
        %get3A_1161 = arith.constant 624 : index
        %get3A_1162 = tpu.vector_load %arg9[%get3A_1161] {strides = array<i32>} : memref<640xi32, #tpu.memory_space<vmem>>, vector<16xi32>,
        %get3A_1163 = vector.shape_cast %get3A_1162 : vector<16xi32> to vector<16xi32>
        %iota3A_1164 = tpu.iota {dimensions = array<i32: 0>} : vector<16xi32>
        %add3A_1165 = arith.constant 624 : i32
        %add3A_1166 = arith.addi %sub3A_76, %add3A_1165 : i32
        %add3A_1167 = vector.broadcast %add3A_1166 : i32 to vector<16xi32>
        %add3A_1168 = arith.addi %iota3A_1164, %add3A_1167 : vector<16xi32>
        %sub3A_1169 = vector.broadcast %mul3A_16 : i32 to vector<16xi32>
        %sub3A_1170 = arith.subi %get3A_1163, %sub3A_1169 : vector<16xi32>
        %ge3A_1171 = arith.constant 0 : i32
        %ge3A_1172 = vector.broadcast %ge3A_1171 : i32 to vector<16xi32>
        %ge3A_1173 = arith.cmpi sge, %add3A_1168, %ge3A_1172 : vector<16xi32>
        %ge3A_1174 = arith.constant 0 : i32
        %ge3A_1175 = vector.broadcast %ge3A_1174 : i32 to vector<16xi32>
        %ge3A_1176 = arith.cmpi sge, %sub3A_1170, %ge3A_1175 : vector<16xi32>
        %and3A_1177 = arith.andi %ge3A_1173, %ge3A_1176 : vector<16xi1>
        %lt3A_1178 = arith.constant 3328 : i32
        %lt3A_1179 = vector.broadcast %lt3A_1178 : i32 to vector<16xi32>
        %lt3A_1180 = arith.cmpi slt, %sub3A_1170, %lt3A_1179 : vector<16xi32>
        %and3A_1181 = arith.andi %and3A_1177, %lt3A_1180 : vector<16xi1>
        %broadcast_in_dim3A_1182 = arith.constant 3328 : i32
        %broadcast_in_dim3A_1183 = vector.broadcast %broadcast_in_dim3A_1182 : i32 to vector<16xi32>
        %select_n3A_1184 = arith.select %and3A_1181, %sub3A_1170, %broadcast_in_dim3A_1183 : vector<16xi1>, vector<16xi32>
        %swap3A_1185 = arith.constant 624 : index
        %swap3A_1186 = tpu.vector_load %arg10[%swap3A_1185] {strides = array<i32>} : memref<640xi32, #tpu.memory_space<vmem>>, vector<16xi32>,
        %swap3A_1187 = vector.shape_cast %swap3A_1186 : vector<16xi32> to vector<16xi32>
        %swap3A_1188 = vector.shape_cast %select_n3A_1184 : vector<16xi32> to vector<16xi32>
        tpu.vector_store %arg10[%swap3A_1185], %swap3A_1188 {strides = array<i32>} : memref<640xi32, #tpu.memory_space<vmem>>, vector<16xi32>,
        "tpu.region"() ({
          %run_scoped3A = tpu.sem_alloc : memref<!tpu.dma_semaphore, #tpu.memory_space<semaphore_mem>>
          %dma_start3A = arith.constant 0 : i32
          %dma_start3A_1189 = arith.constant 0 : i32
          %dma_start3A_1190 = tpu.memref_slice %arg13[%dma_start3A, %dma_start3A_1189] : memref<3344x128xf32, #tpu.memory_space<vmem_shared>> -> memref<3344x128xf32, #tpu.memory_space<vmem_shared>>
          tpu.enqueue_indirect_dma source(%arg11 : memref<640x128xf32, #tpu.memory_space<vmem>>) target(%dma_start3A_1190 : memref<3344x128xf32, #tpu.memory_space<vmem_shared>>) offsets(%arg10 : memref<640xi32, #tpu.memory_space<vmem>>) semaphore(%run_scoped3A : memref<!tpu.dma_semaphore, #tpu.memory_space<semaphore_mem>>) {add = true}
          %dma_wait3A = arith.constant 0 : i32
          %dma_wait3A_1191 = arith.constant 0 : i32
          %dma_wait3A_1192 = tpu.memref_slice %arg13[%dma_wait3A, %dma_wait3A_1191] : memref<3344x128xf32, #tpu.memory_space<vmem_shared>> -> memref<3344x128xf32, #tpu.memory_space<vmem_shared>>
          tpu.wait_indirect_dma semaphore(%run_scoped3A : memref<!tpu.dma_semaphore, #tpu.memory_space<semaphore_mem>>) src(%arg11 : memref<640x128xf32, #tpu.memory_space<vmem>>) dst(%dma_wait3A_1192 : memref<3344x128xf32, #tpu.memory_space<vmem_shared>>)
          tpu.yield
        }) : () -> ()
      }
      %scan3A_54 = arith.constant 12 : i32
      %barrier3A_55 = arith.constant 0 : index
      tpu.barrier barrier_id(%barrier3A_55)
      %mul3A_56 = arith.constant 208 : i32
      %mul3A_57 = arith.muli %arg1, %mul3A_56 : i32
      %mul3A_58 = arith.constant 208 : i32
      %mul3A_59 = arith.muli %arg1, %mul3A_58 : i32
      %add3A_60 = arith.addi %mul3A_16, %mul3A_59 : i32
      "tpu.region"() ({
        %run_scoped3A = tpu.sem_alloc : memref<!tpu.dma_semaphore, #tpu.memory_space<semaphore_mem>>
        %dma_start3A = arith.constant 0 : i32
        %dma_start3A_62 = tpu.memref_slice %arg8[%add3A_60, %dma_start3A] : memref<106496x128xf32, #tpu.memory_space<hbm>> -> memref<208x128xf32, #tpu.memory_space<hbm>>
        %dma_start3A_63 = arith.constant 0 : i32
        %dma_start3A_64 = tpu.memref_slice %arg13[%mul3A_57, %dma_start3A_63] : memref<3344x128xf32, #tpu.memory_space<vmem_shared>> -> memref<208x128xf32, #tpu.memory_space<vmem_shared>>
        tpu.enqueue_dma source(%dma_start3A_64 : memref<208x128xf32, #tpu.memory_space<vmem_shared>>) target(%dma_start3A_62 : memref<208x128xf32, #tpu.memory_space<hbm>>) target_semaphore(%run_scoped3A : memref<!tpu.dma_semaphore, #tpu.memory_space<semaphore_mem>>)
        %dma_wait3A = arith.constant 0 : i32
        %dma_wait3A_65 = tpu.memref_slice %arg8[%add3A_60, %dma_wait3A] : memref<106496x128xf32, #tpu.memory_space<hbm>> -> memref<208x128xf32, #tpu.memory_space<hbm>>
        %dma_wait3A_66 = arith.constant 0 : i32
        %dma_wait3A_67 = tpu.memref_slice %arg13[%mul3A_57, %dma_wait3A_66] : memref<3344x128xf32, #tpu.memory_space<vmem_shared>> -> memref<208x128xf32, #tpu.memory_space<vmem_shared>>
        tpu.wait_dma2 semaphore(%run_scoped3A : memref<!tpu.dma_semaphore, #tpu.memory_space<semaphore_mem>>) src(%dma_wait3A_67 : memref<208x128xf32, #tpu.memory_space<vmem_shared>>) dst(%dma_wait3A_65 : memref<208x128xf32, #tpu.memory_space<hbm>>)
        tpu.yield
      }) : () -> ()
      %barrier3A_61 = arith.constant 0 : index
      tpu.barrier barrier_id(%barrier3A_61)
    }
    %scan3A_8 = arith.constant 16 : i32
    return
  }
}

module attributes {stable_mosaic.version = 14 : i64} {
  func.func @body(%arg0: i32, %arg1: memref<1000x128xf32, #tpu.memory_space<vmem>>, %arg2: memref<1000x128xf32, #tpu.memory_space<vmem>>, %arg3: memref<128x384xf32, #tpu.memory_space<vmem>>, %arg4: memref<128x384xf32, #tpu.memory_space<vmem>>, %arg5: memref<1x384xf32, #tpu.memory_space<vmem>>, %arg6: memref<1x384xf32, #tpu.memory_space<vmem>>, %arg7: memref<128x128xf32, #tpu.memory_space<vmem>>, %arg8: memref<2x1000x128xf32, #tpu.memory_space<vmem>>) attributes {dimension_semantics = [#tpu.dimension_semantics<arbitrary>], iteration_bounds = array<i64: 30>, scalar_prefetch = 0 : i64, scratch_operands = 0 : i64, tpu.core_type = #tpu.core_type<tc>, window_params = [{transform_indices = @transform_0, window_bounds = array<i64: 1000, 128>}, {transform_indices = @transform_1, window_bounds = array<i64: 1000, 128>}, {pipeline_mode = #tpu.pipeline_mode<synchronous>, transform_indices = @transform_2, window_bounds = array<i64: 128, 384>}, {pipeline_mode = #tpu.pipeline_mode<synchronous>, transform_indices = @transform_3, window_bounds = array<i64: 128, 384>}, {pipeline_mode = #tpu.pipeline_mode<synchronous>, transform_indices = @transform_4, window_bounds = array<i64: 1, 384>}, {pipeline_mode = #tpu.pipeline_mode<synchronous>, transform_indices = @transform_5, window_bounds = array<i64: 1, 384>}, {pipeline_mode = #tpu.pipeline_mode<synchronous>, transform_indices = @transform_6, window_bounds = array<i64: 128, 128>}, {transform_indices = @transform_7, window_bounds = array<i64: 2, 1000, 128>}]} {
    %broadcast_in_dim3A = arith.constant 0.000000e+00 : f32
    %broadcast_in_dim3A_0 = vector.broadcast %broadcast_in_dim3A : f32 to vector<1000x128xf32>
    %get3A = arith.constant 0 : index
    %get3A_1 = arith.constant 0 : index
    %get3A_2 = vector.load %arg1[%get3A, %get3A_1] : memref<1000x128xf32, #tpu.memory_space<vmem>>, vector<1000x128xf32>
    %get3A_3 = arith.constant 0 : index
    %get3A_4 = arith.constant 0 : index
    %get3A_5 = vector.load %arg3[%get3A_3, %get3A_4] : memref<128x384xf32, #tpu.memory_space<vmem>>, vector<128x384xf32>
    %dot_general3A = arith.constant dense<0.000000e+00> : vector<1000x384xf32>
    %dot_general3A_6 = tpu.matmul %get3A_2, %get3A_5, %dot_general3A {dimension_numbers = #tpu.dot_dimension_numbers<[1], [0], [0], [1], [0, 0, 1, 1], [], []>, transpose_lhs_hint = false} : vector<1000x128xf32>, vector<128x384xf32>, vector<1000x384xf32> -> vector<1000x384xf32>
    %get3A_7 = arith.constant 0 : index
    %get3A_8 = arith.constant 0 : index
    %get3A_9 = vector.load %arg5[%get3A_7, %get3A_8] : memref<1x384xf32, #tpu.memory_space<vmem>>, vector<1x384xf32>
    %add3A = vector.broadcast %get3A_9 : vector<1x384xf32> to vector<1000x384xf32>
    %add3A_10 = arith.addf %dot_general3A_6, %add3A : vector<1000x384xf32>
    %get3A_11 = arith.constant 0 : index
    %get3A_12 = arith.constant 0 : index
    %get3A_13 = vector.load %arg4[%get3A_11, %get3A_12] : memref<128x384xf32, #tpu.memory_space<vmem>>, vector<128x384xf32>
    %dot_general3A_14 = arith.constant dense<0.000000e+00> : vector<1000x384xf32>
    %dot_general3A_15 = tpu.matmul %broadcast_in_dim3A_0, %get3A_13, %dot_general3A_14 {dimension_numbers = #tpu.dot_dimension_numbers<[1], [0], [0], [1], [0, 0, 1, 1], [], []>, transpose_lhs_hint = false} : vector<1000x128xf32>, vector<128x384xf32>, vector<1000x384xf32> -> vector<1000x384xf32>
    %get3A_16 = arith.constant 0 : index
    %get3A_17 = arith.constant 0 : index
    %get3A_18 = vector.load %arg6[%get3A_16, %get3A_17] : memref<1x384xf32, #tpu.memory_space<vmem>>, vector<1x384xf32>
    %add3A_19 = vector.broadcast %get3A_18 : vector<1x384xf32> to vector<1000x384xf32>
    %add3A_20 = arith.addf %dot_general3A_15, %add3A_19 : vector<1000x384xf32>
    %slice3A = vector.extract_strided_slice %add3A_10 {offsets = [0, 0], sizes = [1000, 128], strides = [1, 1]} : vector<1000x384xf32> to vector<1000x128xf32>
    %slice3A_21 = vector.extract_strided_slice %add3A_20 {offsets = [0, 0], sizes = [1000, 128], strides = [1, 1]} : vector<1000x384xf32> to vector<1000x128xf32>
    %add3A_22 = arith.addf %slice3A, %slice3A_21 : vector<1000x128xf32>
    %logistic3A = arith.negf %add3A_22 : vector<1000x128xf32>
    %logistic3A_23 = math.exp %logistic3A : vector<1000x128xf32>
    %logistic3A_24 = arith.constant 1.000000e+00 : f32
    %logistic3A_25 = vector.broadcast %logistic3A_24 : f32 to vector<1000x128xf32>
    %logistic3A_26 = arith.addf %logistic3A_25, %logistic3A_23 : vector<1000x128xf32>
    %logistic3A_27 = arith.divf %logistic3A_25, %logistic3A_26 : vector<1000x128xf32>
    %slice3A_28 = vector.extract_strided_slice %add3A_10 {offsets = [0, 128], sizes = [1000, 128], strides = [1, 1]} : vector<1000x384xf32> to vector<1000x128xf32>
    %slice3A_29 = vector.extract_strided_slice %add3A_20 {offsets = [0, 128], sizes = [1000, 128], strides = [1, 1]} : vector<1000x384xf32> to vector<1000x128xf32>
    %add3A_30 = arith.addf %slice3A_28, %slice3A_29 : vector<1000x128xf32>
    %logistic3A_31 = arith.negf %add3A_30 : vector<1000x128xf32>
    %logistic3A_32 = math.exp %logistic3A_31 : vector<1000x128xf32>
    %logistic3A_33 = arith.constant 1.000000e+00 : f32
    %logistic3A_34 = vector.broadcast %logistic3A_33 : f32 to vector<1000x128xf32>
    %logistic3A_35 = arith.addf %logistic3A_34, %logistic3A_32 : vector<1000x128xf32>
    %logistic3A_36 = arith.divf %logistic3A_34, %logistic3A_35 : vector<1000x128xf32>
    %slice3A_37 = vector.extract_strided_slice %add3A_10 {offsets = [0, 256], sizes = [1000, 128], strides = [1, 1]} : vector<1000x384xf32> to vector<1000x128xf32>
    %slice3A_38 = vector.extract_strided_slice %add3A_20 {offsets = [0, 256], sizes = [1000, 128], strides = [1, 1]} : vector<1000x384xf32> to vector<1000x128xf32>
    %mul3A = arith.mulf %logistic3A_27, %slice3A_38 : vector<1000x128xf32>
    %add3A_39 = arith.addf %slice3A_37, %mul3A : vector<1000x128xf32>
    %tanh3A = math.tanh %add3A_39 : vector<1000x128xf32>
    %sub3A = arith.constant 1.000000e+00 : f32
    %sub3A_40 = vector.broadcast %sub3A : f32 to vector<1000x128xf32>
    %sub3A_41 = arith.subf %sub3A_40, %logistic3A_36 : vector<1000x128xf32>
    %mul3A_42 = arith.mulf %sub3A_41, %tanh3A : vector<1000x128xf32>
    %mul3A_43 = arith.mulf %logistic3A_36, %broadcast_in_dim3A_0 : vector<1000x128xf32>
    %add3A_44 = arith.addf %mul3A_42, %mul3A_43 : vector<1000x128xf32>
    %get3A_45 = arith.constant 0 : index
    %get3A_46 = arith.constant 0 : index
    %get3A_47 = vector.load %arg7[%get3A_45, %get3A_46] : memref<128x128xf32, #tpu.memory_space<vmem>>, vector<128x128xf32>
    %dot_general3A_48 = arith.constant dense<0.000000e+00> : vector<1000x128xf32>
    %dot_general3A_49 = tpu.matmul %add3A_44, %get3A_47, %dot_general3A_48 {dimension_numbers = #tpu.dot_dimension_numbers<[1], [0], [0], [1], [0, 0, 1, 1], [], []>, transpose_lhs_hint = false} : vector<1000x128xf32>, vector<128x128xf32>, vector<1000x128xf32> -> vector<1000x128xf32>
    %swap3A = arith.constant 0 : index
    %swap3A_50 = arith.constant 0 : index
    %swap3A_51 = arith.constant 0 : index
    %swap3A_52 = vector.load %arg8[%swap3A, %swap3A_50, %swap3A_51] : memref<2x1000x128xf32, #tpu.memory_space<vmem>>, vector<1x1000x128xf32>
    %swap3A_53 = vector.shape_cast %swap3A_52 : vector<1x1000x128xf32> to vector<1000x128xf32>
    %swap3A_54 = vector.shape_cast %dot_general3A_49 : vector<1000x128xf32> to vector<1x1000x128xf32>
    tpu.vector_store %arg8[%swap3A, %swap3A_50, %swap3A_51], %swap3A_54 {strides = array<i32>} : memref<2x1000x128xf32, #tpu.memory_space<vmem>>, vector<1x1000x128xf32>,
    %get3A_55 = arith.constant 0 : index
    %get3A_56 = arith.constant 0 : index
    %get3A_57 = vector.load %arg2[%get3A_55, %get3A_56] : memref<1000x128xf32, #tpu.memory_space<vmem>>, vector<1000x128xf32>
    %get3A_58 = arith.constant 0 : index
    %get3A_59 = arith.constant 0 : index
    %get3A_60 = vector.load %arg3[%get3A_58, %get3A_59] : memref<128x384xf32, #tpu.memory_space<vmem>>, vector<128x384xf32>
    %dot_general3A_61 = arith.constant dense<0.000000e+00> : vector<1000x384xf32>
    %dot_general3A_62 = tpu.matmul %get3A_57, %get3A_60, %dot_general3A_61 {dimension_numbers = #tpu.dot_dimension_numbers<[1], [0], [0], [1], [0, 0, 1, 1], [], []>, transpose_lhs_hint = false} : vector<1000x128xf32>, vector<128x384xf32>, vector<1000x384xf32> -> vector<1000x384xf32>
    %get3A_63 = arith.constant 0 : index
    %get3A_64 = arith.constant 0 : index
    %get3A_65 = vector.load %arg5[%get3A_63, %get3A_64] : memref<1x384xf32, #tpu.memory_space<vmem>>, vector<1x384xf32>
    %add3A_66 = vector.broadcast %get3A_65 : vector<1x384xf32> to vector<1000x384xf32>
    %add3A_67 = arith.addf %dot_general3A_62, %add3A_66 : vector<1000x384xf32>
    %get3A_68 = arith.constant 0 : index
    %get3A_69 = arith.constant 0 : index
    %get3A_70 = vector.load %arg4[%get3A_68, %get3A_69] : memref<128x384xf32, #tpu.memory_space<vmem>>, vector<128x384xf32>
    %dot_general3A_71 = arith.constant dense<0.000000e+00> : vector<1000x384xf32>
    %dot_general3A_72 = tpu.matmul %add3A_44, %get3A_70, %dot_general3A_71 {dimension_numbers = #tpu.dot_dimension_numbers<[1], [0], [0], [1], [0, 0, 1, 1], [], []>, transpose_lhs_hint = false} : vector<1000x128xf32>, vector<128x384xf32>, vector<1000x384xf32> -> vector<1000x384xf32>
    %get3A_73 = arith.constant 0 : index
    %get3A_74 = arith.constant 0 : index
    %get3A_75 = vector.load %arg6[%get3A_73, %get3A_74] : memref<1x384xf32, #tpu.memory_space<vmem>>, vector<1x384xf32>
    %add3A_76 = vector.broadcast %get3A_75 : vector<1x384xf32> to vector<1000x384xf32>
    %add3A_77 = arith.addf %dot_general3A_72, %add3A_76 : vector<1000x384xf32>
    %slice3A_78 = vector.extract_strided_slice %add3A_67 {offsets = [0, 0], sizes = [1000, 128], strides = [1, 1]} : vector<1000x384xf32> to vector<1000x128xf32>
    %slice3A_79 = vector.extract_strided_slice %add3A_77 {offsets = [0, 0], sizes = [1000, 128], strides = [1, 1]} : vector<1000x384xf32> to vector<1000x128xf32>
    %add3A_80 = arith.addf %slice3A_78, %slice3A_79 : vector<1000x128xf32>
    %logistic3A_81 = arith.negf %add3A_80 : vector<1000x128xf32>
    %logistic3A_82 = math.exp %logistic3A_81 : vector<1000x128xf32>
    %logistic3A_83 = arith.constant 1.000000e+00 : f32
    %logistic3A_84 = vector.broadcast %logistic3A_83 : f32 to vector<1000x128xf32>
    %logistic3A_85 = arith.addf %logistic3A_84, %logistic3A_82 : vector<1000x128xf32>
    %logistic3A_86 = arith.divf %logistic3A_84, %logistic3A_85 : vector<1000x128xf32>
    %slice3A_87 = vector.extract_strided_slice %add3A_67 {offsets = [0, 128], sizes = [1000, 128], strides = [1, 1]} : vector<1000x384xf32> to vector<1000x128xf32>
    %slice3A_88 = vector.extract_strided_slice %add3A_77 {offsets = [0, 128], sizes = [1000, 128], strides = [1, 1]} : vector<1000x384xf32> to vector<1000x128xf32>
    %add3A_89 = arith.addf %slice3A_87, %slice3A_88 : vector<1000x128xf32>
    %logistic3A_90 = arith.negf %add3A_89 : vector<1000x128xf32>
    %logistic3A_91 = math.exp %logistic3A_90 : vector<1000x128xf32>
    %logistic3A_92 = arith.constant 1.000000e+00 : f32
    %logistic3A_93 = vector.broadcast %logistic3A_92 : f32 to vector<1000x128xf32>
    %logistic3A_94 = arith.addf %logistic3A_93, %logistic3A_91 : vector<1000x128xf32>
    %logistic3A_95 = arith.divf %logistic3A_93, %logistic3A_94 : vector<1000x128xf32>
    %slice3A_96 = vector.extract_strided_slice %add3A_67 {offsets = [0, 256], sizes = [1000, 128], strides = [1, 1]} : vector<1000x384xf32> to vector<1000x128xf32>
    %slice3A_97 = vector.extract_strided_slice %add3A_77 {offsets = [0, 256], sizes = [1000, 128], strides = [1, 1]} : vector<1000x384xf32> to vector<1000x128xf32>
    %mul3A_98 = arith.mulf %logistic3A_86, %slice3A_97 : vector<1000x128xf32>
    %add3A_99 = arith.addf %slice3A_96, %mul3A_98 : vector<1000x128xf32>
    %tanh3A_100 = math.tanh %add3A_99 : vector<1000x128xf32>
    %sub3A_101 = arith.constant 1.000000e+00 : f32
    %sub3A_102 = vector.broadcast %sub3A_101 : f32 to vector<1000x128xf32>
    %sub3A_103 = arith.subf %sub3A_102, %logistic3A_95 : vector<1000x128xf32>
    %mul3A_104 = arith.mulf %sub3A_103, %tanh3A_100 : vector<1000x128xf32>
    %mul3A_105 = arith.mulf %logistic3A_95, %add3A_44 : vector<1000x128xf32>
    %add3A_106 = arith.addf %mul3A_104, %mul3A_105 : vector<1000x128xf32>
    %get3A_107 = arith.constant 0 : index
    %get3A_108 = arith.constant 0 : index
    %get3A_109 = vector.load %arg7[%get3A_107, %get3A_108] : memref<128x128xf32, #tpu.memory_space<vmem>>, vector<128x128xf32>
    %dot_general3A_110 = arith.constant dense<0.000000e+00> : vector<1000x128xf32>
    %dot_general3A_111 = tpu.matmul %add3A_106, %get3A_109, %dot_general3A_110 {dimension_numbers = #tpu.dot_dimension_numbers<[1], [0], [0], [1], [0, 0, 1, 1], [], []>, transpose_lhs_hint = false} : vector<1000x128xf32>, vector<128x128xf32>, vector<1000x128xf32> -> vector<1000x128xf32>
    %swap3A_112 = arith.constant 1 : index
    %swap3A_113 = arith.constant 0 : index
    %swap3A_114 = arith.constant 0 : index
    %swap3A_115 = vector.load %arg8[%swap3A_112, %swap3A_113, %swap3A_114] : memref<2x1000x128xf32, #tpu.memory_space<vmem>>, vector<1x1000x128xf32>
    %swap3A_116 = vector.shape_cast %swap3A_115 : vector<1x1000x128xf32> to vector<1000x128xf32>
    %swap3A_117 = vector.shape_cast %dot_general3A_111 : vector<1000x128xf32> to vector<1x1000x128xf32>
    tpu.vector_store %arg8[%swap3A_112, %swap3A_113, %swap3A_114], %swap3A_117 {strides = array<i32>} : memref<2x1000x128xf32, #tpu.memory_space<vmem>>, vector<1x1000x128xf32>,
    return
  }
  func.func @transform_0(%arg0: i32) -> (i32, i32) {
    %add3A = arith.constant 0 : i32
    %add3A_0 = arith.addi %add3A, %arg0 : i32
    %c0_i32 = arith.constant 0 : i32
    %c0_i32_1 = arith.constant 0 : i32
    return %add3A_0, %c0_i32 : i32, i32
  }
  func.func @transform_1(%arg0: i32) -> (i32, i32) {
    %add3A = arith.constant 30 : i32
    %add3A_0 = arith.addi %add3A, %arg0 : i32
    %c0_i32 = arith.constant 0 : i32
    %c0_i32_1 = arith.constant 0 : i32
    return %add3A_0, %c0_i32 : i32, i32
  }
  func.func @transform_2(%arg0: i32) -> (i32, i32) {
    %c0_i32 = arith.constant 0 : i32
    %c0_i32_0 = arith.constant 0 : i32
    %c0_i32_1 = arith.constant 0 : i32
    return %c0_i32, %c0_i32_0 : i32, i32
  }
  func.func @transform_3(%arg0: i32) -> (i32, i32) {
    %c0_i32 = arith.constant 0 : i32
    %c0_i32_0 = arith.constant 0 : i32
    %c0_i32_1 = arith.constant 0 : i32
    return %c0_i32, %c0_i32_0 : i32, i32
  }
  func.func @transform_4(%arg0: i32) -> (i32, i32) {
    %c0_i32 = arith.constant 0 : i32
    %c0_i32_0 = arith.constant 0 : i32
    %c0_i32_1 = arith.constant 0 : i32
    return %c0_i32, %c0_i32_0 : i32, i32
  }
  func.func @transform_5(%arg0: i32) -> (i32, i32) {
    %c0_i32 = arith.constant 0 : i32
    %c0_i32_0 = arith.constant 0 : i32
    %c0_i32_1 = arith.constant 0 : i32
    return %c0_i32, %c0_i32_0 : i32, i32
  }
  func.func @transform_6(%arg0: i32) -> (i32, i32) {
    %c0_i32 = arith.constant 0 : i32
    %c0_i32_0 = arith.constant 0 : i32
    %c0_i32_1 = arith.constant 0 : i32
    return %c0_i32, %c0_i32_0 : i32, i32
  }
  func.func @transform_7(%arg0: i32) -> (i32, i32, i32) {
    %c0_i32 = arith.constant 0 : i32
    %c0_i32_0 = arith.constant 0 : i32
    %c0_i32_1 = arith.constant 0 : i32
    return %c0_i32, %arg0, %c0_i32_0 : i32, i32, i32
  }
}

module attributes {stable_mosaic.version = 14 : i64} {
  func.func @body(%arg0: i32, %arg1: memref<1000x128xf32, #tpu.memory_space<vmem>>, %arg2: memref<1000x128xf32, #tpu.memory_space<vmem>>, %arg3: memref<1000x128xf32, #tpu.memory_space<vmem>>, %arg4: memref<128x384xf32, #tpu.memory_space<vmem>>, %arg5: memref<128x384xf32, #tpu.memory_space<vmem>>, %arg6: memref<1x384xf32, #tpu.memory_space<vmem>>, %arg7: memref<1x384xf32, #tpu.memory_space<vmem>>, %arg8: memref<128x128xf32, #tpu.memory_space<vmem>>, %arg9: memref<3x1000x128xf32, #tpu.memory_space<vmem>>) attributes {dimension_semantics = [#tpu.dimension_semantics<arbitrary>], iteration_bounds = array<i64: 30>, scalar_prefetch = 0 : i64, scratch_operands = 0 : i64, tpu.core_type = #tpu.core_type<tc>, window_params = [{transform_indices = @transform_0, window_bounds = array<i64: 1000, 128>}, {transform_indices = @transform_1, window_bounds = array<i64: 1000, 128>}, {transform_indices = @transform_2, window_bounds = array<i64: 1000, 128>}, {pipeline_mode = #tpu.pipeline_mode<synchronous>, transform_indices = @transform_3, window_bounds = array<i64: 128, 384>}, {pipeline_mode = #tpu.pipeline_mode<synchronous>, transform_indices = @transform_4, window_bounds = array<i64: 128, 384>}, {pipeline_mode = #tpu.pipeline_mode<synchronous>, transform_indices = @transform_5, window_bounds = array<i64: 1, 384>}, {pipeline_mode = #tpu.pipeline_mode<synchronous>, transform_indices = @transform_6, window_bounds = array<i64: 1, 384>}, {pipeline_mode = #tpu.pipeline_mode<synchronous>, transform_indices = @transform_7, window_bounds = array<i64: 128, 128>}, {transform_indices = @transform_8, window_bounds = array<i64: 3, 1000, 128>}]} {
    %broadcast_in_dim3A = arith.constant 0.000000e+00 : f32
    %broadcast_in_dim3A_0 = vector.broadcast %broadcast_in_dim3A : f32 to vector<1000x128xf32>
    %get3A = arith.constant 0 : index
    %get3A_1 = arith.constant 0 : index
    %get3A_2 = vector.load %arg1[%get3A, %get3A_1] : memref<1000x128xf32, #tpu.memory_space<vmem>>, vector<1000x128xf32>
    %get3A_3 = arith.constant 0 : index
    %get3A_4 = arith.constant 0 : index
    %get3A_5 = vector.load %arg4[%get3A_3, %get3A_4] : memref<128x384xf32, #tpu.memory_space<vmem>>, vector<128x384xf32>
    %dot_general3A = arith.constant dense<0.000000e+00> : vector<1000x384xf32>
    %dot_general3A_6 = tpu.matmul %get3A_2, %get3A_5, %dot_general3A {dimension_numbers = #tpu.dot_dimension_numbers<[1], [0], [0], [1], [0, 0, 1, 1], [], []>, transpose_lhs_hint = false} : vector<1000x128xf32>, vector<128x384xf32>, vector<1000x384xf32> -> vector<1000x384xf32>
    %get3A_7 = arith.constant 0 : index
    %get3A_8 = arith.constant 0 : index
    %get3A_9 = vector.load %arg6[%get3A_7, %get3A_8] : memref<1x384xf32, #tpu.memory_space<vmem>>, vector<1x384xf32>
    %add3A = vector.broadcast %get3A_9 : vector<1x384xf32> to vector<1000x384xf32>
    %add3A_10 = arith.addf %dot_general3A_6, %add3A : vector<1000x384xf32>
    %get3A_11 = arith.constant 0 : index
    %get3A_12 = arith.constant 0 : index
    %get3A_13 = vector.load %arg5[%get3A_11, %get3A_12] : memref<128x384xf32, #tpu.memory_space<vmem>>, vector<128x384xf32>
    %dot_general3A_14 = arith.constant dense<0.000000e+00> : vector<1000x384xf32>
    %dot_general3A_15 = tpu.matmul %broadcast_in_dim3A_0, %get3A_13, %dot_general3A_14 {dimension_numbers = #tpu.dot_dimension_numbers<[1], [0], [0], [1], [0, 0, 1, 1], [], []>, transpose_lhs_hint = false} : vector<1000x128xf32>, vector<128x384xf32>, vector<1000x384xf32> -> vector<1000x384xf32>
    %get3A_16 = arith.constant 0 : index
    %get3A_17 = arith.constant 0 : index
    %get3A_18 = vector.load %arg7[%get3A_16, %get3A_17] : memref<1x384xf32, #tpu.memory_space<vmem>>, vector<1x384xf32>
    %add3A_19 = vector.broadcast %get3A_18 : vector<1x384xf32> to vector<1000x384xf32>
    %add3A_20 = arith.addf %dot_general3A_15, %add3A_19 : vector<1000x384xf32>
    %slice3A = vector.extract_strided_slice %add3A_10 {offsets = [0, 0], sizes = [1000, 128], strides = [1, 1]} : vector<1000x384xf32> to vector<1000x128xf32>
    %slice3A_21 = vector.extract_strided_slice %add3A_20 {offsets = [0, 0], sizes = [1000, 128], strides = [1, 1]} : vector<1000x384xf32> to vector<1000x128xf32>
    %add3A_22 = arith.addf %slice3A, %slice3A_21 : vector<1000x128xf32>
    %logistic3A = arith.negf %add3A_22 : vector<1000x128xf32>
    %logistic3A_23 = math.exp %logistic3A : vector<1000x128xf32>
    %logistic3A_24 = arith.constant 1.000000e+00 : f32
    %logistic3A_25 = vector.broadcast %logistic3A_24 : f32 to vector<1000x128xf32>
    %logistic3A_26 = arith.addf %logistic3A_25, %logistic3A_23 : vector<1000x128xf32>
    %logistic3A_27 = arith.divf %logistic3A_25, %logistic3A_26 : vector<1000x128xf32>
    %slice3A_28 = vector.extract_strided_slice %add3A_10 {offsets = [0, 128], sizes = [1000, 128], strides = [1, 1]} : vector<1000x384xf32> to vector<1000x128xf32>
    %slice3A_29 = vector.extract_strided_slice %add3A_20 {offsets = [0, 128], sizes = [1000, 128], strides = [1, 1]} : vector<1000x384xf32> to vector<1000x128xf32>
    %add3A_30 = arith.addf %slice3A_28, %slice3A_29 : vector<1000x128xf32>
    %logistic3A_31 = arith.negf %add3A_30 : vector<1000x128xf32>
    %logistic3A_32 = math.exp %logistic3A_31 : vector<1000x128xf32>
    %logistic3A_33 = arith.constant 1.000000e+00 : f32
    %logistic3A_34 = vector.broadcast %logistic3A_33 : f32 to vector<1000x128xf32>
    %logistic3A_35 = arith.addf %logistic3A_34, %logistic3A_32 : vector<1000x128xf32>
    %logistic3A_36 = arith.divf %logistic3A_34, %logistic3A_35 : vector<1000x128xf32>
    %slice3A_37 = vector.extract_strided_slice %add3A_10 {offsets = [0, 256], sizes = [1000, 128], strides = [1, 1]} : vector<1000x384xf32> to vector<1000x128xf32>
    %slice3A_38 = vector.extract_strided_slice %add3A_20 {offsets = [0, 256], sizes = [1000, 128], strides = [1, 1]} : vector<1000x384xf32> to vector<1000x128xf32>
    %mul3A = arith.mulf %logistic3A_27, %slice3A_38 : vector<1000x128xf32>
    %add3A_39 = arith.addf %slice3A_37, %mul3A : vector<1000x128xf32>
    %tanh3A = math.tanh %add3A_39 : vector<1000x128xf32>
    %sub3A = arith.constant 1.000000e+00 : f32
    %sub3A_40 = vector.broadcast %sub3A : f32 to vector<1000x128xf32>
    %sub3A_41 = arith.subf %sub3A_40, %logistic3A_36 : vector<1000x128xf32>
    %mul3A_42 = arith.mulf %sub3A_41, %tanh3A : vector<1000x128xf32>
    %mul3A_43 = arith.mulf %logistic3A_36, %broadcast_in_dim3A_0 : vector<1000x128xf32>
    %add3A_44 = arith.addf %mul3A_42, %mul3A_43 : vector<1000x128xf32>
    %get3A_45 = arith.constant 0 : index
    %get3A_46 = arith.constant 0 : index
    %get3A_47 = vector.load %arg8[%get3A_45, %get3A_46] : memref<128x128xf32, #tpu.memory_space<vmem>>, vector<128x128xf32>
    %dot_general3A_48 = arith.constant dense<0.000000e+00> : vector<1000x128xf32>
    %dot_general3A_49 = tpu.matmul %add3A_44, %get3A_47, %dot_general3A_48 {dimension_numbers = #tpu.dot_dimension_numbers<[1], [0], [0], [1], [0, 0, 1, 1], [], []>, transpose_lhs_hint = false} : vector<1000x128xf32>, vector<128x128xf32>, vector<1000x128xf32> -> vector<1000x128xf32>
    %swap3A = arith.constant 0 : index
    %swap3A_50 = arith.constant 0 : index
    %swap3A_51 = arith.constant 0 : index
    %swap3A_52 = vector.load %arg9[%swap3A, %swap3A_50, %swap3A_51] : memref<3x1000x128xf32, #tpu.memory_space<vmem>>, vector<1x1000x128xf32>
    %swap3A_53 = vector.shape_cast %swap3A_52 : vector<1x1000x128xf32> to vector<1000x128xf32>
    %swap3A_54 = vector.shape_cast %dot_general3A_49 : vector<1000x128xf32> to vector<1x1000x128xf32>
    tpu.vector_store %arg9[%swap3A, %swap3A_50, %swap3A_51], %swap3A_54 {strides = array<i32>} : memref<3x1000x128xf32, #tpu.memory_space<vmem>>, vector<1x1000x128xf32>,
    %get3A_55 = arith.constant 0 : index
    %get3A_56 = arith.constant 0 : index
    %get3A_57 = vector.load %arg2[%get3A_55, %get3A_56] : memref<1000x128xf32, #tpu.memory_space<vmem>>, vector<1000x128xf32>
    %get3A_58 = arith.constant 0 : index
    %get3A_59 = arith.constant 0 : index
    %get3A_60 = vector.load %arg4[%get3A_58, %get3A_59] : memref<128x384xf32, #tpu.memory_space<vmem>>, vector<128x384xf32>
    %dot_general3A_61 = arith.constant dense<0.000000e+00> : vector<1000x384xf32>
    %dot_general3A_62 = tpu.matmul %get3A_57, %get3A_60, %dot_general3A_61 {dimension_numbers = #tpu.dot_dimension_numbers<[1], [0], [0], [1], [0, 0, 1, 1], [], []>, transpose_lhs_hint = false} : vector<1000x128xf32>, vector<128x384xf32>, vector<1000x384xf32> -> vector<1000x384xf32>
    %get3A_63 = arith.constant 0 : index
    %get3A_64 = arith.constant 0 : index
    %get3A_65 = vector.load %arg6[%get3A_63, %get3A_64] : memref<1x384xf32, #tpu.memory_space<vmem>>, vector<1x384xf32>
    %add3A_66 = vector.broadcast %get3A_65 : vector<1x384xf32> to vector<1000x384xf32>
    %add3A_67 = arith.addf %dot_general3A_62, %add3A_66 : vector<1000x384xf32>
    %get3A_68 = arith.constant 0 : index
    %get3A_69 = arith.constant 0 : index
    %get3A_70 = vector.load %arg5[%get3A_68, %get3A_69] : memref<128x384xf32, #tpu.memory_space<vmem>>, vector<128x384xf32>
    %dot_general3A_71 = arith.constant dense<0.000000e+00> : vector<1000x384xf32>
    %dot_general3A_72 = tpu.matmul %add3A_44, %get3A_70, %dot_general3A_71 {dimension_numbers = #tpu.dot_dimension_numbers<[1], [0], [0], [1], [0, 0, 1, 1], [], []>, transpose_lhs_hint = false} : vector<1000x128xf32>, vector<128x384xf32>, vector<1000x384xf32> -> vector<1000x384xf32>
    %get3A_73 = arith.constant 0 : index
    %get3A_74 = arith.constant 0 : index
    %get3A_75 = vector.load %arg7[%get3A_73, %get3A_74] : memref<1x384xf32, #tpu.memory_space<vmem>>, vector<1x384xf32>
    %add3A_76 = vector.broadcast %get3A_75 : vector<1x384xf32> to vector<1000x384xf32>
    %add3A_77 = arith.addf %dot_general3A_72, %add3A_76 : vector<1000x384xf32>
    %slice3A_78 = vector.extract_strided_slice %add3A_67 {offsets = [0, 0], sizes = [1000, 128], strides = [1, 1]} : vector<1000x384xf32> to vector<1000x128xf32>
    %slice3A_79 = vector.extract_strided_slice %add3A_77 {offsets = [0, 0], sizes = [1000, 128], strides = [1, 1]} : vector<1000x384xf32> to vector<1000x128xf32>
    %add3A_80 = arith.addf %slice3A_78, %slice3A_79 : vector<1000x128xf32>
    %logistic3A_81 = arith.negf %add3A_80 : vector<1000x128xf32>
    %logistic3A_82 = math.exp %logistic3A_81 : vector<1000x128xf32>
    %logistic3A_83 = arith.constant 1.000000e+00 : f32
    %logistic3A_84 = vector.broadcast %logistic3A_83 : f32 to vector<1000x128xf32>
    %logistic3A_85 = arith.addf %logistic3A_84, %logistic3A_82 : vector<1000x128xf32>
    %logistic3A_86 = arith.divf %logistic3A_84, %logistic3A_85 : vector<1000x128xf32>
    %slice3A_87 = vector.extract_strided_slice %add3A_67 {offsets = [0, 128], sizes = [1000, 128], strides = [1, 1]} : vector<1000x384xf32> to vector<1000x128xf32>
    %slice3A_88 = vector.extract_strided_slice %add3A_77 {offsets = [0, 128], sizes = [1000, 128], strides = [1, 1]} : vector<1000x384xf32> to vector<1000x128xf32>
    %add3A_89 = arith.addf %slice3A_87, %slice3A_88 : vector<1000x128xf32>
    %logistic3A_90 = arith.negf %add3A_89 : vector<1000x128xf32>
    %logistic3A_91 = math.exp %logistic3A_90 : vector<1000x128xf32>
    %logistic3A_92 = arith.constant 1.000000e+00 : f32
    %logistic3A_93 = vector.broadcast %logistic3A_92 : f32 to vector<1000x128xf32>
    %logistic3A_94 = arith.addf %logistic3A_93, %logistic3A_91 : vector<1000x128xf32>
    %logistic3A_95 = arith.divf %logistic3A_93, %logistic3A_94 : vector<1000x128xf32>
    %slice3A_96 = vector.extract_strided_slice %add3A_67 {offsets = [0, 256], sizes = [1000, 128], strides = [1, 1]} : vector<1000x384xf32> to vector<1000x128xf32>
    %slice3A_97 = vector.extract_strided_slice %add3A_77 {offsets = [0, 256], sizes = [1000, 128], strides = [1, 1]} : vector<1000x384xf32> to vector<1000x128xf32>
    %mul3A_98 = arith.mulf %logistic3A_86, %slice3A_97 : vector<1000x128xf32>
    %add3A_99 = arith.addf %slice3A_96, %mul3A_98 : vector<1000x128xf32>
    %tanh3A_100 = math.tanh %add3A_99 : vector<1000x128xf32>
    %sub3A_101 = arith.constant 1.000000e+00 : f32
    %sub3A_102 = vector.broadcast %sub3A_101 : f32 to vector<1000x128xf32>
    %sub3A_103 = arith.subf %sub3A_102, %logistic3A_95 : vector<1000x128xf32>
    %mul3A_104 = arith.mulf %sub3A_103, %tanh3A_100 : vector<1000x128xf32>
    %mul3A_105 = arith.mulf %logistic3A_95, %add3A_44 : vector<1000x128xf32>
    %add3A_106 = arith.addf %mul3A_104, %mul3A_105 : vector<1000x128xf32>
    %get3A_107 = arith.constant 0 : index
    %get3A_108 = arith.constant 0 : index
    %get3A_109 = vector.load %arg8[%get3A_107, %get3A_108] : memref<128x128xf32, #tpu.memory_space<vmem>>, vector<128x128xf32>
    %dot_general3A_110 = arith.constant dense<0.000000e+00> : vector<1000x128xf32>
    %dot_general3A_111 = tpu.matmul %add3A_106, %get3A_109, %dot_general3A_110 {dimension_numbers = #tpu.dot_dimension_numbers<[1], [0], [0], [1], [0, 0, 1, 1], [], []>, transpose_lhs_hint = false} : vector<1000x128xf32>, vector<128x128xf32>, vector<1000x128xf32> -> vector<1000x128xf32>
    %swap3A_112 = arith.constant 1 : index
    %swap3A_113 = arith.constant 0 : index
    %swap3A_114 = arith.constant 0 : index
    %swap3A_115 = vector.load %arg9[%swap3A_112, %swap3A_113, %swap3A_114] : memref<3x1000x128xf32, #tpu.memory_space<vmem>>, vector<1x1000x128xf32>
    %swap3A_116 = vector.shape_cast %swap3A_115 : vector<1x1000x128xf32> to vector<1000x128xf32>
    %swap3A_117 = vector.shape_cast %dot_general3A_111 : vector<1000x128xf32> to vector<1x1000x128xf32>
    tpu.vector_store %arg9[%swap3A_112, %swap3A_113, %swap3A_114], %swap3A_117 {strides = array<i32>} : memref<3x1000x128xf32, #tpu.memory_space<vmem>>, vector<1x1000x128xf32>,
    %get3A_118 = arith.constant 0 : index
    %get3A_119 = arith.constant 0 : index
    %get3A_120 = vector.load %arg3[%get3A_118, %get3A_119] : memref<1000x128xf32, #tpu.memory_space<vmem>>, vector<1000x128xf32>
    %get3A_121 = arith.constant 0 : index
    %get3A_122 = arith.constant 0 : index
    %get3A_123 = vector.load %arg4[%get3A_121, %get3A_122] : memref<128x384xf32, #tpu.memory_space<vmem>>, vector<128x384xf32>
    %dot_general3A_124 = arith.constant dense<0.000000e+00> : vector<1000x384xf32>
    %dot_general3A_125 = tpu.matmul %get3A_120, %get3A_123, %dot_general3A_124 {dimension_numbers = #tpu.dot_dimension_numbers<[1], [0], [0], [1], [0, 0, 1, 1], [], []>, transpose_lhs_hint = false} : vector<1000x128xf32>, vector<128x384xf32>, vector<1000x384xf32> -> vector<1000x384xf32>
    %get3A_126 = arith.constant 0 : index
    %get3A_127 = arith.constant 0 : index
    %get3A_128 = vector.load %arg6[%get3A_126, %get3A_127] : memref<1x384xf32, #tpu.memory_space<vmem>>, vector<1x384xf32>
    %add3A_129 = vector.broadcast %get3A_128 : vector<1x384xf32> to vector<1000x384xf32>
    %add3A_130 = arith.addf %dot_general3A_125, %add3A_129 : vector<1000x384xf32>
    %get3A_131 = arith.constant 0 : index
    %get3A_132 = arith.constant 0 : index
    %get3A_133 = vector.load %arg5[%get3A_131, %get3A_132] : memref<128x384xf32, #tpu.memory_space<vmem>>, vector<128x384xf32>
    %dot_general3A_134 = arith.constant dense<0.000000e+00> : vector<1000x384xf32>
    %dot_general3A_135 = tpu.matmul %add3A_106, %get3A_133, %dot_general3A_134 {dimension_numbers = #tpu.dot_dimension_numbers<[1], [0], [0], [1], [0, 0, 1, 1], [], []>, transpose_lhs_hint = false} : vector<1000x128xf32>, vector<128x384xf32>, vector<1000x384xf32> -> vector<1000x384xf32>
    %get3A_136 = arith.constant 0 : index
    %get3A_137 = arith.constant 0 : index
    %get3A_138 = vector.load %arg7[%get3A_136, %get3A_137] : memref<1x384xf32, #tpu.memory_space<vmem>>, vector<1x384xf32>
    %add3A_139 = vector.broadcast %get3A_138 : vector<1x384xf32> to vector<1000x384xf32>
    %add3A_140 = arith.addf %dot_general3A_135, %add3A_139 : vector<1000x384xf32>
    %slice3A_141 = vector.extract_strided_slice %add3A_130 {offsets = [0, 0], sizes = [1000, 128], strides = [1, 1]} : vector<1000x384xf32> to vector<1000x128xf32>
    %slice3A_142 = vector.extract_strided_slice %add3A_140 {offsets = [0, 0], sizes = [1000, 128], strides = [1, 1]} : vector<1000x384xf32> to vector<1000x128xf32>
    %add3A_143 = arith.addf %slice3A_141, %slice3A_142 : vector<1000x128xf32>
    %logistic3A_144 = arith.negf %add3A_143 : vector<1000x128xf32>
    %logistic3A_145 = math.exp %logistic3A_144 : vector<1000x128xf32>
    %logistic3A_146 = arith.constant 1.000000e+00 : f32
    %logistic3A_147 = vector.broadcast %logistic3A_146 : f32 to vector<1000x128xf32>
    %logistic3A_148 = arith.addf %logistic3A_147, %logistic3A_145 : vector<1000x128xf32>
    %logistic3A_149 = arith.divf %logistic3A_147, %logistic3A_148 : vector<1000x128xf32>
    %slice3A_150 = vector.extract_strided_slice %add3A_130 {offsets = [0, 128], sizes = [1000, 128], strides = [1, 1]} : vector<1000x384xf32> to vector<1000x128xf32>
    %slice3A_151 = vector.extract_strided_slice %add3A_140 {offsets = [0, 128], sizes = [1000, 128], strides = [1, 1]} : vector<1000x384xf32> to vector<1000x128xf32>
    %add3A_152 = arith.addf %slice3A_150, %slice3A_151 : vector<1000x128xf32>
    %logistic3A_153 = arith.negf %add3A_152 : vector<1000x128xf32>
    %logistic3A_154 = math.exp %logistic3A_153 : vector<1000x128xf32>
    %logistic3A_155 = arith.constant 1.000000e+00 : f32
    %logistic3A_156 = vector.broadcast %logistic3A_155 : f32 to vector<1000x128xf32>
    %logistic3A_157 = arith.addf %logistic3A_156, %logistic3A_154 : vector<1000x128xf32>
    %logistic3A_158 = arith.divf %logistic3A_156, %logistic3A_157 : vector<1000x128xf32>
    %slice3A_159 = vector.extract_strided_slice %add3A_130 {offsets = [0, 256], sizes = [1000, 128], strides = [1, 1]} : vector<1000x384xf32> to vector<1000x128xf32>
    %slice3A_160 = vector.extract_strided_slice %add3A_140 {offsets = [0, 256], sizes = [1000, 128], strides = [1, 1]} : vector<1000x384xf32> to vector<1000x128xf32>
    %mul3A_161 = arith.mulf %logistic3A_149, %slice3A_160 : vector<1000x128xf32>
    %add3A_162 = arith.addf %slice3A_159, %mul3A_161 : vector<1000x128xf32>
    %tanh3A_163 = math.tanh %add3A_162 : vector<1000x128xf32>
    %sub3A_164 = arith.constant 1.000000e+00 : f32
    %sub3A_165 = vector.broadcast %sub3A_164 : f32 to vector<1000x128xf32>
    %sub3A_166 = arith.subf %sub3A_165, %logistic3A_158 : vector<1000x128xf32>
    %mul3A_167 = arith.mulf %sub3A_166, %tanh3A_163 : vector<1000x128xf32>
    %mul3A_168 = arith.mulf %logistic3A_158, %add3A_106 : vector<1000x128xf32>
    %add3A_169 = arith.addf %mul3A_167, %mul3A_168 : vector<1000x128xf32>
    %get3A_170 = arith.constant 0 : index
    %get3A_171 = arith.constant 0 : index
    %get3A_172 = vector.load %arg8[%get3A_170, %get3A_171] : memref<128x128xf32, #tpu.memory_space<vmem>>, vector<128x128xf32>
    %dot_general3A_173 = arith.constant dense<0.000000e+00> : vector<1000x128xf32>
    %dot_general3A_174 = tpu.matmul %add3A_169, %get3A_172, %dot_general3A_173 {dimension_numbers = #tpu.dot_dimension_numbers<[1], [0], [0], [1], [0, 0, 1, 1], [], []>, transpose_lhs_hint = false} : vector<1000x128xf32>, vector<128x128xf32>, vector<1000x128xf32> -> vector<1000x128xf32>
    %swap3A_175 = arith.constant 2 : index
    %swap3A_176 = arith.constant 0 : index
    %swap3A_177 = arith.constant 0 : index
    %swap3A_178 = vector.load %arg9[%swap3A_175, %swap3A_176, %swap3A_177] : memref<3x1000x128xf32, #tpu.memory_space<vmem>>, vector<1x1000x128xf32>
    %swap3A_179 = vector.shape_cast %swap3A_178 : vector<1x1000x128xf32> to vector<1000x128xf32>
    %swap3A_180 = vector.shape_cast %dot_general3A_174 : vector<1000x128xf32> to vector<1x1000x128xf32>
    tpu.vector_store %arg9[%swap3A_175, %swap3A_176, %swap3A_177], %swap3A_180 {strides = array<i32>} : memref<3x1000x128xf32, #tpu.memory_space<vmem>>, vector<1x1000x128xf32>,
    return
  }
  func.func @transform_0(%arg0: i32) -> (i32, i32) {
    %add3A = arith.constant 0 : i32
    %add3A_0 = arith.addi %add3A, %arg0 : i32
    %c0_i32 = arith.constant 0 : i32
    %c0_i32_1 = arith.constant 0 : i32
    return %add3A_0, %c0_i32 : i32, i32
  }
  func.func @transform_1(%arg0: i32) -> (i32, i32) {
    %add3A = arith.constant 30 : i32
    %add3A_0 = arith.addi %add3A, %arg0 : i32
    %c0_i32 = arith.constant 0 : i32
    %c0_i32_1 = arith.constant 0 : i32
    return %add3A_0, %c0_i32 : i32, i32
  }
  func.func @transform_2(%arg0: i32) -> (i32, i32) {
    %add3A = arith.constant 60 : i32
    %add3A_0 = arith.addi %add3A, %arg0 : i32
    %c0_i32 = arith.constant 0 : i32
    %c0_i32_1 = arith.constant 0 : i32
    return %add3A_0, %c0_i32 : i32, i32
  }
  func.func @transform_3(%arg0: i32) -> (i32, i32) {
    %c0_i32 = arith.constant 0 : i32
    %c0_i32_0 = arith.constant 0 : i32
    %c0_i32_1 = arith.constant 0 : i32
    return %c0_i32, %c0_i32_0 : i32, i32
  }
  func.func @transform_4(%arg0: i32) -> (i32, i32) {
    %c0_i32 = arith.constant 0 : i32
    %c0_i32_0 = arith.constant 0 : i32
    %c0_i32_1 = arith.constant 0 : i32
    return %c0_i32, %c0_i32_0 : i32, i32
  }
  func.func @transform_5(%arg0: i32) -> (i32, i32) {
    %c0_i32 = arith.constant 0 : i32
    %c0_i32_0 = arith.constant 0 : i32
    %c0_i32_1 = arith.constant 0 : i32
    return %c0_i32, %c0_i32_0 : i32, i32
  }
  func.func @transform_6(%arg0: i32) -> (i32, i32) {
    %c0_i32 = arith.constant 0 : i32
    %c0_i32_0 = arith.constant 0 : i32
    %c0_i32_1 = arith.constant 0 : i32
    return %c0_i32, %c0_i32_0 : i32, i32
  }
  func.func @transform_7(%arg0: i32) -> (i32, i32) {
    %c0_i32 = arith.constant 0 : i32
    %c0_i32_0 = arith.constant 0 : i32
    %c0_i32_1 = arith.constant 0 : i32
    return %c0_i32, %c0_i32_0 : i32, i32
  }
  func.func @transform_8(%arg0: i32) -> (i32, i32, i32) {
    %c0_i32 = arith.constant 0 : i32
    %c0_i32_0 = arith.constant 0 : i32
    %c0_i32_1 = arith.constant 0 : i32
    return %c0_i32, %arg0, %c0_i32_0 : i32, i32, i32
  }
}

module attributes {stable_mosaic.version = 14 : i64} {
  func.func @body(%arg0: i32, %arg1: memref<1000x128xf32, #tpu.memory_space<vmem>>, %arg2: memref<1000x128xf32, #tpu.memory_space<vmem>>, %arg3: memref<1000x128xf32, #tpu.memory_space<vmem>>, %arg4: memref<1000x128xf32, #tpu.memory_space<vmem>>, %arg5: memref<128x384xf32, #tpu.memory_space<vmem>>, %arg6: memref<128x384xf32, #tpu.memory_space<vmem>>, %arg7: memref<1x384xf32, #tpu.memory_space<vmem>>, %arg8: memref<1x384xf32, #tpu.memory_space<vmem>>, %arg9: memref<128x128xf32, #tpu.memory_space<vmem>>, %arg10: memref<4x1000x128xf32, #tpu.memory_space<vmem>>) attributes {dimension_semantics = [#tpu.dimension_semantics<arbitrary>], iteration_bounds = array<i64: 30>, scalar_prefetch = 0 : i64, scratch_operands = 0 : i64, tpu.core_type = #tpu.core_type<tc>, window_params = [{transform_indices = @transform_0, window_bounds = array<i64: 1000, 128>}, {transform_indices = @transform_1, window_bounds = array<i64: 1000, 128>}, {transform_indices = @transform_2, window_bounds = array<i64: 1000, 128>}, {transform_indices = @transform_3, window_bounds = array<i64: 1000, 128>}, {pipeline_mode = #tpu.pipeline_mode<synchronous>, transform_indices = @transform_4, window_bounds = array<i64: 128, 384>}, {pipeline_mode = #tpu.pipeline_mode<synchronous>, transform_indices = @transform_5, window_bounds = array<i64: 128, 384>}, {pipeline_mode = #tpu.pipeline_mode<synchronous>, transform_indices = @transform_6, window_bounds = array<i64: 1, 384>}, {pipeline_mode = #tpu.pipeline_mode<synchronous>, transform_indices = @transform_7, window_bounds = array<i64: 1, 384>}, {pipeline_mode = #tpu.pipeline_mode<synchronous>, transform_indices = @transform_8, window_bounds = array<i64: 128, 128>}, {transform_indices = @transform_9, window_bounds = array<i64: 4, 1000, 128>}]} {
    %broadcast_in_dim3A = arith.constant 0.000000e+00 : f32
    %broadcast_in_dim3A_0 = vector.broadcast %broadcast_in_dim3A : f32 to vector<1000x128xf32>
    %get3A = arith.constant 0 : index
    %get3A_1 = arith.constant 0 : index
    %get3A_2 = vector.load %arg1[%get3A, %get3A_1] : memref<1000x128xf32, #tpu.memory_space<vmem>>, vector<1000x128xf32>
    %get3A_3 = arith.constant 0 : index
    %get3A_4 = arith.constant 0 : index
    %get3A_5 = vector.load %arg5[%get3A_3, %get3A_4] : memref<128x384xf32, #tpu.memory_space<vmem>>, vector<128x384xf32>
    %dot_general3A = arith.constant dense<0.000000e+00> : vector<1000x384xf32>
    %dot_general3A_6 = tpu.matmul %get3A_2, %get3A_5, %dot_general3A {dimension_numbers = #tpu.dot_dimension_numbers<[1], [0], [0], [1], [0, 0, 1, 1], [], []>, transpose_lhs_hint = false} : vector<1000x128xf32>, vector<128x384xf32>, vector<1000x384xf32> -> vector<1000x384xf32>
    %get3A_7 = arith.constant 0 : index
    %get3A_8 = arith.constant 0 : index
    %get3A_9 = vector.load %arg7[%get3A_7, %get3A_8] : memref<1x384xf32, #tpu.memory_space<vmem>>, vector<1x384xf32>
    %add3A = vector.broadcast %get3A_9 : vector<1x384xf32> to vector<1000x384xf32>
    %add3A_10 = arith.addf %dot_general3A_6, %add3A : vector<1000x384xf32>
    %get3A_11 = arith.constant 0 : index
    %get3A_12 = arith.constant 0 : index
    %get3A_13 = vector.load %arg6[%get3A_11, %get3A_12] : memref<128x384xf32, #tpu.memory_space<vmem>>, vector<128x384xf32>
    %dot_general3A_14 = arith.constant dense<0.000000e+00> : vector<1000x384xf32>
    %dot_general3A_15 = tpu.matmul %broadcast_in_dim3A_0, %get3A_13, %dot_general3A_14 {dimension_numbers = #tpu.dot_dimension_numbers<[1], [0], [0], [1], [0, 0, 1, 1], [], []>, transpose_lhs_hint = false} : vector<1000x128xf32>, vector<128x384xf32>, vector<1000x384xf32> -> vector<1000x384xf32>
    %get3A_16 = arith.constant 0 : index
    %get3A_17 = arith.constant 0 : index
    %get3A_18 = vector.load %arg8[%get3A_16, %get3A_17] : memref<1x384xf32, #tpu.memory_space<vmem>>, vector<1x384xf32>
    %add3A_19 = vector.broadcast %get3A_18 : vector<1x384xf32> to vector<1000x384xf32>
    %add3A_20 = arith.addf %dot_general3A_15, %add3A_19 : vector<1000x384xf32>
    %slice3A = vector.extract_strided_slice %add3A_10 {offsets = [0, 0], sizes = [1000, 128], strides = [1, 1]} : vector<1000x384xf32> to vector<1000x128xf32>
    %slice3A_21 = vector.extract_strided_slice %add3A_20 {offsets = [0, 0], sizes = [1000, 128], strides = [1, 1]} : vector<1000x384xf32> to vector<1000x128xf32>
    %add3A_22 = arith.addf %slice3A, %slice3A_21 : vector<1000x128xf32>
    %logistic3A = arith.negf %add3A_22 : vector<1000x128xf32>
    %logistic3A_23 = math.exp %logistic3A : vector<1000x128xf32>
    %logistic3A_24 = arith.constant 1.000000e+00 : f32
    %logistic3A_25 = vector.broadcast %logistic3A_24 : f32 to vector<1000x128xf32>
    %logistic3A_26 = arith.addf %logistic3A_25, %logistic3A_23 : vector<1000x128xf32>
    %logistic3A_27 = arith.divf %logistic3A_25, %logistic3A_26 : vector<1000x128xf32>
    %slice3A_28 = vector.extract_strided_slice %add3A_10 {offsets = [0, 128], sizes = [1000, 128], strides = [1, 1]} : vector<1000x384xf32> to vector<1000x128xf32>
    %slice3A_29 = vector.extract_strided_slice %add3A_20 {offsets = [0, 128], sizes = [1000, 128], strides = [1, 1]} : vector<1000x384xf32> to vector<1000x128xf32>
    %add3A_30 = arith.addf %slice3A_28, %slice3A_29 : vector<1000x128xf32>
    %logistic3A_31 = arith.negf %add3A_30 : vector<1000x128xf32>
    %logistic3A_32 = math.exp %logistic3A_31 : vector<1000x128xf32>
    %logistic3A_33 = arith.constant 1.000000e+00 : f32
    %logistic3A_34 = vector.broadcast %logistic3A_33 : f32 to vector<1000x128xf32>
    %logistic3A_35 = arith.addf %logistic3A_34, %logistic3A_32 : vector<1000x128xf32>
    %logistic3A_36 = arith.divf %logistic3A_34, %logistic3A_35 : vector<1000x128xf32>
    %slice3A_37 = vector.extract_strided_slice %add3A_10 {offsets = [0, 256], sizes = [1000, 128], strides = [1, 1]} : vector<1000x384xf32> to vector<1000x128xf32>
    %slice3A_38 = vector.extract_strided_slice %add3A_20 {offsets = [0, 256], sizes = [1000, 128], strides = [1, 1]} : vector<1000x384xf32> to vector<1000x128xf32>
    %mul3A = arith.mulf %logistic3A_27, %slice3A_38 : vector<1000x128xf32>
    %add3A_39 = arith.addf %slice3A_37, %mul3A : vector<1000x128xf32>
    %tanh3A = math.tanh %add3A_39 : vector<1000x128xf32>
    %sub3A = arith.constant 1.000000e+00 : f32
    %sub3A_40 = vector.broadcast %sub3A : f32 to vector<1000x128xf32>
    %sub3A_41 = arith.subf %sub3A_40, %logistic3A_36 : vector<1000x128xf32>
    %mul3A_42 = arith.mulf %sub3A_41, %tanh3A : vector<1000x128xf32>
    %mul3A_43 = arith.mulf %logistic3A_36, %broadcast_in_dim3A_0 : vector<1000x128xf32>
    %add3A_44 = arith.addf %mul3A_42, %mul3A_43 : vector<1000x128xf32>
    %get3A_45 = arith.constant 0 : index
    %get3A_46 = arith.constant 0 : index
    %get3A_47 = vector.load %arg9[%get3A_45, %get3A_46] : memref<128x128xf32, #tpu.memory_space<vmem>>, vector<128x128xf32>
    %dot_general3A_48 = arith.constant dense<0.000000e+00> : vector<1000x128xf32>
    %dot_general3A_49 = tpu.matmul %add3A_44, %get3A_47, %dot_general3A_48 {dimension_numbers = #tpu.dot_dimension_numbers<[1], [0], [0], [1], [0, 0, 1, 1], [], []>, transpose_lhs_hint = false} : vector<1000x128xf32>, vector<128x128xf32>, vector<1000x128xf32> -> vector<1000x128xf32>
    %swap3A = arith.constant 0 : index
    %swap3A_50 = arith.constant 0 : index
    %swap3A_51 = arith.constant 0 : index
    %swap3A_52 = vector.load %arg10[%swap3A, %swap3A_50, %swap3A_51] : memref<4x1000x128xf32, #tpu.memory_space<vmem>>, vector<1x1000x128xf32>
    %swap3A_53 = vector.shape_cast %swap3A_52 : vector<1x1000x128xf32> to vector<1000x128xf32>
    %swap3A_54 = vector.shape_cast %dot_general3A_49 : vector<1000x128xf32> to vector<1x1000x128xf32>
    tpu.vector_store %arg10[%swap3A, %swap3A_50, %swap3A_51], %swap3A_54 {strides = array<i32>} : memref<4x1000x128xf32, #tpu.memory_space<vmem>>, vector<1x1000x128xf32>,
    %get3A_55 = arith.constant 0 : index
    %get3A_56 = arith.constant 0 : index
    %get3A_57 = vector.load %arg2[%get3A_55, %get3A_56] : memref<1000x128xf32, #tpu.memory_space<vmem>>, vector<1000x128xf32>
    %get3A_58 = arith.constant 0 : index
    %get3A_59 = arith.constant 0 : index
    %get3A_60 = vector.load %arg5[%get3A_58, %get3A_59] : memref<128x384xf32, #tpu.memory_space<vmem>>, vector<128x384xf32>
    %dot_general3A_61 = arith.constant dense<0.000000e+00> : vector<1000x384xf32>
    %dot_general3A_62 = tpu.matmul %get3A_57, %get3A_60, %dot_general3A_61 {dimension_numbers = #tpu.dot_dimension_numbers<[1], [0], [0], [1], [0, 0, 1, 1], [], []>, transpose_lhs_hint = false} : vector<1000x128xf32>, vector<128x384xf32>, vector<1000x384xf32> -> vector<1000x384xf32>
    %get3A_63 = arith.constant 0 : index
    %get3A_64 = arith.constant 0 : index
    %get3A_65 = vector.load %arg7[%get3A_63, %get3A_64] : memref<1x384xf32, #tpu.memory_space<vmem>>, vector<1x384xf32>
    %add3A_66 = vector.broadcast %get3A_65 : vector<1x384xf32> to vector<1000x384xf32>
    %add3A_67 = arith.addf %dot_general3A_62, %add3A_66 : vector<1000x384xf32>
    %get3A_68 = arith.constant 0 : index
    %get3A_69 = arith.constant 0 : index
    %get3A_70 = vector.load %arg6[%get3A_68, %get3A_69] : memref<128x384xf32, #tpu.memory_space<vmem>>, vector<128x384xf32>
    %dot_general3A_71 = arith.constant dense<0.000000e+00> : vector<1000x384xf32>
    %dot_general3A_72 = tpu.matmul %add3A_44, %get3A_70, %dot_general3A_71 {dimension_numbers = #tpu.dot_dimension_numbers<[1], [0], [0], [1], [0, 0, 1, 1], [], []>, transpose_lhs_hint = false} : vector<1000x128xf32>, vector<128x384xf32>, vector<1000x384xf32> -> vector<1000x384xf32>
    %get3A_73 = arith.constant 0 : index
    %get3A_74 = arith.constant 0 : index
    %get3A_75 = vector.load %arg8[%get3A_73, %get3A_74] : memref<1x384xf32, #tpu.memory_space<vmem>>, vector<1x384xf32>
    %add3A_76 = vector.broadcast %get3A_75 : vector<1x384xf32> to vector<1000x384xf32>
    %add3A_77 = arith.addf %dot_general3A_72, %add3A_76 : vector<1000x384xf32>
    %slice3A_78 = vector.extract_strided_slice %add3A_67 {offsets = [0, 0], sizes = [1000, 128], strides = [1, 1]} : vector<1000x384xf32> to vector<1000x128xf32>
    %slice3A_79 = vector.extract_strided_slice %add3A_77 {offsets = [0, 0], sizes = [1000, 128], strides = [1, 1]} : vector<1000x384xf32> to vector<1000x128xf32>
    %add3A_80 = arith.addf %slice3A_78, %slice3A_79 : vector<1000x128xf32>
    %logistic3A_81 = arith.negf %add3A_80 : vector<1000x128xf32>
    %logistic3A_82 = math.exp %logistic3A_81 : vector<1000x128xf32>
    %logistic3A_83 = arith.constant 1.000000e+00 : f32
    %logistic3A_84 = vector.broadcast %logistic3A_83 : f32 to vector<1000x128xf32>
    %logistic3A_85 = arith.addf %logistic3A_84, %logistic3A_82 : vector<1000x128xf32>
    %logistic3A_86 = arith.divf %logistic3A_84, %logistic3A_85 : vector<1000x128xf32>
    %slice3A_87 = vector.extract_strided_slice %add3A_67 {offsets = [0, 128], sizes = [1000, 128], strides = [1, 1]} : vector<1000x384xf32> to vector<1000x128xf32>
    %slice3A_88 = vector.extract_strided_slice %add3A_77 {offsets = [0, 128], sizes = [1000, 128], strides = [1, 1]} : vector<1000x384xf32> to vector<1000x128xf32>
    %add3A_89 = arith.addf %slice3A_87, %slice3A_88 : vector<1000x128xf32>
    %logistic3A_90 = arith.negf %add3A_89 : vector<1000x128xf32>
    %logistic3A_91 = math.exp %logistic3A_90 : vector<1000x128xf32>
    %logistic3A_92 = arith.constant 1.000000e+00 : f32
    %logistic3A_93 = vector.broadcast %logistic3A_92 : f32 to vector<1000x128xf32>
    %logistic3A_94 = arith.addf %logistic3A_93, %logistic3A_91 : vector<1000x128xf32>
    %logistic3A_95 = arith.divf %logistic3A_93, %logistic3A_94 : vector<1000x128xf32>
    %slice3A_96 = vector.extract_strided_slice %add3A_67 {offsets = [0, 256], sizes = [1000, 128], strides = [1, 1]} : vector<1000x384xf32> to vector<1000x128xf32>
    %slice3A_97 = vector.extract_strided_slice %add3A_77 {offsets = [0, 256], sizes = [1000, 128], strides = [1, 1]} : vector<1000x384xf32> to vector<1000x128xf32>
    %mul3A_98 = arith.mulf %logistic3A_86, %slice3A_97 : vector<1000x128xf32>
    %add3A_99 = arith.addf %slice3A_96, %mul3A_98 : vector<1000x128xf32>
    %tanh3A_100 = math.tanh %add3A_99 : vector<1000x128xf32>
    %sub3A_101 = arith.constant 1.000000e+00 : f32
    %sub3A_102 = vector.broadcast %sub3A_101 : f32 to vector<1000x128xf32>
    %sub3A_103 = arith.subf %sub3A_102, %logistic3A_95 : vector<1000x128xf32>
    %mul3A_104 = arith.mulf %sub3A_103, %tanh3A_100 : vector<1000x128xf32>
    %mul3A_105 = arith.mulf %logistic3A_95, %add3A_44 : vector<1000x128xf32>
    %add3A_106 = arith.addf %mul3A_104, %mul3A_105 : vector<1000x128xf32>
    %get3A_107 = arith.constant 0 : index
    %get3A_108 = arith.constant 0 : index
    %get3A_109 = vector.load %arg9[%get3A_107, %get3A_108] : memref<128x128xf32, #tpu.memory_space<vmem>>, vector<128x128xf32>
    %dot_general3A_110 = arith.constant dense<0.000000e+00> : vector<1000x128xf32>
    %dot_general3A_111 = tpu.matmul %add3A_106, %get3A_109, %dot_general3A_110 {dimension_numbers = #tpu.dot_dimension_numbers<[1], [0], [0], [1], [0, 0, 1, 1], [], []>, transpose_lhs_hint = false} : vector<1000x128xf32>, vector<128x128xf32>, vector<1000x128xf32> -> vector<1000x128xf32>
    %swap3A_112 = arith.constant 1 : index
    %swap3A_113 = arith.constant 0 : index
    %swap3A_114 = arith.constant 0 : index
    %swap3A_115 = vector.load %arg10[%swap3A_112, %swap3A_113, %swap3A_114] : memref<4x1000x128xf32, #tpu.memory_space<vmem>>, vector<1x1000x128xf32>
    %swap3A_116 = vector.shape_cast %swap3A_115 : vector<1x1000x128xf32> to vector<1000x128xf32>
    %swap3A_117 = vector.shape_cast %dot_general3A_111 : vector<1000x128xf32> to vector<1x1000x128xf32>
    tpu.vector_store %arg10[%swap3A_112, %swap3A_113, %swap3A_114], %swap3A_117 {strides = array<i32>} : memref<4x1000x128xf32, #tpu.memory_space<vmem>>, vector<1x1000x128xf32>,
    %get3A_118 = arith.constant 0 : index
    %get3A_119 = arith.constant 0 : index
    %get3A_120 = vector.load %arg3[%get3A_118, %get3A_119] : memref<1000x128xf32, #tpu.memory_space<vmem>>, vector<1000x128xf32>
    %get3A_121 = arith.constant 0 : index
    %get3A_122 = arith.constant 0 : index
    %get3A_123 = vector.load %arg5[%get3A_121, %get3A_122] : memref<128x384xf32, #tpu.memory_space<vmem>>, vector<128x384xf32>
    %dot_general3A_124 = arith.constant dense<0.000000e+00> : vector<1000x384xf32>
    %dot_general3A_125 = tpu.matmul %get3A_120, %get3A_123, %dot_general3A_124 {dimension_numbers = #tpu.dot_dimension_numbers<[1], [0], [0], [1], [0, 0, 1, 1], [], []>, transpose_lhs_hint = false} : vector<1000x128xf32>, vector<128x384xf32>, vector<1000x384xf32> -> vector<1000x384xf32>
    %get3A_126 = arith.constant 0 : index
    %get3A_127 = arith.constant 0 : index
    %get3A_128 = vector.load %arg7[%get3A_126, %get3A_127] : memref<1x384xf32, #tpu.memory_space<vmem>>, vector<1x384xf32>
    %add3A_129 = vector.broadcast %get3A_128 : vector<1x384xf32> to vector<1000x384xf32>
    %add3A_130 = arith.addf %dot_general3A_125, %add3A_129 : vector<1000x384xf32>
    %get3A_131 = arith.constant 0 : index
    %get3A_132 = arith.constant 0 : index
    %get3A_133 = vector.load %arg6[%get3A_131, %get3A_132] : memref<128x384xf32, #tpu.memory_space<vmem>>, vector<128x384xf32>
    %dot_general3A_134 = arith.constant dense<0.000000e+00> : vector<1000x384xf32>
    %dot_general3A_135 = tpu.matmul %add3A_106, %get3A_133, %dot_general3A_134 {dimension_numbers = #tpu.dot_dimension_numbers<[1], [0], [0], [1], [0, 0, 1, 1], [], []>, transpose_lhs_hint = false} : vector<1000x128xf32>, vector<128x384xf32>, vector<1000x384xf32> -> vector<1000x384xf32>
    %get3A_136 = arith.constant 0 : index
    %get3A_137 = arith.constant 0 : index
    %get3A_138 = vector.load %arg8[%get3A_136, %get3A_137] : memref<1x384xf32, #tpu.memory_space<vmem>>, vector<1x384xf32>
    %add3A_139 = vector.broadcast %get3A_138 : vector<1x384xf32> to vector<1000x384xf32>
    %add3A_140 = arith.addf %dot_general3A_135, %add3A_139 : vector<1000x384xf32>
    %slice3A_141 = vector.extract_strided_slice %add3A_130 {offsets = [0, 0], sizes = [1000, 128], strides = [1, 1]} : vector<1000x384xf32> to vector<1000x128xf32>
    %slice3A_142 = vector.extract_strided_slice %add3A_140 {offsets = [0, 0], sizes = [1000, 128], strides = [1, 1]} : vector<1000x384xf32> to vector<1000x128xf32>
    %add3A_143 = arith.addf %slice3A_141, %slice3A_142 : vector<1000x128xf32>
    %logistic3A_144 = arith.negf %add3A_143 : vector<1000x128xf32>
    %logistic3A_145 = math.exp %logistic3A_144 : vector<1000x128xf32>
    %logistic3A_146 = arith.constant 1.000000e+00 : f32
    %logistic3A_147 = vector.broadcast %logistic3A_146 : f32 to vector<1000x128xf32>
    %logistic3A_148 = arith.addf %logistic3A_147, %logistic3A_145 : vector<1000x128xf32>
    %logistic3A_149 = arith.divf %logistic3A_147, %logistic3A_148 : vector<1000x128xf32>
    %slice3A_150 = vector.extract_strided_slice %add3A_130 {offsets = [0, 128], sizes = [1000, 128], strides = [1, 1]} : vector<1000x384xf32> to vector<1000x128xf32>
    %slice3A_151 = vector.extract_strided_slice %add3A_140 {offsets = [0, 128], sizes = [1000, 128], strides = [1, 1]} : vector<1000x384xf32> to vector<1000x128xf32>
    %add3A_152 = arith.addf %slice3A_150, %slice3A_151 : vector<1000x128xf32>
    %logistic3A_153 = arith.negf %add3A_152 : vector<1000x128xf32>
    %logistic3A_154 = math.exp %logistic3A_153 : vector<1000x128xf32>
    %logistic3A_155 = arith.constant 1.000000e+00 : f32
    %logistic3A_156 = vector.broadcast %logistic3A_155 : f32 to vector<1000x128xf32>
    %logistic3A_157 = arith.addf %logistic3A_156, %logistic3A_154 : vector<1000x128xf32>
    %logistic3A_158 = arith.divf %logistic3A_156, %logistic3A_157 : vector<1000x128xf32>
    %slice3A_159 = vector.extract_strided_slice %add3A_130 {offsets = [0, 256], sizes = [1000, 128], strides = [1, 1]} : vector<1000x384xf32> to vector<1000x128xf32>
    %slice3A_160 = vector.extract_strided_slice %add3A_140 {offsets = [0, 256], sizes = [1000, 128], strides = [1, 1]} : vector<1000x384xf32> to vector<1000x128xf32>
    %mul3A_161 = arith.mulf %logistic3A_149, %slice3A_160 : vector<1000x128xf32>
    %add3A_162 = arith.addf %slice3A_159, %mul3A_161 : vector<1000x128xf32>
    %tanh3A_163 = math.tanh %add3A_162 : vector<1000x128xf32>
    %sub3A_164 = arith.constant 1.000000e+00 : f32
    %sub3A_165 = vector.broadcast %sub3A_164 : f32 to vector<1000x128xf32>
    %sub3A_166 = arith.subf %sub3A_165, %logistic3A_158 : vector<1000x128xf32>
    %mul3A_167 = arith.mulf %sub3A_166, %tanh3A_163 : vector<1000x128xf32>
    %mul3A_168 = arith.mulf %logistic3A_158, %add3A_106 : vector<1000x128xf32>
    %add3A_169 = arith.addf %mul3A_167, %mul3A_168 : vector<1000x128xf32>
    %get3A_170 = arith.constant 0 : index
    %get3A_171 = arith.constant 0 : index
    %get3A_172 = vector.load %arg9[%get3A_170, %get3A_171] : memref<128x128xf32, #tpu.memory_space<vmem>>, vector<128x128xf32>
    %dot_general3A_173 = arith.constant dense<0.000000e+00> : vector<1000x128xf32>
    %dot_general3A_174 = tpu.matmul %add3A_169, %get3A_172, %dot_general3A_173 {dimension_numbers = #tpu.dot_dimension_numbers<[1], [0], [0], [1], [0, 0, 1, 1], [], []>, transpose_lhs_hint = false} : vector<1000x128xf32>, vector<128x128xf32>, vector<1000x128xf32> -> vector<1000x128xf32>
    %swap3A_175 = arith.constant 2 : index
    %swap3A_176 = arith.constant 0 : index
    %swap3A_177 = arith.constant 0 : index
    %swap3A_178 = vector.load %arg10[%swap3A_175, %swap3A_176, %swap3A_177] : memref<4x1000x128xf32, #tpu.memory_space<vmem>>, vector<1x1000x128xf32>
    %swap3A_179 = vector.shape_cast %swap3A_178 : vector<1x1000x128xf32> to vector<1000x128xf32>
    %swap3A_180 = vector.shape_cast %dot_general3A_174 : vector<1000x128xf32> to vector<1x1000x128xf32>
    tpu.vector_store %arg10[%swap3A_175, %swap3A_176, %swap3A_177], %swap3A_180 {strides = array<i32>} : memref<4x1000x128xf32, #tpu.memory_space<vmem>>, vector<1x1000x128xf32>,
    %get3A_181 = arith.constant 0 : index
    %get3A_182 = arith.constant 0 : index
    %get3A_183 = vector.load %arg4[%get3A_181, %get3A_182] : memref<1000x128xf32, #tpu.memory_space<vmem>>, vector<1000x128xf32>
    %get3A_184 = arith.constant 0 : index
    %get3A_185 = arith.constant 0 : index
    %get3A_186 = vector.load %arg5[%get3A_184, %get3A_185] : memref<128x384xf32, #tpu.memory_space<vmem>>, vector<128x384xf32>
    %dot_general3A_187 = arith.constant dense<0.000000e+00> : vector<1000x384xf32>
    %dot_general3A_188 = tpu.matmul %get3A_183, %get3A_186, %dot_general3A_187 {dimension_numbers = #tpu.dot_dimension_numbers<[1], [0], [0], [1], [0, 0, 1, 1], [], []>, transpose_lhs_hint = false} : vector<1000x128xf32>, vector<128x384xf32>, vector<1000x384xf32> -> vector<1000x384xf32>
    %get3A_189 = arith.constant 0 : index
    %get3A_190 = arith.constant 0 : index
    %get3A_191 = vector.load %arg7[%get3A_189, %get3A_190] : memref<1x384xf32, #tpu.memory_space<vmem>>, vector<1x384xf32>
    %add3A_192 = vector.broadcast %get3A_191 : vector<1x384xf32> to vector<1000x384xf32>
    %add3A_193 = arith.addf %dot_general3A_188, %add3A_192 : vector<1000x384xf32>
    %get3A_194 = arith.constant 0 : index
    %get3A_195 = arith.constant 0 : index
    %get3A_196 = vector.load %arg6[%get3A_194, %get3A_195] : memref<128x384xf32, #tpu.memory_space<vmem>>, vector<128x384xf32>
    %dot_general3A_197 = arith.constant dense<0.000000e+00> : vector<1000x384xf32>
    %dot_general3A_198 = tpu.matmul %add3A_169, %get3A_196, %dot_general3A_197 {dimension_numbers = #tpu.dot_dimension_numbers<[1], [0], [0], [1], [0, 0, 1, 1], [], []>, transpose_lhs_hint = false} : vector<1000x128xf32>, vector<128x384xf32>, vector<1000x384xf32> -> vector<1000x384xf32>
    %get3A_199 = arith.constant 0 : index
    %get3A_200 = arith.constant 0 : index
    %get3A_201 = vector.load %arg8[%get3A_199, %get3A_200] : memref<1x384xf32, #tpu.memory_space<vmem>>, vector<1x384xf32>
    %add3A_202 = vector.broadcast %get3A_201 : vector<1x384xf32> to vector<1000x384xf32>
    %add3A_203 = arith.addf %dot_general3A_198, %add3A_202 : vector<1000x384xf32>
    %slice3A_204 = vector.extract_strided_slice %add3A_193 {offsets = [0, 0], sizes = [1000, 128], strides = [1, 1]} : vector<1000x384xf32> to vector<1000x128xf32>
    %slice3A_205 = vector.extract_strided_slice %add3A_203 {offsets = [0, 0], sizes = [1000, 128], strides = [1, 1]} : vector<1000x384xf32> to vector<1000x128xf32>
    %add3A_206 = arith.addf %slice3A_204, %slice3A_205 : vector<1000x128xf32>
    %logistic3A_207 = arith.negf %add3A_206 : vector<1000x128xf32>
    %logistic3A_208 = math.exp %logistic3A_207 : vector<1000x128xf32>
    %logistic3A_209 = arith.constant 1.000000e+00 : f32
    %logistic3A_210 = vector.broadcast %logistic3A_209 : f32 to vector<1000x128xf32>
    %logistic3A_211 = arith.addf %logistic3A_210, %logistic3A_208 : vector<1000x128xf32>
    %logistic3A_212 = arith.divf %logistic3A_210, %logistic3A_211 : vector<1000x128xf32>
    %slice3A_213 = vector.extract_strided_slice %add3A_193 {offsets = [0, 128], sizes = [1000, 128], strides = [1, 1]} : vector<1000x384xf32> to vector<1000x128xf32>
    %slice3A_214 = vector.extract_strided_slice %add3A_203 {offsets = [0, 128], sizes = [1000, 128], strides = [1, 1]} : vector<1000x384xf32> to vector<1000x128xf32>
    %add3A_215 = arith.addf %slice3A_213, %slice3A_214 : vector<1000x128xf32>
    %logistic3A_216 = arith.negf %add3A_215 : vector<1000x128xf32>
    %logistic3A_217 = math.exp %logistic3A_216 : vector<1000x128xf32>
    %logistic3A_218 = arith.constant 1.000000e+00 : f32
    %logistic3A_219 = vector.broadcast %logistic3A_218 : f32 to vector<1000x128xf32>
    %logistic3A_220 = arith.addf %logistic3A_219, %logistic3A_217 : vector<1000x128xf32>
    %logistic3A_221 = arith.divf %logistic3A_219, %logistic3A_220 : vector<1000x128xf32>
    %slice3A_222 = vector.extract_strided_slice %add3A_193 {offsets = [0, 256], sizes = [1000, 128], strides = [1, 1]} : vector<1000x384xf32> to vector<1000x128xf32>
    %slice3A_223 = vector.extract_strided_slice %add3A_203 {offsets = [0, 256], sizes = [1000, 128], strides = [1, 1]} : vector<1000x384xf32> to vector<1000x128xf32>
    %mul3A_224 = arith.mulf %logistic3A_212, %slice3A_223 : vector<1000x128xf32>
    %add3A_225 = arith.addf %slice3A_222, %mul3A_224 : vector<1000x128xf32>
    %tanh3A_226 = math.tanh %add3A_225 : vector<1000x128xf32>
    %sub3A_227 = arith.constant 1.000000e+00 : f32
    %sub3A_228 = vector.broadcast %sub3A_227 : f32 to vector<1000x128xf32>
    %sub3A_229 = arith.subf %sub3A_228, %logistic3A_221 : vector<1000x128xf32>
    %mul3A_230 = arith.mulf %sub3A_229, %tanh3A_226 : vector<1000x128xf32>
    %mul3A_231 = arith.mulf %logistic3A_221, %add3A_169 : vector<1000x128xf32>
    %add3A_232 = arith.addf %mul3A_230, %mul3A_231 : vector<1000x128xf32>
    %get3A_233 = arith.constant 0 : index
    %get3A_234 = arith.constant 0 : index
    %get3A_235 = vector.load %arg9[%get3A_233, %get3A_234] : memref<128x128xf32, #tpu.memory_space<vmem>>, vector<128x128xf32>
    %dot_general3A_236 = arith.constant dense<0.000000e+00> : vector<1000x128xf32>
    %dot_general3A_237 = tpu.matmul %add3A_232, %get3A_235, %dot_general3A_236 {dimension_numbers = #tpu.dot_dimension_numbers<[1], [0], [0], [1], [0, 0, 1, 1], [], []>, transpose_lhs_hint = false} : vector<1000x128xf32>, vector<128x128xf32>, vector<1000x128xf32> -> vector<1000x128xf32>
    %swap3A_238 = arith.constant 3 : index
    %swap3A_239 = arith.constant 0 : index
    %swap3A_240 = arith.constant 0 : index
    %swap3A_241 = vector.load %arg10[%swap3A_238, %swap3A_239, %swap3A_240] : memref<4x1000x128xf32, #tpu.memory_space<vmem>>, vector<1x1000x128xf32>
    %swap3A_242 = vector.shape_cast %swap3A_241 : vector<1x1000x128xf32> to vector<1000x128xf32>
    %swap3A_243 = vector.shape_cast %dot_general3A_237 : vector<1000x128xf32> to vector<1x1000x128xf32>
    tpu.vector_store %arg10[%swap3A_238, %swap3A_239, %swap3A_240], %swap3A_243 {strides = array<i32>} : memref<4x1000x128xf32, #tpu.memory_space<vmem>>, vector<1x1000x128xf32>,
    return
  }
  func.func @transform_0(%arg0: i32) -> (i32, i32) {
    %add3A = arith.constant 0 : i32
    %add3A_0 = arith.addi %add3A, %arg0 : i32
    %c0_i32 = arith.constant 0 : i32
    %c0_i32_1 = arith.constant 0 : i32
    return %add3A_0, %c0_i32 : i32, i32
  }
  func.func @transform_1(%arg0: i32) -> (i32, i32) {
    %add3A = arith.constant 30 : i32
    %add3A_0 = arith.addi %add3A, %arg0 : i32
    %c0_i32 = arith.constant 0 : i32
    %c0_i32_1 = arith.constant 0 : i32
    return %add3A_0, %c0_i32 : i32, i32
  }
  func.func @transform_2(%arg0: i32) -> (i32, i32) {
    %add3A = arith.constant 60 : i32
    %add3A_0 = arith.addi %add3A, %arg0 : i32
    %c0_i32 = arith.constant 0 : i32
    %c0_i32_1 = arith.constant 0 : i32
    return %add3A_0, %c0_i32 : i32, i32
  }
  func.func @transform_3(%arg0: i32) -> (i32, i32) {
    %add3A = arith.constant 90 : i32
    %add3A_0 = arith.addi %add3A, %arg0 : i32
    %c0_i32 = arith.constant 0 : i32
    %c0_i32_1 = arith.constant 0 : i32
    return %add3A_0, %c0_i32 : i32, i32
  }
  func.func @transform_4(%arg0: i32) -> (i32, i32) {
    %c0_i32 = arith.constant 0 : i32
    %c0_i32_0 = arith.constant 0 : i32
    %c0_i32_1 = arith.constant 0 : i32
    return %c0_i32, %c0_i32_0 : i32, i32
  }
  func.func @transform_5(%arg0: i32) -> (i32, i32) {
    %c0_i32 = arith.constant 0 : i32
    %c0_i32_0 = arith.constant 0 : i32
    %c0_i32_1 = arith.constant 0 : i32
    return %c0_i32, %c0_i32_0 : i32, i32
  }
  func.func @transform_6(%arg0: i32) -> (i32, i32) {
    %c0_i32 = arith.constant 0 : i32
    %c0_i32_0 = arith.constant 0 : i32
    %c0_i32_1 = arith.constant 0 : i32
    return %c0_i32, %c0_i32_0 : i32, i32
  }
  func.func @transform_7(%arg0: i32) -> (i32, i32) {
    %c0_i32 = arith.constant 0 : i32
    %c0_i32_0 = arith.constant 0 : i32
    %c0_i32_1 = arith.constant 0 : i32
    return %c0_i32, %c0_i32_0 : i32, i32
  }
  func.func @transform_8(%arg0: i32) -> (i32, i32) {
    %c0_i32 = arith.constant 0 : i32
    %c0_i32_0 = arith.constant 0 : i32
    %c0_i32_1 = arith.constant 0 : i32
    return %c0_i32, %c0_i32_0 : i32, i32
  }
  func.func @transform_9(%arg0: i32) -> (i32, i32, i32) {
    %c0_i32 = arith.constant 0 : i32
    %c0_i32_0 = arith.constant 0 : i32
    %c0_i32_1 = arith.constant 0 : i32
    return %c0_i32, %arg0, %c0_i32_0 : i32, i32, i32
  }
}

module attributes {stable_mosaic.version = 14 : i64} {
  func.func @body(%arg0: i32, %arg1: memref<1000x128xf32, #tpu.memory_space<vmem>>, %arg2: memref<1000x128xf32, #tpu.memory_space<vmem>>, %arg3: memref<128x128xf32, #tpu.memory_space<vmem>>, %arg4: memref<1x128xf32, #tpu.memory_space<vmem>>, %arg5: memref<128x128xf32, #tpu.memory_space<vmem>>, %arg6: memref<1x128xf32, #tpu.memory_space<vmem>>, %arg7: memref<1000x128xf32, #tpu.memory_space<vmem>>) attributes {dimension_semantics = [#tpu.dimension_semantics<arbitrary>], iteration_bounds = array<i64: 100>, scalar_prefetch = 0 : i64, scratch_operands = 0 : i64, tpu.core_type = #tpu.core_type<tc>, window_params = [{transform_indices = @transform_0, window_bounds = array<i64: 1000, 128>}, {transform_indices = @transform_1, window_bounds = array<i64: 1000, 128>}, {pipeline_mode = #tpu.pipeline_mode<synchronous>, transform_indices = @transform_2, window_bounds = array<i64: 128, 128>}, {pipeline_mode = #tpu.pipeline_mode<synchronous>, transform_indices = @transform_3, window_bounds = array<i64: 1, 128>}, {pipeline_mode = #tpu.pipeline_mode<synchronous>, transform_indices = @transform_4, window_bounds = array<i64: 128, 128>}, {pipeline_mode = #tpu.pipeline_mode<synchronous>, transform_indices = @transform_5, window_bounds = array<i64: 1, 128>}, {transform_indices = @transform_6, window_bounds = array<i64: 1000, 128>}]} {
    %get3A = arith.constant 0 : index
    %get3A_0 = arith.constant 0 : index
    %get3A_1 = vector.load %arg1[%get3A, %get3A_0] : memref<1000x128xf32, #tpu.memory_space<vmem>>, vector<1000x128xf32>
    %get3A_2 = arith.constant 0 : index
    %get3A_3 = arith.constant 0 : index
    %get3A_4 = vector.load %arg3[%get3A_2, %get3A_3] : memref<128x128xf32, #tpu.memory_space<vmem>>, vector<128x128xf32>
    %dot_general3A = arith.constant dense<0.000000e+00> : vector<1000x128xf32>
    %dot_general3A_5 = tpu.matmul %get3A_1, %get3A_4, %dot_general3A {dimension_numbers = #tpu.dot_dimension_numbers<[1], [0], [0], [1], [0, 0, 1, 1], [], []>, transpose_lhs_hint = false} : vector<1000x128xf32>, vector<128x128xf32>, vector<1000x128xf32> -> vector<1000x128xf32>
    %get3A_6 = arith.constant 0 : index
    %get3A_7 = arith.constant 0 : index
    %get3A_8 = vector.load %arg2[%get3A_6, %get3A_7] : memref<1000x128xf32, #tpu.memory_space<vmem>>, vector<1000x128xf32>
    %add3A = arith.addf %dot_general3A_5, %get3A_8 : vector<1000x128xf32>
    %get3A_9 = arith.constant 0 : index
    %get3A_10 = arith.constant 0 : index
    %get3A_11 = vector.load %arg4[%get3A_9, %get3A_10] : memref<1x128xf32, #tpu.memory_space<vmem>>, vector<1x128xf32>
    %add3A_12 = vector.broadcast %get3A_11 : vector<1x128xf32> to vector<1000x128xf32>
    %add3A_13 = arith.addf %add3A, %add3A_12 : vector<1000x128xf32>
    %tanh3A = math.tanh %add3A_13 : vector<1000x128xf32>
    %get3A_14 = arith.constant 0 : index
    %get3A_15 = arith.constant 0 : index
    %get3A_16 = vector.load %arg5[%get3A_14, %get3A_15] : memref<128x128xf32, #tpu.memory_space<vmem>>, vector<128x128xf32>
    %dot_general3A_17 = arith.constant dense<0.000000e+00> : vector<1000x128xf32>
    %dot_general3A_18 = tpu.matmul %tanh3A, %get3A_16, %dot_general3A_17 {dimension_numbers = #tpu.dot_dimension_numbers<[1], [0], [0], [1], [0, 0, 1, 1], [], []>, transpose_lhs_hint = false} : vector<1000x128xf32>, vector<128x128xf32>, vector<1000x128xf32> -> vector<1000x128xf32>
    %get3A_19 = arith.constant 0 : index
    %get3A_20 = arith.constant 0 : index
    %get3A_21 = vector.load %arg6[%get3A_19, %get3A_20] : memref<1x128xf32, #tpu.memory_space<vmem>>, vector<1x128xf32>
    %add3A_22 = vector.broadcast %get3A_21 : vector<1x128xf32> to vector<1000x128xf32>
    %add3A_23 = arith.addf %dot_general3A_18, %add3A_22 : vector<1000x128xf32>
    %swap3A = arith.constant 0 : index
    %swap3A_24 = arith.constant 0 : index
    %swap3A_25 = vector.load %arg7[%swap3A, %swap3A_24] : memref<1000x128xf32, #tpu.memory_space<vmem>>, vector<1000x128xf32>
    tpu.vector_store %arg7[%swap3A, %swap3A_24], %add3A_23 {strides = array<i32>} : memref<1000x128xf32, #tpu.memory_space<vmem>>, vector<1000x128xf32>,
    return
  }
  func.func @transform_0(%arg0: i32) -> (i32, i32) {
    %c0_i32 = arith.constant 0 : i32
    %c0_i32_0 = arith.constant 0 : i32
    return %arg0, %c0_i32 : i32, i32
  }
  func.func @transform_1(%arg0: i32) -> (i32, i32) {
    %c0_i32 = arith.constant 0 : i32
    %c0_i32_0 = arith.constant 0 : i32
    return %arg0, %c0_i32 : i32, i32
  }
  func.func @transform_2(%arg0: i32) -> (i32, i32) {
    %c0_i32 = arith.constant 0 : i32
    %c0_i32_0 = arith.constant 0 : i32
    %c0_i32_1 = arith.constant 0 : i32
    return %c0_i32, %c0_i32_0 : i32, i32
  }
  func.func @transform_3(%arg0: i32) -> (i32, i32) {
    %c0_i32 = arith.constant 0 : i32
    %c0_i32_0 = arith.constant 0 : i32
    %c0_i32_1 = arith.constant 0 : i32
    return %c0_i32, %c0_i32_0 : i32, i32
  }
  func.func @transform_4(%arg0: i32) -> (i32, i32) {
    %c0_i32 = arith.constant 0 : i32
    %c0_i32_0 = arith.constant 0 : i32
    %c0_i32_1 = arith.constant 0 : i32
    return %c0_i32, %c0_i32_0 : i32, i32
  }
  func.func @transform_5(%arg0: i32) -> (i32, i32) {
    %c0_i32 = arith.constant 0 : i32
    %c0_i32_0 = arith.constant 0 : i32
    %c0_i32_1 = arith.constant 0 : i32
    return %c0_i32, %c0_i32_0 : i32, i32
  }
  func.func @transform_6(%arg0: i32) -> (i32, i32) {
    %c0_i32 = arith.constant 0 : i32
    %c0_i32_0 = arith.constant 0 : i32
    return %arg0, %c0_i32 : i32, i32
  }
}

</mosaic_0001>

<sc_bundles>
// kernel: kernel.11.cloned.1.call-start
scs
__scs_entry_jumppad:
0x0: {  	(pc) =	sbr.rel $0x88, $3  }
0x1: {  	(tag) =	ssettag $0x0;
	lr =	simm.s32 $0x1  }
0x2: {  	[smem:$0x3F95] =	sst lr;
	_ =	strace $0xD0000000  }
0x3: {  	_ = 	snop  }
0x4: {  	_ = 	snop  }
0x5: {  	_ = 	snop  }
0x6: {  	_ = 	snop  }
0x7: {  	_ = 	snop  }
__scs_overlays_trampoline_lowered:
0x8: {  	[smem:$0x3FA4] =	sst s0  }
0x9: {  	[smem:$0x3FA5] =	sst s1  }
0xa: {  	[smem:$0x3FA6] =	sst s2  }
0xb: {  	[smem:$0x3FA7] =	sst s3  }
0xc: {  	[smem:$0x3FA8] =	sst s4  }
0xd: {  	[smem:$0x3FA9] =	sst s5  }
0xe: {  	[smem:$0x3FAA] =	sst s6  }
0xf: {  	[smem:$0x3FAB] =	sst s7  }
0x10: {  	[smem:$0x3FAC] =	sst s8  }
0x11: {  	[smem:$0x3FAD] =	sst s9;
	s0 =	simm.s32 @!p0 $0x0  }
0x12: {  	s1 =	sld [smem:$0x3F93];
	s0 =	simm.s32 @p0 $0x1  }
0x13: {  	[smem:$0x3FAE] =	sst s0;
	s0 =	simm.s32 @!p1 $0x0  }
0x14: {  	s2 =	sld [smem:$0x3F92];
	s0 =	simm.s32 @p1 $0x1  }
0x15: {  	[smem:$0x3FAF] =	sst s0;
	s0 =	simm.s32 @!p2 $0x0  }
0x16: {  	s3 =	sld [smem:$0x3FDB];
	s0 =	simm.s32 @p2 $0x1  }
0x17: {  	s4 =	simm.s32 $0x1BF5;
	[smem:$0x3FB1] =	sst s0  }
0x18: {  	s0 =	sld [smem:$0x3F94];
	_ =	swait.ge [sflag:s4], $0x0  }
0x19: {  	s7 =	sld [smem:$0x3F95]  }
0x1a: {  	s8 =	sadd.s32 $0xFFFFE003, lr  }
0x1b: {  	s9 =	sadd.s32 $0xFFFFFEF7, lr;
	s5 =	simm.s32 $0xFFFFFFFF;
	p2 =	slt.u32 s8, $0xFFFFF086  }
0x1c: {  	p1 =	slt.u32 s9, $0xF7A;
	s5 =	simm.s32 @!p2 $0x0  }
0x1d: {  	s5 =	simm.s32 @p1 $0x1;
	p0 =	seq.s32 s7, s2  }
0x1e: {  	s7 =	smul.u32 @!p0 $0xF7A, s2;
	p2 =	seq.s32 @!p0 s5, $0x0  }
0x1f: {  	s9 =	smul.u32 $0xF7A, s1;
	s8 =	simm.s32 @!p0 $0x1BF5;
	p2 =	por !p2, p0  }
0x20: {  	[sflag:s8] =	ssyncset.s32 @!p0 $0xFFFFF086;
	s6 =	sadd.s32 @!p0 s3, s7;
	s7 =	simm.s32 @!p0 $0x108  }
0x21: {  	s3 =	sadd.s32 s3, s9;
	s6 =	sadd.s32 @!p0 $0x88, s6;
	s7 =	simm.s32 @p2 $0x1082  }
0x22: {  	[simem:s7], [sflag:s8] =	dma.local @!p0 [hbm:s6], $0xF7A  }
0x23: {  	s9 =	sor.u32 $0xD0000000, s2;
	s6 =	simm.s32 $0x108;
	_ =	swait.ge @!p0 [sflag:s8], $0x0  }
0x24: {  	s3 =	sadd.s32 $0x88, s3;
	s6 =	simm.s32 @!p1 $0x1082;
	[sflag:s4] =	ssyncset.s32 $0xFFFFF086  }
0x25: {  	[simem:s6], [sflag:s4] =	dma.local [hbm:s3], $0xF7A  }
0x26: {  	[smem:$0x3F95] =	sst s1;
	(tag) =	ssettag s2;
	_ =	strace s9  }
0x27: {  	s1 =	sld [smem:$0x3FA5]  }
0x28: {  	s2 =	sld [smem:$0x3FA6]  }
0x29: {  	s4 =	sld [smem:$0x3FA8]  }
0x2a: {  	p0 =	seq.s32 s5, $0x0;
	s5 =	sld [smem:$0x3FA9]  }
0x2b: {  	s6 =	sld [smem:$0x3FAA]  }
0x2c: {  	s7 =	sld [smem:$0x3FAB]  }
0x2d: {  	s3 =	simm.s32 $0x108;
	s8 =	sld [smem:$0x3FAC]  }
0x2e: {  	s3 =	simm.s32 @!p0 $0x1082;
	s9 =	sld [smem:$0x3FAD]  }
0x2f: {  	lr =	sadd.s32 s0, s3;
	s0 =	sld [smem:$0x3FA4]  }
0x30: {  	s3 =	sld [smem:$0x3FA7]  }
0x31: {  	[smem:$0x3FB0] =	sst s10  }
0x32: {  	s10 =	sld [smem:$0x3FAE];
	_ =	sdelay $0x3  }
0x33: {  	p0 =	seq.s32 s10, $0x1;
	s10 =	sld [smem:$0x3FB0];
	_ =	sdelay $0x3  }
0x34: {  	[smem:$0x3FB0] =	sst s10  }
0x35: {  	s10 =	sld [smem:$0x3FAF];
	_ =	sdelay $0x3  }
0x36: {  	p1 =	seq.s32 s10, $0x1;
	s10 =	sld [smem:$0x3FB0];
	_ =	sdelay $0x3  }
0x37: {  	[smem:$0x3FB0] =	sst s10  }
0x38: {  	s10 =	sld [smem:$0x3FB1]  }
0x39: {  	_ = 	snop;
	(pc) =	sbr.ind lr, $3  }
0x3a: {  	_ = 	snop  }
0x3b: {  	_ = 	snop  }
0x3c: {  	p2 =	seq.s32 s10, $0x1;
	s10 =	sld [smem:$0x3FB0]  }
0x3d: {  	_ =	shalt  }
0x3e: {  	_ =	shalt  }
0x3f: {  	_ =	shalt  }
0x40: {  	_ =	shalt  }
0x41: {  	_ =	shalt  }
0x42: {  	_ =	shalt  }
0x43: {  	_ =	shalt  }
0x44: {  	_ =	shalt  }
0x45: {  	_ =	shalt  }
0x46: {  	_ =	shalt  }
0x47: {  	_ =	shalt  }
0x48: {  	_ =	shalt  }
0x49: {  	_ =	shalt  }
0x4a: {  	_ =	shalt  }
0x4b: {  	_ =	shalt  }
0x4c: {  	_ =	shalt  }
0x4d: {  	_ =	shalt  }
0x4e: {  	_ =	shalt  }
0x4f: {  	_ =	shalt  }
0x50: {  	_ =	shalt  }
0x51: {  	_ =	shalt  }
0x52: {  	_ =	shalt  }
0x53: {  	_ =	shalt  }
0x54: {  	_ =	shalt  }
0x55: {  	_ =	shalt  }
0x56: {  	_ =	shalt  }
0x57: {  	_ =	shalt  }
0x58: {  	_ =	shalt  }
0x59: {  	_ =	shalt  }
0x5a: {  	_ =	shalt  }
0x5b: {  	_ =	shalt  }
0x5c: {  	_ =	shalt  }
0x5d: {  	_ =	shalt  }
0x5e: {  	_ =	shalt  }
0x5f: {  	_ =	shalt  }
0x60: {  	_ =	shalt  }
0x61: {  	_ =	shalt  }
0x62: {  	_ =	shalt  }
0x63: {  	_ =	shalt  }
0x64: {  	_ =	shalt  }
0x65: {  	_ =	shalt  }
0x66: {  	_ =	shalt  }
0x67: {  	_ =	shalt  }
0x68: {  	_ =	shalt  }
0x69: {  	_ =	shalt  }
0x6a: {  	_ =	shalt  }
0x6b: {  	_ =	shalt  }
0x6c: {  	_ =	shalt  }
0x6d: {  	_ =	shalt  }
0x6e: {  	_ =	shalt  }
0x6f: {  	_ =	shalt  }
0x70: {  	_ =	shalt  }
0x71: {  	_ =	shalt  }
0x72: {  	_ =	shalt  }
0x73: {  	_ =	shalt  }
0x74: {  	_ =	shalt  }
0x75: {  	_ =	shalt  }
0x76: {  	_ =	shalt  }
0x77: {  	_ =	shalt  }
0x78: {  	_ =	shalt  }
0x79: {  	_ =	shalt  }
0x7a: {  	_ =	shalt  }
0x7b: {  	_ =	shalt  }
0x7c: {  	_ =	shalt  }
0x7d: {  	_ =	shalt  }
0x7e: {  	_ =	shalt  }
0x7f: {  	_ =	shalt  }
0x80: {  	_ =	shalt  }
0x81: {  	_ =	shalt  }
0x82: {  	_ =	shalt  }
0x83: {  	_ =	shalt  }
0x84: {  	_ =	shalt  }
0x85: {  	_ =	shalt  }
0x86: {  	_ =	shalt  }
0x87: {  	_ =	shalt  }
.Lfunc_end0:
.L_simem_size_0:
called_computation.1_lowered:
.L_overlay_start_0:
0x88: {  	s2 =	sld [smem:$0x3FD9]  }
0x89: {  	s3 =	sld [smem:$0x3FFE];
	_ =	sdelay $0x1  }
0x8a: {  	s1 =	srdreg.scid  }
0x8b: {  	s0 =	sand.u32 $0x1, s1  }
0x8c: {  	s17 =	sshll.u32 s0, $0xA;
	s2 =	sadd.s32 s3, s2  }
0x8d: {  	s2 =	sadd.s32 s2, s17  }
0x8e: {  	[smem:$0x3FBC] =	sst s2  }
0x8f: {  	_ = 	snop  }
0x90: {  	s2 =	sld [smem:$0x3FD0];
	(tm) =	ssettm $0x1  }
0x91: {  	s18 =	sld [smem:$0x3FFB];
	_ =	sdelay $0x3  }
0x92: {  	_ =	strace s18  }
0x93: {  	s3 =	sld [smem:$0x3FFC];
	_ =	sdelay $0x3  }
0x94: {  	_ =	strace s3  }
0x95: {  	s3 =	sld [smem:$0x3FFD];
	_ =	sdelay $0x3  }
0x96: {  	_ =	strace s3  }
0x97: {  	_ =	strace $0x8FFFFFFF  }
0x98: {  	s19 =	sld [smem:$0x3FDB];
	_ =	sdelay $0x1  }
0x99: {  	s4 =	simm.s32 $_scs_section_size  }
0x9a: {  	s5 =	simm.s32 $_size__tile_overlayer_lowered;
	s6 =	simm.s32 $_tile_overlayer_lowered  }
0x9b: {  	s22 =	simm.s32 $0x1BFF;
	s21 =	sshll.u32 s6, $0x1;
	s3 =	sadd.s32 s4, s19  }
0x9c: {  	s7 =	simm.s32 $0x0;
	s20 =	sshll.u32 s5, $0x1;
	s5 =	sadd.s32 s21, s3  }
0x9d: {  	[timem:s7], [sflag:s22] =	dma.local [hbm:s5], s20  }
0x9e: {  	_ =	swait.ge [sflag:s22], s20  }
0x9f: {  	s4 =	ssub.s32 $0x0, s20;
	[sflag:s22] =	ssyncset.done $0x0  }
0xa0: {  	[sflag:s22] =	ssyncadd.s32 s4;
	_ =	sdelay $0x1  }
0xa1: {  	s23 =	simm.s32 $0x1B8B  }
0xa2: {  	_ =	swait.ge [sflag:s23], $0x1  }
0xa3: {  	[sflag:s23] =	ssyncset.done $0x0  }
0xa4: {  	s25 =	simm.s32 $0x1B8E;
	s24 =	sld [smem:$0x3FFE];
	[sflag:s23] =	ssyncadd.s32 $0xFFFFFFFF  }
0xa5: {  	s26 =	simm.s32 $execute0_lowered;
	[smem:$0x3FD2] =	sst s25  }
0xa6: {  	s5 =	sshll.u32 s26, $0x1;
	_ =	strace $0x80000049;
	[dreg:$0x1] =	wrdreg $0xFFFFFFFF  }
0xa7: {  	s28 =	simm.s32 $_size_execute0_lowered;
	s3 =	sadd.s32 s3, s5;
	[dreg:$0x0] =	wrdreg $0x0  }
0xa8: {  	s5 =	sshll.u32 s28, $0x1;
	[dreg:$0x2] =	wrdreg s3  }
0xa9: {  	[dreg:$0x3] =	wrdreg s5  }
0xaa: {  	[dreg:$0x4] =	wrdreg $0xC0  }
0xab: {  	_ =	task [dreg:s7], $0x5FFFF  }
0xac: {  	[dreg:$0x1] =	wrdreg $0xFFFFFFFF  }
0xad: {  	[dreg:$0x0] =	wrdreg $0x60  }
0xae: {  	[dreg:$0x2] =	wrdreg s24  }
0xaf: {  	[dreg:$0x3] =	wrdreg s2  }
0xb0: {  	[dreg:$0x4] =	wrdreg $0x179000  }
0xb1: {  	[dreg:$0x5] =	wrdreg $0x9  }
0xb2: {  	_ =	task.clear_ibuf [dreg:s7], $0x6FFFF;
	_ =	strace $0x90000049  }
0xb3: {  	s29 =	simm.s32 $0x9;
	_ =	strace $0x8000004B  }
0xb4: {  	_ =	swait.ge [sflag:s29], $0x1  }
0xb5: {  	[sflag:s29] =	ssyncadd.s32 $0xFFFFFFFF  }
0xb6: {  	_ =	strace $0x9000004B  }
0xb7: {  	_ =	sfence  }
0xb8: {  	s30 =	sld [smem:$0x0];
	_ =	sdelay $0x2  }
0xb9: {  	s31 =	sshll.u32 s1, $0xD;
	s1 =	sshrl.u32 s1, $0x2  }
0xba: {  	s3 =	sand.u32 $0x4000, s31;
	s1 =	sadd.s32 s1, s30  }
0xbb: {  	s0 =	sor.u32 s3, s0;
	s1 =	sshll.u32 s1, $0x11  }
0xbc: {  	s0 =	sor.u32 s1, s0  }
0xbd: {  	s0 =	sadd.s32 $0x8F2B, s0  }
0xbe: {  	[sflag:s0] =	ssyncadd.remote.s32 $0x1  }
0xbf: {  	_ =	sfence.sel $0xFFFF  }
0xc0: {  	[dreg:$0x0] =	wrdreg $0xFFFFFFFF;
	(pc) =	sbr.abs _section_cstart, $3  }
0xc1: {  	[dreg:$0x1] =	wrdreg $0xFFFFFFFF  }
0xc2: {  	_ =	task.clear_ibuf [dreg:s7], $0x2FFFF;
	_ =	strace $0x9FFFFFFF  }
0xc3: {  	(tm) =	ssettm $0x7FFFFFFF  }
tec
execute0_lowered:
.L_overlay_start_1:
0x0: {  	(tag) =	ssettag $0x1  }
0x1: {  	s6 =	rddreg [dreg:$0x0]  }
0x2: {  	s0 =	rddreg [dreg:$0x1]  }
0x3: {  	s1 =	rddreg [dreg:$0x2]  }
0x4: {  	s2 =	simm.s32 $0x0;
	s4 =	srdreg.scid;
	s17 =	simm.s32 $0x14500  }
0x5: {  	s18 =	simm.s32 $0x1;
	s19 =	simm.s32 $0x500;
	[dreg:$0x7] =	wrdreg s0  }
0x6: {  	s20 =	simm.s32 $0x280;
	s21 =	simm.s32 $0x0;
	[smem:$0x7FF] =	sst s2  }
0x7: {  	s0 =	rddreg [dreg:$0x3];
	s3 =	sadd.s32 $0x33F400, s6;
	s28 =	sadd.s32 $0x429A00, s6  }
0x8: {  	s29 =	sadd.s32 $0x2000, s6;
	_ =	strace $0x8000004A;
	[dreg:$0x5] =	wrdreg s3  }
0x9: {  	s30 =	sadd.s32 $0x3E00, s6;
	s5 =	sadd.s32 $0x6A00, s6;
	[dreg:$0x9] =	wrdreg s28  }
0xa: {  	s9 =	sand.u32 $0x1, s4;
	[dreg:$0x4] =	wrdreg s29;
	s3 =	stileid.u32  }
0xb: {  	s6 =	sadd.s32 $0xA600, s6;
	[dreg:$0x6] =	wrdreg s30;
	s4 =	smul.u32 $0xD0, s3  }
0xc: {  	[dreg:$0x8] =	wrdreg s5;
	s8 =	ssub.s32 $0x2, s9;
	s5 =	smul.u32 $0xEA8, s3  }
0xd: {  	s9 =	sshll.u32 s9, $0x4;
	s10 =	sshrl.u32 s8, $0x1;
	s7 =	smul.u32 $0x1600, s3  }
0xe: {  	s12 =	smul.u32 $0x1A000, s3;
	p0 =	sne.s32 s3, $0x0;
	s15 =	ssub.s32 s8, s10  }
0xf: {  	s8 =	smul.u32 $0x1D50, s3;
	s10 =	sadd.s32 $0x68000, s1;
	s31 =	ssub.s32 $0xEA60, s5  }
0x10: {  	s13 =	ssub.s32 $0x15F90, s7;
	s16 =	sshrl.u32 s12, $0x2;
	s15 =	smax.u32 s15, $0x1  }
0x11: {  	s11 =	smin.u32 s31, $0xEA8;
	s13 =	smin.u32 s13, $0x1600;
	s14 =	ssub.s32 $0x1D4C0, s8  }
0x12: {  	s12 =	sadd.s32 $0xFFFFFD80, s13;
	s14 =	smin.u32 s14, $0x1D50;
	s13 =	sadd.s32 s16, s1  }
0x13: {  	v0 =	vimm.f32 $0.0e+00;
	v1 =	vlaneseq.u32;
	s11 =	sadd.s32 $0xFFFFFD80, s11;
	s14 =	sadd.s32 $0xFFFFFD80, s14;
	s16 =	sadd.s32 $0x3400, s13  }
.LBB2_1:
0x14: {  	s23 =	simm.s32 $0x0;
	s22 =	simm.s32 $0x200  }
.LBB2_2:
0x15: {  	p1 =	sne.s32 s22, $0xCE00;
	[tilespmem:s23+$0x14570] =	vst v0  }
0x16: {  	[tilespmem:s23+$0x14500] =	vst v0  }
0x17: {  	[tilespmem:s23+$0x14510] =	vst v0  }
.Ltmp0:
0x18: {  	[tilespmem:s23+$0x14520] =	vst v0;
	(pc) =	sbr.rel @p1 .LBB2_2-.Ltmp0, $4  }
0x19: {  	[tilespmem:s23+$0x14530] =	vst v0  }
0x1a: {  	[tilespmem:s23+$0x14540] =	vst v0  }
0x1b: {  	[tilespmem:s23+$0x14550] =	vst v0  }
0x1c: {  	[tilespmem:s23+$0x14560] =	vst v0;
	s23 =	sshra.s32 s22, $0x2;
	s22 =	sadd.s32 $0x200, s22  }
0x1d: {  	[tilespmem:s23+$0x14570] =	vst v0  }
0x1e: {  	[tilespmem:s23+$0x14500] =	vst v0  }
0x1f: {  	[tilespmem:s23+$0x14510] =	vst v0  }
0x20: {  	[tilespmem:s23+$0x14520] =	vst v0  }
0x21: {  	[tilespmem:s23+$0x14530] =	vst v0  }
0x22: {  	[tilespmem:s23+$0x14540] =	vst v0  }
0x23: {  	[tilespmem:s23+$0x14550] =	vst v0  }
0x24: {  	s22 =	simm.s32 $0x0;
	[tilespmem:s23+$0x14560] =	vst v0  }
.LBB2_4:
0x25: {  	[spmem:s13] =	stream.linear.scatter [tilespmem:s17], [sflag:$0x1], $0x3400, $0x38;
	[tilespmem:$0x1E180] =	vst v63  }
0x26: {  	_ =	swait.ge [sflag:s18], $0x3400  }
0x27: {  	[sflag:s18] =	ssyncset.done $0x0  }
0x28: {  	[sflag:s18] =	ssyncadd.s32 $0xFFFFCC00  }
0x29: {  	[spmem:s16] =	stream.linear.scatter [tilespmem:s17], [sflag:$0x1], $0x3400, $0x38;
	[tilespmem:$0x1E180] =	vst v63  }
0x2a: {  	_ =	swait.ge [sflag:s18], $0x3400  }
0x2b: {  	[sflag:s18] =	ssyncset.done $0x0  }
0x2c: {  	s23 =	simm.s32 @!p0 $0x14500;
	s24 =	simm.s32 @!p0 $0x1;
	[sflag:s18] =	ssyncadd.s32 $0xFFFFCC00  }
0x2d: {  	[spmem:s10] =	stream.linear.scatter @!p0 [tilespmem:s23], [sflag:$0x1], $0x800, $0x38;
	[tilespmem:$0x1E180] =	vst v63  }
0x2e: {  	s31 =	sadd.s32 s9, s22;
	_ =	swait.ge @!p0 [sflag:s24], $0x800  }
0x2f: {  	s23 =	smul.u32 $0xD00, s31;
	[sflag:s24] =	ssyncset.done @!p0 $0x0  }
0x30: {  	[sflag:s24] =	ssyncadd.s32 @!p0 $0xFFFFF800  }
0x31: {  	s25 =	simm.s32 $0x0;
	s26 =	simm.s32 $0x0;
	v2 =	vmov s23;
	[bflag:$0x0] =	sbarrier.arrive $0xFFFF  }
.LBB2_5:
0x32: {  	p1 =	slt.s32 s25, s11;
	s28 =	smov.u32 s11  }
0x33: {  	s28 =	smov.u32 @p1 s25  }
0x34: {  	s29 =	sadd.s32 s5, s28  }
0x35: {  	s24 =	rddreg [dreg:$0x4];
	s30 =	sshrl.u32 s29, $0x3  }
0x36: {  	s30 =	sadd.s32 s24, s30;
	s24 =	simm.s32 $0x0  }
0x37: {  	[tilespmem:s24], [sflag:$0x1] =	stream.linear.gather [hbm4b:s30+s24], $0x280, $0x38;
	[tilespmem:$0x1E180] =	vst v63  }
0x38: {  	_ =	swait.ge [sflag:s18], $0x280  }
0x39: {  	s29 =	sshll.u32 s29, $0x4;
	s31 =	rddreg [dreg:$0x5];
	[sflag:s18] =	ssyncset.done $0x0  }
0x3a: {  	[sflag:s18] =	ssyncadd.s32 $0xFFFFFD80;
	s29 =	sadd.s32 s31, s29  }
0x3b: {  	[tilespmem:s19], [sflag:$0x1] =	stream.linear.gather [hbm4b:s29+s24], $0x14000, $0x38;
	[tilespmem:$0x1E180] =	vst v63  }
0x3c: {  	_ =	swait.ge [sflag:s18], $0x14000  }
0x3d: {  	[sflag:s18] =	ssyncset.done $0x0  }
0x3e: {  	[sflag:s18] =	ssyncadd.s32 $0xFFFEC000  }
0x3f: {  	v3 =	vld [tilespmem:$0x0]  }
0x40: {  	s28 =	sadd.s32 s26, s28;
	v4 =	vld [tilespmem:$0x10]  }
0x41: {  	s30 =	sadd.s32 $0x10, s28;
	v5 =	vld [tilespmem:$0x20]  }
0x42: {  	v7 =	vadd.s32 s30, v1;
	s30 =	sadd.s32 $0x30, s28;
	v8 =	vld [tilespmem:$0x30]  }
0x43: {  	v41 =	vadd.s32 s30, v1;
	s30 =	sadd.s32 $0x50, s28;
	v43 =	vld [tilespmem:$0x60]  }
0x44: {  	s31 =	sadd.s32 $0x20, s28;
	v12 =	vadd.s32 s30, v1;
	s30 =	sadd.s32 $0x70, s28;
	v11 =	vld [tilespmem:$0x70]  }
0x45: {  	v37 =	vadd.s32 s31, v1;
	s31 =	sadd.s32 $0x40, s28;
	v48 =	vadd.s32 s30, v1;
	s30 =	sadd.s32 $0x90, s28;
	v14 =	vld [tilespmem:$0x90]  }
0x46: {  	v10 =	vadd.s32 s31, v1;
	s31 =	sadd.s32 $0x60, s28;
	v52 =	vadd.s32 s30, v1;
	s30 =	sadd.s32 $0xB0, s28;
	v15 =	vld [tilespmem:$0xA0]  }
0x47: {  	v46 =	vadd.s32 s31, v1;
	s31 =	sadd.s32 $0x80, s28;
	v18 =	vadd.s32 s30, v1;
	s30 =	sadd.s32 $0xD0, s28;
	v54 =	vld [tilespmem:$0xC0]  }
0x48: {  	v50 =	vadd.s32 s31, v1;
	s31 =	sadd.s32 $0xA0, s28;
	v60 =	vadd.s32 s30, v1;
	s30 =	sadd.s32 $0xF0, s28;
	v17 =	vld [tilespmem:$0xD0]  }
0x49: {  	v55 =	vadd.s32 s31, v1;
	s31 =	sadd.s32 $0xC0, s28;
	v20 =	vld [tilespmem:$0xF0];
	v31 =	vadd.s32 s30, v1;
	s30 =	sadd.s32 $0x110, s28  }
0x4a: {  	v21 =	vld [tilespmem:$0x100];
	v58 =	vadd.s32 s31, v1;
	s31 =	sadd.s32 $0xE0, s28;
	v24 =	vadd.s32 s30, v1;
	s30 =	sadd.s32 $0x130, s28  }
0x4b: {  	v6 =	vadd.s32 s28, v1;
	v23 =	vld [tilespmem:$0x130];
	v62 =	vadd.s32 s31, v1;
	s31 =	sadd.s32 $0x100, s28;
	v25 =	vadd.s32 s30, v1;
	s30 =	sadd.s32 $0x150, s28  }
0x4c: {  	v26 =	vld [tilespmem:$0x150];
	v34 =	vadd.s32 s31, v1;
	v27 =	vadd.s32 s30, v1;
	v3 =	vsub.s32 v3, v2  }
0x4d: {  	v4 =	vsub.s32 v4, v2;
	v5 =	vsub.s32 v5, v2;
	v8 =	vsub.s32 v8, v2  }
0x4e: {  	v39 =	vld [tilespmem:$0x40];
	v13 =	vsub.s32 v43, v2;
	v11 =	vsub.s32 v11, v2;
	v14 =	vsub.s32 v14, v2  }
0x4f: {  	v15 =	vsub.s32 v15, v2;
	v19 =	vsub.s32 v54, v2;
	v17 =	vsub.s32 v17, v2  }
0x50: {  	v20 =	vsub.s32 v20, v2;
	v21 =	vsub.s32 v21, v2;
	v23 =	vsub.s32 v23, v2  }
0x51: {  	v26 =	vsub.s32 v26, v2;
	v6 =	vor.u32 v6, v3;
	vm0 =	vlt.s32 v3, $0xD00  }
0x52: {  	v36 =	vor.u32 v7, v4;
	vm10 =	vlt.s32 v4, $0xD00;
	v38 =	vor.u32 v37, v5  }
0x53: {  	vm13 =	vlt.s32 v5, $0xD00;
	vm14 =	vlt.s32 v8, $0xD00;
	v7 =	vsub.s32 v39, v2  }
0x54: {  	s31 =	sadd.s32 $0x120, s28;
	v47 =	vor.u32 v46, v13;
	vm8 =	vlt.s32 v13, $0xD00;
	v16 =	vor.u32 v52, v14  }
0x55: {  	v59 =	vor.u32 v58, v19;
	v22 =	vor.u32 v31, v20;
	v37 =	vadd.s32 s31, v1  }
0x56: {  	v27 =	vor.u32 v27, v26;
	vm1 =	vgt.s32 v6, $0xFFFFFFFF;
	v3 =	vnsel vm0, $0xD00, v3  }
0x57: {  	v9 =	vnsel vm10, $0xD00, v4;
	vm11 =	vgt.s32 v36, $0xFFFFFFFF;
	vm12 =	vgt.s32 v38, $0xFFFFFFFF  }
0x58: {  	v40 =	vld [tilespmem:$0x50];
	v5 =	vnsel vm13, $0xD00, v5;
	v6 =	vor.u32 v41, v8;
	v42 =	vnsel vm14, $0xD00, v8  }
0x59: {  	v10 =	vor.u32 v10, v7;
	vm4 =	vlt.s32 v7, $0xD00;
	vm9 =	vgt.s32 v47, $0xFFFFFFFF  }
0x5a: {  	s31 =	sadd.s32 $0x140, s28;
	v49 =	vnsel vm8, $0xD00, v13;
	vm10 =	vlt.s32 v11, $0xD00;
	vm14 =	vlt.s32 v14, $0xD00  }
0x5b: {  	vm8 =	vlt.s32 v19, $0xD00;
	v38 =	vor.u32 v25, v23;
	v39 =	vadd.s32 s31, v1  }
0x5c: {  	v29 =	vld [tilespmem:$0x190];
	v4 =	vnsel vm1, $0xD00, v3;
	v3 =	vnsel vm11, $0xD00, v9;
	v5 =	vnsel vm12, $0xD00, v5  }
0x5d: {  	v45 =	vld [tilespmem:$0x80];
	vm15 =	vgt.s32 v6, $0xFFFFFFFF;
	v9 =	vsub.s32 v40, v2;
	v7 =	vnsel vm4, $0xD00, v7  }
0x5e: {  	vm6 =	vgt.s32 v10, $0xFFFFFFFF;
	v10 =	vor.u32 v48, v11;
	v11 =	vnsel vm10, $0xD00, v11  }
0x5f: {  	s31 =	sadd.s32 $0x160, s28;
	v53 =	vnsel vm14, $0xD00, v14;
	vm4 =	vlt.s32 v15, $0xD00;
	v61 =	vnsel vm8, $0xD00, v19  }
0x60: {  	v33 =	vld [tilespmem:$0x120];
	vm10 =	vlt.s32 v17, $0xD00;
	vm14 =	vlt.s32 v20, $0xD00;
	v28 =	vadd.s32 s31, v1  }
0x61: {  	v48 =	vsub.s32 v29, v2;
	v6 =	vnsel vm15, $0xD00, v42;
	vm5 =	vlt.s32 v9, $0xD00  }
0x62: {  	v44 =	vor.u32 v12, v9;
	v8 =	vnsel vm6, $0xD00, v7;
	v12 =	vsub.s32 v45, v2  }
0x63: {  	vm11 =	vgt.s32 v10, $0xFFFFFFFF;
	v10 =	vnsel vm9, $0xD00, v49;
	vm15 =	vgt.s32 v16, $0xFFFFFFFF  }
0x64: {  	v16 =	vor.u32 v55, v15;
	v15 =	vnsel vm4, $0xD00, v15;
	vm9 =	vgt.s32 v59, $0xFFFFFFFF  }
0x65: {  	s31 =	sadd.s32 $0x180, s28;
	v32 =	vnsel vm14, $0xD00, v20;
	vm4 =	vlt.s32 v21, $0xD00;
	v20 =	vsub.s32 v33, v2  }
0x66: {  	v51 =	vld [tilespmem:$0xB0];
	vm14 =	vlt.s32 v26, $0xD00;
	v46 =	vadd.s32 s31, v1;
	v9 =	vnsel vm5, $0xD00, v9  }
0x67: {  	vm7 =	vgt.s32 v44, $0xFFFFFFFF;
	v13 =	vor.u32 v50, v12;
	vm13 =	vlt.s32 v12, $0xD00  }
0x68: {  	vm6 =	vgt.s32 v16, $0xFFFFFFFF;
	v16 =	vor.u32 v60, v17;
	v17 =	vnsel vm10, $0xD00, v17  }
0x69: {  	v63 =	vnsel vm9, $0xD00, v61;
	vm8 =	vlt.s32 v20, $0xD00;
	vm10 =	vlt.s32 v23, $0xD00  }
0x6a: {  	v57 =	vld [tilespmem:$0xE0];
	v26 =	vnsel vm14, $0xD00, v26;
	v7 =	vnsel vm7, $0xD00, v9;
	v9 =	vnsel vm11, $0xD00, v11  }
0x6b: {  	vm12 =	vgt.s32 v13, $0xFFFFFFFF;
	v12 =	vnsel vm13, $0xD00, v12;
	v13 =	vsub.s32 v51, v2  }
0x6c: {  	v41 =	vld [tilespmem:$0x160];
	s31 =	sadd.s32 $0x1A0, s28;
	v14 =	vnsel vm6, $0xD00, v15;
	vm11 =	vgt.s32 v16, $0xFFFFFFFF;
	v23 =	vnsel vm10, $0xD00, v23  }
0x6d: {  	vm10 =	vlt.s32 v48, $0xD00;
	v51 =	vadd.s32 s31, v1;
	v11 =	vnsel vm12, $0xD00, v12  }
0x6e: {  	v12 =	vnsel vm15, $0xD00, v53;
	vm5 =	vlt.s32 v13, $0xD00;
	v56 =	vor.u32 v18, v13  }
0x6f: {  	v30 =	vld [tilespmem:$0x110];
	v18 =	vsub.s32 v57, v2;
	v15 =	vnsel vm11, $0xD00, v17;
	vm15 =	vgt.s32 v22, $0xFFFFFFFF  }
0x70: {  	v29 =	vld [tilespmem:$0x210];
	s31 =	sadd.s32 $0x1C0, s28;
	v22 =	vor.u32 v34, v21;
	v21 =	vnsel vm4, $0xD00, v21;
	vm11 =	vgt.s32 v38, $0xFFFFFFFF  }
0x71: {  	v42 =	vld [tilespmem:$0x170];
	v25 =	vsub.s32 v41, v2;
	v53 =	vnsel vm10, $0xD00, v48;
	v61 =	vadd.s32 s31, v1  }
0x72: {  	v45 =	vld [tilespmem:$0x1A0];
	v13 =	vnsel vm5, $0xD00, v13;
	vm7 =	vgt.s32 v56, $0xFFFFFFFF;
	v19 =	vor.u32 v62, v18  }
0x73: {  	v49 =	vld [tilespmem:$0x1B0];
	vm13 =	vlt.s32 v18, $0xD00;
	vm6 =	vgt.s32 v22, $0xFFFFFFFF;
	v22 =	vor.u32 v37, v20  }
0x74: {  	v55 =	vld [tilespmem:$0x1C0];
	v20 =	vnsel vm8, $0xD00, v20;
	v23 =	vnsel vm11, $0xD00, v23;
	v28 =	vor.u32 v28, v25  }
0x75: {  	v33 =	vld [tilespmem:$0x220];
	vm4 =	vlt.s32 v25, $0xD00;
	[tilespmem:$0x350] =	vst v15;
	v15 =	vsub.s32 v29, v2;
	v13 =	vnsel vm7, $0xD00, v13  }
0x76: {  	v36 =	vld [tilespmem:$0x140];
	vm12 =	vgt.s32 v19, $0xFFFFFFFF;
	v18 =	vnsel vm13, $0xD00, v18;
	v19 =	vsub.s32 v30, v2  }
0x77: {  	s30 =	sadd.s32 $0x170, s28;
	v21 =	vnsel vm6, $0xD00, v21;
	vm9 =	vgt.s32 v22, $0xFFFFFFFF;
	v22 =	vsub.s32 v42, v2  }
0x78: {  	v43 =	vld [tilespmem:$0x180];
	v25 =	vnsel vm4, $0xD00, v25;
	v30 =	vadd.s32 s30, v1;
	vm6 =	vgt.s32 v28, $0xFFFFFFFF  }
0x79: {  	[tilespmem:$0x2B0] =	vst v6;
	v52 =	vsub.s32 v45, v2;
	v58 =	vsub.s32 v49, v2;
	v6 =	vsub.s32 v55, v2  }
0x7a: {  	v60 =	vld [tilespmem:$0x1E0];
	[tilespmem:$0x320] =	vst v14;
	v14 =	vsub.s32 v33, v2;
	v17 =	vnsel vm12, $0xD00, v18;
	v18 =	vnsel vm15, $0xD00, v32  }
0x7b: {  	vm5 =	vlt.s32 v19, $0xD00;
	v35 =	vor.u32 v24, v19;
	v24 =	vsub.s32 v36, v2  }
0x7c: {  	s30 =	sadd.s32 $0x190, s28;
	v20 =	vnsel vm9, $0xD00, v20;
	vm15 =	vgt.s32 v27, $0xFFFFFFFF;
	v44 =	vor.u32 v30, v22  }
0x7d: {  	[tilespmem:$0x290] =	vst v3;
	v27 =	vsub.s32 v43, v2;
	v3 =	vnsel vm6, $0xD00, v25;
	v47 =	vadd.s32 s30, v1  }
0x7e: {  	[tilespmem:$0x300] =	vst v11;
	v54 =	vor.u32 v51, v52;
	vm14 =	vlt.s32 v58, $0xD00;
	v11 =	vor.u32 v61, v6  }
0x7f: {  	[tilespmem:$0x2E0] =	vst v10;
	vm4 =	vlt.s32 v6, $0xD00;
	v10 =	vsub.s32 v60, v2;
	v19 =	vnsel vm5, $0xD00, v19  }
0x80: {  	vm7 =	vgt.s32 v35, $0xFFFFFFFF;
	v40 =	vor.u32 v39, v24;
	vm13 =	vlt.s32 v24, $0xD00  }
0x81: {  	[tilespmem:$0x280] =	vst v4;
	s30 =	sadd.s32 $0x1B0, s28;
	v26 =	vnsel vm15, $0xD00, v26;
	vm5 =	vlt.s32 v22, $0xD00;
	v4 =	vor.u32 v46, v27  }
0x82: {  	[tilespmem:$0x2A0] =	vst v5;
	vm8 =	vlt.s32 v27, $0xD00;
	v5 =	vor.u32 v47, v48;
	v57 =	vadd.s32 s30, v1  }
0x83: {  	v59 =	vnsel vm14, $0xD00, v58;
	v6 =	vnsel vm4, $0xD00, v6;
	vm6 =	vgt.s32 v11, $0xFFFFFFFF  }
0x84: {  	vm14 =	vlt.s32 v15, $0xD00;
	vm4 =	vlt.s32 v14, $0xD00;
	v19 =	vnsel vm7, $0xD00, v19  }
0x85: {  	[tilespmem:$0x2C0] =	vst v8;
	v38 =	vld [tilespmem:$0x240];
	vm12 =	vgt.s32 v40, $0xFFFFFFFF;
	v24 =	vnsel vm13, $0xD00, v24;
	v22 =	vnsel vm5, $0xD00, v22  }
0x86: {  	[tilespmem:$0x340] =	vst v63;
	vm7 =	vgt.s32 v44, $0xFFFFFFFF;
	vm9 =	vgt.s32 v4, $0xFFFFFFFF;
	v50 =	vnsel vm8, $0xD00, v27  }
0x87: {  	[tilespmem:$0x2F0] =	vst v9;
	s31 =	sadd.s32 $0x1E0, s28;
	v56 =	vld [tilespmem:$0x1D0];
	s30 =	sadd.s32 $0x1D0, s28;
	vm11 =	vgt.s32 v5, $0xFFFFFFFF;
	vm13 =	vlt.s32 v52, $0xD00;
	v9 =	vor.u32 v57, v58  }
0x88: {  	[tilespmem:$0x2D0] =	vst v7;
	v62 =	vld [tilespmem:$0x1F0];
	v63 =	vadd.s32 s30, v1;
	v27 =	vadd.s32 s31, v1;
	v6 =	vnsel vm6, $0xD00, v6  }
0x89: {  	[tilespmem:$0x310] =	vst v12;
	vm8 =	vlt.s32 v10, $0xD00;
	v37 =	vnsel vm14, $0xD00, v15;
	v43 =	vnsel vm4, $0xD00, v14  }
0x8a: {  	[tilespmem:$0x3B0] =	vst v23;
	v49 =	vsub.s32 v38, v2;
	v24 =	vnsel vm12, $0xD00, v24;
	v22 =	vnsel vm7, $0xD00, v22  }
0x8b: {  	[tilespmem:$0x330] =	vst v13;
	v4 =	vnsel vm9, $0xD00, v50;
	v7 =	vnsel vm11, $0xD00, v53;
	vm12 =	vgt.s32 v54, $0xFFFFFFFF  }
0x8c: {  	v34 =	vld [tilespmem:$0x230];
	[tilespmem:$0x380] =	vst v21;
	s30 =	sadd.s32 $0x1F0, s28;
	v8 =	vnsel vm13, $0xD00, v52;
	vm15 =	vgt.s32 v9, $0xFFFFFFFF;
	v5 =	vsub.s32 v56, v2  }
0x8d: {  	v42 =	vld [tilespmem:$0x250];
	[tilespmem:$0x360] =	vst v17;
	s31 =	sadd.s32 $0x200, s28;
	v11 =	vor.u32 v27, v10;
	v28 =	vadd.s32 s30, v1;
	v12 =	vsub.s32 v62, v2  }
0x8e: {  	v25 =	vld [tilespmem:$0x200];
	[tilespmem:$0x370] =	vst v18;
	v10 =	vnsel vm8, $0xD00, v10;
	v31 =	vadd.s32 s31, v1;
	vm8 =	vlt.s32 v49, $0xD00  }
0x8f: {  	[tilespmem:$0x3A0] =	vst v20;
	v8 =	vnsel vm12, $0xD00, v8;
	v9 =	vnsel vm15, $0xD00, v59;
	vm5 =	vlt.s32 v5, $0xD00  }
0x90: {  	[tilespmem:$0x3E0] =	vst v3;
	s30 =	sadd.s32 $0x210, s28;
	s31 =	sadd.s32 $0x220, s28;
	v16 =	vor.u32 v63, v5;
	vm9 =	vgt.s32 v11, $0xFFFFFFFF;
	v30 =	vor.u32 v28, v12  }
0x91: {  	[tilespmem:$0x3D0] =	vst v26;
	vm10 =	vlt.s32 v12, $0xD00;
	v35 =	vadd.s32 s30, v1;
	v40 =	vadd.s32 s31, v1  }
0x92: {  	[tilespmem:$0x390] =	vst v19;
	v11 =	vsub.s32 v34, v2;
	v53 =	vsub.s32 v42, v2;
	v55 =	vnsel vm8, $0xD00, v49  }
0x93: {  	[tilespmem:$0x440] =	vst v6;
	v5 =	vnsel vm5, $0xD00, v5;
	vm7 =	vgt.s32 v16, $0xFFFFFFFF;
	v13 =	vsub.s32 v25, v2  }
0x94: {  	[tilespmem:$0x3C0] =	vst v24;
	s30 =	sadd.s32 $0x230, s28;
	v12 =	vnsel vm10, $0xD00, v12;
	vm11 =	vgt.s32 v30, $0xFFFFFFFF;
	v10 =	vnsel vm9, $0xD00, v10  }
0x95: {  	v47 =	vld [tilespmem:$0x260];
	[tilespmem:$0x3F0] =	vst v22;
	s31 =	sadd.s32 $0x240, s28;
	v36 =	vor.u32 v35, v15;
	v41 =	vor.u32 v40, v14;
	v44 =	vadd.s32 s30, v1  }
0x96: {  	[tilespmem:$0x400] =	vst v4;
	vm5 =	vlt.s32 v11, $0xD00;
	v48 =	vadd.s32 s31, v1;
	vm10 =	vlt.s32 v53, $0xD00  }
0x97: {  	[tilespmem:$0x410] =	vst v7;
	v5 =	vnsel vm7, $0xD00, v5;
	v32 =	vor.u32 v31, v13;
	v12 =	vnsel vm11, $0xD00, v12  }
0x98: {  	[tilespmem:$0x420] =	vst v8;
	vm13 =	vlt.s32 v13, $0xD00;
	vm15 =	vgt.s32 v36, $0xFFFFFFFF;
	vm6 =	vgt.s32 v41, $0xFFFFFFFF  }
0x99: {  	[tilespmem:$0x430] =	vst v9;
	s30 =	sadd.s32 $0x250, s28;
	v45 =	vor.u32 v44, v11;
	v46 =	vnsel vm5, $0xD00, v11;
	v6 =	vor.u32 v48, v49  }
0x9a: {  	v54 =	vld [tilespmem:$0x270];
	s31 =	sadd.s32 $0x260, s28;
	s28 =	sadd.s32 $0x270, s28;
	[tilespmem:$0x460] =	vst v10;
	v52 =	vadd.s32 s30, v1;
	v57 =	vsub.s32 v47, v2;
	v58 =	vnsel vm10, $0xD00, v53  }
0x9b: {  	v60 =	vadd.s32 s28, v1;
	vm12 =	vgt.s32 v32, $0xFFFFFFFF;
	v3 =	vnsel vm13, $0xD00, v13;
	[tilespmem:$0x450] =	vst v5  }
0x9c: {  	v39 =	vnsel vm15, $0xD00, v37;
	vm7 =	vgt.s32 v45, $0xFFFFFFFF;
	v50 =	vnsel vm6, $0xD00, v43;
	[tilespmem:$0x470] =	vst v12  }
0x9d: {  	vm9 =	vgt.s32 v6, $0xFFFFFFFF;
	v56 =	vor.u32 v52, v53;
	vm13 =	vlt.s32 v57, $0xD00;
	[tilespmem:$0x490] =	vst v39  }
0x9e: {  	v3 =	vnsel vm12, $0xD00, v3;
	v51 =	vnsel vm7, $0xD00, v46;
	vm11 =	vgt.s32 v56, $0xFFFFFFFF;
	[tilespmem:$0x4A0] =	vst v50  }
0x9f: {  	v59 =	vnsel vm9, $0xD00, v55;
	v61 =	vsub.s32 v54, v2;
	[tilespmem:$0x480] =	vst v3;
	v3 =	vadd.s32 s31, v1  }
0xa0: {  	v62 =	vnsel vm13, $0xD00, v57;
	[tilespmem:$0x4B0] =	vst v51;
	v4 =	vor.u32 v60, v61;
	v3 =	vor.u32 v3, v57  }
0xa1: {  	[tilespmem:$0x4C0] =	vst v59;
	vm14 =	vlt.s32 v61, $0xD00;
	vm12 =	vgt.s32 v3, $0xFFFFFFFF;
	v3 =	vnsel vm11, $0xD00, v58  }
0xa2: {  	vm15 =	vgt.s32 v4, $0xFFFFFFFF;
	v63 =	vnsel vm14, $0xD00, v61;
	[tilespmem:$0x4D0] =	vst v3;
	v3 =	vnsel vm12, $0xD00, v62  }
0xa3: {  	p1 =	sne.s32 s26, $0xFFFFF380;
	[tilespmem:$0x4E0] =	vst v3;
	v3 =	vnsel vm15, $0xD00, v63  }
.Ltmp1:
0xa4: {  	[tilespmem:$0x4F0] =	vst v3;
	(pc) =	sbr.rel @p1 .LBB2_5-.Ltmp1, $4  }
0xa5: {  	[spmem:s1] =	stream.indirect.scatter.add.f32 [tilespmem:s19], [sflag:$0x1], $0x80, s20, s20, $0xb8;
	[tilespmem:$0x1E180] =	vst v63  }
0xa6: {  	_ =	swait.ge [sflag:s18], $0x14000  }
0xa7: {  	[sflag:s18] =	ssyncset.done $0x0  }
0xa8: {  	s25 =	sadd.s32 $0x280, s25;
	s26 =	sadd.s32 $0xFFFFFD80, s26;
	[sflag:s18] =	ssyncadd.s32 $0xFFFEC000  }
0xa9: {  	s25 =	simm.s32 $0x0;
	s26 =	simm.s32 $0x0  }
.LBB2_7:
0xaa: {  	p1 =	slt.s32 s25, s12;
	s28 =	smov.u32 s12  }
0xab: {  	s28 =	smov.u32 @p1 s25  }
0xac: {  	s30 =	sadd.s32 s7, s28  }
0xad: {  	s29 =	rddreg [dreg:$0x6];
	s31 =	sshrl.u32 s30, $0x3  }
0xae: {  	s29 =	sadd.s32 s29, s31  }
0xaf: {  	[tilespmem:s24], [sflag:$0x1] =	stream.linear.gather [hbm4b:s29+s24], $0x280, $0x38;
	[tilespmem:$0x1E180] =	vst v63  }
0xb0: {  	_ =	swait.ge [sflag:s18], $0x280  }
0xb1: {  	s30 =	sshll.u32 s30, $0x4;
	s31 =	rddreg [dreg:$0x7];
	[sflag:s18] =	ssyncset.done $0x0  }
0xb2: {  	[sflag:s18] =	ssyncadd.s32 $0xFFFFFD80;
	s29 =	sadd.s32 s31, s30  }
0xb3: {  	[tilespmem:s19], [sflag:$0x1] =	stream.linear.gather [hbm4b:s29+s24], $0x14000, $0x38;
	[tilespmem:$0x1E180] =	vst v63  }
0xb4: {  	_ =	swait.ge [sflag:s18], $0x14000  }
0xb5: {  	[sflag:s18] =	ssyncset.done $0x0  }
0xb6: {  	[sflag:s18] =	ssyncadd.s32 $0xFFFEC000  }
0xb7: {  	v3 =	vld [tilespmem:$0x0]  }
0xb8: {  	v4 =	vld [tilespmem:$0x10]  }
0xb9: {  	v5 =	vld [tilespmem:$0x20]  }
0xba: {  	s28 =	sadd.s32 s26, s28;
	v8 =	vld [tilespmem:$0x30]  }
0xbb: {  	s30 =	sadd.s32 $0x10, s28;
	v43 =	vld [tilespmem:$0x60]  }
0xbc: {  	s31 =	sadd.s32 $0x20, s28;
	v7 =	vadd.s32 s30, v1;
	s30 =	sadd.s32 $0x30, s28;
	v11 =	vld [tilespmem:$0x70]  }
0xbd: {  	v37 =	vadd.s32 s31, v1;
	s31 =	sadd.s32 $0x40, s28;
	v41 =	vadd.s32 s30, v1;
	s30 =	sadd.s32 $0x50, s28;
	v14 =	vld [tilespmem:$0x90]  }
0xbe: {  	v10 =	vadd.s32 s31, v1;
	s31 =	sadd.s32 $0x60, s28;
	v12 =	vadd.s32 s30, v1;
	s30 =	sadd.s32 $0x70, s28;
	v15 =	vld [tilespmem:$0xA0]  }
0xbf: {  	v46 =	vadd.s32 s31, v1;
	s31 =	sadd.s32 $0x80, s28;
	v48 =	vadd.s32 s30, v1;
	s30 =	sadd.s32 $0x90, s28;
	v54 =	vld [tilespmem:$0xC0]  }
0xc0: {  	v50 =	vadd.s32 s31, v1;
	s31 =	sadd.s32 $0xA0, s28;
	v52 =	vadd.s32 s30, v1;
	s30 =	sadd.s32 $0xB0, s28;
	v17 =	vld [tilespmem:$0xD0]  }
0xc1: {  	v55 =	vadd.s32 s31, v1;
	s31 =	sadd.s32 $0xC0, s28;
	v20 =	vld [tilespmem:$0xF0];
	v18 =	vadd.s32 s30, v1;
	s30 =	sadd.s32 $0xD0, s28  }
0xc2: {  	v21 =	vld [tilespmem:$0x100];
	v58 =	vadd.s32 s31, v1;
	s31 =	sadd.s32 $0xE0, s28;
	v60 =	vadd.s32 s30, v1;
	s30 =	sadd.s32 $0xF0, s28  }
0xc3: {  	v23 =	vld [tilespmem:$0x130];
	v62 =	vadd.s32 s31, v1;
	s31 =	sadd.s32 $0x100, s28;
	v31 =	vadd.s32 s30, v1;
	s30 =	sadd.s32 $0x110, s28  }
0xc4: {  	v6 =	vadd.s32 s28, v1;
	v26 =	vld [tilespmem:$0x150];
	v34 =	vadd.s32 s31, v1;
	v24 =	vadd.s32 s30, v1  }
0xc5: {  	v3 =	vsub.s32 v3, v2;
	v4 =	vsub.s32 v4, v2;
	v5 =	vsub.s32 v5, v2  }
0xc6: {  	v8 =	vsub.s32 v8, v2;
	v13 =	vsub.s32 v43, v2;
	v11 =	vsub.s32 v11, v2  }
0xc7: {  	v39 =	vld [tilespmem:$0x40];
	v14 =	vsub.s32 v14, v2;
	v15 =	vsub.s32 v15, v2;
	v19 =	vsub.s32 v54, v2  }
0xc8: {  	s30 =	sadd.s32 $0x130, s28;
	v17 =	vsub.s32 v17, v2;
	v20 =	vsub.s32 v20, v2;
	v21 =	vsub.s32 v21, v2  }
0xc9: {  	v25 =	vadd.s32 s30, v1;
	v23 =	vsub.s32 v23, v2;
	v26 =	vsub.s32 v26, v2  }
0xca: {  	v6 =	vor.u32 v6, v3;
	vm0 =	vlt.s32 v3, $0xD00;
	v36 =	vor.u32 v7, v4  }
0xcb: {  	vm10 =	vlt.s32 v4, $0xD00;
	v38 =	vor.u32 v37, v5;
	vm13 =	vlt.s32 v5, $0xD00  }
0xcc: {  	vm14 =	vlt.s32 v8, $0xD00;
	v7 =	vsub.s32 v39, v2;
	v47 =	vor.u32 v46, v13  }
0xcd: {  	s31 =	sadd.s32 $0x120, s28;
	s30 =	sadd.s32 $0x150, s28;
	vm8 =	vlt.s32 v13, $0xD00;
	v16 =	vor.u32 v52, v14;
	v59 =	vor.u32 v58, v19  }
0xce: {  	v22 =	vor.u32 v31, v20;
	v37 =	vadd.s32 s31, v1;
	v27 =	vadd.s32 s30, v1  }
0xcf: {  	vm1 =	vgt.s32 v6, $0xFFFFFFFF;
	v3 =	vnsel vm0, $0xD00, v3;
	v9 =	vnsel vm10, $0xD00, v4  }
0xd0: {  	vm11 =	vgt.s32 v36, $0xFFFFFFFF;
	vm12 =	vgt.s32 v38, $0xFFFFFFFF;
	v5 =	vnsel vm13, $0xD00, v5  }
0xd1: {  	v40 =	vld [tilespmem:$0x50];
	v6 =	vor.u32 v41, v8;
	v42 =	vnsel vm14, $0xD00, v8;
	v10 =	vor.u32 v10, v7  }
0xd2: {  	vm4 =	vlt.s32 v7, $0xD00;
	vm9 =	vgt.s32 v47, $0xFFFFFFFF;
	v49 =	vnsel vm8, $0xD00, v13  }
0xd3: {  	s31 =	sadd.s32 $0x140, s28;
	vm10 =	vlt.s32 v11, $0xD00;
	vm14 =	vlt.s32 v14, $0xD00;
	vm8 =	vlt.s32 v19, $0xD00  }
0xd4: {  	v38 =	vor.u32 v25, v23;
	v39 =	vadd.s32 s31, v1;
	v27 =	vor.u32 v27, v26  }
0xd5: {  	v29 =	vld [tilespmem:$0x190];
	v4 =	vnsel vm1, $0xD00, v3;
	v3 =	vnsel vm11, $0xD00, v9;
	v5 =	vnsel vm12, $0xD00, v5  }
0xd6: {  	v45 =	vld [tilespmem:$0x80];
	vm15 =	vgt.s32 v6, $0xFFFFFFFF;
	v9 =	vsub.s32 v40, v2;
	v7 =	vnsel vm4, $0xD00, v7  }
0xd7: {  	vm6 =	vgt.s32 v10, $0xFFFFFFFF;
	v10 =	vor.u32 v48, v11;
	v11 =	vnsel vm10, $0xD00, v11  }
0xd8: {  	s31 =	sadd.s32 $0x160, s28;
	v53 =	vnsel vm14, $0xD00, v14;
	vm4 =	vlt.s32 v15, $0xD00;
	v61 =	vnsel vm8, $0xD00, v19  }
0xd9: {  	v33 =	vld [tilespmem:$0x120];
	vm10 =	vlt.s32 v17, $0xD00;
	vm14 =	vlt.s32 v20, $0xD00;
	v28 =	vadd.s32 s31, v1  }
0xda: {  	v48 =	vsub.s32 v29, v2;
	v6 =	vnsel vm15, $0xD00, v42;
	vm5 =	vlt.s32 v9, $0xD00  }
0xdb: {  	v44 =	vor.u32 v12, v9;
	v8 =	vnsel vm6, $0xD00, v7;
	v12 =	vsub.s32 v45, v2  }
0xdc: {  	vm11 =	vgt.s32 v10, $0xFFFFFFFF;
	v10 =	vnsel vm9, $0xD00, v49;
	vm15 =	vgt.s32 v16, $0xFFFFFFFF  }
0xdd: {  	v16 =	vor.u32 v55, v15;
	v15 =	vnsel vm4, $0xD00, v15;
	vm9 =	vgt.s32 v59, $0xFFFFFFFF  }
0xde: {  	s31 =	sadd.s32 $0x180, s28;
	v32 =	vnsel vm14, $0xD00, v20;
	vm4 =	vlt.s32 v21, $0xD00;
	v20 =	vsub.s32 v33, v2  }
0xdf: {  	v51 =	vld [tilespmem:$0xB0];
	vm14 =	vlt.s32 v26, $0xD00;
	v46 =	vadd.s32 s31, v1;
	v9 =	vnsel vm5, $0xD00, v9  }
0xe0: {  	vm7 =	vgt.s32 v44, $0xFFFFFFFF;
	v13 =	vor.u32 v50, v12;
	vm13 =	vlt.s32 v12, $0xD00  }
0xe1: {  	vm6 =	vgt.s32 v16, $0xFFFFFFFF;
	v16 =	vor.u32 v60, v17;
	v17 =	vnsel vm10, $0xD00, v17  }
0xe2: {  	v63 =	vnsel vm9, $0xD00, v61;
	vm8 =	vlt.s32 v20, $0xD00;
	vm10 =	vlt.s32 v23, $0xD00  }
0xe3: {  	v57 =	vld [tilespmem:$0xE0];
	v26 =	vnsel vm14, $0xD00, v26;
	v7 =	vnsel vm7, $0xD00, v9;
	v9 =	vnsel vm11, $0xD00, v11  }
0xe4: {  	vm12 =	vgt.s32 v13, $0xFFFFFFFF;
	v12 =	vnsel vm13, $0xD00, v12;
	v13 =	vsub.s32 v51, v2  }
0xe5: {  	v41 =	vld [tilespmem:$0x160];
	s31 =	sadd.s32 $0x1A0, s28;
	v14 =	vnsel vm6, $0xD00, v15;
	vm11 =	vgt.s32 v16, $0xFFFFFFFF;
	v23 =	vnsel vm10, $0xD00, v23  }
0xe6: {  	vm10 =	vlt.s32 v48, $0xD00;
	v51 =	vadd.s32 s31, v1;
	v11 =	vnsel vm12, $0xD00, v12  }
0xe7: {  	v12 =	vnsel vm15, $0xD00, v53;
	vm5 =	vlt.s32 v13, $0xD00;
	v56 =	vor.u32 v18, v13  }
0xe8: {  	v30 =	vld [tilespmem:$0x110];
	v18 =	vsub.s32 v57, v2;
	v15 =	vnsel vm11, $0xD00, v17;
	vm15 =	vgt.s32 v22, $0xFFFFFFFF  }
0xe9: {  	v29 =	vld [tilespmem:$0x210];
	s31 =	sadd.s32 $0x1C0, s28;
	v22 =	vor.u32 v34, v21;
	v21 =	vnsel vm4, $0xD00, v21;
	vm11 =	vgt.s32 v38, $0xFFFFFFFF  }
0xea: {  	v42 =	vld [tilespmem:$0x170];
	v25 =	vsub.s32 v41, v2;
	v53 =	vnsel vm10, $0xD00, v48;
	v61 =	vadd.s32 s31, v1  }
0xeb: {  	v45 =	vld [tilespmem:$0x1A0];
	v13 =	vnsel vm5, $0xD00, v13;
	vm7 =	vgt.s32 v56, $0xFFFFFFFF;
	v19 =	vor.u32 v62, v18  }
0xec: {  	v49 =	vld [tilespmem:$0x1B0];
	vm13 =	vlt.s32 v18, $0xD00;
	vm6 =	vgt.s32 v22, $0xFFFFFFFF;
	v22 =	vor.u32 v37, v20  }
0xed: {  	v55 =	vld [tilespmem:$0x1C0];
	v20 =	vnsel vm8, $0xD00, v20;
	v23 =	vnsel vm11, $0xD00, v23;
	v28 =	vor.u32 v28, v25  }
0xee: {  	v33 =	vld [tilespmem:$0x220];
	vm4 =	vlt.s32 v25, $0xD00;
	[tilespmem:$0x350] =	vst v15;
	v15 =	vsub.s32 v29, v2;
	v13 =	vnsel vm7, $0xD00, v13  }
0xef: {  	v36 =	vld [tilespmem:$0x140];
	vm12 =	vgt.s32 v19, $0xFFFFFFFF;
	v18 =	vnsel vm13, $0xD00, v18;
	v19 =	vsub.s32 v30, v2  }
0xf0: {  	s30 =	sadd.s32 $0x170, s28;
	v21 =	vnsel vm6, $0xD00, v21;
	vm9 =	vgt.s32 v22, $0xFFFFFFFF;
	v22 =	vsub.s32 v42, v2  }
0xf1: {  	v43 =	vld [tilespmem:$0x180];
	v25 =	vnsel vm4, $0xD00, v25;
	v30 =	vadd.s32 s30, v1;
	vm6 =	vgt.s32 v28, $0xFFFFFFFF  }
0xf2: {  	[tilespmem:$0x2B0] =	vst v6;
	v52 =	vsub.s32 v45, v2;
	v58 =	vsub.s32 v49, v2;
	v6 =	vsub.s32 v55, v2  }
0xf3: {  	v60 =	vld [tilespmem:$0x1E0];
	[tilespmem:$0x320] =	vst v14;
	v14 =	vsub.s32 v33, v2;
	v17 =	vnsel vm12, $0xD00, v18;
	v18 =	vnsel vm15, $0xD00, v32  }
0xf4: {  	vm5 =	vlt.s32 v19, $0xD00;
	v35 =	vor.u32 v24, v19;
	v24 =	vsub.s32 v36, v2  }
0xf5: {  	s30 =	sadd.s32 $0x190, s28;
	v20 =	vnsel vm9, $0xD00, v20;
	vm15 =	vgt.s32 v27, $0xFFFFFFFF;
	v44 =	vor.u32 v30, v22  }
0xf6: {  	[tilespmem:$0x290] =	vst v3;
	v27 =	vsub.s32 v43, v2;
	v3 =	vnsel vm6, $0xD00, v25;
	v47 =	vadd.s32 s30, v1  }
0xf7: {  	[tilespmem:$0x300] =	vst v11;
	v54 =	vor.u32 v51, v52;
	vm14 =	vlt.s32 v58, $0xD00;
	v11 =	vor.u32 v61, v6  }
0xf8: {  	[tilespmem:$0x2E0] =	vst v10;
	vm4 =	vlt.s32 v6, $0xD00;
	v10 =	vsub.s32 v60, v2;
	v19 =	vnsel vm5, $0xD00, v19  }
0xf9: {  	vm7 =	vgt.s32 v35, $0xFFFFFFFF;
	v40 =	vor.u32 v39, v24;
	vm13 =	vlt.s32 v24, $0xD00  }
0xfa: {  	[tilespmem:$0x280] =	vst v4;
	s30 =	sadd.s32 $0x1B0, s28;
	v26 =	vnsel vm15, $0xD00, v26;
	vm5 =	vlt.s32 v22, $0xD00;
	v4 =	vor.u32 v46, v27  }
0xfb: {  	[tilespmem:$0x2A0] =	vst v5;
	vm8 =	vlt.s32 v27, $0xD00;
	v5 =	vor.u32 v47, v48;
	v57 =	vadd.s32 s30, v1  }
0xfc: {  	v59 =	vnsel vm14, $0xD00, v58;
	v6 =	vnsel vm4, $0xD00, v6;
	vm6 =	vgt.s32 v11, $0xFFFFFFFF  }
0xfd: {  	vm14 =	vlt.s32 v15, $0xD00;
	vm4 =	vlt.s32 v14, $0xD00;
	v19 =	vnsel vm7, $0xD00, v19  }
0xfe: {  	[tilespmem:$0x2C0] =	vst v8;
	v38 =	vld [tilespmem:$0x240];
	vm12 =	vgt.s32 v40, $0xFFFFFFFF;
	v24 =	vnsel vm13, $0xD00, v24;
	v22 =	vnsel vm5, $0xD00, v22  }
0xff: {  	[tilespmem:$0x340] =	vst v63;
	vm7 =	vgt.s32 v44, $0xFFFFFFFF;
	vm9 =	vgt.s32 v4, $0xFFFFFFFF;
	v50 =	vnsel vm8, $0xD00, v27  }
0x100: {  	[tilespmem:$0x2F0] =	vst v9;
	s31 =	sadd.s32 $0x1E0, s28;
	v56 =	vld [tilespmem:$0x1D0];
	s30 =	sadd.s32 $0x1D0, s28;
	vm11 =	vgt.s32 v5, $0xFFFFFFFF;
	vm13 =	vlt.s32 v52, $0xD00;
	v9 =	vor.u32 v57, v58  }
0x101: {  	[tilespmem:$0x2D0] =	vst v7;
	v62 =	vld [tilespmem:$0x1F0];
	v63 =	vadd.s32 s30, v1;
	v27 =	vadd.s32 s31, v1;
	v6 =	vnsel vm6, $0xD00, v6  }
0x102: {  	[tilespmem:$0x310] =	vst v12;
	vm8 =	vlt.s32 v10, $0xD00;
	v37 =	vnsel vm14, $0xD00, v15;
	v43 =	vnsel vm4, $0xD00, v14  }
0x103: {  	[tilespmem:$0x3B0] =	vst v23;
	v49 =	vsub.s32 v38, v2;
	v24 =	vnsel vm12, $0xD00, v24;
	v22 =	vnsel vm7, $0xD00, v22  }
0x104: {  	[tilespmem:$0x330] =	vst v13;
	v4 =	vnsel vm9, $0xD00, v50;
	v7 =	vnsel vm11, $0xD00, v53;
	vm12 =	vgt.s32 v54, $0xFFFFFFFF  }
0x105: {  	v34 =	vld [tilespmem:$0x230];
	[tilespmem:$0x380] =	vst v21;
	s30 =	sadd.s32 $0x1F0, s28;
	v8 =	vnsel vm13, $0xD00, v52;
	vm15 =	vgt.s32 v9, $0xFFFFFFFF;
	v5 =	vsub.s32 v56, v2  }
0x106: {  	v42 =	vld [tilespmem:$0x250];
	[tilespmem:$0x360] =	vst v17;
	s31 =	sadd.s32 $0x200, s28;
	v11 =	vor.u32 v27, v10;
	v28 =	vadd.s32 s30, v1;
	v12 =	vsub.s32 v62, v2  }
0x107: {  	v25 =	vld [tilespmem:$0x200];
	[tilespmem:$0x370] =	vst v18;
	v10 =	vnsel vm8, $0xD00, v10;
	v31 =	vadd.s32 s31, v1;
	vm8 =	vlt.s32 v49, $0xD00  }
0x108: {  	[tilespmem:$0x3A0] =	vst v20;
	v8 =	vnsel vm12, $0xD00, v8;
	v9 =	vnsel vm15, $0xD00, v59;
	vm5 =	vlt.s32 v5, $0xD00  }
0x109: {  	[tilespmem:$0x3E0] =	vst v3;
	s30 =	sadd.s32 $0x210, s28;
	s31 =	sadd.s32 $0x220, s28;
	v16 =	vor.u32 v63, v5;
	vm9 =	vgt.s32 v11, $0xFFFFFFFF;
	v30 =	vor.u32 v28, v12  }
0x10a: {  	[tilespmem:$0x3D0] =	vst v26;
	vm10 =	vlt.s32 v12, $0xD00;
	v35 =	vadd.s32 s30, v1;
	v40 =	vadd.s32 s31, v1  }
0x10b: {  	[tilespmem:$0x390] =	vst v19;
	v11 =	vsub.s32 v34, v2;
	v53 =	vsub.s32 v42, v2;
	v55 =	vnsel vm8, $0xD00, v49  }
0x10c: {  	[tilespmem:$0x440] =	vst v6;
	v5 =	vnsel vm5, $0xD00, v5;
	vm7 =	vgt.s32 v16, $0xFFFFFFFF;
	v13 =	vsub.s32 v25, v2  }
0x10d: {  	[tilespmem:$0x3C0] =	vst v24;
	s30 =	sadd.s32 $0x230, s28;
	v12 =	vnsel vm10, $0xD00, v12;
	vm11 =	vgt.s32 v30, $0xFFFFFFFF;
	v10 =	vnsel vm9, $0xD00, v10  }
0x10e: {  	v47 =	vld [tilespmem:$0x260];
	[tilespmem:$0x3F0] =	vst v22;
	s31 =	sadd.s32 $0x240, s28;
	v36 =	vor.u32 v35, v15;
	v41 =	vor.u32 v40, v14;
	v44 =	vadd.s32 s30, v1  }
0x10f: {  	[tilespmem:$0x400] =	vst v4;
	vm5 =	vlt.s32 v11, $0xD00;
	v48 =	vadd.s32 s31, v1;
	vm10 =	vlt.s32 v53, $0xD00  }
0x110: {  	[tilespmem:$0x410] =	vst v7;
	v5 =	vnsel vm7, $0xD00, v5;
	v32 =	vor.u32 v31, v13;
	v12 =	vnsel vm11, $0xD00, v12  }
0x111: {  	[tilespmem:$0x420] =	vst v8;
	vm13 =	vlt.s32 v13, $0xD00;
	vm15 =	vgt.s32 v36, $0xFFFFFFFF;
	vm6 =	vgt.s32 v41, $0xFFFFFFFF  }
0x112: {  	[tilespmem:$0x430] =	vst v9;
	s30 =	sadd.s32 $0x250, s28;
	v45 =	vor.u32 v44, v11;
	v46 =	vnsel vm5, $0xD00, v11;
	v6 =	vor.u32 v48, v49  }
0x113: {  	v54 =	vld [tilespmem:$0x270];
	s31 =	sadd.s32 $0x260, s28;
	s28 =	sadd.s32 $0x270, s28;
	[tilespmem:$0x460] =	vst v10;
	v52 =	vadd.s32 s30, v1;
	v57 =	vsub.s32 v47, v2;
	v58 =	vnsel vm10, $0xD00, v53  }
0x114: {  	v60 =	vadd.s32 s28, v1;
	vm12 =	vgt.s32 v32, $0xFFFFFFFF;
	v3 =	vnsel vm13, $0xD00, v13;
	[tilespmem:$0x450] =	vst v5  }
0x115: {  	v39 =	vnsel vm15, $0xD00, v37;
	vm7 =	vgt.s32 v45, $0xFFFFFFFF;
	v50 =	vnsel vm6, $0xD00, v43;
	[tilespmem:$0x470] =	vst v12  }
0x116: {  	vm9 =	vgt.s32 v6, $0xFFFFFFFF;
	v56 =	vor.u32 v52, v53;
	vm13 =	vlt.s32 v57, $0xD00;
	[tilespmem:$0x490] =	vst v39  }
0x117: {  	v3 =	vnsel vm12, $0xD00, v3;
	v51 =	vnsel vm7, $0xD00, v46;
	vm11 =	vgt.s32 v56, $0xFFFFFFFF;
	[tilespmem:$0x4A0] =	vst v50  }
0x118: {  	v59 =	vnsel vm9, $0xD00, v55;
	v61 =	vsub.s32 v54, v2;
	[tilespmem:$0x480] =	vst v3;
	v3 =	vadd.s32 s31, v1  }
0x119: {  	v62 =	vnsel vm13, $0xD00, v57;
	[tilespmem:$0x4B0] =	vst v51;
	v4 =	vor.u32 v60, v61;
	v3 =	vor.u32 v3, v57  }
0x11a: {  	[tilespmem:$0x4C0] =	vst v59;
	vm14 =	vlt.s32 v61, $0xD00;
	vm12 =	vgt.s32 v3, $0xFFFFFFFF;
	v3 =	vnsel vm11, $0xD00, v58  }
0x11b: {  	vm15 =	vgt.s32 v4, $0xFFFFFFFF;
	v63 =	vnsel vm14, $0xD00, v61;
	[tilespmem:$0x4D0] =	vst v3;
	v3 =	vnsel vm12, $0xD00, v62  }
0x11c: {  	p1 =	sne.s32 s26, $0xFFFFEC00;
	[tilespmem:$0x4E0] =	vst v3;
	v3 =	vnsel vm15, $0xD00, v63  }
.Ltmp2:
0x11d: {  	[tilespmem:$0x4F0] =	vst v3;
	(pc) =	sbr.rel @p1 .LBB2_7-.Ltmp2, $4  }
0x11e: {  	[spmem:s1] =	stream.indirect.scatter.add.f32 [tilespmem:s19], [sflag:$0x1], $0x80, s20, s20, $0xb8;
	[tilespmem:$0x1E180] =	vst v63  }
0x11f: {  	_ =	swait.ge [sflag:s18], $0x14000  }
0x120: {  	[sflag:s18] =	ssyncset.done $0x0  }
0x121: {  	s25 =	sadd.s32 $0x280, s25;
	s26 =	sadd.s32 $0xFFFFFD80, s26;
	[sflag:s18] =	ssyncadd.s32 $0xFFFEC000  }
0x122: {  	s25 =	simm.s32 $0x0  }
.LBB2_9:
0x123: {  	p1 =	slt.s32 s24, s14;
	s26 =	smov.u32 s14  }
0x124: {  	s26 =	smov.u32 @p1 s24  }
0x125: {  	s29 =	sadd.s32 s8, s26  }
0x126: {  	s28 =	rddreg [dreg:$0x8];
	s30 =	sshrl.u32 s29, $0x3  }
0x127: {  	s28 =	sadd.s32 s28, s30  }
0x128: {  	[tilespmem:s2], [sflag:$0x1] =	stream.linear.gather [hbm4b:s28+s2], $0x280, $0x38;
	[tilespmem:$0x1E180] =	vst v63  }
0x129: {  	_ =	swait.ge [sflag:s18], $0x280  }
0x12a: {  	s29 =	sshll.u32 s29, $0x4;
	s31 =	rddreg [dreg:$0x9];
	[sflag:s18] =	ssyncset.done $0x0  }
0x12b: {  	[sflag:s18] =	ssyncadd.s32 $0xFFFFFD80;
	s28 =	sadd.s32 s31, s29  }
0x12c: {  	[tilespmem:s19], [sflag:$0x1] =	stream.linear.gather [hbm4b:s28+s2], $0x14000, $0x38;
	[tilespmem:$0x1E180] =	vst v63  }
0x12d: {  	_ =	swait.ge [sflag:s18], $0x14000  }
0x12e: {  	[sflag:s18] =	ssyncset.done $0x0  }
0x12f: {  	[sflag:s18] =	ssyncadd.s32 $0xFFFEC000  }
0x130: {  	v3 =	vld [tilespmem:$0x0]  }
0x131: {  	v4 =	vld [tilespmem:$0x10]  }
0x132: {  	v5 =	vld [tilespmem:$0x20]  }
0x133: {  	s26 =	sadd.s32 s25, s26;
	v8 =	vld [tilespmem:$0x30]  }
0x134: {  	s30 =	sadd.s32 $0x10, s26;
	v43 =	vld [tilespmem:$0x60]  }
0x135: {  	v7 =	vadd.s32 s30, v1;
	s30 =	sadd.s32 $0x40, s26;
	v11 =	vld [tilespmem:$0x70]  }
0x136: {  	v10 =	vadd.s32 s30, v1;
	s30 =	sadd.s32 $0x70, s26;
	v14 =	vld [tilespmem:$0x90]  }
0x137: {  	v48 =	vadd.s32 s30, v1;
	s30 =	sadd.s32 $0xA0, s26;
	s31 =	sadd.s32 $0x20, s26;
	v15 =	vld [tilespmem:$0xA0]  }
0x138: {  	v6 =	vadd.s32 s26, v1;
	s29 =	sadd.s32 $0x30, s26;
	v55 =	vadd.s32 s30, v1;
	s30 =	sadd.s32 $0xD0, s26;
	v37 =	vadd.s32 s31, v1;
	s31 =	sadd.s32 $0x50, s26;
	v54 =	vld [tilespmem:$0xC0]  }
0x139: {  	v41 =	vadd.s32 s29, v1;
	s29 =	sadd.s32 $0x60, s26;
	v60 =	vadd.s32 s30, v1;
	s30 =	sadd.s32 $0x100, s26;
	v12 =	vadd.s32 s31, v1;
	s31 =	sadd.s32 $0x80, s26;
	v17 =	vld [tilespmem:$0xD0]  }
0x13a: {  	v46 =	vadd.s32 s29, v1;
	s29 =	sadd.s32 $0x90, s26;
	v34 =	vadd.s32 s30, v1;
	s30 =	sadd.s32 $0x130, s26;
	v50 =	vadd.s32 s31, v1;
	s31 =	sadd.s32 $0xB0, s26;
	v20 =	vld [tilespmem:$0xF0]  }
0x13b: {  	v52 =	vadd.s32 s29, v1;
	s29 =	sadd.s32 $0xC0, s26;
	v25 =	vadd.s32 s30, v1;
	s30 =	sadd.s32 $0x160, s26;
	v18 =	vadd.s32 s31, v1;
	s31 =	sadd.s32 $0xE0, s26;
	v21 =	vld [tilespmem:$0x100]  }
0x13c: {  	v58 =	vadd.s32 s29, v1;
	s29 =	sadd.s32 $0xF0, s26;
	v28 =	vadd.s32 s30, v1;
	v62 =	vadd.s32 s31, v1;
	s31 =	sadd.s32 $0x110, s26;
	v23 =	vld [tilespmem:$0x130]  }
0x13d: {  	v31 =	vadd.s32 s29, v1;
	v26 =	vld [tilespmem:$0x150];
	v24 =	vadd.s32 s31, v1;
	v3 =	vsub.s32 v3, v2  }
0x13e: {  	v4 =	vsub.s32 v4, v2;
	v5 =	vsub.s32 v5, v2;
	v8 =	vsub.s32 v8, v2  }
0x13f: {  	v39 =	vld [tilespmem:$0x40];
	v13 =	vsub.s32 v43, v2;
	v11 =	vsub.s32 v11, v2;
	v14 =	vsub.s32 v14, v2  }
0x140: {  	v15 =	vsub.s32 v15, v2;
	v19 =	vsub.s32 v54, v2;
	v17 =	vsub.s32 v17, v2  }
0x141: {  	v20 =	vsub.s32 v20, v2;
	v21 =	vsub.s32 v21, v2;
	v23 =	vsub.s32 v23, v2  }
0x142: {  	v26 =	vsub.s32 v26, v2;
	v6 =	vor.u32 v6, v3;
	vm0 =	vlt.s32 v3, $0xD00  }
0x143: {  	v36 =	vor.u32 v7, v4;
	vm10 =	vlt.s32 v4, $0xD00;
	v38 =	vor.u32 v37, v5  }
0x144: {  	vm13 =	vlt.s32 v5, $0xD00;
	vm14 =	vlt.s32 v8, $0xD00;
	v7 =	vsub.s32 v39, v2  }
0x145: {  	s29 =	sadd.s32 $0x120, s26;
	v47 =	vor.u32 v46, v13;
	vm8 =	vlt.s32 v13, $0xD00;
	v16 =	vor.u32 v52, v14  }
0x146: {  	s31 =	sadd.s32 $0x140, s26;
	v59 =	vor.u32 v58, v19;
	v22 =	vor.u32 v31, v20;
	v37 =	vadd.s32 s29, v1  }
0x147: {  	v39 =	vadd.s32 s31, v1;
	vm1 =	vgt.s32 v6, $0xFFFFFFFF;
	v3 =	vnsel vm0, $0xD00, v3  }
0x148: {  	v9 =	vnsel vm10, $0xD00, v4;
	vm11 =	vgt.s32 v36, $0xFFFFFFFF;
	vm12 =	vgt.s32 v38, $0xFFFFFFFF  }
0x149: {  	v40 =	vld [tilespmem:$0x50];
	v5 =	vnsel vm13, $0xD00, v5;
	v6 =	vor.u32 v41, v8;
	v42 =	vnsel vm14, $0xD00, v8  }
0x14a: {  	v10 =	vor.u32 v10, v7;
	vm4 =	vlt.s32 v7, $0xD00;
	vm9 =	vgt.s32 v47, $0xFFFFFFFF  }
0x14b: {  	s29 =	sadd.s32 $0x150, s26;
	v49 =	vnsel vm8, $0xD00, v13;
	vm10 =	vlt.s32 v11, $0xD00;
	vm14 =	vlt.s32 v14, $0xD00  }
0x14c: {  	s30 =	sadd.s32 $0x190, s26;
	vm8 =	vlt.s32 v19, $0xD00;
	v38 =	vor.u32 v25, v23;
	v27 =	vadd.s32 s29, v1  }
0x14d: {  	v29 =	vld [tilespmem:$0x190];
	v47 =	vadd.s32 s30, v1;
	v4 =	vnsel vm1, $0xD00, v3;
	v3 =	vnsel vm11, $0xD00, v9  }
0x14e: {  	v5 =	vnsel vm12, $0xD00, v5;
	vm15 =	vgt.s32 v6, $0xFFFFFFFF;
	v9 =	vsub.s32 v40, v2  }
0x14f: {  	v45 =	vld [tilespmem:$0x80];
	v7 =	vnsel vm4, $0xD00, v7;
	vm6 =	vgt.s32 v10, $0xFFFFFFFF;
	v10 =	vor.u32 v48, v11  }
0x150: {  	v11 =	vnsel vm10, $0xD00, v11;
	v53 =	vnsel vm14, $0xD00, v14;
	vm4 =	vlt.s32 v15, $0xD00  }
0x151: {  	s29 =	sadd.s32 $0x180, s26;
	v61 =	vnsel vm8, $0xD00, v19;
	vm10 =	vlt.s32 v17, $0xD00;
	vm14 =	vlt.s32 v20, $0xD00  }
0x152: {  	v33 =	vld [tilespmem:$0x120];
	v27 =	vor.u32 v27, v26;
	v46 =	vadd.s32 s29, v1;
	v48 =	vsub.s32 v29, v2  }
0x153: {  	v6 =	vnsel vm15, $0xD00, v42;
	vm5 =	vlt.s32 v9, $0xD00;
	v44 =	vor.u32 v12, v9  }
0x154: {  	v8 =	vnsel vm6, $0xD00, v7;
	v12 =	vsub.s32 v45, v2;
	vm11 =	vgt.s32 v10, $0xFFFFFFFF  }
0x155: {  	v10 =	vnsel vm9, $0xD00, v49;
	vm15 =	vgt.s32 v16, $0xFFFFFFFF;
	v16 =	vor.u32 v55, v15  }
0x156: {  	v15 =	vnsel vm4, $0xD00, v15;
	vm9 =	vgt.s32 v59, $0xFFFFFFFF;
	v32 =	vnsel vm14, $0xD00, v20  }
0x157: {  	vm4 =	vlt.s32 v21, $0xD00;
	v20 =	vsub.s32 v33, v2;
	vm14 =	vlt.s32 v26, $0xD00  }
0x158: {  	v51 =	vld [tilespmem:$0xB0];
	[tilespmem:$0x2A0] =	vst v5;
	v5 =	vor.u32 v47, v48;
	v9 =	vnsel vm5, $0xD00, v9;
	vm7 =	vgt.s32 v44, $0xFFFFFFFF  }
0x159: {  	v13 =	vor.u32 v50, v12;
	vm13 =	vlt.s32 v12, $0xD00;
	vm6 =	vgt.s32 v16, $0xFFFFFFFF  }
0x15a: {  	v16 =	vor.u32 v60, v17;
	v17 =	vnsel vm10, $0xD00, v17;
	v63 =	vnsel vm9, $0xD00, v61  }
0x15b: {  	v57 =	vld [tilespmem:$0xE0];
	s30 =	sadd.s32 $0x1C0, s26;
	vm8 =	vlt.s32 v20, $0xD00;
	vm10 =	vlt.s32 v23, $0xD00;
	v26 =	vnsel vm14, $0xD00, v26  }
0x15c: {  	v61 =	vadd.s32 s30, v1;
	v7 =	vnsel vm7, $0xD00, v9;
	v9 =	vnsel vm11, $0xD00, v11  }
0x15d: {  	v41 =	vld [tilespmem:$0x160];
	vm12 =	vgt.s32 v13, $0xFFFFFFFF;
	v12 =	vnsel vm13, $0xD00, v12;
	v13 =	vsub.s32 v51, v2  }
0x15e: {  	v14 =	vnsel vm6, $0xD00, v15;
	vm11 =	vgt.s32 v16, $0xFFFFFFFF;
	v23 =	vnsel vm10, $0xD00, v23  }
0x15f: {  	vm10 =	vlt.s32 v48, $0xD00;
	v11 =	vnsel vm12, $0xD00, v12;
	v12 =	vnsel vm15, $0xD00, v53  }
0x160: {  	vm5 =	vlt.s32 v13, $0xD00;
	v56 =	vor.u32 v18, v13;
	v18 =	vsub.s32 v57, v2  }
0x161: {  	v30 =	vld [tilespmem:$0x110];
	v15 =	vnsel vm11, $0xD00, v17;
	vm15 =	vgt.s32 v22, $0xFFFFFFFF;
	v22 =	vor.u32 v34, v21  }
0x162: {  	s29 =	sadd.s32 $0x1B0, s26;
	v29 =	vld [tilespmem:$0x210];
	v21 =	vnsel vm4, $0xD00, v21;
	vm11 =	vgt.s32 v38, $0xFFFFFFFF;
	v25 =	vsub.s32 v41, v2  }
0x163: {  	v42 =	vld [tilespmem:$0x170];
	v53 =	vnsel vm10, $0xD00, v48;
	v57 =	vadd.s32 s29, v1;
	v13 =	vnsel vm5, $0xD00, v13  }
0x164: {  	v45 =	vld [tilespmem:$0x1A0];
	vm7 =	vgt.s32 v56, $0xFFFFFFFF;
	v19 =	vor.u32 v62, v18;
	vm13 =	vlt.s32 v18, $0xD00  }
0x165: {  	v49 =	vld [tilespmem:$0x1B0];
	vm6 =	vgt.s32 v22, $0xFFFFFFFF;
	v22 =	vor.u32 v37, v20;
	v20 =	vnsel vm8, $0xD00, v20  }
0x166: {  	v55 =	vld [tilespmem:$0x1C0];
	v23 =	vnsel vm11, $0xD00, v23;
	v28 =	vor.u32 v28, v25;
	vm4 =	vlt.s32 v25, $0xD00  }
0x167: {  	v33 =	vld [tilespmem:$0x220];
	vm11 =	vgt.s32 v5, $0xFFFFFFFF;
	[tilespmem:$0x350] =	vst v15;
	v15 =	vsub.s32 v29, v2;
	v13 =	vnsel vm7, $0xD00, v13  }
0x168: {  	vm12 =	vgt.s32 v19, $0xFFFFFFFF;
	v18 =	vnsel vm13, $0xD00, v18;
	v19 =	vsub.s32 v30, v2  }
0x169: {  	s31 =	sadd.s32 $0x170, s26;
	v36 =	vld [tilespmem:$0x140];
	v21 =	vnsel vm6, $0xD00, v21;
	vm9 =	vgt.s32 v22, $0xFFFFFFFF;
	v22 =	vsub.s32 v42, v2  }
0x16a: {  	v43 =	vld [tilespmem:$0x180];
	[tilespmem:$0x2B0] =	vst v6;
	v25 =	vnsel vm4, $0xD00, v25;
	v30 =	vadd.s32 s31, v1;
	vm6 =	vgt.s32 v28, $0xFFFFFFFF  }
0x16b: {  	s30 =	sadd.s32 $0x1F0, s26;
	[tilespmem:$0x2D0] =	vst v7;
	v52 =	vsub.s32 v45, v2;
	v7 =	vnsel vm11, $0xD00, v53;
	v58 =	vsub.s32 v49, v2  }
0x16c: {  	v47 =	vld [tilespmem:$0x260];
	[tilespmem:$0x320] =	vst v14;
	v6 =	vsub.s32 v55, v2;
	v28 =	vadd.s32 s30, v1;
	v14 =	vsub.s32 v33, v2  }
0x16d: {  	v60 =	vld [tilespmem:$0x1E0];
	v17 =	vnsel vm12, $0xD00, v18;
	v18 =	vnsel vm15, $0xD00, v32;
	vm5 =	vlt.s32 v19, $0xD00  }
0x16e: {  	v35 =	vor.u32 v24, v19;
	v24 =	vsub.s32 v36, v2;
	v20 =	vnsel vm9, $0xD00, v20  }
0x16f: {  	[tilespmem:$0x290] =	vst v3;
	s31 =	sadd.s32 $0x1A0, s26;
	vm15 =	vgt.s32 v27, $0xFFFFFFFF;
	v44 =	vor.u32 v30, v22;
	v27 =	vsub.s32 v43, v2  }
0x170: {  	[tilespmem:$0x2F0] =	vst v9;
	v3 =	vnsel vm6, $0xD00, v25;
	v51 =	vadd.s32 s31, v1;
	v9 =	vor.u32 v57, v58  }
0x171: {  	[tilespmem:$0x300] =	vst v11;
	vm14 =	vlt.s32 v58, $0xD00;
	v11 =	vor.u32 v61, v6;
	vm4 =	vlt.s32 v6, $0xD00  }
0x172: {  	[tilespmem:$0x2E0] =	vst v10;
	v10 =	vsub.s32 v60, v2;
	v57 =	vsub.s32 v47, v2;
	v19 =	vnsel vm5, $0xD00, v19  }
0x173: {  	vm7 =	vgt.s32 v35, $0xFFFFFFFF;
	v40 =	vor.u32 v39, v24;
	vm13 =	vlt.s32 v24, $0xD00  }
0x174: {  	[tilespmem:$0x280] =	vst v4;
	v26 =	vnsel vm15, $0xD00, v26;
	vm5 =	vlt.s32 v22, $0xD00;
	v4 =	vor.u32 v46, v27  }
0x175: {  	s31 =	sadd.s32 $0x1D0, s26;
	vm8 =	vlt.s32 v27, $0xD00;
	v54 =	vor.u32 v51, v52;
	vm15 =	vgt.s32 v9, $0xFFFFFFFF  }
0x176: {  	[tilespmem:$0x340] =	vst v63;
	v59 =	vnsel vm14, $0xD00, v58;
	v6 =	vnsel vm4, $0xD00, v6;
	v63 =	vadd.s32 s31, v1  }
0x177: {  	vm6 =	vgt.s32 v11, $0xFFFFFFFF;
	vm14 =	vlt.s32 v15, $0xD00;
	vm4 =	vlt.s32 v14, $0xD00  }
0x178: {  	v38 =	vld [tilespmem:$0x240];
	v19 =	vnsel vm7, $0xD00, v19;
	vm12 =	vgt.s32 v40, $0xFFFFFFFF;
	v24 =	vnsel vm13, $0xD00, v24  }
0x179: {  	[tilespmem:$0x2C0] =	vst v8;
	v22 =	vnsel vm5, $0xD00, v22;
	vm7 =	vgt.s32 v44, $0xFFFFFFFF;
	vm9 =	vgt.s32 v4, $0xFFFFFFFF  }
0x17a: {  	s29 =	sadd.s32 $0x1E0, s26;
	v56 =	vld [tilespmem:$0x1D0];
	[tilespmem:$0x310] =	vst v12;
	v50 =	vnsel vm8, $0xD00, v27;
	vm13 =	vlt.s32 v52, $0xD00;
	v9 =	vnsel vm15, $0xD00, v59  }
0x17b: {  	v62 =	vld [tilespmem:$0x1F0];
	[tilespmem:$0x3B0] =	vst v23;
	s30 =	sadd.s32 $0x220, s26;
	s31 =	sadd.s32 $0x200, s26;
	v27 =	vadd.s32 s29, v1;
	v6 =	vnsel vm6, $0xD00, v6;
	vm8 =	vlt.s32 v10, $0xD00  }
0x17c: {  	[tilespmem:$0x330] =	vst v13;
	v31 =	vadd.s32 s31, v1;
	v37 =	vnsel vm14, $0xD00, v15;
	v40 =	vadd.s32 s30, v1  }
0x17d: {  	[tilespmem:$0x380] =	vst v21;
	v43 =	vnsel vm4, $0xD00, v14;
	v49 =	vsub.s32 v38, v2;
	v24 =	vnsel vm12, $0xD00, v24  }
0x17e: {  	[tilespmem:$0x410] =	vst v7;
	v22 =	vnsel vm7, $0xD00, v22;
	v4 =	vnsel vm9, $0xD00, v50;
	vm12 =	vgt.s32 v54, $0xFFFFFFFF  }
0x17f: {  	v34 =	vld [tilespmem:$0x230];
	[tilespmem:$0x360] =	vst v17;
	s29 =	sadd.s32 $0x210, s26;
	v8 =	vnsel vm13, $0xD00, v52;
	v5 =	vsub.s32 v56, v2;
	v11 =	vor.u32 v27, v10  }
0x180: {  	v42 =	vld [tilespmem:$0x250];
	[tilespmem:$0x370] =	vst v18;
	s31 =	sadd.s32 $0x230, s26;
	v12 =	vsub.s32 v62, v2;
	v10 =	vnsel vm8, $0xD00, v10;
	v35 =	vadd.s32 s29, v1  }
0x181: {  	[tilespmem:$0x3A0] =	vst v20;
	s30 =	sadd.s32 $0x250, s26;
	v41 =	vor.u32 v40, v14;
	v44 =	vadd.s32 s31, v1;
	vm8 =	vlt.s32 v49, $0xD00  }
0x182: {  	v25 =	vld [tilespmem:$0x200];
	[tilespmem:$0x3E0] =	vst v3;
	v52 =	vadd.s32 s30, v1;
	v8 =	vnsel vm12, $0xD00, v8;
	vm5 =	vlt.s32 v5, $0xD00  }
0x183: {  	[tilespmem:$0x3D0] =	vst v26;
	v16 =	vor.u32 v63, v5;
	vm9 =	vgt.s32 v11, $0xFFFFFFFF;
	v30 =	vor.u32 v28, v12  }
0x184: {  	[tilespmem:$0x390] =	vst v19;
	s29 =	sadd.s32 $0x240, s26;
	vm10 =	vlt.s32 v12, $0xD00;
	v36 =	vor.u32 v35, v15;
	v11 =	vsub.s32 v34, v2  }
0x185: {  	[tilespmem:$0x430] =	vst v9;
	s31 =	sadd.s32 $0x260, s26;
	s26 =	sadd.s32 $0x270, s26;
	vm6 =	vgt.s32 v41, $0xFFFFFFFF;
	v48 =	vadd.s32 s29, v1;
	v53 =	vsub.s32 v42, v2  }
0x186: {  	[tilespmem:$0x440] =	vst v6;
	v55 =	vnsel vm8, $0xD00, v49;
	v60 =	vadd.s32 s26, v1;
	v5 =	vnsel vm5, $0xD00, v5  }
0x187: {  	[tilespmem:$0x3C0] =	vst v24;
	vm7 =	vgt.s32 v16, $0xFFFFFFFF;
	v13 =	vsub.s32 v25, v2;
	v12 =	vnsel vm10, $0xD00, v12  }
0x188: {  	[tilespmem:$0x3F0] =	vst v22;
	vm11 =	vgt.s32 v30, $0xFFFFFFFF;
	v10 =	vnsel vm9, $0xD00, v10;
	vm15 =	vgt.s32 v36, $0xFFFFFFFF  }
0x189: {  	[tilespmem:$0x400] =	vst v4;
	vm5 =	vlt.s32 v11, $0xD00;
	v45 =	vor.u32 v44, v11;
	v50 =	vnsel vm6, $0xD00, v43  }
0x18a: {  	[tilespmem:$0x420] =	vst v8;
	v6 =	vor.u32 v48, v49;
	v56 =	vor.u32 v52, v53;
	vm10 =	vlt.s32 v53, $0xD00  }
0x18b: {  	v54 =	vld [tilespmem:$0x270];
	v5 =	vnsel vm7, $0xD00, v5;
	v32 =	vor.u32 v31, v13;
	v12 =	vnsel vm11, $0xD00, v12;
	[tilespmem:$0x460] =	vst v10  }
0x18c: {  	vm13 =	vlt.s32 v13, $0xD00;
	v39 =	vnsel vm15, $0xD00, v37;
	v46 =	vnsel vm5, $0xD00, v11;
	[tilespmem:$0x4A0] =	vst v50  }
0x18d: {  	vm7 =	vgt.s32 v45, $0xFFFFFFFF;
	vm9 =	vgt.s32 v6, $0xFFFFFFFF;
	v58 =	vnsel vm10, $0xD00, v53;
	[tilespmem:$0x450] =	vst v5  }
0x18e: {  	vm11 =	vgt.s32 v56, $0xFFFFFFFF;
	vm12 =	vgt.s32 v32, $0xFFFFFFFF;
	v3 =	vnsel vm13, $0xD00, v13;
	[tilespmem:$0x470] =	vst v12  }
0x18f: {  	v51 =	vnsel vm7, $0xD00, v46;
	[tilespmem:$0x490] =	vst v39;
	v59 =	vnsel vm9, $0xD00, v55;
	v3 =	vnsel vm12, $0xD00, v3  }
0x190: {  	vm13 =	vlt.s32 v57, $0xD00;
	v61 =	vsub.s32 v54, v2;
	[tilespmem:$0x480] =	vst v3;
	v3 =	vadd.s32 s31, v1  }
0x191: {  	[tilespmem:$0x4B0] =	vst v51;
	v62 =	vnsel vm13, $0xD00, v57;
	v4 =	vor.u32 v60, v61;
	v3 =	vor.u32 v3, v57  }
0x192: {  	[tilespmem:$0x4C0] =	vst v59;
	vm14 =	vlt.s32 v61, $0xD00;
	vm12 =	vgt.s32 v3, $0xFFFFFFFF;
	v3 =	vnsel vm11, $0xD00, v58  }
0x193: {  	vm15 =	vgt.s32 v4, $0xFFFFFFFF;
	v63 =	vnsel vm14, $0xD00, v61;
	[tilespmem:$0x4D0] =	vst v3;
	v3 =	vnsel vm12, $0xD00, v62  }
0x194: {  	p1 =	sne.s32 s25, $0xFFFFE480;
	[tilespmem:$0x4E0] =	vst v3;
	v3 =	vnsel vm15, $0xD00, v63  }
.Ltmp3:
0x195: {  	[tilespmem:$0x4F0] =	vst v3;
	(pc) =	sbr.rel @p1 .LBB2_9-.Ltmp3, $4  }
0x196: {  	[spmem:s1] =	stream.indirect.scatter.add.f32 [tilespmem:s19], [sflag:$0x1], $0x80, s20, s20, $0xb8;
	[tilespmem:$0x1E180] =	vst v63  }
0x197: {  	_ =	swait.ge [sflag:s18], $0x14000  }
0x198: {  	[sflag:s18] =	ssyncset.done $0x0  }
0x199: {  	s24 =	sadd.s32 $0x280, s24;
	s25 =	sadd.s32 $0xFFFFFD80, s25;
	[sflag:s18] =	ssyncadd.s32 $0xFFFEC000  }
0x19a: {  	s23 =	sadd.s32 s4, s23;
	[bflag:$0x0] =	sbarrier.arrive $0xFFFF;
	s24 =	sshll.u32 s3, $0x6  }
0x19b: {  	s25 =	sshrl.u32 s13, $0x3;
	s22 =	sadd.s32 $0x1, s22;
	s23 =	sshll.u32 s23, $0x4  }
0x19c: {  	s24 =	sor.u32 $0x1C01, s24;
	p1 =	sne.s32 s22, $0x10;
	s23 =	sadd.s32 s6, s23  }
0x19d: {  	[hbm:s23], [sflag:s24] =	dma.local [spmem:s25], $0xD00  }
.Ltmp4:
0x19e: {  	_ =	swait.ge [sflag:s18], $0xD00;
	(pc) =	sbr.rel @p1 .LBB2_4-.Ltmp4, $3  }
0x19f: {  	[sflag:s18] =	ssyncset.done $0x0  }
0x1a0: {  	[sflag:s18] =	ssyncadd.s32 $0xFFFFF300  }
0x1a1: {  	[bflag:$0x0] =	sbarrier.arrive $0xFFFF;
	_ =	sdelay $0x1  }
0x1a2: {  	s21 =	sadd.s32 $0x1, s21  }
0x1a3: {  	p1 =	sne.s32 s21, s15  }
.Ltmp5:
0x1a4: {  	_ = 	snop;
	(pc) =	sbr.rel @p1 .LBB2_1-.Ltmp5, $1  }
0x1a5: {  	_ =	sdelay $0x3  }
0x1a6: {  	_ =	sfence.sel $0x180000  }
0x1a7: {  	[bflag:$0x0] =	sbarrier.arrive $0xFFFF  }
0x1a8: {  	_ =	strace $0x9000004A  }
0x1a9: {  	s0 =	sadd.s32 @!p0 $0x100000, s0;
	[bflag:$0x2] =	sbarrier.arrive $0xFFFF  }
0x1aa: {  	[sflag:s0] =	ssyncadd.tile.s32 @!p0 $0x1;
	_ =	shalt  }
.Lfunc_end2:
_tile_overlayer_lowered:
.L_overlay_start_2:
0x1ab: {  	(tag) =	ssettag $0x2  }
0x1ac: {  	s0 =	rddreg [dreg:$0x0];
	s2 =	stileid.u32  }
0x1ad: {  	s1 =	rddreg [dreg:$0x1];
	p0 =	sne.s32 s2, $0x0  }
0x1ae: {  	s3 =	rddreg [dreg:$0x2];
	[bflag:$0x3] =	sbarrier.arrive $0xFFFF;
	s2 =	simm.s32 @!p0 $0x1C01  }
0x1af: {  	[timem:s3], [sflag:s2] =	dma.local @!p0 [hbm:s0], s1  }
0x1b0: {  	s0 =	simm.s32 @!p0 $0x1  }
0x1b1: {  	_ =	swait.ge @!p0 [sflag:s0], s1  }
0x1b2: {  	s1 =	ssub.s32 @!p0 $0x0, s1;
	[sflag:s0] =	ssyncset.done @!p0 $0x0  }
0x1b3: {  	[sflag:s0] =	ssyncadd.s32 @!p0 s1  }
0x1b4: {  	[bflag:$0x3] =	sbarrier.arrive $0xFFFF  }
0x1b5: {  	_ =	shalt  }

// kernel: kernel.8.cloned.1.call-start
scs
__scs_entry_jumppad:
0x0: {  	(pc) =	sbr.rel $0x88, $3  }
0x1: {  	(tag) =	ssettag $0x0;
	lr =	simm.s32 $0x1  }
0x2: {  	[smem:$0x3F95] =	sst lr;
	_ =	strace $0xD0000000  }
0x3: {  	_ = 	snop  }
0x4: {  	_ = 	snop  }
0x5: {  	_ = 	snop  }
0x6: {  	_ = 	snop  }
0x7: {  	_ = 	snop  }
__scs_overlays_trampoline_lowered:
0x8: {  	[smem:$0x3FA4] =	sst s0  }
0x9: {  	[smem:$0x3FA5] =	sst s1  }
0xa: {  	[smem:$0x3FA6] =	sst s2  }
0xb: {  	[smem:$0x3FA7] =	sst s3  }
0xc: {  	[smem:$0x3FA8] =	sst s4  }
0xd: {  	[smem:$0x3FA9] =	sst s5  }
0xe: {  	[smem:$0x3FAA] =	sst s6  }
0xf: {  	[smem:$0x3FAB] =	sst s7  }
0x10: {  	[smem:$0x3FAC] =	sst s8  }
0x11: {  	[smem:$0x3FAD] =	sst s9;
	s0 =	simm.s32 @!p0 $0x0  }
0x12: {  	s1 =	sld [smem:$0x3F93];
	s0 =	simm.s32 @p0 $0x1  }
0x13: {  	[smem:$0x3FAE] =	sst s0;
	s0 =	simm.s32 @!p1 $0x0  }
0x14: {  	s2 =	sld [smem:$0x3F92];
	s0 =	simm.s32 @p1 $0x1  }
0x15: {  	[smem:$0x3FAF] =	sst s0;
	s0 =	simm.s32 @!p2 $0x0  }
0x16: {  	s3 =	sld [smem:$0x3FDB];
	s0 =	simm.s32 @p2 $0x1  }
0x17: {  	s4 =	simm.s32 $0x1BF5;
	[smem:$0x3FB1] =	sst s0  }
0x18: {  	s0 =	sld [smem:$0x3F94];
	_ =	swait.ge [sflag:s4], $0x0  }
0x19: {  	s7 =	sld [smem:$0x3F95]  }
0x1a: {  	s8 =	sadd.s32 $0xFFFFE003, lr  }
0x1b: {  	s9 =	sadd.s32 $0xFFFFFEF7, lr;
	s5 =	simm.s32 $0xFFFFFFFF;
	p2 =	slt.u32 s8, $0xFFFFF086  }
0x1c: {  	p1 =	slt.u32 s9, $0xF7A;
	s5 =	simm.s32 @!p2 $0x0  }
0x1d: {  	s5 =	simm.s32 @p1 $0x1;
	p0 =	seq.s32 s7, s2  }
0x1e: {  	s7 =	smul.u32 @!p0 $0xF7A, s2;
	p2 =	seq.s32 @!p0 s5, $0x0  }
0x1f: {  	s9 =	smul.u32 $0xF7A, s1;
	s8 =	simm.s32 @!p0 $0x1BF5;
	p2 =	por !p2, p0  }
0x20: {  	[sflag:s8] =	ssyncset.s32 @!p0 $0xFFFFF086;
	s6 =	sadd.s32 @!p0 s3, s7;
	s7 =	simm.s32 @!p0 $0x108  }
0x21: {  	s3 =	sadd.s32 s3, s9;
	s6 =	sadd.s32 @!p0 $0x88, s6;
	s7 =	simm.s32 @p2 $0x1082  }
0x22: {  	[simem:s7], [sflag:s8] =	dma.local @!p0 [hbm:s6], $0xF7A  }
0x23: {  	s9 =	sor.u32 $0xD0000000, s2;
	s6 =	simm.s32 $0x108;
	_ =	swait.ge @!p0 [sflag:s8], $0x0  }
0x24: {  	s3 =	sadd.s32 $0x88, s3;
	s6 =	simm.s32 @!p1 $0x1082;
	[sflag:s4] =	ssyncset.s32 $0xFFFFF086  }
0x25: {  	[simem:s6], [sflag:s4] =	dma.local [hbm:s3], $0xF7A  }
0x26: {  	[smem:$0x3F95] =	sst s1;
	(tag) =	ssettag s2;
	_ =	strace s9  }
0x27: {  	s1 =	sld [smem:$0x3FA5]  }
0x28: {  	s2 =	sld [smem:$0x3FA6]  }
0x29: {  	s4 =	sld [smem:$0x3FA8]  }
0x2a: {  	p0 =	seq.s32 s5, $0x0;
	s5 =	sld [smem:$0x3FA9]  }
0x2b: {  	s6 =	sld [smem:$0x3FAA]  }
0x2c: {  	s7 =	sld [smem:$0x3FAB]  }
0x2d: {  	s3 =	simm.s32 $0x108;
	s8 =	sld [smem:$0x3FAC]  }
0x2e: {  	s3 =	simm.s32 @!p0 $0x1082;
	s9 =	sld [smem:$0x3FAD]  }
0x2f: {  	lr =	sadd.s32 s0, s3;
	s0 =	sld [smem:$0x3FA4]  }
0x30: {  	s3 =	sld [smem:$0x3FA7]  }
0x31: {  	[smem:$0x3FB0] =	sst s10  }
0x32: {  	s10 =	sld [smem:$0x3FAE];
	_ =	sdelay $0x3  }
0x33: {  	p0 =	seq.s32 s10, $0x1;
	s10 =	sld [smem:$0x3FB0];
	_ =	sdelay $0x3  }
0x34: {  	[smem:$0x3FB0] =	sst s10  }
0x35: {  	s10 =	sld [smem:$0x3FAF];
	_ =	sdelay $0x3  }
0x36: {  	p1 =	seq.s32 s10, $0x1;
	s10 =	sld [smem:$0x3FB0];
	_ =	sdelay $0x3  }
0x37: {  	[smem:$0x3FB0] =	sst s10  }
0x38: {  	s10 =	sld [smem:$0x3FB1]  }
0x39: {  	_ = 	snop;
	(pc) =	sbr.ind lr, $3  }
0x3a: {  	_ = 	snop  }
0x3b: {  	_ = 	snop  }
0x3c: {  	p2 =	seq.s32 s10, $0x1;
	s10 =	sld [smem:$0x3FB0]  }
0x3d: {  	_ =	shalt  }
0x3e: {  	_ =	shalt  }
0x3f: {  	_ =	shalt  }
0x40: {  	_ =	shalt  }
0x41: {  	_ =	shalt  }
0x42: {  	_ =	shalt  }
0x43: {  	_ =	shalt  }
0x44: {  	_ =	shalt  }
0x45: {  	_ =	shalt  }
0x46: {  	_ =	shalt  }
0x47: {  	_ =	shalt  }
0x48: {  	_ =	shalt  }
0x49: {  	_ =	shalt  }
0x4a: {  	_ =	shalt  }
0x4b: {  	_ =	shalt  }
0x4c: {  	_ =	shalt  }
0x4d: {  	_ =	shalt  }
0x4e: {  	_ =	shalt  }
0x4f: {  	_ =	shalt  }
0x50: {  	_ =	shalt  }
0x51: {  	_ =	shalt  }
0x52: {  	_ =	shalt  }
0x53: {  	_ =	shalt  }
0x54: {  	_ =	shalt  }
0x55: {  	_ =	shalt  }
0x56: {  	_ =	shalt  }
0x57: {  	_ =	shalt  }
0x58: {  	_ =	shalt  }
0x59: {  	_ =	shalt  }
0x5a: {  	_ =	shalt  }
0x5b: {  	_ =	shalt  }
0x5c: {  	_ =	shalt  }
0x5d: {  	_ =	shalt  }
0x5e: {  	_ =	shalt  }
0x5f: {  	_ =	shalt  }
0x60: {  	_ =	shalt  }
0x61: {  	_ =	shalt  }
0x62: {  	_ =	shalt  }
0x63: {  	_ =	shalt  }
0x64: {  	_ =	shalt  }
0x65: {  	_ =	shalt  }
0x66: {  	_ =	shalt  }
0x67: {  	_ =	shalt  }
0x68: {  	_ =	shalt  }
0x69: {  	_ =	shalt  }
0x6a: {  	_ =	shalt  }
0x6b: {  	_ =	shalt  }
0x6c: {  	_ =	shalt  }
0x6d: {  	_ =	shalt  }
0x6e: {  	_ =	shalt  }
0x6f: {  	_ =	shalt  }
0x70: {  	_ =	shalt  }
0x71: {  	_ =	shalt  }
0x72: {  	_ =	shalt  }
0x73: {  	_ =	shalt  }
0x74: {  	_ =	shalt  }
0x75: {  	_ =	shalt  }
0x76: {  	_ =	shalt  }
0x77: {  	_ =	shalt  }
0x78: {  	_ =	shalt  }
0x79: {  	_ =	shalt  }
0x7a: {  	_ =	shalt  }
0x7b: {  	_ =	shalt  }
0x7c: {  	_ =	shalt  }
0x7d: {  	_ =	shalt  }
0x7e: {  	_ =	shalt  }
0x7f: {  	_ =	shalt  }
0x80: {  	_ =	shalt  }
0x81: {  	_ =	shalt  }
0x82: {  	_ =	shalt  }
0x83: {  	_ =	shalt  }
0x84: {  	_ =	shalt  }
0x85: {  	_ =	shalt  }
0x86: {  	_ =	shalt  }
0x87: {  	_ =	shalt  }
.Lfunc_end0:
.L_simem_size_0:
called_computation_lowered:
.L_overlay_start_0:
0x88: {  	s2 =	sld [smem:$0x3FD9]  }
0x89: {  	s3 =	sld [smem:$0x3FFE];
	_ =	sdelay $0x1  }
0x8a: {  	s1 =	srdreg.scid  }
0x8b: {  	s0 =	sand.u32 $0x1, s1  }
0x8c: {  	s17 =	sshll.u32 s0, $0xA;
	s2 =	sadd.s32 s3, s2  }
0x8d: {  	s2 =	sadd.s32 s2, s17  }
0x8e: {  	[smem:$0x3FBC] =	sst s2  }
0x8f: {  	_ = 	snop  }
0x90: {  	s2 =	sld [smem:$0x3FC9]  }
0x91: {  	s18 =	sld [smem:$0x3FD0];
	(tm) =	ssettm $0x1  }
0x92: {  	s4 =	sld [smem:$0x3FFB];
	_ =	sdelay $0x3  }
0x93: {  	_ =	strace s4  }
0x94: {  	s4 =	sld [smem:$0x3FFC];
	_ =	sdelay $0x3  }
0x95: {  	_ =	strace s4  }
0x96: {  	s4 =	sld [smem:$0x3FFD];
	_ =	sdelay $0x3  }
0x97: {  	_ =	strace s4  }
0x98: {  	_ =	strace $0x8FFFFFFF  }
0x99: {  	s19 =	sld [smem:$0x3FDB];
	_ =	sdelay $0x1  }
0x9a: {  	s5 =	simm.s32 $_scs_section_size  }
0x9b: {  	s6 =	simm.s32 $_size__tile_overlayer_lowered;
	s7 =	simm.s32 $_tile_overlayer_lowered  }
0x9c: {  	s22 =	simm.s32 $0x1BFF;
	s21 =	sshll.u32 s7, $0x1;
	s4 =	sadd.s32 s5, s19  }
0x9d: {  	s8 =	simm.s32 $0x0;
	s20 =	sshll.u32 s6, $0x1;
	s6 =	sadd.s32 s21, s4  }
0x9e: {  	[timem:s8], [sflag:s22] =	dma.local [hbm:s6], s20  }
0x9f: {  	_ =	swait.ge [sflag:s22], s20  }
0xa0: {  	s5 =	ssub.s32 $0x0, s20;
	[sflag:s22] =	ssyncset.done $0x0  }
0xa1: {  	[sflag:s22] =	ssyncadd.s32 s5;
	_ =	sdelay $0x1  }
0xa2: {  	s23 =	simm.s32 $0x1B8B  }
0xa3: {  	_ =	swait.ge [sflag:s23], $0x1  }
0xa4: {  	[sflag:s23] =	ssyncset.done $0x0  }
0xa5: {  	s25 =	simm.s32 $0x1B8E;
	s24 =	sld [smem:$0x3FFE];
	[sflag:s23] =	ssyncadd.s32 $0xFFFFFFFF  }
0xa6: {  	s26 =	simm.s32 $execute0_lowered;
	[smem:$0x3FD2] =	sst s25  }
0xa7: {  	s6 =	sshll.u32 s26, $0x1;
	_ =	strace $0x80000046;
	[dreg:$0x1] =	wrdreg $0xFFFFFFFF  }
0xa8: {  	s28 =	simm.s32 $_size_execute0_lowered;
	s4 =	sadd.s32 s4, s6;
	[dreg:$0x0] =	wrdreg $0x0  }
0xa9: {  	s6 =	sshll.u32 s28, $0x1;
	[dreg:$0x2] =	wrdreg s4  }
0xaa: {  	[dreg:$0x3] =	wrdreg s6  }
0xab: {  	[dreg:$0x4] =	wrdreg $0xC0  }
0xac: {  	_ =	task [dreg:s8], $0x5FFFF  }
0xad: {  	[dreg:$0x1] =	wrdreg $0xFFFFFFFF  }
0xae: {  	[dreg:$0x0] =	wrdreg $0x60  }
0xaf: {  	[dreg:$0x2] =	wrdreg s2  }
0xb0: {  	[dreg:$0x3] =	wrdreg s24  }
0xb1: {  	[dreg:$0x4] =	wrdreg s18  }
0xb2: {  	[dreg:$0x5] =	wrdreg $0x9  }
0xb3: {  	_ =	task.clear_ibuf [dreg:s8], $0x6FFFF;
	_ =	strace $0x90000046  }
0xb4: {  	s29 =	simm.s32 $0x9;
	_ =	strace $0x80000048  }
0xb5: {  	_ =	swait.ge [sflag:s29], $0x1  }
0xb6: {  	[sflag:s29] =	ssyncadd.s32 $0xFFFFFFFF  }
0xb7: {  	_ =	strace $0x90000048  }
0xb8: {  	_ =	sfence  }
0xb9: {  	s30 =	sld [smem:$0x0];
	_ =	sdelay $0x2  }
0xba: {  	s31 =	sshll.u32 s1, $0xD;
	s1 =	sshrl.u32 s1, $0x2  }
0xbb: {  	s3 =	sand.u32 $0x4000, s31;
	s1 =	sadd.s32 s1, s30  }
0xbc: {  	s0 =	sor.u32 s3, s0;
	s1 =	sshll.u32 s1, $0x11  }
0xbd: {  	s0 =	sor.u32 s1, s0  }
0xbe: {  	s0 =	sadd.s32 $0x8F2B, s0  }
0xbf: {  	[sflag:s0] =	ssyncadd.remote.s32 $0x1  }
0xc0: {  	_ =	sfence.sel $0xFFFF  }
0xc1: {  	[dreg:$0x0] =	wrdreg $0xFFFFFFFF;
	(pc) =	sbr.abs _section_cstart, $3  }
0xc2: {  	[dreg:$0x1] =	wrdreg $0xFFFFFFFF  }
0xc3: {  	_ =	task.clear_ibuf [dreg:s8], $0x2FFFF;
	_ =	strace $0x9FFFFFFF  }
0xc4: {  	(tm) =	ssettm $0x7FFFFFFF  }
0xc5: {  	_ =	shalt  }
tec
execute0_lowered:
.L_overlay_start_1:
0x0: {  	(tag) =	ssettag $0x1  }
0x1: {  	s1 =	srdreg.scid;
	s0 =	stileid.u32  }
0x2: {  	s2 =	rddreg [dreg:$0x0];
	s1 =	sand.u32 $0x1, s1;
	s3 =	sshll.u32 s0, $0x1  }
0x3: {  	s20 =	rddreg [dreg:$0x1];
	s21 =	sor.u32 s1, s3  }
0x4: {  	s9 =	rddreg [dreg:$0x2];
	s31 =	sadd.s32 $0x6A00, s20;
	s29 =	smul.u32 $0xEA8, s21  }
0x5: {  	[dreg:$0x8] =	wrdreg s1;
	s3 =	simm.s32 $0x0;
	s17 =	smul.u32 $0x7580, s21  }
0x6: {  	s10 =	sadd.s32 $0x2000, s20;
	[smem:$0x7FF] =	sst s3;
	s8 =	smul.u32 $0x758, s21  }
0x7: {  	_ =	strace $0x80000047;
	s4 =	sshrl.u32 s29, $0x3;
	s18 =	sadd.s32 s9, s17  }
0x8: {  	s5 =	sshrl.u32 s8, $0x3;
	s4 =	sadd.s32 s31, s4;
	[dreg:$0x6] =	wrdreg s18  }
0x9: {  	s7 =	sadd.s32 $0x280, s8;
	s16 =	sadd.s32 s10, s5;
	[dreg:$0x4] =	wrdreg s4  }
0xa: {  	s19 =	sshrl.u32 s7, $0x3;
	[dreg:$0x5] =	wrdreg s16  }
0xb: {  	s22 =	sadd.s32 s10, s19;
	s6 =	rddreg [dreg:$0x5]  }
0xc: {  	s4 =	simm.s32 $0x2;
	[dreg:$0x7] =	wrdreg s22  }
0xd: {  	[tilespmem:s3], [sflag:$0x2] =	stream.linear.gather [hbm4b:s6+s3], $0x280, $0x38;
	[tilespmem:$0x14280] =	vst v63  }
0xe: {  	_ =	swait.ge [sflag:s4], $0x280  }
0xf: {  	[sflag:s4] =	ssyncset.done $0x0  }
0x10: {  	s5 =	simm.s32 $0x280;
	s6 =	simm.s32 $0x1;
	[sflag:s4] =	ssyncadd.s32 $0xFFFFFD80  }
0x11: {  	[tilespmem:s5], [sflag:$0x1] =	stream.indirect.gather [hbm4b:s2+s5], $0x80, s3, s5, $0xb8;
	[tilespmem:$0x14280] =	vst v63  }
0x12: {  	_ =	swait.ge [sflag:s6], $0x14000  }
0x13: {  	[sflag:s6] =	ssyncset.done $0x0  }
0x14: {  	s11 =	rddreg [dreg:$0x6];
	[sflag:s6] =	ssyncadd.s32 $0xFFFEC000  }
0x15: {  	[hbm4b:s11+s3] =	stream.linear.scatter [tilespmem:s5], [sflag:$0x2], $0x14000, $0x38;
	[tilespmem:$0x14280] =	vst v63  }
0x16: {  	_ =	swait.ge [sflag:s4], $0x14000  }
0x17: {  	[sflag:s4] =	ssyncset.done $0x0  }
0x18: {  	s23 =	rddreg [dreg:$0x7];
	[sflag:s4] =	ssyncadd.s32 $0xFFFEC000  }
0x19: {  	[tilespmem:s3], [sflag:$0x2] =	stream.linear.gather [hbm4b:s23+s3], $0x280, $0x38;
	[tilespmem:$0x14280] =	vst v63  }
0x1a: {  	_ =	swait.ge [sflag:s4], $0x280  }
0x1b: {  	[sflag:s4] =	ssyncset.done $0x0  }
0x1c: {  	[sflag:s4] =	ssyncadd.s32 $0xFFFFFD80  }
0x1d: {  	[tilespmem:s5], [sflag:$0x1] =	stream.indirect.gather [hbm4b:s2+s5], $0x80, s3, s5, $0xb8;
	[tilespmem:$0x14280] =	vst v63  }
0x1e: {  	s24 =	ssub.s32 $0xEA60, s8;
	_ =	swait.ge [sflag:s6], $0x14000  }
0x1f: {  	s7 =	sshll.u32 s7, $0x4;
	s11 =	smin.u32 s24, $0x758;
	[sflag:s6] =	ssyncset.done $0x0  }
0x20: {  	s7 =	sadd.s32 s9, s7;
	s8 =	sadd.s32 s8, s11;
	[sflag:s6] =	ssyncadd.s32 $0xFFFEC000  }
0x21: {  	[hbm4b:s7+s3] =	stream.linear.scatter [tilespmem:s5], [sflag:$0x2], $0x14000, $0x38;
	[tilespmem:$0x14280] =	vst v63  }
0x22: {  	s11 =	sadd.s32 $0xFFFFFD80, s8;
	_ =	swait.ge [sflag:s4], $0x14000  }
0x23: {  	s8 =	sshrl.u32 s11, $0x3;
	[sflag:s4] =	ssyncset.done $0x0  }
0x24: {  	s8 =	sadd.s32 s10, s8;
	[sflag:s4] =	ssyncadd.s32 $0xFFFEC000  }
0x25: {  	[tilespmem:s3], [sflag:$0x2] =	stream.linear.gather [hbm4b:s8+s3], $0x280, $0x38;
	[tilespmem:$0x14280] =	vst v63  }
0x26: {  	_ =	swait.ge [sflag:s4], $0x280  }
0x27: {  	[sflag:s4] =	ssyncset.done $0x0  }
0x28: {  	[sflag:s4] =	ssyncadd.s32 $0xFFFFFD80  }
0x29: {  	[tilespmem:s5], [sflag:$0x1] =	stream.indirect.gather [hbm4b:s2+s5], $0x80, s3, s5, $0xb8;
	[tilespmem:$0x14280] =	vst v63  }
0x2a: {  	_ =	swait.ge [sflag:s6], $0x14000  }
0x2b: {  	s25 =	sshll.u32 s11, $0x4;
	[sflag:s6] =	ssyncset.done $0x0  }
0x2c: {  	s17 =	smul.u32 $0xB00, s21;
	s9 =	sadd.s32 s9, s25;
	[sflag:s6] =	ssyncadd.s32 $0xFFFEC000  }
0x2d: {  	[hbm4b:s9+s3] =	stream.linear.scatter [tilespmem:s5], [sflag:$0x2], $0x14000, $0x38;
	[tilespmem:$0x14280] =	vst v63  }
0x2e: {  	_ =	swait.ge [sflag:s4], $0x14000  }
0x2f: {  	s18 =	sadd.s32 $0x3E00, s20;
	s26 =	sshrl.u32 s17, $0x3;
	[sflag:s4] =	ssyncset.done $0x0  }
0x30: {  	s10 =	sadd.s32 s18, s26;
	[sflag:s4] =	ssyncadd.s32 $0xFFFEC000  }
0x31: {  	[tilespmem:s3], [sflag:$0x2] =	stream.linear.gather [hbm4b:s10+s3], $0x280, $0x38;
	[tilespmem:$0x14280] =	vst v63  }
0x32: {  	_ =	swait.ge [sflag:s4], $0x280  }
0x33: {  	[sflag:s4] =	ssyncset.done $0x0  }
0x34: {  	[sflag:s4] =	ssyncadd.s32 $0xFFFFFD80  }
0x35: {  	[tilespmem:s5], [sflag:$0x1] =	stream.indirect.gather [hbm4b:s2+s5], $0x80, s3, s5, $0xb8;
	[tilespmem:$0x14280] =	vst v63  }
0x36: {  	s0 =	smul.u32 $0xB000, s21;
	_ =	swait.ge [sflag:s6], $0x14000  }
0x37: {  	s19 =	sadd.s32 $0xA600, s20;
	[sflag:s6] =	ssyncset.done $0x0  }
0x38: {  	s11 =	sadd.s32 s19, s0;
	[sflag:s6] =	ssyncadd.s32 $0xFFFEC000  }
0x39: {  	[hbm4b:s11+s3] =	stream.linear.scatter [tilespmem:s5], [sflag:$0x2], $0x14000, $0x38;
	[tilespmem:$0x14280] =	vst v63  }
0x3a: {  	s13 =	sadd.s32 $0x280, s17;
	_ =	swait.ge [sflag:s4], $0x14000  }
0x3b: {  	s12 =	sshrl.u32 s13, $0x3;
	[sflag:s4] =	ssyncset.done $0x0  }
0x3c: {  	s12 =	sadd.s32 s18, s12;
	[sflag:s4] =	ssyncadd.s32 $0xFFFEC000  }
0x3d: {  	[tilespmem:s3], [sflag:$0x2] =	stream.linear.gather [hbm4b:s12+s3], $0x280, $0x38;
	[tilespmem:$0x14280] =	vst v63  }
0x3e: {  	_ =	swait.ge [sflag:s4], $0x280  }
0x3f: {  	[sflag:s4] =	ssyncset.done $0x0  }
0x40: {  	[sflag:s4] =	ssyncadd.s32 $0xFFFFFD80  }
0x41: {  	[tilespmem:s5], [sflag:$0x1] =	stream.indirect.gather [hbm4b:s2+s5], $0x80, s3, s5, $0xb8;
	[tilespmem:$0x14280] =	vst v63  }
0x42: {  	_ =	swait.ge [sflag:s6], $0x14000  }
0x43: {  	s13 =	sshll.u32 s13, $0x4;
	[sflag:s6] =	ssyncset.done $0x0  }
0x44: {  	s13 =	sadd.s32 s19, s13;
	[sflag:s6] =	ssyncadd.s32 $0xFFFEC000  }
0x45: {  	[hbm4b:s13+s3] =	stream.linear.scatter [tilespmem:s5], [sflag:$0x2], $0x14000, $0x38;
	[tilespmem:$0x14280] =	vst v63  }
0x46: {  	s15 =	sadd.s32 $0x500, s17;
	_ =	swait.ge [sflag:s4], $0x14000  }
0x47: {  	s14 =	sshrl.u32 s15, $0x3;
	[sflag:s4] =	ssyncset.done $0x0  }
0x48: {  	s14 =	sadd.s32 s18, s14;
	[sflag:s4] =	ssyncadd.s32 $0xFFFEC000  }
0x49: {  	[tilespmem:s3], [sflag:$0x2] =	stream.linear.gather [hbm4b:s14+s3], $0x280, $0x38;
	[tilespmem:$0x14280] =	vst v63  }
0x4a: {  	_ =	swait.ge [sflag:s4], $0x280  }
0x4b: {  	[sflag:s4] =	ssyncset.done $0x0  }
0x4c: {  	[sflag:s4] =	ssyncadd.s32 $0xFFFFFD80  }
0x4d: {  	[tilespmem:s5], [sflag:$0x1] =	stream.indirect.gather [hbm4b:s2+s5], $0x80, s3, s5, $0xb8;
	[tilespmem:$0x14280] =	vst v63  }
0x4e: {  	_ =	swait.ge [sflag:s6], $0x14000  }
0x4f: {  	s15 =	sshll.u32 s15, $0x4;
	[sflag:s6] =	ssyncset.done $0x0  }
0x50: {  	s15 =	sadd.s32 s19, s15;
	[sflag:s6] =	ssyncadd.s32 $0xFFFEC000  }
0x51: {  	[hbm4b:s15+s3] =	stream.linear.scatter [tilespmem:s5], [sflag:$0x2], $0x14000, $0x38;
	[tilespmem:$0x14280] =	vst v63  }
0x52: {  	s22 =	sadd.s32 $0x780, s17;
	_ =	swait.ge [sflag:s4], $0x14000  }
0x53: {  	s16 =	sshrl.u32 s22, $0x3;
	[sflag:s4] =	ssyncset.done $0x0  }
0x54: {  	s16 =	sadd.s32 s18, s16;
	[sflag:s4] =	ssyncadd.s32 $0xFFFEC000  }
0x55: {  	[tilespmem:s3], [sflag:$0x2] =	stream.linear.gather [hbm4b:s16+s3], $0x280, $0x38;
	[tilespmem:$0x14280] =	vst v63  }
0x56: {  	_ =	swait.ge [sflag:s4], $0x280  }
0x57: {  	[sflag:s4] =	ssyncset.done $0x0  }
0x58: {  	[sflag:s4] =	ssyncadd.s32 $0xFFFFFD80  }
0x59: {  	[tilespmem:s5], [sflag:$0x1] =	stream.indirect.gather [hbm4b:s2+s5], $0x80, s3, s5, $0xb8;
	[tilespmem:$0x14280] =	vst v63  }
0x5a: {  	s23 =	ssub.s32 $0x15F90, s17;
	_ =	swait.ge [sflag:s6], $0x14000  }
0x5b: {  	s22 =	sshll.u32 s22, $0x4;
	s23 =	smin.u32 s23, $0xB00;
	[sflag:s6] =	ssyncset.done $0x0  }
0x5c: {  	s23 =	sadd.s32 s17, s23;
	s17 =	sadd.s32 s19, s22;
	[sflag:s6] =	ssyncadd.s32 $0xFFFEC000  }
0x5d: {  	[hbm4b:s17+s3] =	stream.linear.scatter [tilespmem:s5], [sflag:$0x2], $0x14000, $0x38;
	[tilespmem:$0x14280] =	vst v63  }
0x5e: {  	s1 =	sadd.s32 $0xFFFFFD80, s23;
	_ =	swait.ge [sflag:s4], $0x14000  }
0x5f: {  	s23 =	sshrl.u32 s1, $0x3;
	[sflag:s4] =	ssyncset.done $0x0  }
0x60: {  	s18 =	sadd.s32 s18, s23;
	[sflag:s4] =	ssyncadd.s32 $0xFFFEC000  }
0x61: {  	[tilespmem:s3], [sflag:$0x2] =	stream.linear.gather [hbm4b:s18+s3], $0x280, $0x38;
	[tilespmem:$0x14280] =	vst v63  }
0x62: {  	_ =	swait.ge [sflag:s4], $0x280  }
0x63: {  	[sflag:s4] =	ssyncset.done $0x0  }
0x64: {  	[sflag:s4] =	ssyncadd.s32 $0xFFFFFD80  }
0x65: {  	[tilespmem:s5], [sflag:$0x1] =	stream.indirect.gather [hbm4b:s2+s5], $0x80, s3, s5, $0xb8;
	[tilespmem:$0x14280] =	vst v63  }
0x66: {  	_ =	swait.ge [sflag:s6], $0x14000  }
0x67: {  	s22 =	sshll.u32 s1, $0x4;
	[sflag:s6] =	ssyncset.done $0x0  }
0x68: {  	s19 =	sadd.s32 s19, s22;
	[sflag:s6] =	ssyncadd.s32 $0xFFFEC000  }
0x69: {  	[hbm4b:s19+s3] =	stream.linear.scatter [tilespmem:s5], [sflag:$0x2], $0x14000, $0x38;
	[tilespmem:$0x14280] =	vst v63  }
0x6a: {  	_ =	swait.ge [sflag:s4], $0x14000  }
0x6b: {  	[sflag:s4] =	ssyncset.done $0x0  }
0x6c: {  	s24 =	rddreg [dreg:$0x4];
	[sflag:s4] =	ssyncadd.s32 $0xFFFEC000  }
0x6d: {  	[tilespmem:s3], [sflag:$0x2] =	stream.linear.gather [hbm4b:s24+s3], $0x280, $0x38;
	[tilespmem:$0x14280] =	vst v63  }
0x6e: {  	_ =	swait.ge [sflag:s4], $0x280  }
0x6f: {  	[sflag:s4] =	ssyncset.done $0x0  }
0x70: {  	[sflag:s4] =	ssyncadd.s32 $0xFFFFFD80  }
0x71: {  	[tilespmem:s5], [sflag:$0x1] =	stream.indirect.gather [hbm4b:s2+s5], $0x80, s3, s5, $0xb8;
	[tilespmem:$0x14280] =	vst v63  }
0x72: {  	s21 =	smul.u32 $0xEA80, s21;
	_ =	swait.ge [sflag:s6], $0x14000  }
0x73: {  	s30 =	sadd.s32 $0x16A000, s20;
	[sflag:s6] =	ssyncset.done $0x0  }
0x74: {  	s20 =	sadd.s32 s30, s21;
	[sflag:s6] =	ssyncadd.s32 $0xFFFEC000  }
0x75: {  	[hbm4b:s20+s3] =	stream.linear.scatter [tilespmem:s5], [sflag:$0x2], $0x14000, $0x38;
	[tilespmem:$0x14280] =	vst v63  }
0x76: {  	s25 =	sadd.s32 $0x280, s29;
	_ =	swait.ge [sflag:s4], $0x14000  }
0x77: {  	s26 =	sshrl.u32 s25, $0x3;
	[sflag:s4] =	ssyncset.done $0x0  }
0x78: {  	s21 =	sadd.s32 s31, s26;
	[sflag:s4] =	ssyncadd.s32 $0xFFFEC000  }
0x79: {  	[tilespmem:s3], [sflag:$0x2] =	stream.linear.gather [hbm4b:s21+s3], $0x280, $0x38;
	[tilespmem:$0x14280] =	vst v63  }
0x7a: {  	_ =	swait.ge [sflag:s4], $0x280  }
0x7b: {  	[sflag:s4] =	ssyncset.done $0x0  }
0x7c: {  	[sflag:s4] =	ssyncadd.s32 $0xFFFFFD80  }
0x7d: {  	[tilespmem:s5], [sflag:$0x1] =	stream.indirect.gather [hbm4b:s2+s5], $0x80, s3, s5, $0xb8;
	[tilespmem:$0x14280] =	vst v63  }
0x7e: {  	_ =	swait.ge [sflag:s6], $0x14000  }
0x7f: {  	s22 =	sshll.u32 s25, $0x4;
	[sflag:s6] =	ssyncset.done $0x0  }
0x80: {  	s22 =	sadd.s32 s30, s22;
	[sflag:s6] =	ssyncadd.s32 $0xFFFEC000  }
0x81: {  	[hbm4b:s22+s3] =	stream.linear.scatter [tilespmem:s5], [sflag:$0x2], $0x14000, $0x38;
	[tilespmem:$0x14280] =	vst v63  }
0x82: {  	s24 =	sadd.s32 $0x500, s29;
	_ =	swait.ge [sflag:s4], $0x14000  }
0x83: {  	s0 =	sshrl.u32 s24, $0x3;
	[sflag:s4] =	ssyncset.done $0x0  }
0x84: {  	s23 =	sadd.s32 s31, s0;
	[sflag:s4] =	ssyncadd.s32 $0xFFFEC000  }
0x85: {  	[tilespmem:s3], [sflag:$0x2] =	stream.linear.gather [hbm4b:s23+s3], $0x280, $0x38;
	[tilespmem:$0x14280] =	vst v63  }
0x86: {  	_ =	swait.ge [sflag:s4], $0x280  }
0x87: {  	[sflag:s4] =	ssyncset.done $0x0  }
0x88: {  	[sflag:s4] =	ssyncadd.s32 $0xFFFFFD80  }
0x89: {  	[tilespmem:s5], [sflag:$0x1] =	stream.indirect.gather [hbm4b:s2+s5], $0x80, s3, s5, $0xb8;
	[tilespmem:$0x14280] =	vst v63  }
0x8a: {  	_ =	swait.ge [sflag:s6], $0x14000  }
0x8b: {  	s24 =	sshll.u32 s24, $0x4;
	[sflag:s6] =	ssyncset.done $0x0  }
0x8c: {  	s24 =	sadd.s32 s30, s24;
	[sflag:s6] =	ssyncadd.s32 $0xFFFEC000  }
0x8d: {  	[hbm4b:s24+s3] =	stream.linear.scatter [tilespmem:s5], [sflag:$0x2], $0x14000, $0x38;
	[tilespmem:$0x14280] =	vst v63  }
0x8e: {  	s26 =	sadd.s32 $0x780, s29;
	_ =	swait.ge [sflag:s4], $0x14000  }
0x8f: {  	s25 =	sshrl.u32 s26, $0x3;
	[sflag:s4] =	ssyncset.done $0x0  }
0x90: {  	s25 =	sadd.s32 s31, s25;
	[sflag:s4] =	ssyncadd.s32 $0xFFFEC000  }
0x91: {  	[tilespmem:s3], [sflag:$0x2] =	stream.linear.gather [hbm4b:s25+s3], $0x280, $0x38;
	[tilespmem:$0x14280] =	vst v63  }
0x92: {  	_ =	swait.ge [sflag:s4], $0x280  }
0x93: {  	[sflag:s4] =	ssyncset.done $0x0  }
0x94: {  	[sflag:s4] =	ssyncadd.s32 $0xFFFFFD80  }
0x95: {  	[tilespmem:s5], [sflag:$0x1] =	stream.indirect.gather [hbm4b:s2+s5], $0x80, s3, s5, $0xb8;
	[tilespmem:$0x14280] =	vst v63  }
0x96: {  	_ =	swait.ge [sflag:s6], $0x14000  }
0x97: {  	s26 =	sshll.u32 s26, $0x4;
	[sflag:s6] =	ssyncset.done $0x0  }
0x98: {  	s26 =	sadd.s32 s30, s26;
	[dreg:$0x9] =	wrdreg s30;
	[sflag:s6] =	ssyncadd.s32 $0xFFFEC000  }
0x99: {  	[hbm4b:s26+s3] =	stream.linear.scatter [tilespmem:s5], [sflag:$0x2], $0x14000, $0x38;
	[tilespmem:$0x14280] =	vst v63  }
0x9a: {  	s0 =	sadd.s32 $0xA00, s29;
	_ =	swait.ge [sflag:s4], $0x14000  }
0x9b: {  	s28 =	sshrl.u32 s0, $0x3;
	[sflag:s4] =	ssyncset.done $0x0  }
0x9c: {  	s28 =	sadd.s32 s31, s28;
	[sflag:s4] =	ssyncadd.s32 $0xFFFEC000  }
0x9d: {  	[tilespmem:s3], [sflag:$0x2] =	stream.linear.gather [hbm4b:s28+s3], $0x280, $0x38;
	[tilespmem:$0x14280] =	vst v63  }
0x9e: {  	_ =	swait.ge [sflag:s4], $0x280  }
0x9f: {  	[sflag:s4] =	ssyncset.done $0x0  }
0xa0: {  	[sflag:s4] =	ssyncadd.s32 $0xFFFFFD80  }
0xa1: {  	[tilespmem:s5], [sflag:$0x1] =	stream.indirect.gather [hbm4b:s2+s5], $0x80, s3, s5, $0xb8;
	[tilespmem:$0x14280] =	vst v63  }
0xa2: {  	s1 =	ssub.s32 $0x1D4C0, s29;
	_ =	swait.ge [sflag:s6], $0x14000  }
0xa3: {  	s1 =	smin.u32 s1, $0xEA8;
	s0 =	sshll.u32 s0, $0x4;
	[sflag:s6] =	ssyncset.done $0x0  }
0xa4: {  	s1 =	sadd.s32 s29, s1;
	s29 =	sadd.s32 s30, s0;
	[sflag:s6] =	ssyncadd.s32 $0xFFFEC000  }
0xa5: {  	[hbm4b:s29+s3] =	stream.linear.scatter [tilespmem:s5], [sflag:$0x2], $0x14000, $0x38;
	[tilespmem:$0x14280] =	vst v63  }
0xa6: {  	s0 =	sadd.s32 $0xFFFFFD80, s1;
	_ =	swait.ge [sflag:s4], $0x14000  }
0xa7: {  	s1 =	sshrl.u32 s0, $0x3;
	[sflag:s4] =	ssyncset.done $0x0  }
0xa8: {  	s30 =	sadd.s32 s31, s1;
	[sflag:s4] =	ssyncadd.s32 $0xFFFEC000  }
0xa9: {  	[tilespmem:s3], [sflag:$0x2] =	stream.linear.gather [hbm4b:s30+s3], $0x280, $0x38;
	[tilespmem:$0x14280] =	vst v63  }
0xaa: {  	_ =	swait.ge [sflag:s4], $0x280  }
0xab: {  	[sflag:s4] =	ssyncset.done $0x0;
	s1 =	rddreg [dreg:$0x8]  }
0xac: {  	s1 =	ssub.s32 $0x2, s1;
	[sflag:s4] =	ssyncadd.s32 $0xFFFFFD80  }
0xad: {  	[tilespmem:s5], [sflag:$0x1] =	stream.indirect.gather [hbm4b:s2+s5], $0x80, s3, s5, $0xb8;
	[tilespmem:$0x14280] =	vst v63  }
0xae: {  	s31 =	sshrl.u32 s1, $0x1  }
0xaf: {  	s1 =	ssub.s32 s1, s31  }
0xb0: {  	s1 =	smax.u32 s1, $0x1  }
0xb1: {  	p0 =	sne.s32 s1, $0x1  }
.Ltmp0:
0xb2: {  	_ =	swait.ge [sflag:s6], $0x14000;
	(pc) =	sbr.rel @!p0 .LBB2_2-.Ltmp0, $4  }
0xb3: {  	s0 =	sshll.u32 s0, $0x4;
	[sflag:s6] =	ssyncset.done $0x0;
	s31 =	rddreg [dreg:$0x9]  }
0xb4: {  	s31 =	sadd.s32 s31, s0;
	[sflag:s6] =	ssyncadd.s32 $0xFFFEC000  }
0xb5: {  	[hbm4b:s31+s3] =	stream.linear.scatter [tilespmem:s5], [sflag:$0x2], $0x14000, $0x38;
	[tilespmem:$0x14280] =	vst v63  }
0xb6: {  	s1 =	sadd.s32 $0xFFFFFFFF, s1;
	_ =	swait.ge [sflag:s4], $0x14000  }
.LBB2_1:
0xb7: {  	[sflag:s4] =	ssyncset.done $0x0  }
0xb8: {  	s0 =	rddreg [dreg:$0x5];
	[sflag:s4] =	ssyncadd.s32 $0xFFFEC000  }
0xb9: {  	[tilespmem:s3], [sflag:$0x2] =	stream.linear.gather [hbm4b:s0+s3], $0x280, $0x38;
	[tilespmem:$0x14280] =	vst v63  }
0xba: {  	_ =	swait.ge [sflag:s4], $0x280  }
0xbb: {  	[sflag:s4] =	ssyncset.done $0x0  }
0xbc: {  	[sflag:s4] =	ssyncadd.s32 $0xFFFFFD80  }
0xbd: {  	[tilespmem:s5], [sflag:$0x1] =	stream.indirect.gather [hbm4b:s2+s5], $0x80, s3, s5, $0xb8;
	[tilespmem:$0x14280] =	vst v63  }
0xbe: {  	_ =	swait.ge [sflag:s6], $0x14000  }
0xbf: {  	[sflag:s6] =	ssyncset.done $0x0  }
0xc0: {  	s0 =	rddreg [dreg:$0x6];
	[sflag:s6] =	ssyncadd.s32 $0xFFFEC000  }
0xc1: {  	[hbm4b:s0+s3] =	stream.linear.scatter [tilespmem:s5], [sflag:$0x2], $0x14000, $0x38;
	[tilespmem:$0x14280] =	vst v63  }
0xc2: {  	_ =	swait.ge [sflag:s4], $0x14000  }
0xc3: {  	[sflag:s4] =	ssyncset.done $0x0  }
0xc4: {  	s0 =	rddreg [dreg:$0x7];
	[sflag:s4] =	ssyncadd.s32 $0xFFFEC000  }
0xc5: {  	[tilespmem:s3], [sflag:$0x2] =	stream.linear.gather [hbm4b:s0+s3], $0x280, $0x38;
	[tilespmem:$0x14280] =	vst v63  }
0xc6: {  	_ =	swait.ge [sflag:s4], $0x280  }
0xc7: {  	[sflag:s4] =	ssyncset.done $0x0  }
0xc8: {  	[sflag:s4] =	ssyncadd.s32 $0xFFFFFD80  }
0xc9: {  	[tilespmem:s5], [sflag:$0x1] =	stream.indirect.gather [hbm4b:s2+s5], $0x80, s3, s5, $0xb8;
	[tilespmem:$0x14280] =	vst v63  }
0xca: {  	_ =	swait.ge [sflag:s6], $0x14000  }
0xcb: {  	[sflag:s6] =	ssyncset.done $0x0  }
0xcc: {  	[sflag:s6] =	ssyncadd.s32 $0xFFFEC000  }
0xcd: {  	[hbm4b:s7+s3] =	stream.linear.scatter [tilespmem:s5], [sflag:$0x2], $0x14000, $0x38;
	[tilespmem:$0x14280] =	vst v63  }
0xce: {  	_ =	swait.ge [sflag:s4], $0x14000  }
0xcf: {  	[sflag:s4] =	ssyncset.done $0x0  }
0xd0: {  	[sflag:s4] =	ssyncadd.s32 $0xFFFEC000  }
0xd1: {  	[tilespmem:s3], [sflag:$0x2] =	stream.linear.gather [hbm4b:s8+s3], $0x280, $0x38;
	[tilespmem:$0x14280] =	vst v63  }
0xd2: {  	_ =	swait.ge [sflag:s4], $0x280  }
0xd3: {  	[sflag:s4] =	ssyncset.done $0x0  }
0xd4: {  	[sflag:s4] =	ssyncadd.s32 $0xFFFFFD80  }
0xd5: {  	[tilespmem:s5], [sflag:$0x1] =	stream.indirect.gather [hbm4b:s2+s5], $0x80, s3, s5, $0xb8;
	[tilespmem:$0x14280] =	vst v63  }
0xd6: {  	_ =	swait.ge [sflag:s6], $0x14000  }
0xd7: {  	[sflag:s6] =	ssyncset.done $0x0  }
0xd8: {  	[sflag:s6] =	ssyncadd.s32 $0xFFFEC000  }
0xd9: {  	[hbm4b:s9+s3] =	stream.linear.scatter [tilespmem:s5], [sflag:$0x2], $0x14000, $0x38;
	[tilespmem:$0x14280] =	vst v63  }
0xda: {  	_ =	swait.ge [sflag:s4], $0x14000  }
0xdb: {  	[sflag:s4] =	ssyncset.done $0x0  }
0xdc: {  	[sflag:s4] =	ssyncadd.s32 $0xFFFEC000  }
0xdd: {  	[tilespmem:s3], [sflag:$0x2] =	stream.linear.gather [hbm4b:s10+s3], $0x280, $0x38;
	[tilespmem:$0x14280] =	vst v63  }
0xde: {  	_ =	swait.ge [sflag:s4], $0x280  }
0xdf: {  	[sflag:s4] =	ssyncset.done $0x0  }
0xe0: {  	[sflag:s4] =	ssyncadd.s32 $0xFFFFFD80  }
0xe1: {  	[tilespmem:s5], [sflag:$0x1] =	stream.indirect.gather [hbm4b:s2+s5], $0x80, s3, s5, $0xb8;
	[tilespmem:$0x14280] =	vst v63  }
0xe2: {  	_ =	swait.ge [sflag:s6], $0x14000  }
0xe3: {  	[sflag:s6] =	ssyncset.done $0x0  }
0xe4: {  	[sflag:s6] =	ssyncadd.s32 $0xFFFEC000  }
0xe5: {  	[hbm4b:s11+s3] =	stream.linear.scatter [tilespmem:s5], [sflag:$0x2], $0x14000, $0x38;
	[tilespmem:$0x14280] =	vst v63  }
0xe6: {  	_ =	swait.ge [sflag:s4], $0x14000  }
0xe7: {  	[sflag:s4] =	ssyncset.done $0x0  }
0xe8: {  	[sflag:s4] =	ssyncadd.s32 $0xFFFEC000  }
0xe9: {  	[tilespmem:s3], [sflag:$0x2] =	stream.linear.gather [hbm4b:s12+s3], $0x280, $0x38;
	[tilespmem:$0x14280] =	vst v63  }
0xea: {  	_ =	swait.ge [sflag:s4], $0x280  }
0xeb: {  	[sflag:s4] =	ssyncset.done $0x0  }
0xec: {  	[sflag:s4] =	ssyncadd.s32 $0xFFFFFD80  }
0xed: {  	[tilespmem:s5], [sflag:$0x1] =	stream.indirect.gather [hbm4b:s2+s5], $0x80, s3, s5, $0xb8;
	[tilespmem:$0x14280] =	vst v63  }
0xee: {  	_ =	swait.ge [sflag:s6], $0x14000  }
0xef: {  	[sflag:s6] =	ssyncset.done $0x0  }
0xf0: {  	[sflag:s6] =	ssyncadd.s32 $0xFFFEC000  }
0xf1: {  	[hbm4b:s13+s3] =	stream.linear.scatter [tilespmem:s5], [sflag:$0x2], $0x14000, $0x38;
	[tilespmem:$0x14280] =	vst v63  }
0xf2: {  	_ =	swait.ge [sflag:s4], $0x14000  }
0xf3: {  	[sflag:s4] =	ssyncset.done $0x0  }
0xf4: {  	[sflag:s4] =	ssyncadd.s32 $0xFFFEC000  }
0xf5: {  	[tilespmem:s3], [sflag:$0x2] =	stream.linear.gather [hbm4b:s14+s3], $0x280, $0x38;
	[tilespmem:$0x14280] =	vst v63  }
0xf6: {  	_ =	swait.ge [sflag:s4], $0x280  }
0xf7: {  	[sflag:s4] =	ssyncset.done $0x0  }
0xf8: {  	[sflag:s4] =	ssyncadd.s32 $0xFFFFFD80  }
0xf9: {  	[tilespmem:s5], [sflag:$0x1] =	stream.indirect.gather [hbm4b:s2+s5], $0x80, s3, s5, $0xb8;
	[tilespmem:$0x14280] =	vst v63  }
0xfa: {  	_ =	swait.ge [sflag:s6], $0x14000  }
0xfb: {  	[sflag:s6] =	ssyncset.done $0x0  }
0xfc: {  	[sflag:s6] =	ssyncadd.s32 $0xFFFEC000  }
0xfd: {  	[hbm4b:s15+s3] =	stream.linear.scatter [tilespmem:s5], [sflag:$0x2], $0x14000, $0x38;
	[tilespmem:$0x14280] =	vst v63  }
0xfe: {  	_ =	swait.ge [sflag:s4], $0x14000  }
0xff: {  	[sflag:s4] =	ssyncset.done $0x0  }
0x100: {  	[sflag:s4] =	ssyncadd.s32 $0xFFFEC000  }
0x101: {  	[tilespmem:s3], [sflag:$0x2] =	stream.linear.gather [hbm4b:s16+s3], $0x280, $0x38;
	[tilespmem:$0x14280] =	vst v63  }
0x102: {  	_ =	swait.ge [sflag:s4], $0x280  }
0x103: {  	[sflag:s4] =	ssyncset.done $0x0  }
0x104: {  	[sflag:s4] =	ssyncadd.s32 $0xFFFFFD80  }
0x105: {  	[tilespmem:s5], [sflag:$0x1] =	stream.indirect.gather [hbm4b:s2+s5], $0x80, s3, s5, $0xb8;
	[tilespmem:$0x14280] =	vst v63  }
0x106: {  	_ =	swait.ge [sflag:s6], $0x14000  }
0x107: {  	[sflag:s6] =	ssyncset.done $0x0  }
0x108: {  	[sflag:s6] =	ssyncadd.s32 $0xFFFEC000  }
0x109: {  	[hbm4b:s17+s3] =	stream.linear.scatter [tilespmem:s5], [sflag:$0x2], $0x14000, $0x38;
	[tilespmem:$0x14280] =	vst v63  }
0x10a: {  	_ =	swait.ge [sflag:s4], $0x14000  }
0x10b: {  	[sflag:s4] =	ssyncset.done $0x0  }
0x10c: {  	[sflag:s4] =	ssyncadd.s32 $0xFFFEC000  }
0x10d: {  	[tilespmem:s3], [sflag:$0x2] =	stream.linear.gather [hbm4b:s18+s3], $0x280, $0x38;
	[tilespmem:$0x14280] =	vst v63  }
0x10e: {  	_ =	swait.ge [sflag:s4], $0x280  }
0x10f: {  	[sflag:s4] =	ssyncset.done $0x0  }
0x110: {  	[sflag:s4] =	ssyncadd.s32 $0xFFFFFD80  }
0x111: {  	[tilespmem:s5], [sflag:$0x1] =	stream.indirect.gather [hbm4b:s2+s5], $0x80, s3, s5, $0xb8;
	[tilespmem:$0x14280] =	vst v63  }
0x112: {  	_ =	swait.ge [sflag:s6], $0x14000  }
0x113: {  	[sflag:s6] =	ssyncset.done $0x0  }
0x114: {  	[sflag:s6] =	ssyncadd.s32 $0xFFFEC000  }
0x115: {  	[hbm4b:s19+s3] =	stream.linear.scatter [tilespmem:s5], [sflag:$0x2], $0x14000, $0x38;
	[tilespmem:$0x14280] =	vst v63  }
0x116: {  	_ =	swait.ge [sflag:s4], $0x14000  }
0x117: {  	[sflag:s4] =	ssyncset.done $0x0  }
0x118: {  	s0 =	rddreg [dreg:$0x4];
	[sflag:s4] =	ssyncadd.s32 $0xFFFEC000  }
0x119: {  	[tilespmem:s3], [sflag:$0x2] =	stream.linear.gather [hbm4b:s0+s3], $0x280, $0x38;
	[tilespmem:$0x14280] =	vst v63  }
0x11a: {  	_ =	swait.ge [sflag:s4], $0x280  }
0x11b: {  	[sflag:s4] =	ssyncset.done $0x0  }
0x11c: {  	[sflag:s4] =	ssyncadd.s32 $0xFFFFFD80  }
0x11d: {  	[tilespmem:s5], [sflag:$0x1] =	stream.indirect.gather [hbm4b:s2+s5], $0x80, s3, s5, $0xb8;
	[tilespmem:$0x14280] =	vst v63  }
0x11e: {  	_ =	swait.ge [sflag:s6], $0x14000  }
0x11f: {  	[sflag:s6] =	ssyncset.done $0x0  }
0x120: {  	[sflag:s6] =	ssyncadd.s32 $0xFFFEC000  }
0x121: {  	[hbm4b:s20+s3] =	stream.linear.scatter [tilespmem:s5], [sflag:$0x2], $0x14000, $0x38;
	[tilespmem:$0x14280] =	vst v63  }
0x122: {  	_ =	swait.ge [sflag:s4], $0x14000  }
0x123: {  	[sflag:s4] =	ssyncset.done $0x0  }
0x124: {  	[sflag:s4] =	ssyncadd.s32 $0xFFFEC000  }
0x125: {  	[tilespmem:s3], [sflag:$0x2] =	stream.linear.gather [hbm4b:s21+s3], $0x280, $0x38;
	[tilespmem:$0x14280] =	vst v63  }
0x126: {  	_ =	swait.ge [sflag:s4], $0x280  }
0x127: {  	[sflag:s4] =	ssyncset.done $0x0  }
0x128: {  	[sflag:s4] =	ssyncadd.s32 $0xFFFFFD80  }
0x129: {  	[tilespmem:s5], [sflag:$0x1] =	stream.indirect.gather [hbm4b:s2+s5], $0x80, s3, s5, $0xb8;
	[tilespmem:$0x14280] =	vst v63  }
0x12a: {  	_ =	swait.ge [sflag:s6], $0x14000  }
0x12b: {  	[sflag:s6] =	ssyncset.done $0x0  }
0x12c: {  	[sflag:s6] =	ssyncadd.s32 $0xFFFEC000  }
0x12d: {  	[hbm4b:s22+s3] =	stream.linear.scatter [tilespmem:s5], [sflag:$0x2], $0x14000, $0x38;
	[tilespmem:$0x14280] =	vst v63  }
0x12e: {  	_ =	swait.ge [sflag:s4], $0x14000  }
0x12f: {  	[sflag:s4] =	ssyncset.done $0x0  }
0x130: {  	[sflag:s4] =	ssyncadd.s32 $0xFFFEC000  }
0x131: {  	[tilespmem:s3], [sflag:$0x2] =	stream.linear.gather [hbm4b:s23+s3], $0x280, $0x38;
	[tilespmem:$0x14280] =	vst v63  }
0x132: {  	_ =	swait.ge [sflag:s4], $0x280  }
0x133: {  	[sflag:s4] =	ssyncset.done $0x0  }
0x134: {  	[sflag:s4] =	ssyncadd.s32 $0xFFFFFD80  }
0x135: {  	[tilespmem:s5], [sflag:$0x1] =	stream.indirect.gather [hbm4b:s2+s5], $0x80, s3, s5, $0xb8;
	[tilespmem:$0x14280] =	vst v63  }
0x136: {  	_ =	swait.ge [sflag:s6], $0x14000  }
0x137: {  	[sflag:s6] =	ssyncset.done $0x0  }
0x138: {  	[sflag:s6] =	ssyncadd.s32 $0xFFFEC000  }
0x139: {  	[hbm4b:s24+s3] =	stream.linear.scatter [tilespmem:s5], [sflag:$0x2], $0x14000, $0x38;
	[tilespmem:$0x14280] =	vst v63  }
0x13a: {  	_ =	swait.ge [sflag:s4], $0x14000  }
0x13b: {  	[sflag:s4] =	ssyncset.done $0x0  }
0x13c: {  	[sflag:s4] =	ssyncadd.s32 $0xFFFEC000  }
0x13d: {  	[tilespmem:s3], [sflag:$0x2] =	stream.linear.gather [hbm4b:s25+s3], $0x280, $0x38;
	[tilespmem:$0x14280] =	vst v63  }
0x13e: {  	_ =	swait.ge [sflag:s4], $0x280  }
0x13f: {  	[sflag:s4] =	ssyncset.done $0x0  }
0x140: {  	[sflag:s4] =	ssyncadd.s32 $0xFFFFFD80  }
0x141: {  	[tilespmem:s5], [sflag:$0x1] =	stream.indirect.gather [hbm4b:s2+s5], $0x80, s3, s5, $0xb8;
	[tilespmem:$0x14280] =	vst v63  }
0x142: {  	_ =	swait.ge [sflag:s6], $0x14000  }
0x143: {  	[sflag:s6] =	ssyncset.done $0x0  }
0x144: {  	[sflag:s6] =	ssyncadd.s32 $0xFFFEC000  }
0x145: {  	[hbm4b:s26+s3] =	stream.linear.scatter [tilespmem:s5], [sflag:$0x2], $0x14000, $0x38;
	[tilespmem:$0x14280] =	vst v63  }
0x146: {  	_ =	swait.ge [sflag:s4], $0x14000  }
0x147: {  	[sflag:s4] =	ssyncset.done $0x0  }
0x148: {  	[sflag:s4] =	ssyncadd.s32 $0xFFFEC000  }
0x149: {  	[tilespmem:s3], [sflag:$0x2] =	stream.linear.gather [hbm4b:s28+s3], $0x280, $0x38;
	[tilespmem:$0x14280] =	vst v63  }
0x14a: {  	_ =	swait.ge [sflag:s4], $0x280  }
0x14b: {  	[sflag:s4] =	ssyncset.done $0x0  }
0x14c: {  	[sflag:s4] =	ssyncadd.s32 $0xFFFFFD80  }
0x14d: {  	[tilespmem:s5], [sflag:$0x1] =	stream.indirect.gather [hbm4b:s2+s5], $0x80, s3, s5, $0xb8;
	[tilespmem:$0x14280] =	vst v63  }
0x14e: {  	_ =	swait.ge [sflag:s6], $0x14000  }
0x14f: {  	[sflag:s6] =	ssyncset.done $0x0  }
0x150: {  	[sflag:s6] =	ssyncadd.s32 $0xFFFEC000  }
0x151: {  	[hbm4b:s29+s3] =	stream.linear.scatter [tilespmem:s5], [sflag:$0x2], $0x14000, $0x38;
	[tilespmem:$0x14280] =	vst v63  }
0x152: {  	_ =	swait.ge [sflag:s4], $0x14000  }
0x153: {  	[sflag:s4] =	ssyncset.done $0x0  }
0x154: {  	[sflag:s4] =	ssyncadd.s32 $0xFFFEC000  }
0x155: {  	[tilespmem:s3], [sflag:$0x2] =	stream.linear.gather [hbm4b:s30+s3], $0x280, $0x38;
	[tilespmem:$0x14280] =	vst v63  }
0x156: {  	_ =	swait.ge [sflag:s4], $0x280  }
0x157: {  	[sflag:s4] =	ssyncset.done $0x0  }
0x158: {  	p0 =	sne.s32 s1, $0x1;
	[sflag:s4] =	ssyncadd.s32 $0xFFFFFD80  }
0x159: {  	[tilespmem:s5], [sflag:$0x1] =	stream.indirect.gather [hbm4b:s2+s5], $0x80, s3, s5, $0xb8;
	[tilespmem:$0x14280] =	vst v63  }
.Ltmp1:
0x15a: {  	_ =	swait.ge [sflag:s6], $0x14000;
	(pc) =	sbr.rel @p0 .LBB2_1-.Ltmp1, $4  }
0x15b: {  	[sflag:s6] =	ssyncset.done $0x0  }
0x15c: {  	[sflag:s6] =	ssyncadd.s32 $0xFFFEC000  }
0x15d: {  	[hbm4b:s31+s3] =	stream.linear.scatter [tilespmem:s5], [sflag:$0x2], $0x14000, $0x38;
	[tilespmem:$0x14280] =	vst v63  }
0x15e: {  	s1 =	sadd.s32 $0xFFFFFFFF, s1;
	_ =	swait.ge [sflag:s4], $0x14000  }
.LBB2_2:
0x15f: {  	[sflag:s4] =	ssyncset.done $0x0  }
0x160: {  	[sflag:s4] =	ssyncadd.s32 $0xFFFEC000  }
0x161: {  	_ =	sfence.sel $0x180000  }
0x162: {  	[bflag:$0x0] =	sbarrier.arrive $0xFFFF  }
0x163: {  	_ =	strace $0x90000047  }
0x164: {  	s0 =	stileid.u32;
	[bflag:$0x2] =	sbarrier.arrive $0xFFFF  }
0x165: {  	p0 =	sne.s32 s0, $0x0;
	s0 =	rddreg [dreg:$0x3]  }
0x166: {  	s0 =	sadd.s32 @!p0 $0x100000, s0  }
0x167: {  	[sflag:s0] =	ssyncadd.tile.s32 @!p0 $0x1;
	_ =	shalt  }
.Lfunc_end2:
_tile_overlayer_lowered:
.L_overlay_start_2:
0x168: {  	(tag) =	ssettag $0x2  }
0x169: {  	s0 =	rddreg [dreg:$0x0];
	s2 =	stileid.u32  }
0x16a: {  	s1 =	rddreg [dreg:$0x1];
	p0 =	sne.s32 s2, $0x0  }
0x16b: {  	s3 =	rddreg [dreg:$0x2];
	[bflag:$0x3] =	sbarrier.arrive $0xFFFF;
	s2 =	simm.s32 @!p0 $0x1C02  }
0x16c: {  	[timem:s3], [sflag:s2] =	dma.local @!p0 [hbm:s0], s1  }
0x16d: {  	s0 =	simm.s32 @!p0 $0x2  }
0x16e: {  	_ =	swait.ge @!p0 [sflag:s0], s1  }
0x16f: {  	s1 =	ssub.s32 @!p0 $0x0, s1;
	[sflag:s0] =	ssyncset.done @!p0 $0x0  }
0x170: {  	[sflag:s0] =	ssyncadd.s32 @!p0 s1  }
0x171: {  	[bflag:$0x3] =	sbarrier.arrive $0xFFFF  }
0x172: {  	_ =	shalt  }

</sc_bundles>
